<compile_context>
chip_gen: v7x
topology: tpu7x:2x2x1
jax: 0.10.2.dev20260603
libtpu: 0.0.44.dev20260713+nightly
codegen_flags: <defaults>
</compile_context>

<pallas_src>
import functools

import jax
import jax.numpy as jnp
from jax import lax
from jax.experimental import pallas as pl
from jax.experimental.pallas import tpu as pltpu
from jax.experimental.pallas import tpu_sc as plsc

N_ROWS = 1000000
F = 32
B = 16384
H = 8
_TILES = N_ROWS // 8

_NC = 2
_NS = 16
_NW = _NC * _NS
_BPW = B // _NW
_CH = 32
_NCHUNK = _BPW // _CH
_L = 16


def _extract_rows(buf, idx_v, stage, off):
    lanes = lax.iota(jnp.int32, _L)
    for g in range(_CH // _L):
        sub = jnp.bitwise_and(idx_v[pl.ds(off + g * _L, _L)], 7)
        li = lanes + g * _L
        for c in range(F):
            cc = jnp.full((_L,), c, jnp.int32)
            vals = plsc.load_gather(buf, [li, sub, cc])
            plsc.store_scatter(stage, [li, cc], vals)


def _gather_body(user_hbm, item_hbm, uf_hbm, if_hbm, ue_out, ie_out,
                 uidx_v, iidx_v, ubuf, ibuf, ustage, istage, sem):
    wid = lax.axis_index("s") * _NC + lax.axis_index("c")
    base = wid * _BPW
    pltpu.sync_copy(user_hbm.at[pl.ds(base, _BPW)], uidx_v)
    pltpu.sync_copy(item_hbm.at[pl.ds(base, _BPW)], iidx_v)

    def chunk_body(k, _):
        off = k * _CH
        copies = []
        for g in range(_CH // _L):
            ut_vec = jnp.right_shift(uidx_v[pl.ds(off + g * _L, _L)], 3)
            it_vec = jnp.right_shift(iidx_v[pl.ds(off + g * _L, _L)], 3)
            for r in range(_L):
                row = g * _L + r
                copies.append(
                    pltpu.async_copy(uf_hbm.at[ut_vec[r]], ubuf.at[row], sem))
                copies.append(
                    pltpu.async_copy(if_hbm.at[it_vec[r]], ibuf.at[row], sem))
        for cp in copies:
            cp.wait()
        _extract_rows(ubuf, uidx_v, ustage, off)
        _extract_rows(ibuf, iidx_v, istage, off)
        pltpu.sync_copy(ustage, ue_out.at[pl.ds(base + off, _CH)])
        pltpu.sync_copy(istage, ie_out.at[pl.ds(base + off, _CH)])
        return ()

    lax.fori_loop(0, _NCHUNK, chunk_body, (), unroll=False)


_sc_gather = functools.partial(
    pl.kernel,
    out_type=[
        jax.ShapeDtypeStruct((B, F), jnp.float32),
        jax.ShapeDtypeStruct((B, F), jnp.float32),
    ],
    mesh=plsc.VectorSubcoreMesh(core_axis_name="c", subcore_axis_name="s"),
    scratch_types=[
        pltpu.VMEM((_BPW,), jnp.int32),
        pltpu.VMEM((_BPW,), jnp.int32),
        pltpu.VMEM((_CH, 8, F), jnp.float32),
        pltpu.VMEM((_CH, 8, F), jnp.float32),
        pltpu.VMEM((_CH, F), jnp.float32),
        pltpu.VMEM((_CH, F), jnp.float32),
        pltpu.SemaphoreType.DMA,
    ],
    compiler_params=pltpu.CompilerParams(needs_layout_passes=False),
)(_gather_body)


def _mlp_body(ue_ref, ie_ref, w1u_ref, w1i_ref, b1_ref, w3_ref, b3_ref, out_ref):
    h = (jnp.dot(ue_ref[...], w1u_ref[...], preferred_element_type=jnp.float32)
         + jnp.dot(ie_ref[...], w1i_ref[...], preferred_element_type=jnp.float32)
         + b1_ref[...])
    h = jnp.maximum(h, 0.0)
    z = jnp.dot(h, w3_ref[...], preferred_element_type=jnp.float32) + b3_ref[...]
    out_ref[...] = jax.nn.sigmoid(z)


_BLK = 4096


def _mlp(ue, ie, w1u, w1i, b1, w3, b3):
    grid = (B // _BLK,)
    return pl.pallas_call(
        _mlp_body,
        grid=grid,
        in_specs=[
            pl.BlockSpec((_BLK, F), lambda i: (i, 0)),
            pl.BlockSpec((_BLK, F), lambda i: (i, 0)),
            pl.BlockSpec((F, H), lambda i: (0, 0)),
            pl.BlockSpec((F, H), lambda i: (0, 0)),
            pl.BlockSpec((1, H), lambda i: (0, 0)),
            pl.BlockSpec((H, 1), lambda i: (0, 0)),
            pl.BlockSpec((1, 1), lambda i: (0, 0)),
        ],
        out_specs=pl.BlockSpec((_BLK, 1), lambda i: (i, 0)),
        out_shape=jax.ShapeDtypeStruct((B, 1), jnp.float32),
    )(ue, ie, w1u, w1i, b1, w3, b3)


def kernel(user, item, user_factors, item_factors, W1, b1, W3, b3):
    user = user.astype(jnp.int32)
    item = item.astype(jnp.int32)
    uf3 = user_factors.reshape(_TILES, 8, F)
    if3 = item_factors.reshape(_TILES, 8, F)
    ue, ie = _sc_gather(user, item, uf3, if3)
    return _mlp(ue, ie, W1[:F], W1[F:], b1.reshape(1, H), W3, b3.reshape(1, 1))

# --- scband reference (transcript-rebuilt; emitter-appended) ---
"""Pipeline reference for scband-matrix-factorization-14937896255489 (READ-ONLY COPY).

The authoritative reference and input builder live on the scoring server;
editing this copy changes nothing except your own understanding.
"""

import jax, jax.numpy as jnp
import numpy as np

N_USERS = 1000000
N_ITEMS = 1000000
F = 32
B = 16384
H = 8


def setup_inputs(seed: int = 0) -> dict:
    key = jax.random.key(seed)
    ks = jax.random.split(key, 8)
    user = jax.random.randint(ks[0], (B,), 0, N_USERS, dtype=jnp.int64 if jax.config.jax_enable_x64 else jnp.int32)
    item = jax.random.randint(ks[1], (B,), 0, N_ITEMS, dtype=jnp.int64 if jax.config.jax_enable_x64 else jnp.int32)
    user_factors = jax.random.normal(ks[2], (N_USERS, F), dtype=jnp.float32) * 0.01
    item_factors = jax.random.normal(ks[3], (N_ITEMS, F), dtype=jnp.float32) * 0.01
    W1 = jax.random.normal(ks[4], (2 * F, H), dtype=jnp.float32) * (1.0 / np.sqrt(2 * F))
    b1 = jnp.zeros((H,), dtype=jnp.float32)
    W3 = jax.random.normal(ks[5], (H, 1), dtype=jnp.float32) * (1.0 / np.sqrt(H))
    b3 = jnp.zeros((1,), dtype=jnp.float32)
    return {
        "user": user,
        "item": item,
        "user_factors": user_factors,
        "item_factors": item_factors,
        "W1": W1,
        "b1": b1,
        "W3": W3,
        "b3": b3,
    }


def reference(user, item, user_factors, item_factors, W1, b1, W3, b3):
    # Embedding lookups (gather)
    ue = jnp.take(user_factors, user, axis=0)  # [B, F]
    ie = jnp.take(item_factors, item, axis=0)  # [B, F]
    logits = jnp.concatenate([ue, ie], axis=1)  # [B, 2F]
    # net = fc1 -> relu -> fc3 -> sigmoid (fc2 is defined but unused in torch module)
    h = jax.nn.relu(logits @ W1 + b1)  # [B, H]
    out = jax.nn.sigmoid(h @ W3 + b3)  # [B, 1]
    return out

if __name__ == "__main__":
    import jax
    _d = setup_inputs()
    print(jax.jit(kernel)(*tuple(_d.values())))

</pallas_src>

<mosaic_0001>
#map = affine_map<(d0, d1) -> (0)>
#map1 = affine_map<(d0, d1) -> (0, 0, 0)>
#map2 = affine_map<(d0, d1) -> (0, 0)>
module attributes {stable_mosaic.version = 14 : i64} {
  func.func @_gather_body(%arg0: i32, %arg1: i32, %arg2: memref<16384xi32, #tpu.memory_space<hbm>>, %arg3: memref<16384xi32, #tpu.memory_space<hbm>>, %arg4: memref<125000x8x32xf32, #tpu.memory_space<hbm>>, %arg5: memref<125000x8x32xf32, #tpu.memory_space<hbm>>, %arg6: memref<16384x32xf32, #tpu.memory_space<hbm>>, %arg7: memref<16384x32xf32, #tpu.memory_space<hbm>>, %arg8: memref<512xi32, #tpu.memory_space<vmem>>, %arg9: memref<512xi32, #tpu.memory_space<vmem>>, %arg10: memref<32x8x32xf32, #tpu.memory_space<vmem>>, %arg11: memref<32x8x32xf32, #tpu.memory_space<vmem>>, %arg12: memref<32x32xf32, #tpu.memory_space<vmem>>, %arg13: memref<32x32xf32, #tpu.memory_space<vmem>>, %arg14: memref<!tpu.dma_semaphore, #tpu.memory_space<semaphore_mem>>) attributes {dimension_semantics = [#tpu.dimension_semantics<core_parallel>, #tpu.dimension_semantics<subcore_parallel>], iteration_bounds = array<i64: 2, 16>, scalar_prefetch = 0 : i64, scratch_operands = 7 : i64, tpu.core_type = #tpu.core_type<sc_vector_subcore>, window_params = [{transform_indices = #map}, {transform_indices = #map}, {transform_indices = #map1}, {transform_indices = #map1}, {transform_indices = #map2}, {transform_indices = #map2}]} {
    %mul3A = arith.constant 2 : i32
    %mul3A_0 = arith.muli %arg1, %mul3A : i32
    %add3A = arith.addi %mul3A_0, %arg0 : i32
    %mul3A_1 = arith.constant 512 : i32
    %mul3A_2 = arith.muli %add3A, %mul3A_1 : i32
    "tpu.region"() ({
      %run_scoped3A = tpu.sem_alloc : memref<!tpu.dma_semaphore, #tpu.memory_space<semaphore_mem>>
      %dma_start3A = tpu.memref_slice %arg2[%mul3A_2] : memref<16384xi32, #tpu.memory_space<hbm>> -> memref<512xi32, #tpu.memory_space<hbm>>
      %dma_start3A_7 = tpu.memref_slice %arg2[%mul3A_2] : memref<16384xi32, #tpu.memory_space<hbm>> -> memref<512xi32, #tpu.memory_space<hbm>>
      tpu.enqueue_dma source(%dma_start3A_7 : memref<512xi32, #tpu.memory_space<hbm>>) target(%arg8 : memref<512xi32, #tpu.memory_space<vmem>>) target_semaphore(%run_scoped3A : memref<!tpu.dma_semaphore, #tpu.memory_space<semaphore_mem>>)
      %dma_wait3A = tpu.memref_slice %arg2[%mul3A_2] : memref<16384xi32, #tpu.memory_space<hbm>> -> memref<512xi32, #tpu.memory_space<hbm>>
      %dma_wait3A_8 = tpu.memref_slice %arg2[%mul3A_2] : memref<16384xi32, #tpu.memory_space<hbm>> -> memref<512xi32, #tpu.memory_space<hbm>>
      tpu.wait_dma2 semaphore(%run_scoped3A : memref<!tpu.dma_semaphore, #tpu.memory_space<semaphore_mem>>) src(%dma_wait3A_8 : memref<512xi32, #tpu.memory_space<hbm>>) dst(%arg8 : memref<512xi32, #tpu.memory_space<vmem>>)
      tpu.yield
    }) : () -> ()
    "tpu.region"() ({
      %run_scoped3A = tpu.sem_alloc : memref<!tpu.dma_semaphore, #tpu.memory_space<semaphore_mem>>
      %dma_start3A = tpu.memref_slice %arg3[%mul3A_2] : memref<16384xi32, #tpu.memory_space<hbm>> -> memref<512xi32, #tpu.memory_space<hbm>>
      %dma_start3A_7 = tpu.memref_slice %arg3[%mul3A_2] : memref<16384xi32, #tpu.memory_space<hbm>> -> memref<512xi32, #tpu.memory_space<hbm>>
      tpu.enqueue_dma source(%dma_start3A_7 : memref<512xi32, #tpu.memory_space<hbm>>) target(%arg9 : memref<512xi32, #tpu.memory_space<vmem>>) target_semaphore(%run_scoped3A : memref<!tpu.dma_semaphore, #tpu.memory_space<semaphore_mem>>)
      %dma_wait3A = tpu.memref_slice %arg3[%mul3A_2] : memref<16384xi32, #tpu.memory_space<hbm>> -> memref<512xi32, #tpu.memory_space<hbm>>
      %dma_wait3A_8 = tpu.memref_slice %arg3[%mul3A_2] : memref<16384xi32, #tpu.memory_space<hbm>> -> memref<512xi32, #tpu.memory_space<hbm>>
      tpu.wait_dma2 semaphore(%run_scoped3A : memref<!tpu.dma_semaphore, #tpu.memory_space<semaphore_mem>>) src(%dma_wait3A_8 : memref<512xi32, #tpu.memory_space<hbm>>) dst(%arg9 : memref<512xi32, #tpu.memory_space<vmem>>)
      tpu.yield
    }) : () -> ()
    %scan3A = arith.constant 0 : i32
    %scan3A_3 = arith.constant 16 : i32
    %scan3A_4 = arith.addi %scan3A, %scan3A_3 : i32
    %scan3A_5 = arith.constant 1 : i32
    scf.for %scan3A_7 = %scan3A to %scan3A_4 step %scan3A_5  : i32 {
      %mul3A_8 = arith.constant 32 : i32
      %mul3A_9 = arith.muli %scan3A_7, %mul3A_8 : i32
      %add3A_10 = arith.constant 0 : i32
      %add3A_11 = arith.addi %mul3A_9, %add3A_10 : i32
      %get3A = arith.index_cast %add3A_11 : i32 to index
      %get3A_12 = tpu.vector_load %arg8[%get3A] {strides = array<i32>} : memref<512xi32, #tpu.memory_space<vmem>>, vector<16xi32>,
      %shift_right_arithmetic3A = arith.constant 3 : i32
      %shift_right_arithmetic3A_13 = vector.broadcast %shift_right_arithmetic3A : i32 to vector<16xi32>
      %shift_right_arithmetic3A_14 = arith.shrsi %get3A_12, %shift_right_arithmetic3A_13 : vector<16xi32>
      %add3A_15 = arith.constant 0 : i32
      %add3A_16 = arith.addi %mul3A_9, %add3A_15 : i32
      %get3A_17 = arith.index_cast %add3A_16 : i32 to index
      %get3A_18 = tpu.vector_load %arg9[%get3A_17] {strides = array<i32>} : memref<512xi32, #tpu.memory_space<vmem>>, vector<16xi32>,
      %shift_right_arithmetic3A_19 = arith.constant 3 : i32
      %shift_right_arithmetic3A_20 = vector.broadcast %shift_right_arithmetic3A_19 : i32 to vector<16xi32>
      %shift_right_arithmetic3A_21 = arith.shrsi %get3A_18, %shift_right_arithmetic3A_20 : vector<16xi32>
      %slice3A = vector.extract_strided_slice %shift_right_arithmetic3A_14 {offsets = [0], sizes = [1], strides = [1]} : vector<16xi32> to vector<1xi32>
      %squeeze3A = vector.extract %slice3A[0] : i32 from vector<1xi32>
      %dma_start3A = arith.constant 0 : i32
      %dma_start3A_22 = arith.constant 0 : i32
      %dma_start3A_23 = arith.constant 0 : i32
      %dma_start3A_24 = tpu.memref_slice %arg10[%dma_start3A, %dma_start3A_22, %dma_start3A_23] : memref<32x8x32xf32, #tpu.memory_space<vmem>> -> memref<1x8x32xf32, #tpu.memory_space<vmem>>
      %dma_start3A_25 = tpu.memref_squeeze %dma_start3A_24 : memref<1x8x32xf32, #tpu.memory_space<vmem>> -> memref<8x32xf32, #tpu.memory_space<vmem>>
      %dma_start3A_26 = arith.constant 0 : i32
      %dma_start3A_27 = arith.constant 0 : i32
      %dma_start3A_28 = tpu.memref_slice %arg4[%squeeze3A, %dma_start3A_26, %dma_start3A_27] : memref<125000x8x32xf32, #tpu.memory_space<hbm>> -> memref<1x8x32xf32, #tpu.memory_space<hbm>>
      %dma_start3A_29 = tpu.memref_squeeze %dma_start3A_28 : memref<1x8x32xf32, #tpu.memory_space<hbm>> -> memref<8x32xf32, #tpu.memory_space<hbm>>
      %dma_start3A_30 = arith.constant 0 : i32
      %dma_start3A_31 = arith.constant 0 : i32
      %dma_start3A_32 = tpu.memref_slice %arg10[%dma_start3A, %dma_start3A_30, %dma_start3A_31] : memref<32x8x32xf32, #tpu.memory_space<vmem>> -> memref<1x8x32xf32, #tpu.memory_space<vmem>>
      %dma_start3A_33 = tpu.memref_squeeze %dma_start3A_32 : memref<1x8x32xf32, #tpu.memory_space<vmem>> -> memref<8x32xf32, #tpu.memory_space<vmem>>
      %dma_start3A_34 = arith.constant 0 : i32
      %dma_start3A_35 = arith.constant 0 : i32
      %dma_start3A_36 = tpu.memref_slice %arg4[%squeeze3A, %dma_start3A_34, %dma_start3A_35] : memref<125000x8x32xf32, #tpu.memory_space<hbm>> -> memref<1x8x32xf32, #tpu.memory_space<hbm>>
      %dma_start3A_37 = tpu.memref_squeeze %dma_start3A_36 : memref<1x8x32xf32, #tpu.memory_space<hbm>> -> memref<8x32xf32, #tpu.memory_space<hbm>>
      tpu.enqueue_dma source(%dma_start3A_37 : memref<8x32xf32, #tpu.memory_space<hbm>>) target(%dma_start3A_33 : memref<8x32xf32, #tpu.memory_space<vmem>>) target_semaphore(%arg14 : memref<!tpu.dma_semaphore, #tpu.memory_space<semaphore_mem>>)
      %slice3A_38 = vector.extract_strided_slice %shift_right_arithmetic3A_21 {offsets = [0], sizes = [1], strides = [1]} : vector<16xi32> to vector<1xi32>
      %squeeze3A_39 = vector.extract %slice3A_38[0] : i32 from vector<1xi32>
      %dma_start3A_40 = arith.constant 0 : i32
      %dma_start3A_41 = arith.constant 0 : i32
      %dma_start3A_42 = arith.constant 0 : i32
      %dma_start3A_43 = tpu.memref_slice %arg11[%dma_start3A_40, %dma_start3A_41, %dma_start3A_42] : memref<32x8x32xf32, #tpu.memory_space<vmem>> -> memref<1x8x32xf32, #tpu.memory_space<vmem>>
      %dma_start3A_44 = tpu.memref_squeeze %dma_start3A_43 : memref<1x8x32xf32, #tpu.memory_space<vmem>> -> memref<8x32xf32, #tpu.memory_space<vmem>>
      %dma_start3A_45 = arith.constant 0 : i32
      %dma_start3A_46 = arith.constant 0 : i32
      %dma_start3A_47 = tpu.memref_slice %arg5[%squeeze3A_39, %dma_start3A_45, %dma_start3A_46] : memref<125000x8x32xf32, #tpu.memory_space<hbm>> -> memref<1x8x32xf32, #tpu.memory_space<hbm>>
      %dma_start3A_48 = tpu.memref_squeeze %dma_start3A_47 : memref<1x8x32xf32, #tpu.memory_space<hbm>> -> memref<8x32xf32, #tpu.memory_space<hbm>>
      %dma_start3A_49 = arith.constant 0 : i32
      %dma_start3A_50 = arith.constant 0 : i32
      %dma_start3A_51 = tpu.memref_slice %arg11[%dma_start3A_40, %dma_start3A_49, %dma_start3A_50] : memref<32x8x32xf32, #tpu.memory_space<vmem>> -> memref<1x8x32xf32, #tpu.memory_space<vmem>>
      %dma_start3A_52 = tpu.memref_squeeze %dma_start3A_51 : memref<1x8x32xf32, #tpu.memory_space<vmem>> -> memref<8x32xf32, #tpu.memory_space<vmem>>
      %dma_start3A_53 = arith.constant 0 : i32
      %dma_start3A_54 = arith.constant 0 : i32
      %dma_start3A_55 = tpu.memref_slice %arg5[%squeeze3A_39, %dma_start3A_53, %dma_start3A_54] : memref<125000x8x32xf32, #tpu.memory_space<hbm>> -> memref<1x8x32xf32, #tpu.memory_space<hbm>>
      %dma_start3A_56 = tpu.memref_squeeze %dma_start3A_55 : memref<1x8x32xf32, #tpu.memory_space<hbm>> -> memref<8x32xf32, #tpu.memory_space<hbm>>
      tpu.enqueue_dma source(%dma_start3A_56 : memref<8x32xf32, #tpu.memory_space<hbm>>) target(%dma_start3A_52 : memref<8x32xf32, #tpu.memory_space<vmem>>) target_semaphore(%arg14 : memref<!tpu.dma_semaphore, #tpu.memory_space<semaphore_mem>>)
      %slice3A_57 = vector.extract_strided_slice %shift_right_arithmetic3A_14 {offsets = [1], sizes = [1], strides = [1]} : vector<16xi32> to vector<1xi32>
      %squeeze3A_58 = vector.extract %slice3A_57[0] : i32 from vector<1xi32>
      %dma_start3A_59 = arith.constant 1 : i32
      %dma_start3A_60 = arith.constant 0 : i32
      %dma_start3A_61 = arith.constant 0 : i32
      %dma_start3A_62 = tpu.memref_slice %arg10[%dma_start3A_59, %dma_start3A_60, %dma_start3A_61] : memref<32x8x32xf32, #tpu.memory_space<vmem>> -> memref<1x8x32xf32, #tpu.memory_space<vmem>>
      %dma_start3A_63 = tpu.memref_squeeze %dma_start3A_62 : memref<1x8x32xf32, #tpu.memory_space<vmem>> -> memref<8x32xf32, #tpu.memory_space<vmem>>
      %dma_start3A_64 = arith.constant 0 : i32
      %dma_start3A_65 = arith.constant 0 : i32
      %dma_start3A_66 = tpu.memref_slice %arg4[%squeeze3A_58, %dma_start3A_64, %dma_start3A_65] : memref<125000x8x32xf32, #tpu.memory_space<hbm>> -> memref<1x8x32xf32, #tpu.memory_space<hbm>>
      %dma_start3A_67 = tpu.memref_squeeze %dma_start3A_66 : memref<1x8x32xf32, #tpu.memory_space<hbm>> -> memref<8x32xf32, #tpu.memory_space<hbm>>
      %dma_start3A_68 = arith.constant 0 : i32
      %dma_start3A_69 = arith.constant 0 : i32
      %dma_start3A_70 = tpu.memref_slice %arg10[%dma_start3A_59, %dma_start3A_68, %dma_start3A_69] : memref<32x8x32xf32, #tpu.memory_space<vmem>> -> memref<1x8x32xf32, #tpu.memory_space<vmem>>
      %dma_start3A_71 = tpu.memref_squeeze %dma_start3A_70 : memref<1x8x32xf32, #tpu.memory_space<vmem>> -> memref<8x32xf32, #tpu.memory_space<vmem>>
      %dma_start3A_72 = arith.constant 0 : i32
      %dma_start3A_73 = arith.constant 0 : i32
      %dma_start3A_74 = tpu.memref_slice %arg4[%squeeze3A_58, %dma_start3A_72, %dma_start3A_73] : memref<125000x8x32xf32, #tpu.memory_space<hbm>> -> memref<1x8x32xf32, #tpu.memory_space<hbm>>
      %dma_start3A_75 = tpu.memref_squeeze %dma_start3A_74 : memref<1x8x32xf32, #tpu.memory_space<hbm>> -> memref<8x32xf32, #tpu.memory_space<hbm>>
      tpu.enqueue_dma source(%dma_start3A_75 : memref<8x32xf32, #tpu.memory_space<hbm>>) target(%dma_start3A_71 : memref<8x32xf32, #tpu.memory_space<vmem>>) target_semaphore(%arg14 : memref<!tpu.dma_semaphore, #tpu.memory_space<semaphore_mem>>)
      %slice3A_76 = vector.extract_strided_slice %shift_right_arithmetic3A_21 {offsets = [1], sizes = [1], strides = [1]} : vector<16xi32> to vector<1xi32>
      %squeeze3A_77 = vector.extract %slice3A_76[0] : i32 from vector<1xi32>
      %dma_start3A_78 = arith.constant 1 : i32
      %dma_start3A_79 = arith.constant 0 : i32
      %dma_start3A_80 = arith.constant 0 : i32
      %dma_start3A_81 = tpu.memref_slice %arg11[%dma_start3A_78, %dma_start3A_79, %dma_start3A_80] : memref<32x8x32xf32, #tpu.memory_space<vmem>> -> memref<1x8x32xf32, #tpu.memory_space<vmem>>
      %dma_start3A_82 = tpu.memref_squeeze %dma_start3A_81 : memref<1x8x32xf32, #tpu.memory_space<vmem>> -> memref<8x32xf32, #tpu.memory_space<vmem>>
      %dma_start3A_83 = arith.constant 0 : i32
      %dma_start3A_84 = arith.constant 0 : i32
      %dma_start3A_85 = tpu.memref_slice %arg5[%squeeze3A_77, %dma_start3A_83, %dma_start3A_84] : memref<125000x8x32xf32, #tpu.memory_space<hbm>> -> memref<1x8x32xf32, #tpu.memory_space<hbm>>
      %dma_start3A_86 = tpu.memref_squeeze %dma_start3A_85 : memref<1x8x32xf32, #tpu.memory_space<hbm>> -> memref<8x32xf32, #tpu.memory_space<hbm>>
      %dma_start3A_87 = arith.constant 0 : i32
      %dma_start3A_88 = arith.constant 0 : i32
      %dma_start3A_89 = tpu.memref_slice %arg11[%dma_start3A_78, %dma_start3A_87, %dma_start3A_88] : memref<32x8x32xf32, #tpu.memory_space<vmem>> -> memref<1x8x32xf32, #tpu.memory_space<vmem>>
      %dma_start3A_90 = tpu.memref_squeeze %dma_start3A_89 : memref<1x8x32xf32, #tpu.memory_space<vmem>> -> memref<8x32xf32, #tpu.memory_space<vmem>>
      %dma_start3A_91 = arith.constant 0 : i32
      %dma_start3A_92 = arith.constant 0 : i32
      %dma_start3A_93 = tpu.memref_slice %arg5[%squeeze3A_77, %dma_start3A_91, %dma_start3A_92] : memref<125000x8x32xf32, #tpu.memory_space<hbm>> -> memref<1x8x32xf32, #tpu.memory_space<hbm>>
      %dma_start3A_94 = tpu.memref_squeeze %dma_start3A_93 : memref<1x8x32xf32, #tpu.memory_space<hbm>> -> memref<8x32xf32, #tpu.memory_space<hbm>>
      tpu.enqueue_dma source(%dma_start3A_94 : memref<8x32xf32, #tpu.memory_space<hbm>>) target(%dma_start3A_90 : memref<8x32xf32, #tpu.memory_space<vmem>>) target_semaphore(%arg14 : memref<!tpu.dma_semaphore, #tpu.memory_space<semaphore_mem>>)
      %slice3A_95 = vector.extract_strided_slice %shift_right_arithmetic3A_14 {offsets = [2], sizes = [1], strides = [1]} : vector<16xi32> to vector<1xi32>
      %squeeze3A_96 = vector.extract %slice3A_95[0] : i32 from vector<1xi32>
      %dma_start3A_97 = arith.constant 2 : i32
      %dma_start3A_98 = arith.constant 0 : i32
      %dma_start3A_99 = arith.constant 0 : i32
      %dma_start3A_100 = tpu.memref_slice %arg10[%dma_start3A_97, %dma_start3A_98, %dma_start3A_99] : memref<32x8x32xf32, #tpu.memory_space<vmem>> -> memref<1x8x32xf32, #tpu.memory_space<vmem>>
      %dma_start3A_101 = tpu.memref_squeeze %dma_start3A_100 : memref<1x8x32xf32, #tpu.memory_space<vmem>> -> memref<8x32xf32, #tpu.memory_space<vmem>>
      %dma_start3A_102 = arith.constant 0 : i32
      %dma_start3A_103 = arith.constant 0 : i32
      %dma_start3A_104 = tpu.memref_slice %arg4[%squeeze3A_96, %dma_start3A_102, %dma_start3A_103] : memref<125000x8x32xf32, #tpu.memory_space<hbm>> -> memref<1x8x32xf32, #tpu.memory_space<hbm>>
      %dma_start3A_105 = tpu.memref_squeeze %dma_start3A_104 : memref<1x8x32xf32, #tpu.memory_space<hbm>> -> memref<8x32xf32, #tpu.memory_space<hbm>>
      %dma_start3A_106 = arith.constant 0 : i32
      %dma_start3A_107 = arith.constant 0 : i32
      %dma_start3A_108 = tpu.memref_slice %arg10[%dma_start3A_97, %dma_start3A_106, %dma_start3A_107] : memref<32x8x32xf32, #tpu.memory_space<vmem>> -> memref<1x8x32xf32, #tpu.memory_space<vmem>>
      %dma_start3A_109 = tpu.memref_squeeze %dma_start3A_108 : memref<1x8x32xf32, #tpu.memory_space<vmem>> -> memref<8x32xf32, #tpu.memory_space<vmem>>
      %dma_start3A_110 = arith.constant 0 : i32
      %dma_start3A_111 = arith.constant 0 : i32
      %dma_start3A_112 = tpu.memref_slice %arg4[%squeeze3A_96, %dma_start3A_110, %dma_start3A_111] : memref<125000x8x32xf32, #tpu.memory_space<hbm>> -> memref<1x8x32xf32, #tpu.memory_space<hbm>>
      %dma_start3A_113 = tpu.memref_squeeze %dma_start3A_112 : memref<1x8x32xf32, #tpu.memory_space<hbm>> -> memref<8x32xf32, #tpu.memory_space<hbm>>
      tpu.enqueue_dma source(%dma_start3A_113 : memref<8x32xf32, #tpu.memory_space<hbm>>) target(%dma_start3A_109 : memref<8x32xf32, #tpu.memory_space<vmem>>) target_semaphore(%arg14 : memref<!tpu.dma_semaphore, #tpu.memory_space<semaphore_mem>>)
      %slice3A_114 = vector.extract_strided_slice %shift_right_arithmetic3A_21 {offsets = [2], sizes = [1], strides = [1]} : vector<16xi32> to vector<1xi32>
      %squeeze3A_115 = vector.extract %slice3A_114[0] : i32 from vector<1xi32>
      %dma_start3A_116 = arith.constant 2 : i32
      %dma_start3A_117 = arith.constant 0 : i32
      %dma_start3A_118 = arith.constant 0 : i32
      %dma_start3A_119 = tpu.memref_slice %arg11[%dma_start3A_116, %dma_start3A_117, %dma_start3A_118] : memref<32x8x32xf32, #tpu.memory_space<vmem>> -> memref<1x8x32xf32, #tpu.memory_space<vmem>>
      %dma_start3A_120 = tpu.memref_squeeze %dma_start3A_119 : memref<1x8x32xf32, #tpu.memory_space<vmem>> -> memref<8x32xf32, #tpu.memory_space<vmem>>
      %dma_start3A_121 = arith.constant 0 : i32
      %dma_start3A_122 = arith.constant 0 : i32
      %dma_start3A_123 = tpu.memref_slice %arg5[%squeeze3A_115, %dma_start3A_121, %dma_start3A_122] : memref<125000x8x32xf32, #tpu.memory_space<hbm>> -> memref<1x8x32xf32, #tpu.memory_space<hbm>>
      %dma_start3A_124 = tpu.memref_squeeze %dma_start3A_123 : memref<1x8x32xf32, #tpu.memory_space<hbm>> -> memref<8x32xf32, #tpu.memory_space<hbm>>
      %dma_start3A_125 = arith.constant 0 : i32
      %dma_start3A_126 = arith.constant 0 : i32
      %dma_start3A_127 = tpu.memref_slice %arg11[%dma_start3A_116, %dma_start3A_125, %dma_start3A_126] : memref<32x8x32xf32, #tpu.memory_space<vmem>> -> memref<1x8x32xf32, #tpu.memory_space<vmem>>
      %dma_start3A_128 = tpu.memref_squeeze %dma_start3A_127 : memref<1x8x32xf32, #tpu.memory_space<vmem>> -> memref<8x32xf32, #tpu.memory_space<vmem>>
      %dma_start3A_129 = arith.constant 0 : i32
      %dma_start3A_130 = arith.constant 0 : i32
      %dma_start3A_131 = tpu.memref_slice %arg5[%squeeze3A_115, %dma_start3A_129, %dma_start3A_130] : memref<125000x8x32xf32, #tpu.memory_space<hbm>> -> memref<1x8x32xf32, #tpu.memory_space<hbm>>
      %dma_start3A_132 = tpu.memref_squeeze %dma_start3A_131 : memref<1x8x32xf32, #tpu.memory_space<hbm>> -> memref<8x32xf32, #tpu.memory_space<hbm>>
      tpu.enqueue_dma source(%dma_start3A_132 : memref<8x32xf32, #tpu.memory_space<hbm>>) target(%dma_start3A_128 : memref<8x32xf32, #tpu.memory_space<vmem>>) target_semaphore(%arg14 : memref<!tpu.dma_semaphore, #tpu.memory_space<semaphore_mem>>)
      %slice3A_133 = vector.extract_strided_slice %shift_right_arithmetic3A_14 {offsets = [3], sizes = [1], strides = [1]} : vector<16xi32> to vector<1xi32>
      %squeeze3A_134 = vector.extract %slice3A_133[0] : i32 from vector<1xi32>
      %dma_start3A_135 = arith.constant 3 : i32
      %dma_start3A_136 = arith.constant 0 : i32
      %dma_start3A_137 = arith.constant 0 : i32
      %dma_start3A_138 = tpu.memref_slice %arg10[%dma_start3A_135, %dma_start3A_136, %dma_start3A_137] : memref<32x8x32xf32, #tpu.memory_space<vmem>> -> memref<1x8x32xf32, #tpu.memory_space<vmem>>
      %dma_start3A_139 = tpu.memref_squeeze %dma_start3A_138 : memref<1x8x32xf32, #tpu.memory_space<vmem>> -> memref<8x32xf32, #tpu.memory_space<vmem>>
      %dma_start3A_140 = arith.constant 0 : i32
      %dma_start3A_141 = arith.constant 0 : i32
      %dma_start3A_142 = tpu.memref_slice %arg4[%squeeze3A_134, %dma_start3A_140, %dma_start3A_141] : memref<125000x8x32xf32, #tpu.memory_space<hbm>> -> memref<1x8x32xf32, #tpu.memory_space<hbm>>
      %dma_start3A_143 = tpu.memref_squeeze %dma_start3A_142 : memref<1x8x32xf32, #tpu.memory_space<hbm>> -> memref<8x32xf32, #tpu.memory_space<hbm>>
      %dma_start3A_144 = arith.constant 0 : i32
      %dma_start3A_145 = arith.constant 0 : i32
      %dma_start3A_146 = tpu.memref_slice %arg10[%dma_start3A_135, %dma_start3A_144, %dma_start3A_145] : memref<32x8x32xf32, #tpu.memory_space<vmem>> -> memref<1x8x32xf32, #tpu.memory_space<vmem>>
      %dma_start3A_147 = tpu.memref_squeeze %dma_start3A_146 : memref<1x8x32xf32, #tpu.memory_space<vmem>> -> memref<8x32xf32, #tpu.memory_space<vmem>>
      %dma_start3A_148 = arith.constant 0 : i32
      %dma_start3A_149 = arith.constant 0 : i32
      %dma_start3A_150 = tpu.memref_slice %arg4[%squeeze3A_134, %dma_start3A_148, %dma_start3A_149] : memref<125000x8x32xf32, #tpu.memory_space<hbm>> -> memref<1x8x32xf32, #tpu.memory_space<hbm>>
      %dma_start3A_151 = tpu.memref_squeeze %dma_start3A_150 : memref<1x8x32xf32, #tpu.memory_space<hbm>> -> memref<8x32xf32, #tpu.memory_space<hbm>>
      tpu.enqueue_dma source(%dma_start3A_151 : memref<8x32xf32, #tpu.memory_space<hbm>>) target(%dma_start3A_147 : memref<8x32xf32, #tpu.memory_space<vmem>>) target_semaphore(%arg14 : memref<!tpu.dma_semaphore, #tpu.memory_space<semaphore_mem>>)
      %slice3A_152 = vector.extract_strided_slice %shift_right_arithmetic3A_21 {offsets = [3], sizes = [1], strides = [1]} : vector<16xi32> to vector<1xi32>
      %squeeze3A_153 = vector.extract %slice3A_152[0] : i32 from vector<1xi32>
      %dma_start3A_154 = arith.constant 3 : i32
      %dma_start3A_155 = arith.constant 0 : i32
      %dma_start3A_156 = arith.constant 0 : i32
      %dma_start3A_157 = tpu.memref_slice %arg11[%dma_start3A_154, %dma_start3A_155, %dma_start3A_156] : memref<32x8x32xf32, #tpu.memory_space<vmem>> -> memref<1x8x32xf32, #tpu.memory_space<vmem>>
      %dma_start3A_158 = tpu.memref_squeeze %dma_start3A_157 : memref<1x8x32xf32, #tpu.memory_space<vmem>> -> memref<8x32xf32, #tpu.memory_space<vmem>>
      %dma_start3A_159 = arith.constant 0 : i32
      %dma_start3A_160 = arith.constant 0 : i32
      %dma_start3A_161 = tpu.memref_slice %arg5[%squeeze3A_153, %dma_start3A_159, %dma_start3A_160] : memref<125000x8x32xf32, #tpu.memory_space<hbm>> -> memref<1x8x32xf32, #tpu.memory_space<hbm>>
      %dma_start3A_162 = tpu.memref_squeeze %dma_start3A_161 : memref<1x8x32xf32, #tpu.memory_space<hbm>> -> memref<8x32xf32, #tpu.memory_space<hbm>>
      %dma_start3A_163 = arith.constant 0 : i32
      %dma_start3A_164 = arith.constant 0 : i32
      %dma_start3A_165 = tpu.memref_slice %arg11[%dma_start3A_154, %dma_start3A_163, %dma_start3A_164] : memref<32x8x32xf32, #tpu.memory_space<vmem>> -> memref<1x8x32xf32, #tpu.memory_space<vmem>>
      %dma_start3A_166 = tpu.memref_squeeze %dma_start3A_165 : memref<1x8x32xf32, #tpu.memory_space<vmem>> -> memref<8x32xf32, #tpu.memory_space<vmem>>
      %dma_start3A_167 = arith.constant 0 : i32
      %dma_start3A_168 = arith.constant 0 : i32
      %dma_start3A_169 = tpu.memref_slice %arg5[%squeeze3A_153, %dma_start3A_167, %dma_start3A_168] : memref<125000x8x32xf32, #tpu.memory_space<hbm>> -> memref<1x8x32xf32, #tpu.memory_space<hbm>>
      %dma_start3A_170 = tpu.memref_squeeze %dma_start3A_169 : memref<1x8x32xf32, #tpu.memory_space<hbm>> -> memref<8x32xf32, #tpu.memory_space<hbm>>
      tpu.enqueue_dma source(%dma_start3A_170 : memref<8x32xf32, #tpu.memory_space<hbm>>) target(%dma_start3A_166 : memref<8x32xf32, #tpu.memory_space<vmem>>) target_semaphore(%arg14 : memref<!tpu.dma_semaphore, #tpu.memory_space<semaphore_mem>>)
      %slice3A_171 = vector.extract_strided_slice %shift_right_arithmetic3A_14 {offsets = [4], sizes = [1], strides = [1]} : vector<16xi32> to vector<1xi32>
      %squeeze3A_172 = vector.extract %slice3A_171[0] : i32 from vector<1xi32>
      %dma_start3A_173 = arith.constant 4 : i32
      %dma_start3A_174 = arith.constant 0 : i32
      %dma_start3A_175 = arith.constant 0 : i32
      %dma_start3A_176 = tpu.memref_slice %arg10[%dma_start3A_173, %dma_start3A_174, %dma_start3A_175] : memref<32x8x32xf32, #tpu.memory_space<vmem>> -> memref<1x8x32xf32, #tpu.memory_space<vmem>>
      %dma_start3A_177 = tpu.memref_squeeze %dma_start3A_176 : memref<1x8x32xf32, #tpu.memory_space<vmem>> -> memref<8x32xf32, #tpu.memory_space<vmem>>
      %dma_start3A_178 = arith.constant 0 : i32
      %dma_start3A_179 = arith.constant 0 : i32
      %dma_start3A_180 = tpu.memref_slice %arg4[%squeeze3A_172, %dma_start3A_178, %dma_start3A_179] : memref<125000x8x32xf32, #tpu.memory_space<hbm>> -> memref<1x8x32xf32, #tpu.memory_space<hbm>>
      %dma_start3A_181 = tpu.memref_squeeze %dma_start3A_180 : memref<1x8x32xf32, #tpu.memory_space<hbm>> -> memref<8x32xf32, #tpu.memory_space<hbm>>
      %dma_start3A_182 = arith.constant 0 : i32
      %dma_start3A_183 = arith.constant 0 : i32
      %dma_start3A_184 = tpu.memref_slice %arg10[%dma_start3A_173, %dma_start3A_182, %dma_start3A_183] : memref<32x8x32xf32, #tpu.memory_space<vmem>> -> memref<1x8x32xf32, #tpu.memory_space<vmem>>
      %dma_start3A_185 = tpu.memref_squeeze %dma_start3A_184 : memref<1x8x32xf32, #tpu.memory_space<vmem>> -> memref<8x32xf32, #tpu.memory_space<vmem>>
      %dma_start3A_186 = arith.constant 0 : i32
      %dma_start3A_187 = arith.constant 0 : i32
      %dma_start3A_188 = tpu.memref_slice %arg4[%squeeze3A_172, %dma_start3A_186, %dma_start3A_187] : memref<125000x8x32xf32, #tpu.memory_space<hbm>> -> memref<1x8x32xf32, #tpu.memory_space<hbm>>
      %dma_start3A_189 = tpu.memref_squeeze %dma_start3A_188 : memref<1x8x32xf32, #tpu.memory_space<hbm>> -> memref<8x32xf32, #tpu.memory_space<hbm>>
      tpu.enqueue_dma source(%dma_start3A_189 : memref<8x32xf32, #tpu.memory_space<hbm>>) target(%dma_start3A_185 : memref<8x32xf32, #tpu.memory_space<vmem>>) target_semaphore(%arg14 : memref<!tpu.dma_semaphore, #tpu.memory_space<semaphore_mem>>)
      %slice3A_190 = vector.extract_strided_slice %shift_right_arithmetic3A_21 {offsets = [4], sizes = [1], strides = [1]} : vector<16xi32> to vector<1xi32>
      %squeeze3A_191 = vector.extract %slice3A_190[0] : i32 from vector<1xi32>
      %dma_start3A_192 = arith.constant 4 : i32
      %dma_start3A_193 = arith.constant 0 : i32
      %dma_start3A_194 = arith.constant 0 : i32
      %dma_start3A_195 = tpu.memref_slice %arg11[%dma_start3A_192, %dma_start3A_193, %dma_start3A_194] : memref<32x8x32xf32, #tpu.memory_space<vmem>> -> memref<1x8x32xf32, #tpu.memory_space<vmem>>
      %dma_start3A_196 = tpu.memref_squeeze %dma_start3A_195 : memref<1x8x32xf32, #tpu.memory_space<vmem>> -> memref<8x32xf32, #tpu.memory_space<vmem>>
      %dma_start3A_197 = arith.constant 0 : i32
      %dma_start3A_198 = arith.constant 0 : i32
      %dma_start3A_199 = tpu.memref_slice %arg5[%squeeze3A_191, %dma_start3A_197, %dma_start3A_198] : memref<125000x8x32xf32, #tpu.memory_space<hbm>> -> memref<1x8x32xf32, #tpu.memory_space<hbm>>
      %dma_start3A_200 = tpu.memref_squeeze %dma_start3A_199 : memref<1x8x32xf32, #tpu.memory_space<hbm>> -> memref<8x32xf32, #tpu.memory_space<hbm>>
      %dma_start3A_201 = arith.constant 0 : i32
      %dma_start3A_202 = arith.constant 0 : i32
      %dma_start3A_203 = tpu.memref_slice %arg11[%dma_start3A_192, %dma_start3A_201, %dma_start3A_202] : memref<32x8x32xf32, #tpu.memory_space<vmem>> -> memref<1x8x32xf32, #tpu.memory_space<vmem>>
      %dma_start3A_204 = tpu.memref_squeeze %dma_start3A_203 : memref<1x8x32xf32, #tpu.memory_space<vmem>> -> memref<8x32xf32, #tpu.memory_space<vmem>>
      %dma_start3A_205 = arith.constant 0 : i32
      %dma_start3A_206 = arith.constant 0 : i32
      %dma_start3A_207 = tpu.memref_slice %arg5[%squeeze3A_191, %dma_start3A_205, %dma_start3A_206] : memref<125000x8x32xf32, #tpu.memory_space<hbm>> -> memref<1x8x32xf32, #tpu.memory_space<hbm>>
      %dma_start3A_208 = tpu.memref_squeeze %dma_start3A_207 : memref<1x8x32xf32, #tpu.memory_space<hbm>> -> memref<8x32xf32, #tpu.memory_space<hbm>>
      tpu.enqueue_dma source(%dma_start3A_208 : memref<8x32xf32, #tpu.memory_space<hbm>>) target(%dma_start3A_204 : memref<8x32xf32, #tpu.memory_space<vmem>>) target_semaphore(%arg14 : memref<!tpu.dma_semaphore, #tpu.memory_space<semaphore_mem>>)
      %slice3A_209 = vector.extract_strided_slice %shift_right_arithmetic3A_14 {offsets = [5], sizes = [1], strides = [1]} : vector<16xi32> to vector<1xi32>
      %squeeze3A_210 = vector.extract %slice3A_209[0] : i32 from vector<1xi32>
      %dma_start3A_211 = arith.constant 5 : i32
      %dma_start3A_212 = arith.constant 0 : i32
      %dma_start3A_213 = arith.constant 0 : i32
      %dma_start3A_214 = tpu.memref_slice %arg10[%dma_start3A_211, %dma_start3A_212, %dma_start3A_213] : memref<32x8x32xf32, #tpu.memory_space<vmem>> -> memref<1x8x32xf32, #tpu.memory_space<vmem>>
      %dma_start3A_215 = tpu.memref_squeeze %dma_start3A_214 : memref<1x8x32xf32, #tpu.memory_space<vmem>> -> memref<8x32xf32, #tpu.memory_space<vmem>>
      %dma_start3A_216 = arith.constant 0 : i32
      %dma_start3A_217 = arith.constant 0 : i32
      %dma_start3A_218 = tpu.memref_slice %arg4[%squeeze3A_210, %dma_start3A_216, %dma_start3A_217] : memref<125000x8x32xf32, #tpu.memory_space<hbm>> -> memref<1x8x32xf32, #tpu.memory_space<hbm>>
      %dma_start3A_219 = tpu.memref_squeeze %dma_start3A_218 : memref<1x8x32xf32, #tpu.memory_space<hbm>> -> memref<8x32xf32, #tpu.memory_space<hbm>>
      %dma_start3A_220 = arith.constant 0 : i32
      %dma_start3A_221 = arith.constant 0 : i32
      %dma_start3A_222 = tpu.memref_slice %arg10[%dma_start3A_211, %dma_start3A_220, %dma_start3A_221] : memref<32x8x32xf32, #tpu.memory_space<vmem>> -> memref<1x8x32xf32, #tpu.memory_space<vmem>>
      %dma_start3A_223 = tpu.memref_squeeze %dma_start3A_222 : memref<1x8x32xf32, #tpu.memory_space<vmem>> -> memref<8x32xf32, #tpu.memory_space<vmem>>
      %dma_start3A_224 = arith.constant 0 : i32
      %dma_start3A_225 = arith.constant 0 : i32
      %dma_start3A_226 = tpu.memref_slice %arg4[%squeeze3A_210, %dma_start3A_224, %dma_start3A_225] : memref<125000x8x32xf32, #tpu.memory_space<hbm>> -> memref<1x8x32xf32, #tpu.memory_space<hbm>>
      %dma_start3A_227 = tpu.memref_squeeze %dma_start3A_226 : memref<1x8x32xf32, #tpu.memory_space<hbm>> -> memref<8x32xf32, #tpu.memory_space<hbm>>
      tpu.enqueue_dma source(%dma_start3A_227 : memref<8x32xf32, #tpu.memory_space<hbm>>) target(%dma_start3A_223 : memref<8x32xf32, #tpu.memory_space<vmem>>) target_semaphore(%arg14 : memref<!tpu.dma_semaphore, #tpu.memory_space<semaphore_mem>>)
      %slice3A_228 = vector.extract_strided_slice %shift_right_arithmetic3A_21 {offsets = [5], sizes = [1], strides = [1]} : vector<16xi32> to vector<1xi32>
      %squeeze3A_229 = vector.extract %slice3A_228[0] : i32 from vector<1xi32>
      %dma_start3A_230 = arith.constant 5 : i32
      %dma_start3A_231 = arith.constant 0 : i32
      %dma_start3A_232 = arith.constant 0 : i32
      %dma_start3A_233 = tpu.memref_slice %arg11[%dma_start3A_230, %dma_start3A_231, %dma_start3A_232] : memref<32x8x32xf32, #tpu.memory_space<vmem>> -> memref<1x8x32xf32, #tpu.memory_space<vmem>>
      %dma_start3A_234 = tpu.memref_squeeze %dma_start3A_233 : memref<1x8x32xf32, #tpu.memory_space<vmem>> -> memref<8x32xf32, #tpu.memory_space<vmem>>
      %dma_start3A_235 = arith.constant 0 : i32
      %dma_start3A_236 = arith.constant 0 : i32
      %dma_start3A_237 = tpu.memref_slice %arg5[%squeeze3A_229, %dma_start3A_235, %dma_start3A_236] : memref<125000x8x32xf32, #tpu.memory_space<hbm>> -> memref<1x8x32xf32, #tpu.memory_space<hbm>>
      %dma_start3A_238 = tpu.memref_squeeze %dma_start3A_237 : memref<1x8x32xf32, #tpu.memory_space<hbm>> -> memref<8x32xf32, #tpu.memory_space<hbm>>
      %dma_start3A_239 = arith.constant 0 : i32
      %dma_start3A_240 = arith.constant 0 : i32
      %dma_start3A_241 = tpu.memref_slice %arg11[%dma_start3A_230, %dma_start3A_239, %dma_start3A_240] : memref<32x8x32xf32, #tpu.memory_space<vmem>> -> memref<1x8x32xf32, #tpu.memory_space<vmem>>
      %dma_start3A_242 = tpu.memref_squeeze %dma_start3A_241 : memref<1x8x32xf32, #tpu.memory_space<vmem>> -> memref<8x32xf32, #tpu.memory_space<vmem>>
      %dma_start3A_243 = arith.constant 0 : i32
      %dma_start3A_244 = arith.constant 0 : i32
      %dma_start3A_245 = tpu.memref_slice %arg5[%squeeze3A_229, %dma_start3A_243, %dma_start3A_244] : memref<125000x8x32xf32, #tpu.memory_space<hbm>> -> memref<1x8x32xf32, #tpu.memory_space<hbm>>
      %dma_start3A_246 = tpu.memref_squeeze %dma_start3A_245 : memref<1x8x32xf32, #tpu.memory_space<hbm>> -> memref<8x32xf32, #tpu.memory_space<hbm>>
      tpu.enqueue_dma source(%dma_start3A_246 : memref<8x32xf32, #tpu.memory_space<hbm>>) target(%dma_start3A_242 : memref<8x32xf32, #tpu.memory_space<vmem>>) target_semaphore(%arg14 : memref<!tpu.dma_semaphore, #tpu.memory_space<semaphore_mem>>)
      %slice3A_247 = vector.extract_strided_slice %shift_right_arithmetic3A_14 {offsets = [6], sizes = [1], strides = [1]} : vector<16xi32> to vector<1xi32>
      %squeeze3A_248 = vector.extract %slice3A_247[0] : i32 from vector<1xi32>
      %dma_start3A_249 = arith.constant 6 : i32
      %dma_start3A_250 = arith.constant 0 : i32
      %dma_start3A_251 = arith.constant 0 : i32
      %dma_start3A_252 = tpu.memref_slice %arg10[%dma_start3A_249, %dma_start3A_250, %dma_start3A_251] : memref<32x8x32xf32, #tpu.memory_space<vmem>> -> memref<1x8x32xf32, #tpu.memory_space<vmem>>
      %dma_start3A_253 = tpu.memref_squeeze %dma_start3A_252 : memref<1x8x32xf32, #tpu.memory_space<vmem>> -> memref<8x32xf32, #tpu.memory_space<vmem>>
      %dma_start3A_254 = arith.constant 0 : i32
      %dma_start3A_255 = arith.constant 0 : i32
      %dma_start3A_256 = tpu.memref_slice %arg4[%squeeze3A_248, %dma_start3A_254, %dma_start3A_255] : memref<125000x8x32xf32, #tpu.memory_space<hbm>> -> memref<1x8x32xf32, #tpu.memory_space<hbm>>
      %dma_start3A_257 = tpu.memref_squeeze %dma_start3A_256 : memref<1x8x32xf32, #tpu.memory_space<hbm>> -> memref<8x32xf32, #tpu.memory_space<hbm>>
      %dma_start3A_258 = arith.constant 0 : i32
      %dma_start3A_259 = arith.constant 0 : i32
      %dma_start3A_260 = tpu.memref_slice %arg10[%dma_start3A_249, %dma_start3A_258, %dma_start3A_259] : memref<32x8x32xf32, #tpu.memory_space<vmem>> -> memref<1x8x32xf32, #tpu.memory_space<vmem>>
      %dma_start3A_261 = tpu.memref_squeeze %dma_start3A_260 : memref<1x8x32xf32, #tpu.memory_space<vmem>> -> memref<8x32xf32, #tpu.memory_space<vmem>>
      %dma_start3A_262 = arith.constant 0 : i32
      %dma_start3A_263 = arith.constant 0 : i32
      %dma_start3A_264 = tpu.memref_slice %arg4[%squeeze3A_248, %dma_start3A_262, %dma_start3A_263] : memref<125000x8x32xf32, #tpu.memory_space<hbm>> -> memref<1x8x32xf32, #tpu.memory_space<hbm>>
      %dma_start3A_265 = tpu.memref_squeeze %dma_start3A_264 : memref<1x8x32xf32, #tpu.memory_space<hbm>> -> memref<8x32xf32, #tpu.memory_space<hbm>>
      tpu.enqueue_dma source(%dma_start3A_265 : memref<8x32xf32, #tpu.memory_space<hbm>>) target(%dma_start3A_261 : memref<8x32xf32, #tpu.memory_space<vmem>>) target_semaphore(%arg14 : memref<!tpu.dma_semaphore, #tpu.memory_space<semaphore_mem>>)
      %slice3A_266 = vector.extract_strided_slice %shift_right_arithmetic3A_21 {offsets = [6], sizes = [1], strides = [1]} : vector<16xi32> to vector<1xi32>
      %squeeze3A_267 = vector.extract %slice3A_266[0] : i32 from vector<1xi32>
      %dma_start3A_268 = arith.constant 6 : i32
      %dma_start3A_269 = arith.constant 0 : i32
      %dma_start3A_270 = arith.constant 0 : i32
      %dma_start3A_271 = tpu.memref_slice %arg11[%dma_start3A_268, %dma_start3A_269, %dma_start3A_270] : memref<32x8x32xf32, #tpu.memory_space<vmem>> -> memref<1x8x32xf32, #tpu.memory_space<vmem>>
      %dma_start3A_272 = tpu.memref_squeeze %dma_start3A_271 : memref<1x8x32xf32, #tpu.memory_space<vmem>> -> memref<8x32xf32, #tpu.memory_space<vmem>>
      %dma_start3A_273 = arith.constant 0 : i32
      %dma_start3A_274 = arith.constant 0 : i32
      %dma_start3A_275 = tpu.memref_slice %arg5[%squeeze3A_267, %dma_start3A_273, %dma_start3A_274] : memref<125000x8x32xf32, #tpu.memory_space<hbm>> -> memref<1x8x32xf32, #tpu.memory_space<hbm>>
      %dma_start3A_276 = tpu.memref_squeeze %dma_start3A_275 : memref<1x8x32xf32, #tpu.memory_space<hbm>> -> memref<8x32xf32, #tpu.memory_space<hbm>>
      %dma_start3A_277 = arith.constant 0 : i32
      %dma_start3A_278 = arith.constant 0 : i32
      %dma_start3A_279 = tpu.memref_slice %arg11[%dma_start3A_268, %dma_start3A_277, %dma_start3A_278] : memref<32x8x32xf32, #tpu.memory_space<vmem>> -> memref<1x8x32xf32, #tpu.memory_space<vmem>>
      %dma_start3A_280 = tpu.memref_squeeze %dma_start3A_279 : memref<1x8x32xf32, #tpu.memory_space<vmem>> -> memref<8x32xf32, #tpu.memory_space<vmem>>
      %dma_start3A_281 = arith.constant 0 : i32
      %dma_start3A_282 = arith.constant 0 : i32
      %dma_start3A_283 = tpu.memref_slice %arg5[%squeeze3A_267, %dma_start3A_281, %dma_start3A_282] : memref<125000x8x32xf32, #tpu.memory_space<hbm>> -> memref<1x8x32xf32, #tpu.memory_space<hbm>>
      %dma_start3A_284 = tpu.memref_squeeze %dma_start3A_283 : memref<1x8x32xf32, #tpu.memory_space<hbm>> -> memref<8x32xf32, #tpu.memory_space<hbm>>
      tpu.enqueue_dma source(%dma_start3A_284 : memref<8x32xf32, #tpu.memory_space<hbm>>) target(%dma_start3A_280 : memref<8x32xf32, #tpu.memory_space<vmem>>) target_semaphore(%arg14 : memref<!tpu.dma_semaphore, #tpu.memory_space<semaphore_mem>>)
      %slice3A_285 = vector.extract_strided_slice %shift_right_arithmetic3A_14 {offsets = [7], sizes = [1], strides = [1]} : vector<16xi32> to vector<1xi32>
      %squeeze3A_286 = vector.extract %slice3A_285[0] : i32 from vector<1xi32>
      %dma_start3A_287 = arith.constant 7 : i32
      %dma_start3A_288 = arith.constant 0 : i32
      %dma_start3A_289 = arith.constant 0 : i32
      %dma_start3A_290 = tpu.memref_slice %arg10[%dma_start3A_287, %dma_start3A_288, %dma_start3A_289] : memref<32x8x32xf32, #tpu.memory_space<vmem>> -> memref<1x8x32xf32, #tpu.memory_space<vmem>>
      %dma_start3A_291 = tpu.memref_squeeze %dma_start3A_290 : memref<1x8x32xf32, #tpu.memory_space<vmem>> -> memref<8x32xf32, #tpu.memory_space<vmem>>
      %dma_start3A_292 = arith.constant 0 : i32
      %dma_start3A_293 = arith.constant 0 : i32
      %dma_start3A_294 = tpu.memref_slice %arg4[%squeeze3A_286, %dma_start3A_292, %dma_start3A_293] : memref<125000x8x32xf32, #tpu.memory_space<hbm>> -> memref<1x8x32xf32, #tpu.memory_space<hbm>>
      %dma_start3A_295 = tpu.memref_squeeze %dma_start3A_294 : memref<1x8x32xf32, #tpu.memory_space<hbm>> -> memref<8x32xf32, #tpu.memory_space<hbm>>
      %dma_start3A_296 = arith.constant 0 : i32
      %dma_start3A_297 = arith.constant 0 : i32
      %dma_start3A_298 = tpu.memref_slice %arg10[%dma_start3A_287, %dma_start3A_296, %dma_start3A_297] : memref<32x8x32xf32, #tpu.memory_space<vmem>> -> memref<1x8x32xf32, #tpu.memory_space<vmem>>
      %dma_start3A_299 = tpu.memref_squeeze %dma_start3A_298 : memref<1x8x32xf32, #tpu.memory_space<vmem>> -> memref<8x32xf32, #tpu.memory_space<vmem>>
      %dma_start3A_300 = arith.constant 0 : i32
      %dma_start3A_301 = arith.constant 0 : i32
      %dma_start3A_302 = tpu.memref_slice %arg4[%squeeze3A_286, %dma_start3A_300, %dma_start3A_301] : memref<125000x8x32xf32, #tpu.memory_space<hbm>> -> memref<1x8x32xf32, #tpu.memory_space<hbm>>
      %dma_start3A_303 = tpu.memref_squeeze %dma_start3A_302 : memref<1x8x32xf32, #tpu.memory_space<hbm>> -> memref<8x32xf32, #tpu.memory_space<hbm>>
      tpu.enqueue_dma source(%dma_start3A_303 : memref<8x32xf32, #tpu.memory_space<hbm>>) target(%dma_start3A_299 : memref<8x32xf32, #tpu.memory_space<vmem>>) target_semaphore(%arg14 : memref<!tpu.dma_semaphore, #tpu.memory_space<semaphore_mem>>)
      %slice3A_304 = vector.extract_strided_slice %shift_right_arithmetic3A_21 {offsets = [7], sizes = [1], strides = [1]} : vector<16xi32> to vector<1xi32>
      %squeeze3A_305 = vector.extract %slice3A_304[0] : i32 from vector<1xi32>
      %dma_start3A_306 = arith.constant 7 : i32
      %dma_start3A_307 = arith.constant 0 : i32
      %dma_start3A_308 = arith.constant 0 : i32
      %dma_start3A_309 = tpu.memref_slice %arg11[%dma_start3A_306, %dma_start3A_307, %dma_start3A_308] : memref<32x8x32xf32, #tpu.memory_space<vmem>> -> memref<1x8x32xf32, #tpu.memory_space<vmem>>
      %dma_start3A_310 = tpu.memref_squeeze %dma_start3A_309 : memref<1x8x32xf32, #tpu.memory_space<vmem>> -> memref<8x32xf32, #tpu.memory_space<vmem>>
      %dma_start3A_311 = arith.constant 0 : i32
      %dma_start3A_312 = arith.constant 0 : i32
      %dma_start3A_313 = tpu.memref_slice %arg5[%squeeze3A_305, %dma_start3A_311, %dma_start3A_312] : memref<125000x8x32xf32, #tpu.memory_space<hbm>> -> memref<1x8x32xf32, #tpu.memory_space<hbm>>
      %dma_start3A_314 = tpu.memref_squeeze %dma_start3A_313 : memref<1x8x32xf32, #tpu.memory_space<hbm>> -> memref<8x32xf32, #tpu.memory_space<hbm>>
      %dma_start3A_315 = arith.constant 0 : i32
      %dma_start3A_316 = arith.constant 0 : i32
      %dma_start3A_317 = tpu.memref_slice %arg11[%dma_start3A_306, %dma_start3A_315, %dma_start3A_316] : memref<32x8x32xf32, #tpu.memory_space<vmem>> -> memref<1x8x32xf32, #tpu.memory_space<vmem>>
      %dma_start3A_318 = tpu.memref_squeeze %dma_start3A_317 : memref<1x8x32xf32, #tpu.memory_space<vmem>> -> memref<8x32xf32, #tpu.memory_space<vmem>>
      %dma_start3A_319 = arith.constant 0 : i32
      %dma_start3A_320 = arith.constant 0 : i32
      %dma_start3A_321 = tpu.memref_slice %arg5[%squeeze3A_305, %dma_start3A_319, %dma_start3A_320] : memref<125000x8x32xf32, #tpu.memory_space<hbm>> -> memref<1x8x32xf32, #tpu.memory_space<hbm>>
      %dma_start3A_322 = tpu.memref_squeeze %dma_start3A_321 : memref<1x8x32xf32, #tpu.memory_space<hbm>> -> memref<8x32xf32, #tpu.memory_space<hbm>>
      tpu.enqueue_dma source(%dma_start3A_322 : memref<8x32xf32, #tpu.memory_space<hbm>>) target(%dma_start3A_318 : memref<8x32xf32, #tpu.memory_space<vmem>>) target_semaphore(%arg14 : memref<!tpu.dma_semaphore, #tpu.memory_space<semaphore_mem>>)
      %slice3A_323 = vector.extract_strided_slice %shift_right_arithmetic3A_14 {offsets = [8], sizes = [1], strides = [1]} : vector<16xi32> to vector<1xi32>
      %squeeze3A_324 = vector.extract %slice3A_323[0] : i32 from vector<1xi32>
      %dma_start3A_325 = arith.constant 8 : i32
      %dma_start3A_326 = arith.constant 0 : i32
      %dma_start3A_327 = arith.constant 0 : i32
      %dma_start3A_328 = tpu.memref_slice %arg10[%dma_start3A_325, %dma_start3A_326, %dma_start3A_327] : memref<32x8x32xf32, #tpu.memory_space<vmem>> -> memref<1x8x32xf32, #tpu.memory_space<vmem>>
      %dma_start3A_329 = tpu.memref_squeeze %dma_start3A_328 : memref<1x8x32xf32, #tpu.memory_space<vmem>> -> memref<8x32xf32, #tpu.memory_space<vmem>>
      %dma_start3A_330 = arith.constant 0 : i32
      %dma_start3A_331 = arith.constant 0 : i32
      %dma_start3A_332 = tpu.memref_slice %arg4[%squeeze3A_324, %dma_start3A_330, %dma_start3A_331] : memref<125000x8x32xf32, #tpu.memory_space<hbm>> -> memref<1x8x32xf32, #tpu.memory_space<hbm>>
      %dma_start3A_333 = tpu.memref_squeeze %dma_start3A_332 : memref<1x8x32xf32, #tpu.memory_space<hbm>> -> memref<8x32xf32, #tpu.memory_space<hbm>>
      %dma_start3A_334 = arith.constant 0 : i32
      %dma_start3A_335 = arith.constant 0 : i32
      %dma_start3A_336 = tpu.memref_slice %arg10[%dma_start3A_325, %dma_start3A_334, %dma_start3A_335] : memref<32x8x32xf32, #tpu.memory_space<vmem>> -> memref<1x8x32xf32, #tpu.memory_space<vmem>>
      %dma_start3A_337 = tpu.memref_squeeze %dma_start3A_336 : memref<1x8x32xf32, #tpu.memory_space<vmem>> -> memref<8x32xf32, #tpu.memory_space<vmem>>
      %dma_start3A_338 = arith.constant 0 : i32
      %dma_start3A_339 = arith.constant 0 : i32
      %dma_start3A_340 = tpu.memref_slice %arg4[%squeeze3A_324, %dma_start3A_338, %dma_start3A_339] : memref<125000x8x32xf32, #tpu.memory_space<hbm>> -> memref<1x8x32xf32, #tpu.memory_space<hbm>>
      %dma_start3A_341 = tpu.memref_squeeze %dma_start3A_340 : memref<1x8x32xf32, #tpu.memory_space<hbm>> -> memref<8x32xf32, #tpu.memory_space<hbm>>
      tpu.enqueue_dma source(%dma_start3A_341 : memref<8x32xf32, #tpu.memory_space<hbm>>) target(%dma_start3A_337 : memref<8x32xf32, #tpu.memory_space<vmem>>) target_semaphore(%arg14 : memref<!tpu.dma_semaphore, #tpu.memory_space<semaphore_mem>>)
      %slice3A_342 = vector.extract_strided_slice %shift_right_arithmetic3A_21 {offsets = [8], sizes = [1], strides = [1]} : vector<16xi32> to vector<1xi32>
      %squeeze3A_343 = vector.extract %slice3A_342[0] : i32 from vector<1xi32>
      %dma_start3A_344 = arith.constant 8 : i32
      %dma_start3A_345 = arith.constant 0 : i32
      %dma_start3A_346 = arith.constant 0 : i32
      %dma_start3A_347 = tpu.memref_slice %arg11[%dma_start3A_344, %dma_start3A_345, %dma_start3A_346] : memref<32x8x32xf32, #tpu.memory_space<vmem>> -> memref<1x8x32xf32, #tpu.memory_space<vmem>>
      %dma_start3A_348 = tpu.memref_squeeze %dma_start3A_347 : memref<1x8x32xf32, #tpu.memory_space<vmem>> -> memref<8x32xf32, #tpu.memory_space<vmem>>
      %dma_start3A_349 = arith.constant 0 : i32
      %dma_start3A_350 = arith.constant 0 : i32
      %dma_start3A_351 = tpu.memref_slice %arg5[%squeeze3A_343, %dma_start3A_349, %dma_start3A_350] : memref<125000x8x32xf32, #tpu.memory_space<hbm>> -> memref<1x8x32xf32, #tpu.memory_space<hbm>>
      %dma_start3A_352 = tpu.memref_squeeze %dma_start3A_351 : memref<1x8x32xf32, #tpu.memory_space<hbm>> -> memref<8x32xf32, #tpu.memory_space<hbm>>
      %dma_start3A_353 = arith.constant 0 : i32
      %dma_start3A_354 = arith.constant 0 : i32
      %dma_start3A_355 = tpu.memref_slice %arg11[%dma_start3A_344, %dma_start3A_353, %dma_start3A_354] : memref<32x8x32xf32, #tpu.memory_space<vmem>> -> memref<1x8x32xf32, #tpu.memory_space<vmem>>
      %dma_start3A_356 = tpu.memref_squeeze %dma_start3A_355 : memref<1x8x32xf32, #tpu.memory_space<vmem>> -> memref<8x32xf32, #tpu.memory_space<vmem>>
      %dma_start3A_357 = arith.constant 0 : i32
      %dma_start3A_358 = arith.constant 0 : i32
      %dma_start3A_359 = tpu.memref_slice %arg5[%squeeze3A_343, %dma_start3A_357, %dma_start3A_358] : memref<125000x8x32xf32, #tpu.memory_space<hbm>> -> memref<1x8x32xf32, #tpu.memory_space<hbm>>
      %dma_start3A_360 = tpu.memref_squeeze %dma_start3A_359 : memref<1x8x32xf32, #tpu.memory_space<hbm>> -> memref<8x32xf32, #tpu.memory_space<hbm>>
      tpu.enqueue_dma source(%dma_start3A_360 : memref<8x32xf32, #tpu.memory_space<hbm>>) target(%dma_start3A_356 : memref<8x32xf32, #tpu.memory_space<vmem>>) target_semaphore(%arg14 : memref<!tpu.dma_semaphore, #tpu.memory_space<semaphore_mem>>)
      %slice3A_361 = vector.extract_strided_slice %shift_right_arithmetic3A_14 {offsets = [9], sizes = [1], strides = [1]} : vector<16xi32> to vector<1xi32>
      %squeeze3A_362 = vector.extract %slice3A_361[0] : i32 from vector<1xi32>
      %dma_start3A_363 = arith.constant 9 : i32
      %dma_start3A_364 = arith.constant 0 : i32
      %dma_start3A_365 = arith.constant 0 : i32
      %dma_start3A_366 = tpu.memref_slice %arg10[%dma_start3A_363, %dma_start3A_364, %dma_start3A_365] : memref<32x8x32xf32, #tpu.memory_space<vmem>> -> memref<1x8x32xf32, #tpu.memory_space<vmem>>
      %dma_start3A_367 = tpu.memref_squeeze %dma_start3A_366 : memref<1x8x32xf32, #tpu.memory_space<vmem>> -> memref<8x32xf32, #tpu.memory_space<vmem>>
      %dma_start3A_368 = arith.constant 0 : i32
      %dma_start3A_369 = arith.constant 0 : i32
      %dma_start3A_370 = tpu.memref_slice %arg4[%squeeze3A_362, %dma_start3A_368, %dma_start3A_369] : memref<125000x8x32xf32, #tpu.memory_space<hbm>> -> memref<1x8x32xf32, #tpu.memory_space<hbm>>
      %dma_start3A_371 = tpu.memref_squeeze %dma_start3A_370 : memref<1x8x32xf32, #tpu.memory_space<hbm>> -> memref<8x32xf32, #tpu.memory_space<hbm>>
      %dma_start3A_372 = arith.constant 0 : i32
      %dma_start3A_373 = arith.constant 0 : i32
      %dma_start3A_374 = tpu.memref_slice %arg10[%dma_start3A_363, %dma_start3A_372, %dma_start3A_373] : memref<32x8x32xf32, #tpu.memory_space<vmem>> -> memref<1x8x32xf32, #tpu.memory_space<vmem>>
      %dma_start3A_375 = tpu.memref_squeeze %dma_start3A_374 : memref<1x8x32xf32, #tpu.memory_space<vmem>> -> memref<8x32xf32, #tpu.memory_space<vmem>>
      %dma_start3A_376 = arith.constant 0 : i32
      %dma_start3A_377 = arith.constant 0 : i32
      %dma_start3A_378 = tpu.memref_slice %arg4[%squeeze3A_362, %dma_start3A_376, %dma_start3A_377] : memref<125000x8x32xf32, #tpu.memory_space<hbm>> -> memref<1x8x32xf32, #tpu.memory_space<hbm>>
      %dma_start3A_379 = tpu.memref_squeeze %dma_start3A_378 : memref<1x8x32xf32, #tpu.memory_space<hbm>> -> memref<8x32xf32, #tpu.memory_space<hbm>>
      tpu.enqueue_dma source(%dma_start3A_379 : memref<8x32xf32, #tpu.memory_space<hbm>>) target(%dma_start3A_375 : memref<8x32xf32, #tpu.memory_space<vmem>>) target_semaphore(%arg14 : memref<!tpu.dma_semaphore, #tpu.memory_space<semaphore_mem>>)
      %slice3A_380 = vector.extract_strided_slice %shift_right_arithmetic3A_21 {offsets = [9], sizes = [1], strides = [1]} : vector<16xi32> to vector<1xi32>
      %squeeze3A_381 = vector.extract %slice3A_380[0] : i32 from vector<1xi32>
      %dma_start3A_382 = arith.constant 9 : i32
      %dma_start3A_383 = arith.constant 0 : i32
      %dma_start3A_384 = arith.constant 0 : i32
      %dma_start3A_385 = tpu.memref_slice %arg11[%dma_start3A_382, %dma_start3A_383, %dma_start3A_384] : memref<32x8x32xf32, #tpu.memory_space<vmem>> -> memref<1x8x32xf32, #tpu.memory_space<vmem>>
      %dma_start3A_386 = tpu.memref_squeeze %dma_start3A_385 : memref<1x8x32xf32, #tpu.memory_space<vmem>> -> memref<8x32xf32, #tpu.memory_space<vmem>>
      %dma_start3A_387 = arith.constant 0 : i32
      %dma_start3A_388 = arith.constant 0 : i32
      %dma_start3A_389 = tpu.memref_slice %arg5[%squeeze3A_381, %dma_start3A_387, %dma_start3A_388] : memref<125000x8x32xf32, #tpu.memory_space<hbm>> -> memref<1x8x32xf32, #tpu.memory_space<hbm>>
      %dma_start3A_390 = tpu.memref_squeeze %dma_start3A_389 : memref<1x8x32xf32, #tpu.memory_space<hbm>> -> memref<8x32xf32, #tpu.memory_space<hbm>>
      %dma_start3A_391 = arith.constant 0 : i32
      %dma_start3A_392 = arith.constant 0 : i32
      %dma_start3A_393 = tpu.memref_slice %arg11[%dma_start3A_382, %dma_start3A_391, %dma_start3A_392] : memref<32x8x32xf32, #tpu.memory_space<vmem>> -> memref<1x8x32xf32, #tpu.memory_space<vmem>>
      %dma_start3A_394 = tpu.memref_squeeze %dma_start3A_393 : memref<1x8x32xf32, #tpu.memory_space<vmem>> -> memref<8x32xf32, #tpu.memory_space<vmem>>
      %dma_start3A_395 = arith.constant 0 : i32
      %dma_start3A_396 = arith.constant 0 : i32
      %dma_start3A_397 = tpu.memref_slice %arg5[%squeeze3A_381, %dma_start3A_395, %dma_start3A_396] : memref<125000x8x32xf32, #tpu.memory_space<hbm>> -> memref<1x8x32xf32, #tpu.memory_space<hbm>>
      %dma_start3A_398 = tpu.memref_squeeze %dma_start3A_397 : memref<1x8x32xf32, #tpu.memory_space<hbm>> -> memref<8x32xf32, #tpu.memory_space<hbm>>
      tpu.enqueue_dma source(%dma_start3A_398 : memref<8x32xf32, #tpu.memory_space<hbm>>) target(%dma_start3A_394 : memref<8x32xf32, #tpu.memory_space<vmem>>) target_semaphore(%arg14 : memref<!tpu.dma_semaphore, #tpu.memory_space<semaphore_mem>>)
      %slice3A_399 = vector.extract_strided_slice %shift_right_arithmetic3A_14 {offsets = [10], sizes = [1], strides = [1]} : vector<16xi32> to vector<1xi32>
      %squeeze3A_400 = vector.extract %slice3A_399[0] : i32 from vector<1xi32>
      %dma_start3A_401 = arith.constant 10 : i32
      %dma_start3A_402 = arith.constant 0 : i32
      %dma_start3A_403 = arith.constant 0 : i32
      %dma_start3A_404 = tpu.memref_slice %arg10[%dma_start3A_401, %dma_start3A_402, %dma_start3A_403] : memref<32x8x32xf32, #tpu.memory_space<vmem>> -> memref<1x8x32xf32, #tpu.memory_space<vmem>>
      %dma_start3A_405 = tpu.memref_squeeze %dma_start3A_404 : memref<1x8x32xf32, #tpu.memory_space<vmem>> -> memref<8x32xf32, #tpu.memory_space<vmem>>
      %dma_start3A_406 = arith.constant 0 : i32
      %dma_start3A_407 = arith.constant 0 : i32
      %dma_start3A_408 = tpu.memref_slice %arg4[%squeeze3A_400, %dma_start3A_406, %dma_start3A_407] : memref<125000x8x32xf32, #tpu.memory_space<hbm>> -> memref<1x8x32xf32, #tpu.memory_space<hbm>>
      %dma_start3A_409 = tpu.memref_squeeze %dma_start3A_408 : memref<1x8x32xf32, #tpu.memory_space<hbm>> -> memref<8x32xf32, #tpu.memory_space<hbm>>
      %dma_start3A_410 = arith.constant 0 : i32
      %dma_start3A_411 = arith.constant 0 : i32
      %dma_start3A_412 = tpu.memref_slice %arg10[%dma_start3A_401, %dma_start3A_410, %dma_start3A_411] : memref<32x8x32xf32, #tpu.memory_space<vmem>> -> memref<1x8x32xf32, #tpu.memory_space<vmem>>
      %dma_start3A_413 = tpu.memref_squeeze %dma_start3A_412 : memref<1x8x32xf32, #tpu.memory_space<vmem>> -> memref<8x32xf32, #tpu.memory_space<vmem>>
      %dma_start3A_414 = arith.constant 0 : i32
      %dma_start3A_415 = arith.constant 0 : i32
      %dma_start3A_416 = tpu.memref_slice %arg4[%squeeze3A_400, %dma_start3A_414, %dma_start3A_415] : memref<125000x8x32xf32, #tpu.memory_space<hbm>> -> memref<1x8x32xf32, #tpu.memory_space<hbm>>
      %dma_start3A_417 = tpu.memref_squeeze %dma_start3A_416 : memref<1x8x32xf32, #tpu.memory_space<hbm>> -> memref<8x32xf32, #tpu.memory_space<hbm>>
      tpu.enqueue_dma source(%dma_start3A_417 : memref<8x32xf32, #tpu.memory_space<hbm>>) target(%dma_start3A_413 : memref<8x32xf32, #tpu.memory_space<vmem>>) target_semaphore(%arg14 : memref<!tpu.dma_semaphore, #tpu.memory_space<semaphore_mem>>)
      %slice3A_418 = vector.extract_strided_slice %shift_right_arithmetic3A_21 {offsets = [10], sizes = [1], strides = [1]} : vector<16xi32> to vector<1xi32>
      %squeeze3A_419 = vector.extract %slice3A_418[0] : i32 from vector<1xi32>
      %dma_start3A_420 = arith.constant 10 : i32
      %dma_start3A_421 = arith.constant 0 : i32
      %dma_start3A_422 = arith.constant 0 : i32
      %dma_start3A_423 = tpu.memref_slice %arg11[%dma_start3A_420, %dma_start3A_421, %dma_start3A_422] : memref<32x8x32xf32, #tpu.memory_space<vmem>> -> memref<1x8x32xf32, #tpu.memory_space<vmem>>
      %dma_start3A_424 = tpu.memref_squeeze %dma_start3A_423 : memref<1x8x32xf32, #tpu.memory_space<vmem>> -> memref<8x32xf32, #tpu.memory_space<vmem>>
      %dma_start3A_425 = arith.constant 0 : i32
      %dma_start3A_426 = arith.constant 0 : i32
      %dma_start3A_427 = tpu.memref_slice %arg5[%squeeze3A_419, %dma_start3A_425, %dma_start3A_426] : memref<125000x8x32xf32, #tpu.memory_space<hbm>> -> memref<1x8x32xf32, #tpu.memory_space<hbm>>
      %dma_start3A_428 = tpu.memref_squeeze %dma_start3A_427 : memref<1x8x32xf32, #tpu.memory_space<hbm>> -> memref<8x32xf32, #tpu.memory_space<hbm>>
      %dma_start3A_429 = arith.constant 0 : i32
      %dma_start3A_430 = arith.constant 0 : i32
      %dma_start3A_431 = tpu.memref_slice %arg11[%dma_start3A_420, %dma_start3A_429, %dma_start3A_430] : memref<32x8x32xf32, #tpu.memory_space<vmem>> -> memref<1x8x32xf32, #tpu.memory_space<vmem>>
      %dma_start3A_432 = tpu.memref_squeeze %dma_start3A_431 : memref<1x8x32xf32, #tpu.memory_space<vmem>> -> memref<8x32xf32, #tpu.memory_space<vmem>>
      %dma_start3A_433 = arith.constant 0 : i32
      %dma_start3A_434 = arith.constant 0 : i32
      %dma_start3A_435 = tpu.memref_slice %arg5[%squeeze3A_419, %dma_start3A_433, %dma_start3A_434] : memref<125000x8x32xf32, #tpu.memory_space<hbm>> -> memref<1x8x32xf32, #tpu.memory_space<hbm>>
      %dma_start3A_436 = tpu.memref_squeeze %dma_start3A_435 : memref<1x8x32xf32, #tpu.memory_space<hbm>> -> memref<8x32xf32, #tpu.memory_space<hbm>>
      tpu.enqueue_dma source(%dma_start3A_436 : memref<8x32xf32, #tpu.memory_space<hbm>>) target(%dma_start3A_432 : memref<8x32xf32, #tpu.memory_space<vmem>>) target_semaphore(%arg14 : memref<!tpu.dma_semaphore, #tpu.memory_space<semaphore_mem>>)
      %slice3A_437 = vector.extract_strided_slice %shift_right_arithmetic3A_14 {offsets = [11], sizes = [1], strides = [1]} : vector<16xi32> to vector<1xi32>
      %squeeze3A_438 = vector.extract %slice3A_437[0] : i32 from vector<1xi32>
      %dma_start3A_439 = arith.constant 11 : i32
      %dma_start3A_440 = arith.constant 0 : i32
      %dma_start3A_441 = arith.constant 0 : i32
      %dma_start3A_442 = tpu.memref_slice %arg10[%dma_start3A_439, %dma_start3A_440, %dma_start3A_441] : memref<32x8x32xf32, #tpu.memory_space<vmem>> -> memref<1x8x32xf32, #tpu.memory_space<vmem>>
      %dma_start3A_443 = tpu.memref_squeeze %dma_start3A_442 : memref<1x8x32xf32, #tpu.memory_space<vmem>> -> memref<8x32xf32, #tpu.memory_space<vmem>>
      %dma_start3A_444 = arith.constant 0 : i32
      %dma_start3A_445 = arith.constant 0 : i32
      %dma_start3A_446 = tpu.memref_slice %arg4[%squeeze3A_438, %dma_start3A_444, %dma_start3A_445] : memref<125000x8x32xf32, #tpu.memory_space<hbm>> -> memref<1x8x32xf32, #tpu.memory_space<hbm>>
      %dma_start3A_447 = tpu.memref_squeeze %dma_start3A_446 : memref<1x8x32xf32, #tpu.memory_space<hbm>> -> memref<8x32xf32, #tpu.memory_space<hbm>>
      %dma_start3A_448 = arith.constant 0 : i32
      %dma_start3A_449 = arith.constant 0 : i32
      %dma_start3A_450 = tpu.memref_slice %arg10[%dma_start3A_439, %dma_start3A_448, %dma_start3A_449] : memref<32x8x32xf32, #tpu.memory_space<vmem>> -> memref<1x8x32xf32, #tpu.memory_space<vmem>>
      %dma_start3A_451 = tpu.memref_squeeze %dma_start3A_450 : memref<1x8x32xf32, #tpu.memory_space<vmem>> -> memref<8x32xf32, #tpu.memory_space<vmem>>
      %dma_start3A_452 = arith.constant 0 : i32
      %dma_start3A_453 = arith.constant 0 : i32
      %dma_start3A_454 = tpu.memref_slice %arg4[%squeeze3A_438, %dma_start3A_452, %dma_start3A_453] : memref<125000x8x32xf32, #tpu.memory_space<hbm>> -> memref<1x8x32xf32, #tpu.memory_space<hbm>>
      %dma_start3A_455 = tpu.memref_squeeze %dma_start3A_454 : memref<1x8x32xf32, #tpu.memory_space<hbm>> -> memref<8x32xf32, #tpu.memory_space<hbm>>
      tpu.enqueue_dma source(%dma_start3A_455 : memref<8x32xf32, #tpu.memory_space<hbm>>) target(%dma_start3A_451 : memref<8x32xf32, #tpu.memory_space<vmem>>) target_semaphore(%arg14 : memref<!tpu.dma_semaphore, #tpu.memory_space<semaphore_mem>>)
      %slice3A_456 = vector.extract_strided_slice %shift_right_arithmetic3A_21 {offsets = [11], sizes = [1], strides = [1]} : vector<16xi32> to vector<1xi32>
      %squeeze3A_457 = vector.extract %slice3A_456[0] : i32 from vector<1xi32>
      %dma_start3A_458 = arith.constant 11 : i32
      %dma_start3A_459 = arith.constant 0 : i32
      %dma_start3A_460 = arith.constant 0 : i32
      %dma_start3A_461 = tpu.memref_slice %arg11[%dma_start3A_458, %dma_start3A_459, %dma_start3A_460] : memref<32x8x32xf32, #tpu.memory_space<vmem>> -> memref<1x8x32xf32, #tpu.memory_space<vmem>>
      %dma_start3A_462 = tpu.memref_squeeze %dma_start3A_461 : memref<1x8x32xf32, #tpu.memory_space<vmem>> -> memref<8x32xf32, #tpu.memory_space<vmem>>
      %dma_start3A_463 = arith.constant 0 : i32
      %dma_start3A_464 = arith.constant 0 : i32
      %dma_start3A_465 = tpu.memref_slice %arg5[%squeeze3A_457, %dma_start3A_463, %dma_start3A_464] : memref<125000x8x32xf32, #tpu.memory_space<hbm>> -> memref<1x8x32xf32, #tpu.memory_space<hbm>>
      %dma_start3A_466 = tpu.memref_squeeze %dma_start3A_465 : memref<1x8x32xf32, #tpu.memory_space<hbm>> -> memref<8x32xf32, #tpu.memory_space<hbm>>
      %dma_start3A_467 = arith.constant 0 : i32
      %dma_start3A_468 = arith.constant 0 : i32
      %dma_start3A_469 = tpu.memref_slice %arg11[%dma_start3A_458, %dma_start3A_467, %dma_start3A_468] : memref<32x8x32xf32, #tpu.memory_space<vmem>> -> memref<1x8x32xf32, #tpu.memory_space<vmem>>
      %dma_start3A_470 = tpu.memref_squeeze %dma_start3A_469 : memref<1x8x32xf32, #tpu.memory_space<vmem>> -> memref<8x32xf32, #tpu.memory_space<vmem>>
      %dma_start3A_471 = arith.constant 0 : i32
      %dma_start3A_472 = arith.constant 0 : i32
      %dma_start3A_473 = tpu.memref_slice %arg5[%squeeze3A_457, %dma_start3A_471, %dma_start3A_472] : memref<125000x8x32xf32, #tpu.memory_space<hbm>> -> memref<1x8x32xf32, #tpu.memory_space<hbm>>
      %dma_start3A_474 = tpu.memref_squeeze %dma_start3A_473 : memref<1x8x32xf32, #tpu.memory_space<hbm>> -> memref<8x32xf32, #tpu.memory_space<hbm>>
      tpu.enqueue_dma source(%dma_start3A_474 : memref<8x32xf32, #tpu.memory_space<hbm>>) target(%dma_start3A_470 : memref<8x32xf32, #tpu.memory_space<vmem>>) target_semaphore(%arg14 : memref<!tpu.dma_semaphore, #tpu.memory_space<semaphore_mem>>)
      %slice3A_475 = vector.extract_strided_slice %shift_right_arithmetic3A_14 {offsets = [12], sizes = [1], strides = [1]} : vector<16xi32> to vector<1xi32>
      %squeeze3A_476 = vector.extract %slice3A_475[0] : i32 from vector<1xi32>
      %dma_start3A_477 = arith.constant 12 : i32
      %dma_start3A_478 = arith.constant 0 : i32
      %dma_start3A_479 = arith.constant 0 : i32
      %dma_start3A_480 = tpu.memref_slice %arg10[%dma_start3A_477, %dma_start3A_478, %dma_start3A_479] : memref<32x8x32xf32, #tpu.memory_space<vmem>> -> memref<1x8x32xf32, #tpu.memory_space<vmem>>
      %dma_start3A_481 = tpu.memref_squeeze %dma_start3A_480 : memref<1x8x32xf32, #tpu.memory_space<vmem>> -> memref<8x32xf32, #tpu.memory_space<vmem>>
      %dma_start3A_482 = arith.constant 0 : i32
      %dma_start3A_483 = arith.constant 0 : i32
      %dma_start3A_484 = tpu.memref_slice %arg4[%squeeze3A_476, %dma_start3A_482, %dma_start3A_483] : memref<125000x8x32xf32, #tpu.memory_space<hbm>> -> memref<1x8x32xf32, #tpu.memory_space<hbm>>
      %dma_start3A_485 = tpu.memref_squeeze %dma_start3A_484 : memref<1x8x32xf32, #tpu.memory_space<hbm>> -> memref<8x32xf32, #tpu.memory_space<hbm>>
      %dma_start3A_486 = arith.constant 0 : i32
      %dma_start3A_487 = arith.constant 0 : i32
      %dma_start3A_488 = tpu.memref_slice %arg10[%dma_start3A_477, %dma_start3A_486, %dma_start3A_487] : memref<32x8x32xf32, #tpu.memory_space<vmem>> -> memref<1x8x32xf32, #tpu.memory_space<vmem>>
      %dma_start3A_489 = tpu.memref_squeeze %dma_start3A_488 : memref<1x8x32xf32, #tpu.memory_space<vmem>> -> memref<8x32xf32, #tpu.memory_space<vmem>>
      %dma_start3A_490 = arith.constant 0 : i32
      %dma_start3A_491 = arith.constant 0 : i32
      %dma_start3A_492 = tpu.memref_slice %arg4[%squeeze3A_476, %dma_start3A_490, %dma_start3A_491] : memref<125000x8x32xf32, #tpu.memory_space<hbm>> -> memref<1x8x32xf32, #tpu.memory_space<hbm>>
      %dma_start3A_493 = tpu.memref_squeeze %dma_start3A_492 : memref<1x8x32xf32, #tpu.memory_space<hbm>> -> memref<8x32xf32, #tpu.memory_space<hbm>>
      tpu.enqueue_dma source(%dma_start3A_493 : memref<8x32xf32, #tpu.memory_space<hbm>>) target(%dma_start3A_489 : memref<8x32xf32, #tpu.memory_space<vmem>>) target_semaphore(%arg14 : memref<!tpu.dma_semaphore, #tpu.memory_space<semaphore_mem>>)
      %slice3A_494 = vector.extract_strided_slice %shift_right_arithmetic3A_21 {offsets = [12], sizes = [1], strides = [1]} : vector<16xi32> to vector<1xi32>
      %squeeze3A_495 = vector.extract %slice3A_494[0] : i32 from vector<1xi32>
      %dma_start3A_496 = arith.constant 12 : i32
      %dma_start3A_497 = arith.constant 0 : i32
      %dma_start3A_498 = arith.constant 0 : i32
      %dma_start3A_499 = tpu.memref_slice %arg11[%dma_start3A_496, %dma_start3A_497, %dma_start3A_498] : memref<32x8x32xf32, #tpu.memory_space<vmem>> -> memref<1x8x32xf32, #tpu.memory_space<vmem>>
      %dma_start3A_500 = tpu.memref_squeeze %dma_start3A_499 : memref<1x8x32xf32, #tpu.memory_space<vmem>> -> memref<8x32xf32, #tpu.memory_space<vmem>>
      %dma_start3A_501 = arith.constant 0 : i32
      %dma_start3A_502 = arith.constant 0 : i32
      %dma_start3A_503 = tpu.memref_slice %arg5[%squeeze3A_495, %dma_start3A_501, %dma_start3A_502] : memref<125000x8x32xf32, #tpu.memory_space<hbm>> -> memref<1x8x32xf32, #tpu.memory_space<hbm>>
      %dma_start3A_504 = tpu.memref_squeeze %dma_start3A_503 : memref<1x8x32xf32, #tpu.memory_space<hbm>> -> memref<8x32xf32, #tpu.memory_space<hbm>>
      %dma_start3A_505 = arith.constant 0 : i32
      %dma_start3A_506 = arith.constant 0 : i32
      %dma_start3A_507 = tpu.memref_slice %arg11[%dma_start3A_496, %dma_start3A_505, %dma_start3A_506] : memref<32x8x32xf32, #tpu.memory_space<vmem>> -> memref<1x8x32xf32, #tpu.memory_space<vmem>>
      %dma_start3A_508 = tpu.memref_squeeze %dma_start3A_507 : memref<1x8x32xf32, #tpu.memory_space<vmem>> -> memref<8x32xf32, #tpu.memory_space<vmem>>
      %dma_start3A_509 = arith.constant 0 : i32
      %dma_start3A_510 = arith.constant 0 : i32
      %dma_start3A_511 = tpu.memref_slice %arg5[%squeeze3A_495, %dma_start3A_509, %dma_start3A_510] : memref<125000x8x32xf32, #tpu.memory_space<hbm>> -> memref<1x8x32xf32, #tpu.memory_space<hbm>>
      %dma_start3A_512 = tpu.memref_squeeze %dma_start3A_511 : memref<1x8x32xf32, #tpu.memory_space<hbm>> -> memref<8x32xf32, #tpu.memory_space<hbm>>
      tpu.enqueue_dma source(%dma_start3A_512 : memref<8x32xf32, #tpu.memory_space<hbm>>) target(%dma_start3A_508 : memref<8x32xf32, #tpu.memory_space<vmem>>) target_semaphore(%arg14 : memref<!tpu.dma_semaphore, #tpu.memory_space<semaphore_mem>>)
      %slice3A_513 = vector.extract_strided_slice %shift_right_arithmetic3A_14 {offsets = [13], sizes = [1], strides = [1]} : vector<16xi32> to vector<1xi32>
      %squeeze3A_514 = vector.extract %slice3A_513[0] : i32 from vector<1xi32>
      %dma_start3A_515 = arith.constant 13 : i32
      %dma_start3A_516 = arith.constant 0 : i32
      %dma_start3A_517 = arith.constant 0 : i32
      %dma_start3A_518 = tpu.memref_slice %arg10[%dma_start3A_515, %dma_start3A_516, %dma_start3A_517] : memref<32x8x32xf32, #tpu.memory_space<vmem>> -> memref<1x8x32xf32, #tpu.memory_space<vmem>>
      %dma_start3A_519 = tpu.memref_squeeze %dma_start3A_518 : memref<1x8x32xf32, #tpu.memory_space<vmem>> -> memref<8x32xf32, #tpu.memory_space<vmem>>
      %dma_start3A_520 = arith.constant 0 : i32
      %dma_start3A_521 = arith.constant 0 : i32
      %dma_start3A_522 = tpu.memref_slice %arg4[%squeeze3A_514, %dma_start3A_520, %dma_start3A_521] : memref<125000x8x32xf32, #tpu.memory_space<hbm>> -> memref<1x8x32xf32, #tpu.memory_space<hbm>>
      %dma_start3A_523 = tpu.memref_squeeze %dma_start3A_522 : memref<1x8x32xf32, #tpu.memory_space<hbm>> -> memref<8x32xf32, #tpu.memory_space<hbm>>
      %dma_start3A_524 = arith.constant 0 : i32
      %dma_start3A_525 = arith.constant 0 : i32
      %dma_start3A_526 = tpu.memref_slice %arg10[%dma_start3A_515, %dma_start3A_524, %dma_start3A_525] : memref<32x8x32xf32, #tpu.memory_space<vmem>> -> memref<1x8x32xf32, #tpu.memory_space<vmem>>
      %dma_start3A_527 = tpu.memref_squeeze %dma_start3A_526 : memref<1x8x32xf32, #tpu.memory_space<vmem>> -> memref<8x32xf32, #tpu.memory_space<vmem>>
      %dma_start3A_528 = arith.constant 0 : i32
      %dma_start3A_529 = arith.constant 0 : i32
      %dma_start3A_530 = tpu.memref_slice %arg4[%squeeze3A_514, %dma_start3A_528, %dma_start3A_529] : memref<125000x8x32xf32, #tpu.memory_space<hbm>> -> memref<1x8x32xf32, #tpu.memory_space<hbm>>
      %dma_start3A_531 = tpu.memref_squeeze %dma_start3A_530 : memref<1x8x32xf32, #tpu.memory_space<hbm>> -> memref<8x32xf32, #tpu.memory_space<hbm>>
      tpu.enqueue_dma source(%dma_start3A_531 : memref<8x32xf32, #tpu.memory_space<hbm>>) target(%dma_start3A_527 : memref<8x32xf32, #tpu.memory_space<vmem>>) target_semaphore(%arg14 : memref<!tpu.dma_semaphore, #tpu.memory_space<semaphore_mem>>)
      %slice3A_532 = vector.extract_strided_slice %shift_right_arithmetic3A_21 {offsets = [13], sizes = [1], strides = [1]} : vector<16xi32> to vector<1xi32>
      %squeeze3A_533 = vector.extract %slice3A_532[0] : i32 from vector<1xi32>
      %dma_start3A_534 = arith.constant 13 : i32
      %dma_start3A_535 = arith.constant 0 : i32
      %dma_start3A_536 = arith.constant 0 : i32
      %dma_start3A_537 = tpu.memref_slice %arg11[%dma_start3A_534, %dma_start3A_535, %dma_start3A_536] : memref<32x8x32xf32, #tpu.memory_space<vmem>> -> memref<1x8x32xf32, #tpu.memory_space<vmem>>
      %dma_start3A_538 = tpu.memref_squeeze %dma_start3A_537 : memref<1x8x32xf32, #tpu.memory_space<vmem>> -> memref<8x32xf32, #tpu.memory_space<vmem>>
      %dma_start3A_539 = arith.constant 0 : i32
      %dma_start3A_540 = arith.constant 0 : i32
      %dma_start3A_541 = tpu.memref_slice %arg5[%squeeze3A_533, %dma_start3A_539, %dma_start3A_540] : memref<125000x8x32xf32, #tpu.memory_space<hbm>> -> memref<1x8x32xf32, #tpu.memory_space<hbm>>
      %dma_start3A_542 = tpu.memref_squeeze %dma_start3A_541 : memref<1x8x32xf32, #tpu.memory_space<hbm>> -> memref<8x32xf32, #tpu.memory_space<hbm>>
      %dma_start3A_543 = arith.constant 0 : i32
      %dma_start3A_544 = arith.constant 0 : i32
      %dma_start3A_545 = tpu.memref_slice %arg11[%dma_start3A_534, %dma_start3A_543, %dma_start3A_544] : memref<32x8x32xf32, #tpu.memory_space<vmem>> -> memref<1x8x32xf32, #tpu.memory_space<vmem>>
      %dma_start3A_546 = tpu.memref_squeeze %dma_start3A_545 : memref<1x8x32xf32, #tpu.memory_space<vmem>> -> memref<8x32xf32, #tpu.memory_space<vmem>>
      %dma_start3A_547 = arith.constant 0 : i32
      %dma_start3A_548 = arith.constant 0 : i32
      %dma_start3A_549 = tpu.memref_slice %arg5[%squeeze3A_533, %dma_start3A_547, %dma_start3A_548] : memref<125000x8x32xf32, #tpu.memory_space<hbm>> -> memref<1x8x32xf32, #tpu.memory_space<hbm>>
      %dma_start3A_550 = tpu.memref_squeeze %dma_start3A_549 : memref<1x8x32xf32, #tpu.memory_space<hbm>> -> memref<8x32xf32, #tpu.memory_space<hbm>>
      tpu.enqueue_dma source(%dma_start3A_550 : memref<8x32xf32, #tpu.memory_space<hbm>>) target(%dma_start3A_546 : memref<8x32xf32, #tpu.memory_space<vmem>>) target_semaphore(%arg14 : memref<!tpu.dma_semaphore, #tpu.memory_space<semaphore_mem>>)
      %slice3A_551 = vector.extract_strided_slice %shift_right_arithmetic3A_14 {offsets = [14], sizes = [1], strides = [1]} : vector<16xi32> to vector<1xi32>
      %squeeze3A_552 = vector.extract %slice3A_551[0] : i32 from vector<1xi32>
      %dma_start3A_553 = arith.constant 14 : i32
      %dma_start3A_554 = arith.constant 0 : i32
      %dma_start3A_555 = arith.constant 0 : i32
      %dma_start3A_556 = tpu.memref_slice %arg10[%dma_start3A_553, %dma_start3A_554, %dma_start3A_555] : memref<32x8x32xf32, #tpu.memory_space<vmem>> -> memref<1x8x32xf32, #tpu.memory_space<vmem>>
      %dma_start3A_557 = tpu.memref_squeeze %dma_start3A_556 : memref<1x8x32xf32, #tpu.memory_space<vmem>> -> memref<8x32xf32, #tpu.memory_space<vmem>>
      %dma_start3A_558 = arith.constant 0 : i32
      %dma_start3A_559 = arith.constant 0 : i32
      %dma_start3A_560 = tpu.memref_slice %arg4[%squeeze3A_552, %dma_start3A_558, %dma_start3A_559] : memref<125000x8x32xf32, #tpu.memory_space<hbm>> -> memref<1x8x32xf32, #tpu.memory_space<hbm>>
      %dma_start3A_561 = tpu.memref_squeeze %dma_start3A_560 : memref<1x8x32xf32, #tpu.memory_space<hbm>> -> memref<8x32xf32, #tpu.memory_space<hbm>>
      %dma_start3A_562 = arith.constant 0 : i32
      %dma_start3A_563 = arith.constant 0 : i32
      %dma_start3A_564 = tpu.memref_slice %arg10[%dma_start3A_553, %dma_start3A_562, %dma_start3A_563] : memref<32x8x32xf32, #tpu.memory_space<vmem>> -> memref<1x8x32xf32, #tpu.memory_space<vmem>>
      %dma_start3A_565 = tpu.memref_squeeze %dma_start3A_564 : memref<1x8x32xf32, #tpu.memory_space<vmem>> -> memref<8x32xf32, #tpu.memory_space<vmem>>
      %dma_start3A_566 = arith.constant 0 : i32
      %dma_start3A_567 = arith.constant 0 : i32
      %dma_start3A_568 = tpu.memref_slice %arg4[%squeeze3A_552, %dma_start3A_566, %dma_start3A_567] : memref<125000x8x32xf32, #tpu.memory_space<hbm>> -> memref<1x8x32xf32, #tpu.memory_space<hbm>>
      %dma_start3A_569 = tpu.memref_squeeze %dma_start3A_568 : memref<1x8x32xf32, #tpu.memory_space<hbm>> -> memref<8x32xf32, #tpu.memory_space<hbm>>
      tpu.enqueue_dma source(%dma_start3A_569 : memref<8x32xf32, #tpu.memory_space<hbm>>) target(%dma_start3A_565 : memref<8x32xf32, #tpu.memory_space<vmem>>) target_semaphore(%arg14 : memref<!tpu.dma_semaphore, #tpu.memory_space<semaphore_mem>>)
      %slice3A_570 = vector.extract_strided_slice %shift_right_arithmetic3A_21 {offsets = [14], sizes = [1], strides = [1]} : vector<16xi32> to vector<1xi32>
      %squeeze3A_571 = vector.extract %slice3A_570[0] : i32 from vector<1xi32>
      %dma_start3A_572 = arith.constant 14 : i32
      %dma_start3A_573 = arith.constant 0 : i32
      %dma_start3A_574 = arith.constant 0 : i32
      %dma_start3A_575 = tpu.memref_slice %arg11[%dma_start3A_572, %dma_start3A_573, %dma_start3A_574] : memref<32x8x32xf32, #tpu.memory_space<vmem>> -> memref<1x8x32xf32, #tpu.memory_space<vmem>>
      %dma_start3A_576 = tpu.memref_squeeze %dma_start3A_575 : memref<1x8x32xf32, #tpu.memory_space<vmem>> -> memref<8x32xf32, #tpu.memory_space<vmem>>
      %dma_start3A_577 = arith.constant 0 : i32
      %dma_start3A_578 = arith.constant 0 : i32
      %dma_start3A_579 = tpu.memref_slice %arg5[%squeeze3A_571, %dma_start3A_577, %dma_start3A_578] : memref<125000x8x32xf32, #tpu.memory_space<hbm>> -> memref<1x8x32xf32, #tpu.memory_space<hbm>>
      %dma_start3A_580 = tpu.memref_squeeze %dma_start3A_579 : memref<1x8x32xf32, #tpu.memory_space<hbm>> -> memref<8x32xf32, #tpu.memory_space<hbm>>
      %dma_start3A_581 = arith.constant 0 : i32
      %dma_start3A_582 = arith.constant 0 : i32
      %dma_start3A_583 = tpu.memref_slice %arg11[%dma_start3A_572, %dma_start3A_581, %dma_start3A_582] : memref<32x8x32xf32, #tpu.memory_space<vmem>> -> memref<1x8x32xf32, #tpu.memory_space<vmem>>
      %dma_start3A_584 = tpu.memref_squeeze %dma_start3A_583 : memref<1x8x32xf32, #tpu.memory_space<vmem>> -> memref<8x32xf32, #tpu.memory_space<vmem>>
      %dma_start3A_585 = arith.constant 0 : i32
      %dma_start3A_586 = arith.constant 0 : i32
      %dma_start3A_587 = tpu.memref_slice %arg5[%squeeze3A_571, %dma_start3A_585, %dma_start3A_586] : memref<125000x8x32xf32, #tpu.memory_space<hbm>> -> memref<1x8x32xf32, #tpu.memory_space<hbm>>
      %dma_start3A_588 = tpu.memref_squeeze %dma_start3A_587 : memref<1x8x32xf32, #tpu.memory_space<hbm>> -> memref<8x32xf32, #tpu.memory_space<hbm>>
      tpu.enqueue_dma source(%dma_start3A_588 : memref<8x32xf32, #tpu.memory_space<hbm>>) target(%dma_start3A_584 : memref<8x32xf32, #tpu.memory_space<vmem>>) target_semaphore(%arg14 : memref<!tpu.dma_semaphore, #tpu.memory_space<semaphore_mem>>)
      %slice3A_589 = vector.extract_strided_slice %shift_right_arithmetic3A_14 {offsets = [15], sizes = [1], strides = [1]} : vector<16xi32> to vector<1xi32>
      %squeeze3A_590 = vector.extract %slice3A_589[0] : i32 from vector<1xi32>
      %dma_start3A_591 = arith.constant 15 : i32
      %dma_start3A_592 = arith.constant 0 : i32
      %dma_start3A_593 = arith.constant 0 : i32
      %dma_start3A_594 = tpu.memref_slice %arg10[%dma_start3A_591, %dma_start3A_592, %dma_start3A_593] : memref<32x8x32xf32, #tpu.memory_space<vmem>> -> memref<1x8x32xf32, #tpu.memory_space<vmem>>
      %dma_start3A_595 = tpu.memref_squeeze %dma_start3A_594 : memref<1x8x32xf32, #tpu.memory_space<vmem>> -> memref<8x32xf32, #tpu.memory_space<vmem>>
      %dma_start3A_596 = arith.constant 0 : i32
      %dma_start3A_597 = arith.constant 0 : i32
      %dma_start3A_598 = tpu.memref_slice %arg4[%squeeze3A_590, %dma_start3A_596, %dma_start3A_597] : memref<125000x8x32xf32, #tpu.memory_space<hbm>> -> memref<1x8x32xf32, #tpu.memory_space<hbm>>
      %dma_start3A_599 = tpu.memref_squeeze %dma_start3A_598 : memref<1x8x32xf32, #tpu.memory_space<hbm>> -> memref<8x32xf32, #tpu.memory_space<hbm>>
      %dma_start3A_600 = arith.constant 0 : i32
      %dma_start3A_601 = arith.constant 0 : i32
      %dma_start3A_602 = tpu.memref_slice %arg10[%dma_start3A_591, %dma_start3A_600, %dma_start3A_601] : memref<32x8x32xf32, #tpu.memory_space<vmem>> -> memref<1x8x32xf32, #tpu.memory_space<vmem>>
      %dma_start3A_603 = tpu.memref_squeeze %dma_start3A_602 : memref<1x8x32xf32, #tpu.memory_space<vmem>> -> memref<8x32xf32, #tpu.memory_space<vmem>>
      %dma_start3A_604 = arith.constant 0 : i32
      %dma_start3A_605 = arith.constant 0 : i32
      %dma_start3A_606 = tpu.memref_slice %arg4[%squeeze3A_590, %dma_start3A_604, %dma_start3A_605] : memref<125000x8x32xf32, #tpu.memory_space<hbm>> -> memref<1x8x32xf32, #tpu.memory_space<hbm>>
      %dma_start3A_607 = tpu.memref_squeeze %dma_start3A_606 : memref<1x8x32xf32, #tpu.memory_space<hbm>> -> memref<8x32xf32, #tpu.memory_space<hbm>>
      tpu.enqueue_dma source(%dma_start3A_607 : memref<8x32xf32, #tpu.memory_space<hbm>>) target(%dma_start3A_603 : memref<8x32xf32, #tpu.memory_space<vmem>>) target_semaphore(%arg14 : memref<!tpu.dma_semaphore, #tpu.memory_space<semaphore_mem>>)
      %slice3A_608 = vector.extract_strided_slice %shift_right_arithmetic3A_21 {offsets = [15], sizes = [1], strides = [1]} : vector<16xi32> to vector<1xi32>
      %squeeze3A_609 = vector.extract %slice3A_608[0] : i32 from vector<1xi32>
      %dma_start3A_610 = arith.constant 15 : i32
      %dma_start3A_611 = arith.constant 0 : i32
      %dma_start3A_612 = arith.constant 0 : i32
      %dma_start3A_613 = tpu.memref_slice %arg11[%dma_start3A_610, %dma_start3A_611, %dma_start3A_612] : memref<32x8x32xf32, #tpu.memory_space<vmem>> -> memref<1x8x32xf32, #tpu.memory_space<vmem>>
      %dma_start3A_614 = tpu.memref_squeeze %dma_start3A_613 : memref<1x8x32xf32, #tpu.memory_space<vmem>> -> memref<8x32xf32, #tpu.memory_space<vmem>>
      %dma_start3A_615 = arith.constant 0 : i32
      %dma_start3A_616 = arith.constant 0 : i32
      %dma_start3A_617 = tpu.memref_slice %arg5[%squeeze3A_609, %dma_start3A_615, %dma_start3A_616] : memref<125000x8x32xf32, #tpu.memory_space<hbm>> -> memref<1x8x32xf32, #tpu.memory_space<hbm>>
      %dma_start3A_618 = tpu.memref_squeeze %dma_start3A_617 : memref<1x8x32xf32, #tpu.memory_space<hbm>> -> memref<8x32xf32, #tpu.memory_space<hbm>>
      %dma_start3A_619 = arith.constant 0 : i32
      %dma_start3A_620 = arith.constant 0 : i32
      %dma_start3A_621 = tpu.memref_slice %arg11[%dma_start3A_610, %dma_start3A_619, %dma_start3A_620] : memref<32x8x32xf32, #tpu.memory_space<vmem>> -> memref<1x8x32xf32, #tpu.memory_space<vmem>>
      %dma_start3A_622 = tpu.memref_squeeze %dma_start3A_621 : memref<1x8x32xf32, #tpu.memory_space<vmem>> -> memref<8x32xf32, #tpu.memory_space<vmem>>
      %dma_start3A_623 = arith.constant 0 : i32
      %dma_start3A_624 = arith.constant 0 : i32
      %dma_start3A_625 = tpu.memref_slice %arg5[%squeeze3A_609, %dma_start3A_623, %dma_start3A_624] : memref<125000x8x32xf32, #tpu.memory_space<hbm>> -> memref<1x8x32xf32, #tpu.memory_space<hbm>>
      %dma_start3A_626 = tpu.memref_squeeze %dma_start3A_625 : memref<1x8x32xf32, #tpu.memory_space<hbm>> -> memref<8x32xf32, #tpu.memory_space<hbm>>
      tpu.enqueue_dma source(%dma_start3A_626 : memref<8x32xf32, #tpu.memory_space<hbm>>) target(%dma_start3A_622 : memref<8x32xf32, #tpu.memory_space<vmem>>) target_semaphore(%arg14 : memref<!tpu.dma_semaphore, #tpu.memory_space<semaphore_mem>>)
      %add3A_627 = arith.constant 16 : i32
      %add3A_628 = arith.addi %mul3A_9, %add3A_627 : i32
      %get3A_629 = arith.index_cast %add3A_628 : i32 to index
      %get3A_630 = tpu.vector_load %arg8[%get3A_629] {strides = array<i32>} : memref<512xi32, #tpu.memory_space<vmem>>, vector<16xi32>,
      %shift_right_arithmetic3A_631 = arith.constant 3 : i32
      %shift_right_arithmetic3A_632 = vector.broadcast %shift_right_arithmetic3A_631 : i32 to vector<16xi32>
      %shift_right_arithmetic3A_633 = arith.shrsi %get3A_630, %shift_right_arithmetic3A_632 : vector<16xi32>
      %add3A_634 = arith.constant 16 : i32
      %add3A_635 = arith.addi %mul3A_9, %add3A_634 : i32
      %get3A_636 = arith.index_cast %add3A_635 : i32 to index
      %get3A_637 = tpu.vector_load %arg9[%get3A_636] {strides = array<i32>} : memref<512xi32, #tpu.memory_space<vmem>>, vector<16xi32>,
      %shift_right_arithmetic3A_638 = arith.constant 3 : i32
      %shift_right_arithmetic3A_639 = vector.broadcast %shift_right_arithmetic3A_638 : i32 to vector<16xi32>
      %shift_right_arithmetic3A_640 = arith.shrsi %get3A_637, %shift_right_arithmetic3A_639 : vector<16xi32>
      %slice3A_641 = vector.extract_strided_slice %shift_right_arithmetic3A_633 {offsets = [0], sizes = [1], strides = [1]} : vector<16xi32> to vector<1xi32>
      %squeeze3A_642 = vector.extract %slice3A_641[0] : i32 from vector<1xi32>
      %dma_start3A_643 = arith.constant 16 : i32
      %dma_start3A_644 = arith.constant 0 : i32
      %dma_start3A_645 = arith.constant 0 : i32
      %dma_start3A_646 = tpu.memref_slice %arg10[%dma_start3A_643, %dma_start3A_644, %dma_start3A_645] : memref<32x8x32xf32, #tpu.memory_space<vmem>> -> memref<1x8x32xf32, #tpu.memory_space<vmem>>
      %dma_start3A_647 = tpu.memref_squeeze %dma_start3A_646 : memref<1x8x32xf32, #tpu.memory_space<vmem>> -> memref<8x32xf32, #tpu.memory_space<vmem>>
      %dma_start3A_648 = arith.constant 0 : i32
      %dma_start3A_649 = arith.constant 0 : i32
      %dma_start3A_650 = tpu.memref_slice %arg4[%squeeze3A_642, %dma_start3A_648, %dma_start3A_649] : memref<125000x8x32xf32, #tpu.memory_space<hbm>> -> memref<1x8x32xf32, #tpu.memory_space<hbm>>
      %dma_start3A_651 = tpu.memref_squeeze %dma_start3A_650 : memref<1x8x32xf32, #tpu.memory_space<hbm>> -> memref<8x32xf32, #tpu.memory_space<hbm>>
      %dma_start3A_652 = arith.constant 0 : i32
      %dma_start3A_653 = arith.constant 0 : i32
      %dma_start3A_654 = tpu.memref_slice %arg10[%dma_start3A_643, %dma_start3A_652, %dma_start3A_653] : memref<32x8x32xf32, #tpu.memory_space<vmem>> -> memref<1x8x32xf32, #tpu.memory_space<vmem>>
      %dma_start3A_655 = tpu.memref_squeeze %dma_start3A_654 : memref<1x8x32xf32, #tpu.memory_space<vmem>> -> memref<8x32xf32, #tpu.memory_space<vmem>>
      %dma_start3A_656 = arith.constant 0 : i32
      %dma_start3A_657 = arith.constant 0 : i32
      %dma_start3A_658 = tpu.memref_slice %arg4[%squeeze3A_642, %dma_start3A_656, %dma_start3A_657] : memref<125000x8x32xf32, #tpu.memory_space<hbm>> -> memref<1x8x32xf32, #tpu.memory_space<hbm>>
      %dma_start3A_659 = tpu.memref_squeeze %dma_start3A_658 : memref<1x8x32xf32, #tpu.memory_space<hbm>> -> memref<8x32xf32, #tpu.memory_space<hbm>>
      tpu.enqueue_dma source(%dma_start3A_659 : memref<8x32xf32, #tpu.memory_space<hbm>>) target(%dma_start3A_655 : memref<8x32xf32, #tpu.memory_space<vmem>>) target_semaphore(%arg14 : memref<!tpu.dma_semaphore, #tpu.memory_space<semaphore_mem>>)
      %slice3A_660 = vector.extract_strided_slice %shift_right_arithmetic3A_640 {offsets = [0], sizes = [1], strides = [1]} : vector<16xi32> to vector<1xi32>
      %squeeze3A_661 = vector.extract %slice3A_660[0] : i32 from vector<1xi32>
      %dma_start3A_662 = arith.constant 16 : i32
      %dma_start3A_663 = arith.constant 0 : i32
      %dma_start3A_664 = arith.constant 0 : i32
      %dma_start3A_665 = tpu.memref_slice %arg11[%dma_start3A_662, %dma_start3A_663, %dma_start3A_664] : memref<32x8x32xf32, #tpu.memory_space<vmem>> -> memref<1x8x32xf32, #tpu.memory_space<vmem>>
      %dma_start3A_666 = tpu.memref_squeeze %dma_start3A_665 : memref<1x8x32xf32, #tpu.memory_space<vmem>> -> memref<8x32xf32, #tpu.memory_space<vmem>>
      %dma_start3A_667 = arith.constant 0 : i32
      %dma_start3A_668 = arith.constant 0 : i32
      %dma_start3A_669 = tpu.memref_slice %arg5[%squeeze3A_661, %dma_start3A_667, %dma_start3A_668] : memref<125000x8x32xf32, #tpu.memory_space<hbm>> -> memref<1x8x32xf32, #tpu.memory_space<hbm>>
      %dma_start3A_670 = tpu.memref_squeeze %dma_start3A_669 : memref<1x8x32xf32, #tpu.memory_space<hbm>> -> memref<8x32xf32, #tpu.memory_space<hbm>>
      %dma_start3A_671 = arith.constant 0 : i32
      %dma_start3A_672 = arith.constant 0 : i32
      %dma_start3A_673 = tpu.memref_slice %arg11[%dma_start3A_662, %dma_start3A_671, %dma_start3A_672] : memref<32x8x32xf32, #tpu.memory_space<vmem>> -> memref<1x8x32xf32, #tpu.memory_space<vmem>>
      %dma_start3A_674 = tpu.memref_squeeze %dma_start3A_673 : memref<1x8x32xf32, #tpu.memory_space<vmem>> -> memref<8x32xf32, #tpu.memory_space<vmem>>
      %dma_start3A_675 = arith.constant 0 : i32
      %dma_start3A_676 = arith.constant 0 : i32
      %dma_start3A_677 = tpu.memref_slice %arg5[%squeeze3A_661, %dma_start3A_675, %dma_start3A_676] : memref<125000x8x32xf32, #tpu.memory_space<hbm>> -> memref<1x8x32xf32, #tpu.memory_space<hbm>>
      %dma_start3A_678 = tpu.memref_squeeze %dma_start3A_677 : memref<1x8x32xf32, #tpu.memory_space<hbm>> -> memref<8x32xf32, #tpu.memory_space<hbm>>
      tpu.enqueue_dma source(%dma_start3A_678 : memref<8x32xf32, #tpu.memory_space<hbm>>) target(%dma_start3A_674 : memref<8x32xf32, #tpu.memory_space<vmem>>) target_semaphore(%arg14 : memref<!tpu.dma_semaphore, #tpu.memory_space<semaphore_mem>>)
      %slice3A_679 = vector.extract_strided_slice %shift_right_arithmetic3A_633 {offsets = [1], sizes = [1], strides = [1]} : vector<16xi32> to vector<1xi32>
      %squeeze3A_680 = vector.extract %slice3A_679[0] : i32 from vector<1xi32>
      %dma_start3A_681 = arith.constant 17 : i32
      %dma_start3A_682 = arith.constant 0 : i32
      %dma_start3A_683 = arith.constant 0 : i32
      %dma_start3A_684 = tpu.memref_slice %arg10[%dma_start3A_681, %dma_start3A_682, %dma_start3A_683] : memref<32x8x32xf32, #tpu.memory_space<vmem>> -> memref<1x8x32xf32, #tpu.memory_space<vmem>>
      %dma_start3A_685 = tpu.memref_squeeze %dma_start3A_684 : memref<1x8x32xf32, #tpu.memory_space<vmem>> -> memref<8x32xf32, #tpu.memory_space<vmem>>
      %dma_start3A_686 = arith.constant 0 : i32
      %dma_start3A_687 = arith.constant 0 : i32
      %dma_start3A_688 = tpu.memref_slice %arg4[%squeeze3A_680, %dma_start3A_686, %dma_start3A_687] : memref<125000x8x32xf32, #tpu.memory_space<hbm>> -> memref<1x8x32xf32, #tpu.memory_space<hbm>>
      %dma_start3A_689 = tpu.memref_squeeze %dma_start3A_688 : memref<1x8x32xf32, #tpu.memory_space<hbm>> -> memref<8x32xf32, #tpu.memory_space<hbm>>
      %dma_start3A_690 = arith.constant 0 : i32
      %dma_start3A_691 = arith.constant 0 : i32
      %dma_start3A_692 = tpu.memref_slice %arg10[%dma_start3A_681, %dma_start3A_690, %dma_start3A_691] : memref<32x8x32xf32, #tpu.memory_space<vmem>> -> memref<1x8x32xf32, #tpu.memory_space<vmem>>
      %dma_start3A_693 = tpu.memref_squeeze %dma_start3A_692 : memref<1x8x32xf32, #tpu.memory_space<vmem>> -> memref<8x32xf32, #tpu.memory_space<vmem>>
      %dma_start3A_694 = arith.constant 0 : i32
      %dma_start3A_695 = arith.constant 0 : i32
      %dma_start3A_696 = tpu.memref_slice %arg4[%squeeze3A_680, %dma_start3A_694, %dma_start3A_695] : memref<125000x8x32xf32, #tpu.memory_space<hbm>> -> memref<1x8x32xf32, #tpu.memory_space<hbm>>
      %dma_start3A_697 = tpu.memref_squeeze %dma_start3A_696 : memref<1x8x32xf32, #tpu.memory_space<hbm>> -> memref<8x32xf32, #tpu.memory_space<hbm>>
      tpu.enqueue_dma source(%dma_start3A_697 : memref<8x32xf32, #tpu.memory_space<hbm>>) target(%dma_start3A_693 : memref<8x32xf32, #tpu.memory_space<vmem>>) target_semaphore(%arg14 : memref<!tpu.dma_semaphore, #tpu.memory_space<semaphore_mem>>)
      %slice3A_698 = vector.extract_strided_slice %shift_right_arithmetic3A_640 {offsets = [1], sizes = [1], strides = [1]} : vector<16xi32> to vector<1xi32>
      %squeeze3A_699 = vector.extract %slice3A_698[0] : i32 from vector<1xi32>
      %dma_start3A_700 = arith.constant 17 : i32
      %dma_start3A_701 = arith.constant 0 : i32
      %dma_start3A_702 = arith.constant 0 : i32
      %dma_start3A_703 = tpu.memref_slice %arg11[%dma_start3A_700, %dma_start3A_701, %dma_start3A_702] : memref<32x8x32xf32, #tpu.memory_space<vmem>> -> memref<1x8x32xf32, #tpu.memory_space<vmem>>
      %dma_start3A_704 = tpu.memref_squeeze %dma_start3A_703 : memref<1x8x32xf32, #tpu.memory_space<vmem>> -> memref<8x32xf32, #tpu.memory_space<vmem>>
      %dma_start3A_705 = arith.constant 0 : i32
      %dma_start3A_706 = arith.constant 0 : i32
      %dma_start3A_707 = tpu.memref_slice %arg5[%squeeze3A_699, %dma_start3A_705, %dma_start3A_706] : memref<125000x8x32xf32, #tpu.memory_space<hbm>> -> memref<1x8x32xf32, #tpu.memory_space<hbm>>
      %dma_start3A_708 = tpu.memref_squeeze %dma_start3A_707 : memref<1x8x32xf32, #tpu.memory_space<hbm>> -> memref<8x32xf32, #tpu.memory_space<hbm>>
      %dma_start3A_709 = arith.constant 0 : i32
      %dma_start3A_710 = arith.constant 0 : i32
      %dma_start3A_711 = tpu.memref_slice %arg11[%dma_start3A_700, %dma_start3A_709, %dma_start3A_710] : memref<32x8x32xf32, #tpu.memory_space<vmem>> -> memref<1x8x32xf32, #tpu.memory_space<vmem>>
      %dma_start3A_712 = tpu.memref_squeeze %dma_start3A_711 : memref<1x8x32xf32, #tpu.memory_space<vmem>> -> memref<8x32xf32, #tpu.memory_space<vmem>>
      %dma_start3A_713 = arith.constant 0 : i32
      %dma_start3A_714 = arith.constant 0 : i32
      %dma_start3A_715 = tpu.memref_slice %arg5[%squeeze3A_699, %dma_start3A_713, %dma_start3A_714] : memref<125000x8x32xf32, #tpu.memory_space<hbm>> -> memref<1x8x32xf32, #tpu.memory_space<hbm>>
      %dma_start3A_716 = tpu.memref_squeeze %dma_start3A_715 : memref<1x8x32xf32, #tpu.memory_space<hbm>> -> memref<8x32xf32, #tpu.memory_space<hbm>>
      tpu.enqueue_dma source(%dma_start3A_716 : memref<8x32xf32, #tpu.memory_space<hbm>>) target(%dma_start3A_712 : memref<8x32xf32, #tpu.memory_space<vmem>>) target_semaphore(%arg14 : memref<!tpu.dma_semaphore, #tpu.memory_space<semaphore_mem>>)
      %slice3A_717 = vector.extract_strided_slice %shift_right_arithmetic3A_633 {offsets = [2], sizes = [1], strides = [1]} : vector<16xi32> to vector<1xi32>
      %squeeze3A_718 = vector.extract %slice3A_717[0] : i32 from vector<1xi32>
      %dma_start3A_719 = arith.constant 18 : i32
      %dma_start3A_720 = arith.constant 0 : i32
      %dma_start3A_721 = arith.constant 0 : i32
      %dma_start3A_722 = tpu.memref_slice %arg10[%dma_start3A_719, %dma_start3A_720, %dma_start3A_721] : memref<32x8x32xf32, #tpu.memory_space<vmem>> -> memref<1x8x32xf32, #tpu.memory_space<vmem>>
      %dma_start3A_723 = tpu.memref_squeeze %dma_start3A_722 : memref<1x8x32xf32, #tpu.memory_space<vmem>> -> memref<8x32xf32, #tpu.memory_space<vmem>>
      %dma_start3A_724 = arith.constant 0 : i32
      %dma_start3A_725 = arith.constant 0 : i32
      %dma_start3A_726 = tpu.memref_slice %arg4[%squeeze3A_718, %dma_start3A_724, %dma_start3A_725] : memref<125000x8x32xf32, #tpu.memory_space<hbm>> -> memref<1x8x32xf32, #tpu.memory_space<hbm>>
      %dma_start3A_727 = tpu.memref_squeeze %dma_start3A_726 : memref<1x8x32xf32, #tpu.memory_space<hbm>> -> memref<8x32xf32, #tpu.memory_space<hbm>>
      %dma_start3A_728 = arith.constant 0 : i32
      %dma_start3A_729 = arith.constant 0 : i32
      %dma_start3A_730 = tpu.memref_slice %arg10[%dma_start3A_719, %dma_start3A_728, %dma_start3A_729] : memref<32x8x32xf32, #tpu.memory_space<vmem>> -> memref<1x8x32xf32, #tpu.memory_space<vmem>>
      %dma_start3A_731 = tpu.memref_squeeze %dma_start3A_730 : memref<1x8x32xf32, #tpu.memory_space<vmem>> -> memref<8x32xf32, #tpu.memory_space<vmem>>
      %dma_start3A_732 = arith.constant 0 : i32
      %dma_start3A_733 = arith.constant 0 : i32
      %dma_start3A_734 = tpu.memref_slice %arg4[%squeeze3A_718, %dma_start3A_732, %dma_start3A_733] : memref<125000x8x32xf32, #tpu.memory_space<hbm>> -> memref<1x8x32xf32, #tpu.memory_space<hbm>>
      %dma_start3A_735 = tpu.memref_squeeze %dma_start3A_734 : memref<1x8x32xf32, #tpu.memory_space<hbm>> -> memref<8x32xf32, #tpu.memory_space<hbm>>
      tpu.enqueue_dma source(%dma_start3A_735 : memref<8x32xf32, #tpu.memory_space<hbm>>) target(%dma_start3A_731 : memref<8x32xf32, #tpu.memory_space<vmem>>) target_semaphore(%arg14 : memref<!tpu.dma_semaphore, #tpu.memory_space<semaphore_mem>>)
      %slice3A_736 = vector.extract_strided_slice %shift_right_arithmetic3A_640 {offsets = [2], sizes = [1], strides = [1]} : vector<16xi32> to vector<1xi32>
      %squeeze3A_737 = vector.extract %slice3A_736[0] : i32 from vector<1xi32>
      %dma_start3A_738 = arith.constant 18 : i32
      %dma_start3A_739 = arith.constant 0 : i32
      %dma_start3A_740 = arith.constant 0 : i32
      %dma_start3A_741 = tpu.memref_slice %arg11[%dma_start3A_738, %dma_start3A_739, %dma_start3A_740] : memref<32x8x32xf32, #tpu.memory_space<vmem>> -> memref<1x8x32xf32, #tpu.memory_space<vmem>>
      %dma_start3A_742 = tpu.memref_squeeze %dma_start3A_741 : memref<1x8x32xf32, #tpu.memory_space<vmem>> -> memref<8x32xf32, #tpu.memory_space<vmem>>
      %dma_start3A_743 = arith.constant 0 : i32
      %dma_start3A_744 = arith.constant 0 : i32
      %dma_start3A_745 = tpu.memref_slice %arg5[%squeeze3A_737, %dma_start3A_743, %dma_start3A_744] : memref<125000x8x32xf32, #tpu.memory_space<hbm>> -> memref<1x8x32xf32, #tpu.memory_space<hbm>>
      %dma_start3A_746 = tpu.memref_squeeze %dma_start3A_745 : memref<1x8x32xf32, #tpu.memory_space<hbm>> -> memref<8x32xf32, #tpu.memory_space<hbm>>
      %dma_start3A_747 = arith.constant 0 : i32
      %dma_start3A_748 = arith.constant 0 : i32
      %dma_start3A_749 = tpu.memref_slice %arg11[%dma_start3A_738, %dma_start3A_747, %dma_start3A_748] : memref<32x8x32xf32, #tpu.memory_space<vmem>> -> memref<1x8x32xf32, #tpu.memory_space<vmem>>
      %dma_start3A_750 = tpu.memref_squeeze %dma_start3A_749 : memref<1x8x32xf32, #tpu.memory_space<vmem>> -> memref<8x32xf32, #tpu.memory_space<vmem>>
      %dma_start3A_751 = arith.constant 0 : i32
      %dma_start3A_752 = arith.constant 0 : i32
      %dma_start3A_753 = tpu.memref_slice %arg5[%squeeze3A_737, %dma_start3A_751, %dma_start3A_752] : memref<125000x8x32xf32, #tpu.memory_space<hbm>> -> memref<1x8x32xf32, #tpu.memory_space<hbm>>
      %dma_start3A_754 = tpu.memref_squeeze %dma_start3A_753 : memref<1x8x32xf32, #tpu.memory_space<hbm>> -> memref<8x32xf32, #tpu.memory_space<hbm>>
      tpu.enqueue_dma source(%dma_start3A_754 : memref<8x32xf32, #tpu.memory_space<hbm>>) target(%dma_start3A_750 : memref<8x32xf32, #tpu.memory_space<vmem>>) target_semaphore(%arg14 : memref<!tpu.dma_semaphore, #tpu.memory_space<semaphore_mem>>)
      %slice3A_755 = vector.extract_strided_slice %shift_right_arithmetic3A_633 {offsets = [3], sizes = [1], strides = [1]} : vector<16xi32> to vector<1xi32>
      %squeeze3A_756 = vector.extract %slice3A_755[0] : i32 from vector<1xi32>
      %dma_start3A_757 = arith.constant 19 : i32
      %dma_start3A_758 = arith.constant 0 : i32
      %dma_start3A_759 = arith.constant 0 : i32
      %dma_start3A_760 = tpu.memref_slice %arg10[%dma_start3A_757, %dma_start3A_758, %dma_start3A_759] : memref<32x8x32xf32, #tpu.memory_space<vmem>> -> memref<1x8x32xf32, #tpu.memory_space<vmem>>
      %dma_start3A_761 = tpu.memref_squeeze %dma_start3A_760 : memref<1x8x32xf32, #tpu.memory_space<vmem>> -> memref<8x32xf32, #tpu.memory_space<vmem>>
      %dma_start3A_762 = arith.constant 0 : i32
      %dma_start3A_763 = arith.constant 0 : i32
      %dma_start3A_764 = tpu.memref_slice %arg4[%squeeze3A_756, %dma_start3A_762, %dma_start3A_763] : memref<125000x8x32xf32, #tpu.memory_space<hbm>> -> memref<1x8x32xf32, #tpu.memory_space<hbm>>
      %dma_start3A_765 = tpu.memref_squeeze %dma_start3A_764 : memref<1x8x32xf32, #tpu.memory_space<hbm>> -> memref<8x32xf32, #tpu.memory_space<hbm>>
      %dma_start3A_766 = arith.constant 0 : i32
      %dma_start3A_767 = arith.constant 0 : i32
      %dma_start3A_768 = tpu.memref_slice %arg10[%dma_start3A_757, %dma_start3A_766, %dma_start3A_767] : memref<32x8x32xf32, #tpu.memory_space<vmem>> -> memref<1x8x32xf32, #tpu.memory_space<vmem>>
      %dma_start3A_769 = tpu.memref_squeeze %dma_start3A_768 : memref<1x8x32xf32, #tpu.memory_space<vmem>> -> memref<8x32xf32, #tpu.memory_space<vmem>>
      %dma_start3A_770 = arith.constant 0 : i32
      %dma_start3A_771 = arith.constant 0 : i32
      %dma_start3A_772 = tpu.memref_slice %arg4[%squeeze3A_756, %dma_start3A_770, %dma_start3A_771] : memref<125000x8x32xf32, #tpu.memory_space<hbm>> -> memref<1x8x32xf32, #tpu.memory_space<hbm>>
      %dma_start3A_773 = tpu.memref_squeeze %dma_start3A_772 : memref<1x8x32xf32, #tpu.memory_space<hbm>> -> memref<8x32xf32, #tpu.memory_space<hbm>>
      tpu.enqueue_dma source(%dma_start3A_773 : memref<8x32xf32, #tpu.memory_space<hbm>>) target(%dma_start3A_769 : memref<8x32xf32, #tpu.memory_space<vmem>>) target_semaphore(%arg14 : memref<!tpu.dma_semaphore, #tpu.memory_space<semaphore_mem>>)
      %slice3A_774 = vector.extract_strided_slice %shift_right_arithmetic3A_640 {offsets = [3], sizes = [1], strides = [1]} : vector<16xi32> to vector<1xi32>
      %squeeze3A_775 = vector.extract %slice3A_774[0] : i32 from vector<1xi32>
      %dma_start3A_776 = arith.constant 19 : i32
      %dma_start3A_777 = arith.constant 0 : i32
      %dma_start3A_778 = arith.constant 0 : i32
      %dma_start3A_779 = tpu.memref_slice %arg11[%dma_start3A_776, %dma_start3A_777, %dma_start3A_778] : memref<32x8x32xf32, #tpu.memory_space<vmem>> -> memref<1x8x32xf32, #tpu.memory_space<vmem>>
      %dma_start3A_780 = tpu.memref_squeeze %dma_start3A_779 : memref<1x8x32xf32, #tpu.memory_space<vmem>> -> memref<8x32xf32, #tpu.memory_space<vmem>>
      %dma_start3A_781 = arith.constant 0 : i32
      %dma_start3A_782 = arith.constant 0 : i32
      %dma_start3A_783 = tpu.memref_slice %arg5[%squeeze3A_775, %dma_start3A_781, %dma_start3A_782] : memref<125000x8x32xf32, #tpu.memory_space<hbm>> -> memref<1x8x32xf32, #tpu.memory_space<hbm>>
      %dma_start3A_784 = tpu.memref_squeeze %dma_start3A_783 : memref<1x8x32xf32, #tpu.memory_space<hbm>> -> memref<8x32xf32, #tpu.memory_space<hbm>>
      %dma_start3A_785 = arith.constant 0 : i32
      %dma_start3A_786 = arith.constant 0 : i32
      %dma_start3A_787 = tpu.memref_slice %arg11[%dma_start3A_776, %dma_start3A_785, %dma_start3A_786] : memref<32x8x32xf32, #tpu.memory_space<vmem>> -> memref<1x8x32xf32, #tpu.memory_space<vmem>>
      %dma_start3A_788 = tpu.memref_squeeze %dma_start3A_787 : memref<1x8x32xf32, #tpu.memory_space<vmem>> -> memref<8x32xf32, #tpu.memory_space<vmem>>
      %dma_start3A_789 = arith.constant 0 : i32
      %dma_start3A_790 = arith.constant 0 : i32
      %dma_start3A_791 = tpu.memref_slice %arg5[%squeeze3A_775, %dma_start3A_789, %dma_start3A_790] : memref<125000x8x32xf32, #tpu.memory_space<hbm>> -> memref<1x8x32xf32, #tpu.memory_space<hbm>>
      %dma_start3A_792 = tpu.memref_squeeze %dma_start3A_791 : memref<1x8x32xf32, #tpu.memory_space<hbm>> -> memref<8x32xf32, #tpu.memory_space<hbm>>
      tpu.enqueue_dma source(%dma_start3A_792 : memref<8x32xf32, #tpu.memory_space<hbm>>) target(%dma_start3A_788 : memref<8x32xf32, #tpu.memory_space<vmem>>) target_semaphore(%arg14 : memref<!tpu.dma_semaphore, #tpu.memory_space<semaphore_mem>>)
      %slice3A_793 = vector.extract_strided_slice %shift_right_arithmetic3A_633 {offsets = [4], sizes = [1], strides = [1]} : vector<16xi32> to vector<1xi32>
      %squeeze3A_794 = vector.extract %slice3A_793[0] : i32 from vector<1xi32>
      %dma_start3A_795 = arith.constant 20 : i32
      %dma_start3A_796 = arith.constant 0 : i32
      %dma_start3A_797 = arith.constant 0 : i32
      %dma_start3A_798 = tpu.memref_slice %arg10[%dma_start3A_795, %dma_start3A_796, %dma_start3A_797] : memref<32x8x32xf32, #tpu.memory_space<vmem>> -> memref<1x8x32xf32, #tpu.memory_space<vmem>>
      %dma_start3A_799 = tpu.memref_squeeze %dma_start3A_798 : memref<1x8x32xf32, #tpu.memory_space<vmem>> -> memref<8x32xf32, #tpu.memory_space<vmem>>
      %dma_start3A_800 = arith.constant 0 : i32
      %dma_start3A_801 = arith.constant 0 : i32
      %dma_start3A_802 = tpu.memref_slice %arg4[%squeeze3A_794, %dma_start3A_800, %dma_start3A_801] : memref<125000x8x32xf32, #tpu.memory_space<hbm>> -> memref<1x8x32xf32, #tpu.memory_space<hbm>>
      %dma_start3A_803 = tpu.memref_squeeze %dma_start3A_802 : memref<1x8x32xf32, #tpu.memory_space<hbm>> -> memref<8x32xf32, #tpu.memory_space<hbm>>
      %dma_start3A_804 = arith.constant 0 : i32
      %dma_start3A_805 = arith.constant 0 : i32
      %dma_start3A_806 = tpu.memref_slice %arg10[%dma_start3A_795, %dma_start3A_804, %dma_start3A_805] : memref<32x8x32xf32, #tpu.memory_space<vmem>> -> memref<1x8x32xf32, #tpu.memory_space<vmem>>
      %dma_start3A_807 = tpu.memref_squeeze %dma_start3A_806 : memref<1x8x32xf32, #tpu.memory_space<vmem>> -> memref<8x32xf32, #tpu.memory_space<vmem>>
      %dma_start3A_808 = arith.constant 0 : i32
      %dma_start3A_809 = arith.constant 0 : i32
      %dma_start3A_810 = tpu.memref_slice %arg4[%squeeze3A_794, %dma_start3A_808, %dma_start3A_809] : memref<125000x8x32xf32, #tpu.memory_space<hbm>> -> memref<1x8x32xf32, #tpu.memory_space<hbm>>
      %dma_start3A_811 = tpu.memref_squeeze %dma_start3A_810 : memref<1x8x32xf32, #tpu.memory_space<hbm>> -> memref<8x32xf32, #tpu.memory_space<hbm>>
      tpu.enqueue_dma source(%dma_start3A_811 : memref<8x32xf32, #tpu.memory_space<hbm>>) target(%dma_start3A_807 : memref<8x32xf32, #tpu.memory_space<vmem>>) target_semaphore(%arg14 : memref<!tpu.dma_semaphore, #tpu.memory_space<semaphore_mem>>)
      %slice3A_812 = vector.extract_strided_slice %shift_right_arithmetic3A_640 {offsets = [4], sizes = [1], strides = [1]} : vector<16xi32> to vector<1xi32>
      %squeeze3A_813 = vector.extract %slice3A_812[0] : i32 from vector<1xi32>
      %dma_start3A_814 = arith.constant 20 : i32
      %dma_start3A_815 = arith.constant 0 : i32
      %dma_start3A_816 = arith.constant 0 : i32
      %dma_start3A_817 = tpu.memref_slice %arg11[%dma_start3A_814, %dma_start3A_815, %dma_start3A_816] : memref<32x8x32xf32, #tpu.memory_space<vmem>> -> memref<1x8x32xf32, #tpu.memory_space<vmem>>
      %dma_start3A_818 = tpu.memref_squeeze %dma_start3A_817 : memref<1x8x32xf32, #tpu.memory_space<vmem>> -> memref<8x32xf32, #tpu.memory_space<vmem>>
      %dma_start3A_819 = arith.constant 0 : i32
      %dma_start3A_820 = arith.constant 0 : i32
      %dma_start3A_821 = tpu.memref_slice %arg5[%squeeze3A_813, %dma_start3A_819, %dma_start3A_820] : memref<125000x8x32xf32, #tpu.memory_space<hbm>> -> memref<1x8x32xf32, #tpu.memory_space<hbm>>
      %dma_start3A_822 = tpu.memref_squeeze %dma_start3A_821 : memref<1x8x32xf32, #tpu.memory_space<hbm>> -> memref<8x32xf32, #tpu.memory_space<hbm>>
      %dma_start3A_823 = arith.constant 0 : i32
      %dma_start3A_824 = arith.constant 0 : i32
      %dma_start3A_825 = tpu.memref_slice %arg11[%dma_start3A_814, %dma_start3A_823, %dma_start3A_824] : memref<32x8x32xf32, #tpu.memory_space<vmem>> -> memref<1x8x32xf32, #tpu.memory_space<vmem>>
      %dma_start3A_826 = tpu.memref_squeeze %dma_start3A_825 : memref<1x8x32xf32, #tpu.memory_space<vmem>> -> memref<8x32xf32, #tpu.memory_space<vmem>>
      %dma_start3A_827 = arith.constant 0 : i32
      %dma_start3A_828 = arith.constant 0 : i32
      %dma_start3A_829 = tpu.memref_slice %arg5[%squeeze3A_813, %dma_start3A_827, %dma_start3A_828] : memref<125000x8x32xf32, #tpu.memory_space<hbm>> -> memref<1x8x32xf32, #tpu.memory_space<hbm>>
      %dma_start3A_830 = tpu.memref_squeeze %dma_start3A_829 : memref<1x8x32xf32, #tpu.memory_space<hbm>> -> memref<8x32xf32, #tpu.memory_space<hbm>>
      tpu.enqueue_dma source(%dma_start3A_830 : memref<8x32xf32, #tpu.memory_space<hbm>>) target(%dma_start3A_826 : memref<8x32xf32, #tpu.memory_space<vmem>>) target_semaphore(%arg14 : memref<!tpu.dma_semaphore, #tpu.memory_space<semaphore_mem>>)
      %slice3A_831 = vector.extract_strided_slice %shift_right_arithmetic3A_633 {offsets = [5], sizes = [1], strides = [1]} : vector<16xi32> to vector<1xi32>
      %squeeze3A_832 = vector.extract %slice3A_831[0] : i32 from vector<1xi32>
      %dma_start3A_833 = arith.constant 21 : i32
      %dma_start3A_834 = arith.constant 0 : i32
      %dma_start3A_835 = arith.constant 0 : i32
      %dma_start3A_836 = tpu.memref_slice %arg10[%dma_start3A_833, %dma_start3A_834, %dma_start3A_835] : memref<32x8x32xf32, #tpu.memory_space<vmem>> -> memref<1x8x32xf32, #tpu.memory_space<vmem>>
      %dma_start3A_837 = tpu.memref_squeeze %dma_start3A_836 : memref<1x8x32xf32, #tpu.memory_space<vmem>> -> memref<8x32xf32, #tpu.memory_space<vmem>>
      %dma_start3A_838 = arith.constant 0 : i32
      %dma_start3A_839 = arith.constant 0 : i32
      %dma_start3A_840 = tpu.memref_slice %arg4[%squeeze3A_832, %dma_start3A_838, %dma_start3A_839] : memref<125000x8x32xf32, #tpu.memory_space<hbm>> -> memref<1x8x32xf32, #tpu.memory_space<hbm>>
      %dma_start3A_841 = tpu.memref_squeeze %dma_start3A_840 : memref<1x8x32xf32, #tpu.memory_space<hbm>> -> memref<8x32xf32, #tpu.memory_space<hbm>>
      %dma_start3A_842 = arith.constant 0 : i32
      %dma_start3A_843 = arith.constant 0 : i32
      %dma_start3A_844 = tpu.memref_slice %arg10[%dma_start3A_833, %dma_start3A_842, %dma_start3A_843] : memref<32x8x32xf32, #tpu.memory_space<vmem>> -> memref<1x8x32xf32, #tpu.memory_space<vmem>>
      %dma_start3A_845 = tpu.memref_squeeze %dma_start3A_844 : memref<1x8x32xf32, #tpu.memory_space<vmem>> -> memref<8x32xf32, #tpu.memory_space<vmem>>
      %dma_start3A_846 = arith.constant 0 : i32
      %dma_start3A_847 = arith.constant 0 : i32
      %dma_start3A_848 = tpu.memref_slice %arg4[%squeeze3A_832, %dma_start3A_846, %dma_start3A_847] : memref<125000x8x32xf32, #tpu.memory_space<hbm>> -> memref<1x8x32xf32, #tpu.memory_space<hbm>>
      %dma_start3A_849 = tpu.memref_squeeze %dma_start3A_848 : memref<1x8x32xf32, #tpu.memory_space<hbm>> -> memref<8x32xf32, #tpu.memory_space<hbm>>
      tpu.enqueue_dma source(%dma_start3A_849 : memref<8x32xf32, #tpu.memory_space<hbm>>) target(%dma_start3A_845 : memref<8x32xf32, #tpu.memory_space<vmem>>) target_semaphore(%arg14 : memref<!tpu.dma_semaphore, #tpu.memory_space<semaphore_mem>>)
      %slice3A_850 = vector.extract_strided_slice %shift_right_arithmetic3A_640 {offsets = [5], sizes = [1], strides = [1]} : vector<16xi32> to vector<1xi32>
      %squeeze3A_851 = vector.extract %slice3A_850[0] : i32 from vector<1xi32>
      %dma_start3A_852 = arith.constant 21 : i32
      %dma_start3A_853 = arith.constant 0 : i32
      %dma_start3A_854 = arith.constant 0 : i32
      %dma_start3A_855 = tpu.memref_slice %arg11[%dma_start3A_852, %dma_start3A_853, %dma_start3A_854] : memref<32x8x32xf32, #tpu.memory_space<vmem>> -> memref<1x8x32xf32, #tpu.memory_space<vmem>>
      %dma_start3A_856 = tpu.memref_squeeze %dma_start3A_855 : memref<1x8x32xf32, #tpu.memory_space<vmem>> -> memref<8x32xf32, #tpu.memory_space<vmem>>
      %dma_start3A_857 = arith.constant 0 : i32
      %dma_start3A_858 = arith.constant 0 : i32
      %dma_start3A_859 = tpu.memref_slice %arg5[%squeeze3A_851, %dma_start3A_857, %dma_start3A_858] : memref<125000x8x32xf32, #tpu.memory_space<hbm>> -> memref<1x8x32xf32, #tpu.memory_space<hbm>>
      %dma_start3A_860 = tpu.memref_squeeze %dma_start3A_859 : memref<1x8x32xf32, #tpu.memory_space<hbm>> -> memref<8x32xf32, #tpu.memory_space<hbm>>
      %dma_start3A_861 = arith.constant 0 : i32
      %dma_start3A_862 = arith.constant 0 : i32
      %dma_start3A_863 = tpu.memref_slice %arg11[%dma_start3A_852, %dma_start3A_861, %dma_start3A_862] : memref<32x8x32xf32, #tpu.memory_space<vmem>> -> memref<1x8x32xf32, #tpu.memory_space<vmem>>
      %dma_start3A_864 = tpu.memref_squeeze %dma_start3A_863 : memref<1x8x32xf32, #tpu.memory_space<vmem>> -> memref<8x32xf32, #tpu.memory_space<vmem>>
      %dma_start3A_865 = arith.constant 0 : i32
      %dma_start3A_866 = arith.constant 0 : i32
      %dma_start3A_867 = tpu.memref_slice %arg5[%squeeze3A_851, %dma_start3A_865, %dma_start3A_866] : memref<125000x8x32xf32, #tpu.memory_space<hbm>> -> memref<1x8x32xf32, #tpu.memory_space<hbm>>
      %dma_start3A_868 = tpu.memref_squeeze %dma_start3A_867 : memref<1x8x32xf32, #tpu.memory_space<hbm>> -> memref<8x32xf32, #tpu.memory_space<hbm>>
      tpu.enqueue_dma source(%dma_start3A_868 : memref<8x32xf32, #tpu.memory_space<hbm>>) target(%dma_start3A_864 : memref<8x32xf32, #tpu.memory_space<vmem>>) target_semaphore(%arg14 : memref<!tpu.dma_semaphore, #tpu.memory_space<semaphore_mem>>)
      %slice3A_869 = vector.extract_strided_slice %shift_right_arithmetic3A_633 {offsets = [6], sizes = [1], strides = [1]} : vector<16xi32> to vector<1xi32>
      %squeeze3A_870 = vector.extract %slice3A_869[0] : i32 from vector<1xi32>
      %dma_start3A_871 = arith.constant 22 : i32
      %dma_start3A_872 = arith.constant 0 : i32
      %dma_start3A_873 = arith.constant 0 : i32
      %dma_start3A_874 = tpu.memref_slice %arg10[%dma_start3A_871, %dma_start3A_872, %dma_start3A_873] : memref<32x8x32xf32, #tpu.memory_space<vmem>> -> memref<1x8x32xf32, #tpu.memory_space<vmem>>
      %dma_start3A_875 = tpu.memref_squeeze %dma_start3A_874 : memref<1x8x32xf32, #tpu.memory_space<vmem>> -> memref<8x32xf32, #tpu.memory_space<vmem>>
      %dma_start3A_876 = arith.constant 0 : i32
      %dma_start3A_877 = arith.constant 0 : i32
      %dma_start3A_878 = tpu.memref_slice %arg4[%squeeze3A_870, %dma_start3A_876, %dma_start3A_877] : memref<125000x8x32xf32, #tpu.memory_space<hbm>> -> memref<1x8x32xf32, #tpu.memory_space<hbm>>
      %dma_start3A_879 = tpu.memref_squeeze %dma_start3A_878 : memref<1x8x32xf32, #tpu.memory_space<hbm>> -> memref<8x32xf32, #tpu.memory_space<hbm>>
      %dma_start3A_880 = arith.constant 0 : i32
      %dma_start3A_881 = arith.constant 0 : i32
      %dma_start3A_882 = tpu.memref_slice %arg10[%dma_start3A_871, %dma_start3A_880, %dma_start3A_881] : memref<32x8x32xf32, #tpu.memory_space<vmem>> -> memref<1x8x32xf32, #tpu.memory_space<vmem>>
      %dma_start3A_883 = tpu.memref_squeeze %dma_start3A_882 : memref<1x8x32xf32, #tpu.memory_space<vmem>> -> memref<8x32xf32, #tpu.memory_space<vmem>>
      %dma_start3A_884 = arith.constant 0 : i32
      %dma_start3A_885 = arith.constant 0 : i32
      %dma_start3A_886 = tpu.memref_slice %arg4[%squeeze3A_870, %dma_start3A_884, %dma_start3A_885] : memref<125000x8x32xf32, #tpu.memory_space<hbm>> -> memref<1x8x32xf32, #tpu.memory_space<hbm>>
      %dma_start3A_887 = tpu.memref_squeeze %dma_start3A_886 : memref<1x8x32xf32, #tpu.memory_space<hbm>> -> memref<8x32xf32, #tpu.memory_space<hbm>>
      tpu.enqueue_dma source(%dma_start3A_887 : memref<8x32xf32, #tpu.memory_space<hbm>>) target(%dma_start3A_883 : memref<8x32xf32, #tpu.memory_space<vmem>>) target_semaphore(%arg14 : memref<!tpu.dma_semaphore, #tpu.memory_space<semaphore_mem>>)
      %slice3A_888 = vector.extract_strided_slice %shift_right_arithmetic3A_640 {offsets = [6], sizes = [1], strides = [1]} : vector<16xi32> to vector<1xi32>
      %squeeze3A_889 = vector.extract %slice3A_888[0] : i32 from vector<1xi32>
      %dma_start3A_890 = arith.constant 22 : i32
      %dma_start3A_891 = arith.constant 0 : i32
      %dma_start3A_892 = arith.constant 0 : i32
      %dma_start3A_893 = tpu.memref_slice %arg11[%dma_start3A_890, %dma_start3A_891, %dma_start3A_892] : memref<32x8x32xf32, #tpu.memory_space<vmem>> -> memref<1x8x32xf32, #tpu.memory_space<vmem>>
      %dma_start3A_894 = tpu.memref_squeeze %dma_start3A_893 : memref<1x8x32xf32, #tpu.memory_space<vmem>> -> memref<8x32xf32, #tpu.memory_space<vmem>>
      %dma_start3A_895 = arith.constant 0 : i32
      %dma_start3A_896 = arith.constant 0 : i32
      %dma_start3A_897 = tpu.memref_slice %arg5[%squeeze3A_889, %dma_start3A_895, %dma_start3A_896] : memref<125000x8x32xf32, #tpu.memory_space<hbm>> -> memref<1x8x32xf32, #tpu.memory_space<hbm>>
      %dma_start3A_898 = tpu.memref_squeeze %dma_start3A_897 : memref<1x8x32xf32, #tpu.memory_space<hbm>> -> memref<8x32xf32, #tpu.memory_space<hbm>>
      %dma_start3A_899 = arith.constant 0 : i32
      %dma_start3A_900 = arith.constant 0 : i32
      %dma_start3A_901 = tpu.memref_slice %arg11[%dma_start3A_890, %dma_start3A_899, %dma_start3A_900] : memref<32x8x32xf32, #tpu.memory_space<vmem>> -> memref<1x8x32xf32, #tpu.memory_space<vmem>>
      %dma_start3A_902 = tpu.memref_squeeze %dma_start3A_901 : memref<1x8x32xf32, #tpu.memory_space<vmem>> -> memref<8x32xf32, #tpu.memory_space<vmem>>
      %dma_start3A_903 = arith.constant 0 : i32
      %dma_start3A_904 = arith.constant 0 : i32
      %dma_start3A_905 = tpu.memref_slice %arg5[%squeeze3A_889, %dma_start3A_903, %dma_start3A_904] : memref<125000x8x32xf32, #tpu.memory_space<hbm>> -> memref<1x8x32xf32, #tpu.memory_space<hbm>>
      %dma_start3A_906 = tpu.memref_squeeze %dma_start3A_905 : memref<1x8x32xf32, #tpu.memory_space<hbm>> -> memref<8x32xf32, #tpu.memory_space<hbm>>
      tpu.enqueue_dma source(%dma_start3A_906 : memref<8x32xf32, #tpu.memory_space<hbm>>) target(%dma_start3A_902 : memref<8x32xf32, #tpu.memory_space<vmem>>) target_semaphore(%arg14 : memref<!tpu.dma_semaphore, #tpu.memory_space<semaphore_mem>>)
      %slice3A_907 = vector.extract_strided_slice %shift_right_arithmetic3A_633 {offsets = [7], sizes = [1], strides = [1]} : vector<16xi32> to vector<1xi32>
      %squeeze3A_908 = vector.extract %slice3A_907[0] : i32 from vector<1xi32>
      %dma_start3A_909 = arith.constant 23 : i32
      %dma_start3A_910 = arith.constant 0 : i32
      %dma_start3A_911 = arith.constant 0 : i32
      %dma_start3A_912 = tpu.memref_slice %arg10[%dma_start3A_909, %dma_start3A_910, %dma_start3A_911] : memref<32x8x32xf32, #tpu.memory_space<vmem>> -> memref<1x8x32xf32, #tpu.memory_space<vmem>>
      %dma_start3A_913 = tpu.memref_squeeze %dma_start3A_912 : memref<1x8x32xf32, #tpu.memory_space<vmem>> -> memref<8x32xf32, #tpu.memory_space<vmem>>
      %dma_start3A_914 = arith.constant 0 : i32
      %dma_start3A_915 = arith.constant 0 : i32
      %dma_start3A_916 = tpu.memref_slice %arg4[%squeeze3A_908, %dma_start3A_914, %dma_start3A_915] : memref<125000x8x32xf32, #tpu.memory_space<hbm>> -> memref<1x8x32xf32, #tpu.memory_space<hbm>>
      %dma_start3A_917 = tpu.memref_squeeze %dma_start3A_916 : memref<1x8x32xf32, #tpu.memory_space<hbm>> -> memref<8x32xf32, #tpu.memory_space<hbm>>
      %dma_start3A_918 = arith.constant 0 : i32
      %dma_start3A_919 = arith.constant 0 : i32
      %dma_start3A_920 = tpu.memref_slice %arg10[%dma_start3A_909, %dma_start3A_918, %dma_start3A_919] : memref<32x8x32xf32, #tpu.memory_space<vmem>> -> memref<1x8x32xf32, #tpu.memory_space<vmem>>
      %dma_start3A_921 = tpu.memref_squeeze %dma_start3A_920 : memref<1x8x32xf32, #tpu.memory_space<vmem>> -> memref<8x32xf32, #tpu.memory_space<vmem>>
      %dma_start3A_922 = arith.constant 0 : i32
      %dma_start3A_923 = arith.constant 0 : i32
      %dma_start3A_924 = tpu.memref_slice %arg4[%squeeze3A_908, %dma_start3A_922, %dma_start3A_923] : memref<125000x8x32xf32, #tpu.memory_space<hbm>> -> memref<1x8x32xf32, #tpu.memory_space<hbm>>
      %dma_start3A_925 = tpu.memref_squeeze %dma_start3A_924 : memref<1x8x32xf32, #tpu.memory_space<hbm>> -> memref<8x32xf32, #tpu.memory_space<hbm>>
      tpu.enqueue_dma source(%dma_start3A_925 : memref<8x32xf32, #tpu.memory_space<hbm>>) target(%dma_start3A_921 : memref<8x32xf32, #tpu.memory_space<vmem>>) target_semaphore(%arg14 : memref<!tpu.dma_semaphore, #tpu.memory_space<semaphore_mem>>)
      %slice3A_926 = vector.extract_strided_slice %shift_right_arithmetic3A_640 {offsets = [7], sizes = [1], strides = [1]} : vector<16xi32> to vector<1xi32>
      %squeeze3A_927 = vector.extract %slice3A_926[0] : i32 from vector<1xi32>
      %dma_start3A_928 = arith.constant 23 : i32
      %dma_start3A_929 = arith.constant 0 : i32
      %dma_start3A_930 = arith.constant 0 : i32
      %dma_start3A_931 = tpu.memref_slice %arg11[%dma_start3A_928, %dma_start3A_929, %dma_start3A_930] : memref<32x8x32xf32, #tpu.memory_space<vmem>> -> memref<1x8x32xf32, #tpu.memory_space<vmem>>
      %dma_start3A_932 = tpu.memref_squeeze %dma_start3A_931 : memref<1x8x32xf32, #tpu.memory_space<vmem>> -> memref<8x32xf32, #tpu.memory_space<vmem>>
      %dma_start3A_933 = arith.constant 0 : i32
      %dma_start3A_934 = arith.constant 0 : i32
      %dma_start3A_935 = tpu.memref_slice %arg5[%squeeze3A_927, %dma_start3A_933, %dma_start3A_934] : memref<125000x8x32xf32, #tpu.memory_space<hbm>> -> memref<1x8x32xf32, #tpu.memory_space<hbm>>
      %dma_start3A_936 = tpu.memref_squeeze %dma_start3A_935 : memref<1x8x32xf32, #tpu.memory_space<hbm>> -> memref<8x32xf32, #tpu.memory_space<hbm>>
      %dma_start3A_937 = arith.constant 0 : i32
      %dma_start3A_938 = arith.constant 0 : i32
      %dma_start3A_939 = tpu.memref_slice %arg11[%dma_start3A_928, %dma_start3A_937, %dma_start3A_938] : memref<32x8x32xf32, #tpu.memory_space<vmem>> -> memref<1x8x32xf32, #tpu.memory_space<vmem>>
      %dma_start3A_940 = tpu.memref_squeeze %dma_start3A_939 : memref<1x8x32xf32, #tpu.memory_space<vmem>> -> memref<8x32xf32, #tpu.memory_space<vmem>>
      %dma_start3A_941 = arith.constant 0 : i32
      %dma_start3A_942 = arith.constant 0 : i32
      %dma_start3A_943 = tpu.memref_slice %arg5[%squeeze3A_927, %dma_start3A_941, %dma_start3A_942] : memref<125000x8x32xf32, #tpu.memory_space<hbm>> -> memref<1x8x32xf32, #tpu.memory_space<hbm>>
      %dma_start3A_944 = tpu.memref_squeeze %dma_start3A_943 : memref<1x8x32xf32, #tpu.memory_space<hbm>> -> memref<8x32xf32, #tpu.memory_space<hbm>>
      tpu.enqueue_dma source(%dma_start3A_944 : memref<8x32xf32, #tpu.memory_space<hbm>>) target(%dma_start3A_940 : memref<8x32xf32, #tpu.memory_space<vmem>>) target_semaphore(%arg14 : memref<!tpu.dma_semaphore, #tpu.memory_space<semaphore_mem>>)
      %slice3A_945 = vector.extract_strided_slice %shift_right_arithmetic3A_633 {offsets = [8], sizes = [1], strides = [1]} : vector<16xi32> to vector<1xi32>
      %squeeze3A_946 = vector.extract %slice3A_945[0] : i32 from vector<1xi32>
      %dma_start3A_947 = arith.constant 24 : i32
      %dma_start3A_948 = arith.constant 0 : i32
      %dma_start3A_949 = arith.constant 0 : i32
      %dma_start3A_950 = tpu.memref_slice %arg10[%dma_start3A_947, %dma_start3A_948, %dma_start3A_949] : memref<32x8x32xf32, #tpu.memory_space<vmem>> -> memref<1x8x32xf32, #tpu.memory_space<vmem>>
      %dma_start3A_951 = tpu.memref_squeeze %dma_start3A_950 : memref<1x8x32xf32, #tpu.memory_space<vmem>> -> memref<8x32xf32, #tpu.memory_space<vmem>>
      %dma_start3A_952 = arith.constant 0 : i32
      %dma_start3A_953 = arith.constant 0 : i32
      %dma_start3A_954 = tpu.memref_slice %arg4[%squeeze3A_946, %dma_start3A_952, %dma_start3A_953] : memref<125000x8x32xf32, #tpu.memory_space<hbm>> -> memref<1x8x32xf32, #tpu.memory_space<hbm>>
      %dma_start3A_955 = tpu.memref_squeeze %dma_start3A_954 : memref<1x8x32xf32, #tpu.memory_space<hbm>> -> memref<8x32xf32, #tpu.memory_space<hbm>>
      %dma_start3A_956 = arith.constant 0 : i32
      %dma_start3A_957 = arith.constant 0 : i32
      %dma_start3A_958 = tpu.memref_slice %arg10[%dma_start3A_947, %dma_start3A_956, %dma_start3A_957] : memref<32x8x32xf32, #tpu.memory_space<vmem>> -> memref<1x8x32xf32, #tpu.memory_space<vmem>>
      %dma_start3A_959 = tpu.memref_squeeze %dma_start3A_958 : memref<1x8x32xf32, #tpu.memory_space<vmem>> -> memref<8x32xf32, #tpu.memory_space<vmem>>
      %dma_start3A_960 = arith.constant 0 : i32
      %dma_start3A_961 = arith.constant 0 : i32
      %dma_start3A_962 = tpu.memref_slice %arg4[%squeeze3A_946, %dma_start3A_960, %dma_start3A_961] : memref<125000x8x32xf32, #tpu.memory_space<hbm>> -> memref<1x8x32xf32, #tpu.memory_space<hbm>>
      %dma_start3A_963 = tpu.memref_squeeze %dma_start3A_962 : memref<1x8x32xf32, #tpu.memory_space<hbm>> -> memref<8x32xf32, #tpu.memory_space<hbm>>
      tpu.enqueue_dma source(%dma_start3A_963 : memref<8x32xf32, #tpu.memory_space<hbm>>) target(%dma_start3A_959 : memref<8x32xf32, #tpu.memory_space<vmem>>) target_semaphore(%arg14 : memref<!tpu.dma_semaphore, #tpu.memory_space<semaphore_mem>>)
      %slice3A_964 = vector.extract_strided_slice %shift_right_arithmetic3A_640 {offsets = [8], sizes = [1], strides = [1]} : vector<16xi32> to vector<1xi32>
      %squeeze3A_965 = vector.extract %slice3A_964[0] : i32 from vector<1xi32>
      %dma_start3A_966 = arith.constant 24 : i32
      %dma_start3A_967 = arith.constant 0 : i32
      %dma_start3A_968 = arith.constant 0 : i32
      %dma_start3A_969 = tpu.memref_slice %arg11[%dma_start3A_966, %dma_start3A_967, %dma_start3A_968] : memref<32x8x32xf32, #tpu.memory_space<vmem>> -> memref<1x8x32xf32, #tpu.memory_space<vmem>>
      %dma_start3A_970 = tpu.memref_squeeze %dma_start3A_969 : memref<1x8x32xf32, #tpu.memory_space<vmem>> -> memref<8x32xf32, #tpu.memory_space<vmem>>
      %dma_start3A_971 = arith.constant 0 : i32
      %dma_start3A_972 = arith.constant 0 : i32
      %dma_start3A_973 = tpu.memref_slice %arg5[%squeeze3A_965, %dma_start3A_971, %dma_start3A_972] : memref<125000x8x32xf32, #tpu.memory_space<hbm>> -> memref<1x8x32xf32, #tpu.memory_space<hbm>>
      %dma_start3A_974 = tpu.memref_squeeze %dma_start3A_973 : memref<1x8x32xf32, #tpu.memory_space<hbm>> -> memref<8x32xf32, #tpu.memory_space<hbm>>
      %dma_start3A_975 = arith.constant 0 : i32
      %dma_start3A_976 = arith.constant 0 : i32
      %dma_start3A_977 = tpu.memref_slice %arg11[%dma_start3A_966, %dma_start3A_975, %dma_start3A_976] : memref<32x8x32xf32, #tpu.memory_space<vmem>> -> memref<1x8x32xf32, #tpu.memory_space<vmem>>
      %dma_start3A_978 = tpu.memref_squeeze %dma_start3A_977 : memref<1x8x32xf32, #tpu.memory_space<vmem>> -> memref<8x32xf32, #tpu.memory_space<vmem>>
      %dma_start3A_979 = arith.constant 0 : i32
      %dma_start3A_980 = arith.constant 0 : i32
      %dma_start3A_981 = tpu.memref_slice %arg5[%squeeze3A_965, %dma_start3A_979, %dma_start3A_980] : memref<125000x8x32xf32, #tpu.memory_space<hbm>> -> memref<1x8x32xf32, #tpu.memory_space<hbm>>
      %dma_start3A_982 = tpu.memref_squeeze %dma_start3A_981 : memref<1x8x32xf32, #tpu.memory_space<hbm>> -> memref<8x32xf32, #tpu.memory_space<hbm>>
      tpu.enqueue_dma source(%dma_start3A_982 : memref<8x32xf32, #tpu.memory_space<hbm>>) target(%dma_start3A_978 : memref<8x32xf32, #tpu.memory_space<vmem>>) target_semaphore(%arg14 : memref<!tpu.dma_semaphore, #tpu.memory_space<semaphore_mem>>)
      %slice3A_983 = vector.extract_strided_slice %shift_right_arithmetic3A_633 {offsets = [9], sizes = [1], strides = [1]} : vector<16xi32> to vector<1xi32>
      %squeeze3A_984 = vector.extract %slice3A_983[0] : i32 from vector<1xi32>
      %dma_start3A_985 = arith.constant 25 : i32
      %dma_start3A_986 = arith.constant 0 : i32
      %dma_start3A_987 = arith.constant 0 : i32
      %dma_start3A_988 = tpu.memref_slice %arg10[%dma_start3A_985, %dma_start3A_986, %dma_start3A_987] : memref<32x8x32xf32, #tpu.memory_space<vmem>> -> memref<1x8x32xf32, #tpu.memory_space<vmem>>
      %dma_start3A_989 = tpu.memref_squeeze %dma_start3A_988 : memref<1x8x32xf32, #tpu.memory_space<vmem>> -> memref<8x32xf32, #tpu.memory_space<vmem>>
      %dma_start3A_990 = arith.constant 0 : i32
      %dma_start3A_991 = arith.constant 0 : i32
      %dma_start3A_992 = tpu.memref_slice %arg4[%squeeze3A_984, %dma_start3A_990, %dma_start3A_991] : memref<125000x8x32xf32, #tpu.memory_space<hbm>> -> memref<1x8x32xf32, #tpu.memory_space<hbm>>
      %dma_start3A_993 = tpu.memref_squeeze %dma_start3A_992 : memref<1x8x32xf32, #tpu.memory_space<hbm>> -> memref<8x32xf32, #tpu.memory_space<hbm>>
      %dma_start3A_994 = arith.constant 0 : i32
      %dma_start3A_995 = arith.constant 0 : i32
      %dma_start3A_996 = tpu.memref_slice %arg10[%dma_start3A_985, %dma_start3A_994, %dma_start3A_995] : memref<32x8x32xf32, #tpu.memory_space<vmem>> -> memref<1x8x32xf32, #tpu.memory_space<vmem>>
      %dma_start3A_997 = tpu.memref_squeeze %dma_start3A_996 : memref<1x8x32xf32, #tpu.memory_space<vmem>> -> memref<8x32xf32, #tpu.memory_space<vmem>>
      %dma_start3A_998 = arith.constant 0 : i32
      %dma_start3A_999 = arith.constant 0 : i32
      %dma_start3A_1000 = tpu.memref_slice %arg4[%squeeze3A_984, %dma_start3A_998, %dma_start3A_999] : memref<125000x8x32xf32, #tpu.memory_space<hbm>> -> memref<1x8x32xf32, #tpu.memory_space<hbm>>
      %dma_start3A_1001 = tpu.memref_squeeze %dma_start3A_1000 : memref<1x8x32xf32, #tpu.memory_space<hbm>> -> memref<8x32xf32, #tpu.memory_space<hbm>>
      tpu.enqueue_dma source(%dma_start3A_1001 : memref<8x32xf32, #tpu.memory_space<hbm>>) target(%dma_start3A_997 : memref<8x32xf32, #tpu.memory_space<vmem>>) target_semaphore(%arg14 : memref<!tpu.dma_semaphore, #tpu.memory_space<semaphore_mem>>)
      %slice3A_1002 = vector.extract_strided_slice %shift_right_arithmetic3A_640 {offsets = [9], sizes = [1], strides = [1]} : vector<16xi32> to vector<1xi32>
      %squeeze3A_1003 = vector.extract %slice3A_1002[0] : i32 from vector<1xi32>
      %dma_start3A_1004 = arith.constant 25 : i32
      %dma_start3A_1005 = arith.constant 0 : i32
      %dma_start3A_1006 = arith.constant 0 : i32
      %dma_start3A_1007 = tpu.memref_slice %arg11[%dma_start3A_1004, %dma_start3A_1005, %dma_start3A_1006] : memref<32x8x32xf32, #tpu.memory_space<vmem>> -> memref<1x8x32xf32, #tpu.memory_space<vmem>>
      %dma_start3A_1008 = tpu.memref_squeeze %dma_start3A_1007 : memref<1x8x32xf32, #tpu.memory_space<vmem>> -> memref<8x32xf32, #tpu.memory_space<vmem>>
      %dma_start3A_1009 = arith.constant 0 : i32
      %dma_start3A_1010 = arith.constant 0 : i32
      %dma_start3A_1011 = tpu.memref_slice %arg5[%squeeze3A_1003, %dma_start3A_1009, %dma_start3A_1010] : memref<125000x8x32xf32, #tpu.memory_space<hbm>> -> memref<1x8x32xf32, #tpu.memory_space<hbm>>
      %dma_start3A_1012 = tpu.memref_squeeze %dma_start3A_1011 : memref<1x8x32xf32, #tpu.memory_space<hbm>> -> memref<8x32xf32, #tpu.memory_space<hbm>>
      %dma_start3A_1013 = arith.constant 0 : i32
      %dma_start3A_1014 = arith.constant 0 : i32
      %dma_start3A_1015 = tpu.memref_slice %arg11[%dma_start3A_1004, %dma_start3A_1013, %dma_start3A_1014] : memref<32x8x32xf32, #tpu.memory_space<vmem>> -> memref<1x8x32xf32, #tpu.memory_space<vmem>>
      %dma_start3A_1016 = tpu.memref_squeeze %dma_start3A_1015 : memref<1x8x32xf32, #tpu.memory_space<vmem>> -> memref<8x32xf32, #tpu.memory_space<vmem>>
      %dma_start3A_1017 = arith.constant 0 : i32
      %dma_start3A_1018 = arith.constant 0 : i32
      %dma_start3A_1019 = tpu.memref_slice %arg5[%squeeze3A_1003, %dma_start3A_1017, %dma_start3A_1018] : memref<125000x8x32xf32, #tpu.memory_space<hbm>> -> memref<1x8x32xf32, #tpu.memory_space<hbm>>
      %dma_start3A_1020 = tpu.memref_squeeze %dma_start3A_1019 : memref<1x8x32xf32, #tpu.memory_space<hbm>> -> memref<8x32xf32, #tpu.memory_space<hbm>>
      tpu.enqueue_dma source(%dma_start3A_1020 : memref<8x32xf32, #tpu.memory_space<hbm>>) target(%dma_start3A_1016 : memref<8x32xf32, #tpu.memory_space<vmem>>) target_semaphore(%arg14 : memref<!tpu.dma_semaphore, #tpu.memory_space<semaphore_mem>>)
      %slice3A_1021 = vector.extract_strided_slice %shift_right_arithmetic3A_633 {offsets = [10], sizes = [1], strides = [1]} : vector<16xi32> to vector<1xi32>
      %squeeze3A_1022 = vector.extract %slice3A_1021[0] : i32 from vector<1xi32>
      %dma_start3A_1023 = arith.constant 26 : i32
      %dma_start3A_1024 = arith.constant 0 : i32
      %dma_start3A_1025 = arith.constant 0 : i32
      %dma_start3A_1026 = tpu.memref_slice %arg10[%dma_start3A_1023, %dma_start3A_1024, %dma_start3A_1025] : memref<32x8x32xf32, #tpu.memory_space<vmem>> -> memref<1x8x32xf32, #tpu.memory_space<vmem>>
      %dma_start3A_1027 = tpu.memref_squeeze %dma_start3A_1026 : memref<1x8x32xf32, #tpu.memory_space<vmem>> -> memref<8x32xf32, #tpu.memory_space<vmem>>
      %dma_start3A_1028 = arith.constant 0 : i32
      %dma_start3A_1029 = arith.constant 0 : i32
      %dma_start3A_1030 = tpu.memref_slice %arg4[%squeeze3A_1022, %dma_start3A_1028, %dma_start3A_1029] : memref<125000x8x32xf32, #tpu.memory_space<hbm>> -> memref<1x8x32xf32, #tpu.memory_space<hbm>>
      %dma_start3A_1031 = tpu.memref_squeeze %dma_start3A_1030 : memref<1x8x32xf32, #tpu.memory_space<hbm>> -> memref<8x32xf32, #tpu.memory_space<hbm>>
      %dma_start3A_1032 = arith.constant 0 : i32
      %dma_start3A_1033 = arith.constant 0 : i32
      %dma_start3A_1034 = tpu.memref_slice %arg10[%dma_start3A_1023, %dma_start3A_1032, %dma_start3A_1033] : memref<32x8x32xf32, #tpu.memory_space<vmem>> -> memref<1x8x32xf32, #tpu.memory_space<vmem>>
      %dma_start3A_1035 = tpu.memref_squeeze %dma_start3A_1034 : memref<1x8x32xf32, #tpu.memory_space<vmem>> -> memref<8x32xf32, #tpu.memory_space<vmem>>
      %dma_start3A_1036 = arith.constant 0 : i32
      %dma_start3A_1037 = arith.constant 0 : i32
      %dma_start3A_1038 = tpu.memref_slice %arg4[%squeeze3A_1022, %dma_start3A_1036, %dma_start3A_1037] : memref<125000x8x32xf32, #tpu.memory_space<hbm>> -> memref<1x8x32xf32, #tpu.memory_space<hbm>>
      %dma_start3A_1039 = tpu.memref_squeeze %dma_start3A_1038 : memref<1x8x32xf32, #tpu.memory_space<hbm>> -> memref<8x32xf32, #tpu.memory_space<hbm>>
      tpu.enqueue_dma source(%dma_start3A_1039 : memref<8x32xf32, #tpu.memory_space<hbm>>) target(%dma_start3A_1035 : memref<8x32xf32, #tpu.memory_space<vmem>>) target_semaphore(%arg14 : memref<!tpu.dma_semaphore, #tpu.memory_space<semaphore_mem>>)
      %slice3A_1040 = vector.extract_strided_slice %shift_right_arithmetic3A_640 {offsets = [10], sizes = [1], strides = [1]} : vector<16xi32> to vector<1xi32>
      %squeeze3A_1041 = vector.extract %slice3A_1040[0] : i32 from vector<1xi32>
      %dma_start3A_1042 = arith.constant 26 : i32
      %dma_start3A_1043 = arith.constant 0 : i32
      %dma_start3A_1044 = arith.constant 0 : i32
      %dma_start3A_1045 = tpu.memref_slice %arg11[%dma_start3A_1042, %dma_start3A_1043, %dma_start3A_1044] : memref<32x8x32xf32, #tpu.memory_space<vmem>> -> memref<1x8x32xf32, #tpu.memory_space<vmem>>
      %dma_start3A_1046 = tpu.memref_squeeze %dma_start3A_1045 : memref<1x8x32xf32, #tpu.memory_space<vmem>> -> memref<8x32xf32, #tpu.memory_space<vmem>>
      %dma_start3A_1047 = arith.constant 0 : i32
      %dma_start3A_1048 = arith.constant 0 : i32
      %dma_start3A_1049 = tpu.memref_slice %arg5[%squeeze3A_1041, %dma_start3A_1047, %dma_start3A_1048] : memref<125000x8x32xf32, #tpu.memory_space<hbm>> -> memref<1x8x32xf32, #tpu.memory_space<hbm>>
      %dma_start3A_1050 = tpu.memref_squeeze %dma_start3A_1049 : memref<1x8x32xf32, #tpu.memory_space<hbm>> -> memref<8x32xf32, #tpu.memory_space<hbm>>
      %dma_start3A_1051 = arith.constant 0 : i32
      %dma_start3A_1052 = arith.constant 0 : i32
      %dma_start3A_1053 = tpu.memref_slice %arg11[%dma_start3A_1042, %dma_start3A_1051, %dma_start3A_1052] : memref<32x8x32xf32, #tpu.memory_space<vmem>> -> memref<1x8x32xf32, #tpu.memory_space<vmem>>
      %dma_start3A_1054 = tpu.memref_squeeze %dma_start3A_1053 : memref<1x8x32xf32, #tpu.memory_space<vmem>> -> memref<8x32xf32, #tpu.memory_space<vmem>>
      %dma_start3A_1055 = arith.constant 0 : i32
      %dma_start3A_1056 = arith.constant 0 : i32
      %dma_start3A_1057 = tpu.memref_slice %arg5[%squeeze3A_1041, %dma_start3A_1055, %dma_start3A_1056] : memref<125000x8x32xf32, #tpu.memory_space<hbm>> -> memref<1x8x32xf32, #tpu.memory_space<hbm>>
      %dma_start3A_1058 = tpu.memref_squeeze %dma_start3A_1057 : memref<1x8x32xf32, #tpu.memory_space<hbm>> -> memref<8x32xf32, #tpu.memory_space<hbm>>
      tpu.enqueue_dma source(%dma_start3A_1058 : memref<8x32xf32, #tpu.memory_space<hbm>>) target(%dma_start3A_1054 : memref<8x32xf32, #tpu.memory_space<vmem>>) target_semaphore(%arg14 : memref<!tpu.dma_semaphore, #tpu.memory_space<semaphore_mem>>)
      %slice3A_1059 = vector.extract_strided_slice %shift_right_arithmetic3A_633 {offsets = [11], sizes = [1], strides = [1]} : vector<16xi32> to vector<1xi32>
      %squeeze3A_1060 = vector.extract %slice3A_1059[0] : i32 from vector<1xi32>
      %dma_start3A_1061 = arith.constant 27 : i32
      %dma_start3A_1062 = arith.constant 0 : i32
      %dma_start3A_1063 = arith.constant 0 : i32
      %dma_start3A_1064 = tpu.memref_slice %arg10[%dma_start3A_1061, %dma_start3A_1062, %dma_start3A_1063] : memref<32x8x32xf32, #tpu.memory_space<vmem>> -> memref<1x8x32xf32, #tpu.memory_space<vmem>>
      %dma_start3A_1065 = tpu.memref_squeeze %dma_start3A_1064 : memref<1x8x32xf32, #tpu.memory_space<vmem>> -> memref<8x32xf32, #tpu.memory_space<vmem>>
      %dma_start3A_1066 = arith.constant 0 : i32
      %dma_start3A_1067 = arith.constant 0 : i32
      %dma_start3A_1068 = tpu.memref_slice %arg4[%squeeze3A_1060, %dma_start3A_1066, %dma_start3A_1067] : memref<125000x8x32xf32, #tpu.memory_space<hbm>> -> memref<1x8x32xf32, #tpu.memory_space<hbm>>
      %dma_start3A_1069 = tpu.memref_squeeze %dma_start3A_1068 : memref<1x8x32xf32, #tpu.memory_space<hbm>> -> memref<8x32xf32, #tpu.memory_space<hbm>>
      %dma_start3A_1070 = arith.constant 0 : i32
      %dma_start3A_1071 = arith.constant 0 : i32
      %dma_start3A_1072 = tpu.memref_slice %arg10[%dma_start3A_1061, %dma_start3A_1070, %dma_start3A_1071] : memref<32x8x32xf32, #tpu.memory_space<vmem>> -> memref<1x8x32xf32, #tpu.memory_space<vmem>>
      %dma_start3A_1073 = tpu.memref_squeeze %dma_start3A_1072 : memref<1x8x32xf32, #tpu.memory_space<vmem>> -> memref<8x32xf32, #tpu.memory_space<vmem>>
      %dma_start3A_1074 = arith.constant 0 : i32
      %dma_start3A_1075 = arith.constant 0 : i32
      %dma_start3A_1076 = tpu.memref_slice %arg4[%squeeze3A_1060, %dma_start3A_1074, %dma_start3A_1075] : memref<125000x8x32xf32, #tpu.memory_space<hbm>> -> memref<1x8x32xf32, #tpu.memory_space<hbm>>
      %dma_start3A_1077 = tpu.memref_squeeze %dma_start3A_1076 : memref<1x8x32xf32, #tpu.memory_space<hbm>> -> memref<8x32xf32, #tpu.memory_space<hbm>>
      tpu.enqueue_dma source(%dma_start3A_1077 : memref<8x32xf32, #tpu.memory_space<hbm>>) target(%dma_start3A_1073 : memref<8x32xf32, #tpu.memory_space<vmem>>) target_semaphore(%arg14 : memref<!tpu.dma_semaphore, #tpu.memory_space<semaphore_mem>>)
      %slice3A_1078 = vector.extract_strided_slice %shift_right_arithmetic3A_640 {offsets = [11], sizes = [1], strides = [1]} : vector<16xi32> to vector<1xi32>
      %squeeze3A_1079 = vector.extract %slice3A_1078[0] : i32 from vector<1xi32>
      %dma_start3A_1080 = arith.constant 27 : i32
      %dma_start3A_1081 = arith.constant 0 : i32
      %dma_start3A_1082 = arith.constant 0 : i32
      %dma_start3A_1083 = tpu.memref_slice %arg11[%dma_start3A_1080, %dma_start3A_1081, %dma_start3A_1082] : memref<32x8x32xf32, #tpu.memory_space<vmem>> -> memref<1x8x32xf32, #tpu.memory_space<vmem>>
      %dma_start3A_1084 = tpu.memref_squeeze %dma_start3A_1083 : memref<1x8x32xf32, #tpu.memory_space<vmem>> -> memref<8x32xf32, #tpu.memory_space<vmem>>
      %dma_start3A_1085 = arith.constant 0 : i32
      %dma_start3A_1086 = arith.constant 0 : i32
      %dma_start3A_1087 = tpu.memref_slice %arg5[%squeeze3A_1079, %dma_start3A_1085, %dma_start3A_1086] : memref<125000x8x32xf32, #tpu.memory_space<hbm>> -> memref<1x8x32xf32, #tpu.memory_space<hbm>>
      %dma_start3A_1088 = tpu.memref_squeeze %dma_start3A_1087 : memref<1x8x32xf32, #tpu.memory_space<hbm>> -> memref<8x32xf32, #tpu.memory_space<hbm>>
      %dma_start3A_1089 = arith.constant 0 : i32
      %dma_start3A_1090 = arith.constant 0 : i32
      %dma_start3A_1091 = tpu.memref_slice %arg11[%dma_start3A_1080, %dma_start3A_1089, %dma_start3A_1090] : memref<32x8x32xf32, #tpu.memory_space<vmem>> -> memref<1x8x32xf32, #tpu.memory_space<vmem>>
      %dma_start3A_1092 = tpu.memref_squeeze %dma_start3A_1091 : memref<1x8x32xf32, #tpu.memory_space<vmem>> -> memref<8x32xf32, #tpu.memory_space<vmem>>
      %dma_start3A_1093 = arith.constant 0 : i32
      %dma_start3A_1094 = arith.constant 0 : i32
      %dma_start3A_1095 = tpu.memref_slice %arg5[%squeeze3A_1079, %dma_start3A_1093, %dma_start3A_1094] : memref<125000x8x32xf32, #tpu.memory_space<hbm>> -> memref<1x8x32xf32, #tpu.memory_space<hbm>>
      %dma_start3A_1096 = tpu.memref_squeeze %dma_start3A_1095 : memref<1x8x32xf32, #tpu.memory_space<hbm>> -> memref<8x32xf32, #tpu.memory_space<hbm>>
      tpu.enqueue_dma source(%dma_start3A_1096 : memref<8x32xf32, #tpu.memory_space<hbm>>) target(%dma_start3A_1092 : memref<8x32xf32, #tpu.memory_space<vmem>>) target_semaphore(%arg14 : memref<!tpu.dma_semaphore, #tpu.memory_space<semaphore_mem>>)
      %slice3A_1097 = vector.extract_strided_slice %shift_right_arithmetic3A_633 {offsets = [12], sizes = [1], strides = [1]} : vector<16xi32> to vector<1xi32>
      %squeeze3A_1098 = vector.extract %slice3A_1097[0] : i32 from vector<1xi32>
      %dma_start3A_1099 = arith.constant 28 : i32
      %dma_start3A_1100 = arith.constant 0 : i32
      %dma_start3A_1101 = arith.constant 0 : i32
      %dma_start3A_1102 = tpu.memref_slice %arg10[%dma_start3A_1099, %dma_start3A_1100, %dma_start3A_1101] : memref<32x8x32xf32, #tpu.memory_space<vmem>> -> memref<1x8x32xf32, #tpu.memory_space<vmem>>
      %dma_start3A_1103 = tpu.memref_squeeze %dma_start3A_1102 : memref<1x8x32xf32, #tpu.memory_space<vmem>> -> memref<8x32xf32, #tpu.memory_space<vmem>>
      %dma_start3A_1104 = arith.constant 0 : i32
      %dma_start3A_1105 = arith.constant 0 : i32
      %dma_start3A_1106 = tpu.memref_slice %arg4[%squeeze3A_1098, %dma_start3A_1104, %dma_start3A_1105] : memref<125000x8x32xf32, #tpu.memory_space<hbm>> -> memref<1x8x32xf32, #tpu.memory_space<hbm>>
      %dma_start3A_1107 = tpu.memref_squeeze %dma_start3A_1106 : memref<1x8x32xf32, #tpu.memory_space<hbm>> -> memref<8x32xf32, #tpu.memory_space<hbm>>
      %dma_start3A_1108 = arith.constant 0 : i32
      %dma_start3A_1109 = arith.constant 0 : i32
      %dma_start3A_1110 = tpu.memref_slice %arg10[%dma_start3A_1099, %dma_start3A_1108, %dma_start3A_1109] : memref<32x8x32xf32, #tpu.memory_space<vmem>> -> memref<1x8x32xf32, #tpu.memory_space<vmem>>
      %dma_start3A_1111 = tpu.memref_squeeze %dma_start3A_1110 : memref<1x8x32xf32, #tpu.memory_space<vmem>> -> memref<8x32xf32, #tpu.memory_space<vmem>>
      %dma_start3A_1112 = arith.constant 0 : i32
      %dma_start3A_1113 = arith.constant 0 : i32
      %dma_start3A_1114 = tpu.memref_slice %arg4[%squeeze3A_1098, %dma_start3A_1112, %dma_start3A_1113] : memref<125000x8x32xf32, #tpu.memory_space<hbm>> -> memref<1x8x32xf32, #tpu.memory_space<hbm>>
      %dma_start3A_1115 = tpu.memref_squeeze %dma_start3A_1114 : memref<1x8x32xf32, #tpu.memory_space<hbm>> -> memref<8x32xf32, #tpu.memory_space<hbm>>
      tpu.enqueue_dma source(%dma_start3A_1115 : memref<8x32xf32, #tpu.memory_space<hbm>>) target(%dma_start3A_1111 : memref<8x32xf32, #tpu.memory_space<vmem>>) target_semaphore(%arg14 : memref<!tpu.dma_semaphore, #tpu.memory_space<semaphore_mem>>)
      %slice3A_1116 = vector.extract_strided_slice %shift_right_arithmetic3A_640 {offsets = [12], sizes = [1], strides = [1]} : vector<16xi32> to vector<1xi32>
      %squeeze3A_1117 = vector.extract %slice3A_1116[0] : i32 from vector<1xi32>
      %dma_start3A_1118 = arith.constant 28 : i32
      %dma_start3A_1119 = arith.constant 0 : i32
      %dma_start3A_1120 = arith.constant 0 : i32
      %dma_start3A_1121 = tpu.memref_slice %arg11[%dma_start3A_1118, %dma_start3A_1119, %dma_start3A_1120] : memref<32x8x32xf32, #tpu.memory_space<vmem>> -> memref<1x8x32xf32, #tpu.memory_space<vmem>>
      %dma_start3A_1122 = tpu.memref_squeeze %dma_start3A_1121 : memref<1x8x32xf32, #tpu.memory_space<vmem>> -> memref<8x32xf32, #tpu.memory_space<vmem>>
      %dma_start3A_1123 = arith.constant 0 : i32
      %dma_start3A_1124 = arith.constant 0 : i32
      %dma_start3A_1125 = tpu.memref_slice %arg5[%squeeze3A_1117, %dma_start3A_1123, %dma_start3A_1124] : memref<125000x8x32xf32, #tpu.memory_space<hbm>> -> memref<1x8x32xf32, #tpu.memory_space<hbm>>
      %dma_start3A_1126 = tpu.memref_squeeze %dma_start3A_1125 : memref<1x8x32xf32, #tpu.memory_space<hbm>> -> memref<8x32xf32, #tpu.memory_space<hbm>>
      %dma_start3A_1127 = arith.constant 0 : i32
      %dma_start3A_1128 = arith.constant 0 : i32
      %dma_start3A_1129 = tpu.memref_slice %arg11[%dma_start3A_1118, %dma_start3A_1127, %dma_start3A_1128] : memref<32x8x32xf32, #tpu.memory_space<vmem>> -> memref<1x8x32xf32, #tpu.memory_space<vmem>>
      %dma_start3A_1130 = tpu.memref_squeeze %dma_start3A_1129 : memref<1x8x32xf32, #tpu.memory_space<vmem>> -> memref<8x32xf32, #tpu.memory_space<vmem>>
      %dma_start3A_1131 = arith.constant 0 : i32
      %dma_start3A_1132 = arith.constant 0 : i32
      %dma_start3A_1133 = tpu.memref_slice %arg5[%squeeze3A_1117, %dma_start3A_1131, %dma_start3A_1132] : memref<125000x8x32xf32, #tpu.memory_space<hbm>> -> memref<1x8x32xf32, #tpu.memory_space<hbm>>
      %dma_start3A_1134 = tpu.memref_squeeze %dma_start3A_1133 : memref<1x8x32xf32, #tpu.memory_space<hbm>> -> memref<8x32xf32, #tpu.memory_space<hbm>>
      tpu.enqueue_dma source(%dma_start3A_1134 : memref<8x32xf32, #tpu.memory_space<hbm>>) target(%dma_start3A_1130 : memref<8x32xf32, #tpu.memory_space<vmem>>) target_semaphore(%arg14 : memref<!tpu.dma_semaphore, #tpu.memory_space<semaphore_mem>>)
      %slice3A_1135 = vector.extract_strided_slice %shift_right_arithmetic3A_633 {offsets = [13], sizes = [1], strides = [1]} : vector<16xi32> to vector<1xi32>
      %squeeze3A_1136 = vector.extract %slice3A_1135[0] : i32 from vector<1xi32>
      %dma_start3A_1137 = arith.constant 29 : i32
      %dma_start3A_1138 = arith.constant 0 : i32
      %dma_start3A_1139 = arith.constant 0 : i32
      %dma_start3A_1140 = tpu.memref_slice %arg10[%dma_start3A_1137, %dma_start3A_1138, %dma_start3A_1139] : memref<32x8x32xf32, #tpu.memory_space<vmem>> -> memref<1x8x32xf32, #tpu.memory_space<vmem>>
      %dma_start3A_1141 = tpu.memref_squeeze %dma_start3A_1140 : memref<1x8x32xf32, #tpu.memory_space<vmem>> -> memref<8x32xf32, #tpu.memory_space<vmem>>
      %dma_start3A_1142 = arith.constant 0 : i32
      %dma_start3A_1143 = arith.constant 0 : i32
      %dma_start3A_1144 = tpu.memref_slice %arg4[%squeeze3A_1136, %dma_start3A_1142, %dma_start3A_1143] : memref<125000x8x32xf32, #tpu.memory_space<hbm>> -> memref<1x8x32xf32, #tpu.memory_space<hbm>>
      %dma_start3A_1145 = tpu.memref_squeeze %dma_start3A_1144 : memref<1x8x32xf32, #tpu.memory_space<hbm>> -> memref<8x32xf32, #tpu.memory_space<hbm>>
      %dma_start3A_1146 = arith.constant 0 : i32
      %dma_start3A_1147 = arith.constant 0 : i32
      %dma_start3A_1148 = tpu.memref_slice %arg10[%dma_start3A_1137, %dma_start3A_1146, %dma_start3A_1147] : memref<32x8x32xf32, #tpu.memory_space<vmem>> -> memref<1x8x32xf32, #tpu.memory_space<vmem>>
      %dma_start3A_1149 = tpu.memref_squeeze %dma_start3A_1148 : memref<1x8x32xf32, #tpu.memory_space<vmem>> -> memref<8x32xf32, #tpu.memory_space<vmem>>
      %dma_start3A_1150 = arith.constant 0 : i32
      %dma_start3A_1151 = arith.constant 0 : i32
      %dma_start3A_1152 = tpu.memref_slice %arg4[%squeeze3A_1136, %dma_start3A_1150, %dma_start3A_1151] : memref<125000x8x32xf32, #tpu.memory_space<hbm>> -> memref<1x8x32xf32, #tpu.memory_space<hbm>>
      %dma_start3A_1153 = tpu.memref_squeeze %dma_start3A_1152 : memref<1x8x32xf32, #tpu.memory_space<hbm>> -> memref<8x32xf32, #tpu.memory_space<hbm>>
      tpu.enqueue_dma source(%dma_start3A_1153 : memref<8x32xf32, #tpu.memory_space<hbm>>) target(%dma_start3A_1149 : memref<8x32xf32, #tpu.memory_space<vmem>>) target_semaphore(%arg14 : memref<!tpu.dma_semaphore, #tpu.memory_space<semaphore_mem>>)
      %slice3A_1154 = vector.extract_strided_slice %shift_right_arithmetic3A_640 {offsets = [13], sizes = [1], strides = [1]} : vector<16xi32> to vector<1xi32>
      %squeeze3A_1155 = vector.extract %slice3A_1154[0] : i32 from vector<1xi32>
      %dma_start3A_1156 = arith.constant 29 : i32
      %dma_start3A_1157 = arith.constant 0 : i32
      %dma_start3A_1158 = arith.constant 0 : i32
      %dma_start3A_1159 = tpu.memref_slice %arg11[%dma_start3A_1156, %dma_start3A_1157, %dma_start3A_1158] : memref<32x8x32xf32, #tpu.memory_space<vmem>> -> memref<1x8x32xf32, #tpu.memory_space<vmem>>
      %dma_start3A_1160 = tpu.memref_squeeze %dma_start3A_1159 : memref<1x8x32xf32, #tpu.memory_space<vmem>> -> memref<8x32xf32, #tpu.memory_space<vmem>>
      %dma_start3A_1161 = arith.constant 0 : i32
      %dma_start3A_1162 = arith.constant 0 : i32
      %dma_start3A_1163 = tpu.memref_slice %arg5[%squeeze3A_1155, %dma_start3A_1161, %dma_start3A_1162] : memref<125000x8x32xf32, #tpu.memory_space<hbm>> -> memref<1x8x32xf32, #tpu.memory_space<hbm>>
      %dma_start3A_1164 = tpu.memref_squeeze %dma_start3A_1163 : memref<1x8x32xf32, #tpu.memory_space<hbm>> -> memref<8x32xf32, #tpu.memory_space<hbm>>
      %dma_start3A_1165 = arith.constant 0 : i32
      %dma_start3A_1166 = arith.constant 0 : i32
      %dma_start3A_1167 = tpu.memref_slice %arg11[%dma_start3A_1156, %dma_start3A_1165, %dma_start3A_1166] : memref<32x8x32xf32, #tpu.memory_space<vmem>> -> memref<1x8x32xf32, #tpu.memory_space<vmem>>
      %dma_start3A_1168 = tpu.memref_squeeze %dma_start3A_1167 : memref<1x8x32xf32, #tpu.memory_space<vmem>> -> memref<8x32xf32, #tpu.memory_space<vmem>>
      %dma_start3A_1169 = arith.constant 0 : i32
      %dma_start3A_1170 = arith.constant 0 : i32
      %dma_start3A_1171 = tpu.memref_slice %arg5[%squeeze3A_1155, %dma_start3A_1169, %dma_start3A_1170] : memref<125000x8x32xf32, #tpu.memory_space<hbm>> -> memref<1x8x32xf32, #tpu.memory_space<hbm>>
      %dma_start3A_1172 = tpu.memref_squeeze %dma_start3A_1171 : memref<1x8x32xf32, #tpu.memory_space<hbm>> -> memref<8x32xf32, #tpu.memory_space<hbm>>
      tpu.enqueue_dma source(%dma_start3A_1172 : memref<8x32xf32, #tpu.memory_space<hbm>>) target(%dma_start3A_1168 : memref<8x32xf32, #tpu.memory_space<vmem>>) target_semaphore(%arg14 : memref<!tpu.dma_semaphore, #tpu.memory_space<semaphore_mem>>)
      %slice3A_1173 = vector.extract_strided_slice %shift_right_arithmetic3A_633 {offsets = [14], sizes = [1], strides = [1]} : vector<16xi32> to vector<1xi32>
      %squeeze3A_1174 = vector.extract %slice3A_1173[0] : i32 from vector<1xi32>
      %dma_start3A_1175 = arith.constant 30 : i32
      %dma_start3A_1176 = arith.constant 0 : i32
      %dma_start3A_1177 = arith.constant 0 : i32
      %dma_start3A_1178 = tpu.memref_slice %arg10[%dma_start3A_1175, %dma_start3A_1176, %dma_start3A_1177] : memref<32x8x32xf32, #tpu.memory_space<vmem>> -> memref<1x8x32xf32, #tpu.memory_space<vmem>>
      %dma_start3A_1179 = tpu.memref_squeeze %dma_start3A_1178 : memref<1x8x32xf32, #tpu.memory_space<vmem>> -> memref<8x32xf32, #tpu.memory_space<vmem>>
      %dma_start3A_1180 = arith.constant 0 : i32
      %dma_start3A_1181 = arith.constant 0 : i32
      %dma_start3A_1182 = tpu.memref_slice %arg4[%squeeze3A_1174, %dma_start3A_1180, %dma_start3A_1181] : memref<125000x8x32xf32, #tpu.memory_space<hbm>> -> memref<1x8x32xf32, #tpu.memory_space<hbm>>
      %dma_start3A_1183 = tpu.memref_squeeze %dma_start3A_1182 : memref<1x8x32xf32, #tpu.memory_space<hbm>> -> memref<8x32xf32, #tpu.memory_space<hbm>>
      %dma_start3A_1184 = arith.constant 0 : i32
      %dma_start3A_1185 = arith.constant 0 : i32
      %dma_start3A_1186 = tpu.memref_slice %arg10[%dma_start3A_1175, %dma_start3A_1184, %dma_start3A_1185] : memref<32x8x32xf32, #tpu.memory_space<vmem>> -> memref<1x8x32xf32, #tpu.memory_space<vmem>>
      %dma_start3A_1187 = tpu.memref_squeeze %dma_start3A_1186 : memref<1x8x32xf32, #tpu.memory_space<vmem>> -> memref<8x32xf32, #tpu.memory_space<vmem>>
      %dma_start3A_1188 = arith.constant 0 : i32
      %dma_start3A_1189 = arith.constant 0 : i32
      %dma_start3A_1190 = tpu.memref_slice %arg4[%squeeze3A_1174, %dma_start3A_1188, %dma_start3A_1189] : memref<125000x8x32xf32, #tpu.memory_space<hbm>> -> memref<1x8x32xf32, #tpu.memory_space<hbm>>
      %dma_start3A_1191 = tpu.memref_squeeze %dma_start3A_1190 : memref<1x8x32xf32, #tpu.memory_space<hbm>> -> memref<8x32xf32, #tpu.memory_space<hbm>>
      tpu.enqueue_dma source(%dma_start3A_1191 : memref<8x32xf32, #tpu.memory_space<hbm>>) target(%dma_start3A_1187 : memref<8x32xf32, #tpu.memory_space<vmem>>) target_semaphore(%arg14 : memref<!tpu.dma_semaphore, #tpu.memory_space<semaphore_mem>>)
      %slice3A_1192 = vector.extract_strided_slice %shift_right_arithmetic3A_640 {offsets = [14], sizes = [1], strides = [1]} : vector<16xi32> to vector<1xi32>
      %squeeze3A_1193 = vector.extract %slice3A_1192[0] : i32 from vector<1xi32>
      %dma_start3A_1194 = arith.constant 30 : i32
      %dma_start3A_1195 = arith.constant 0 : i32
      %dma_start3A_1196 = arith.constant 0 : i32
      %dma_start3A_1197 = tpu.memref_slice %arg11[%dma_start3A_1194, %dma_start3A_1195, %dma_start3A_1196] : memref<32x8x32xf32, #tpu.memory_space<vmem>> -> memref<1x8x32xf32, #tpu.memory_space<vmem>>
      %dma_start3A_1198 = tpu.memref_squeeze %dma_start3A_1197 : memref<1x8x32xf32, #tpu.memory_space<vmem>> -> memref<8x32xf32, #tpu.memory_space<vmem>>
      %dma_start3A_1199 = arith.constant 0 : i32
      %dma_start3A_1200 = arith.constant 0 : i32
      %dma_start3A_1201 = tpu.memref_slice %arg5[%squeeze3A_1193, %dma_start3A_1199, %dma_start3A_1200] : memref<125000x8x32xf32, #tpu.memory_space<hbm>> -> memref<1x8x32xf32, #tpu.memory_space<hbm>>
      %dma_start3A_1202 = tpu.memref_squeeze %dma_start3A_1201 : memref<1x8x32xf32, #tpu.memory_space<hbm>> -> memref<8x32xf32, #tpu.memory_space<hbm>>
      %dma_start3A_1203 = arith.constant 0 : i32
      %dma_start3A_1204 = arith.constant 0 : i32
      %dma_start3A_1205 = tpu.memref_slice %arg11[%dma_start3A_1194, %dma_start3A_1203, %dma_start3A_1204] : memref<32x8x32xf32, #tpu.memory_space<vmem>> -> memref<1x8x32xf32, #tpu.memory_space<vmem>>
      %dma_start3A_1206 = tpu.memref_squeeze %dma_start3A_1205 : memref<1x8x32xf32, #tpu.memory_space<vmem>> -> memref<8x32xf32, #tpu.memory_space<vmem>>
      %dma_start3A_1207 = arith.constant 0 : i32
      %dma_start3A_1208 = arith.constant 0 : i32
      %dma_start3A_1209 = tpu.memref_slice %arg5[%squeeze3A_1193, %dma_start3A_1207, %dma_start3A_1208] : memref<125000x8x32xf32, #tpu.memory_space<hbm>> -> memref<1x8x32xf32, #tpu.memory_space<hbm>>
      %dma_start3A_1210 = tpu.memref_squeeze %dma_start3A_1209 : memref<1x8x32xf32, #tpu.memory_space<hbm>> -> memref<8x32xf32, #tpu.memory_space<hbm>>
      tpu.enqueue_dma source(%dma_start3A_1210 : memref<8x32xf32, #tpu.memory_space<hbm>>) target(%dma_start3A_1206 : memref<8x32xf32, #tpu.memory_space<vmem>>) target_semaphore(%arg14 : memref<!tpu.dma_semaphore, #tpu.memory_space<semaphore_mem>>)
      %slice3A_1211 = vector.extract_strided_slice %shift_right_arithmetic3A_633 {offsets = [15], sizes = [1], strides = [1]} : vector<16xi32> to vector<1xi32>
      %squeeze3A_1212 = vector.extract %slice3A_1211[0] : i32 from vector<1xi32>
      %dma_start3A_1213 = arith.constant 31 : i32
      %dma_start3A_1214 = arith.constant 0 : i32
      %dma_start3A_1215 = arith.constant 0 : i32
      %dma_start3A_1216 = tpu.memref_slice %arg10[%dma_start3A_1213, %dma_start3A_1214, %dma_start3A_1215] : memref<32x8x32xf32, #tpu.memory_space<vmem>> -> memref<1x8x32xf32, #tpu.memory_space<vmem>>
      %dma_start3A_1217 = tpu.memref_squeeze %dma_start3A_1216 : memref<1x8x32xf32, #tpu.memory_space<vmem>> -> memref<8x32xf32, #tpu.memory_space<vmem>>
      %dma_start3A_1218 = arith.constant 0 : i32
      %dma_start3A_1219 = arith.constant 0 : i32
      %dma_start3A_1220 = tpu.memref_slice %arg4[%squeeze3A_1212, %dma_start3A_1218, %dma_start3A_1219] : memref<125000x8x32xf32, #tpu.memory_space<hbm>> -> memref<1x8x32xf32, #tpu.memory_space<hbm>>
      %dma_start3A_1221 = tpu.memref_squeeze %dma_start3A_1220 : memref<1x8x32xf32, #tpu.memory_space<hbm>> -> memref<8x32xf32, #tpu.memory_space<hbm>>
      %dma_start3A_1222 = arith.constant 0 : i32
      %dma_start3A_1223 = arith.constant 0 : i32
      %dma_start3A_1224 = tpu.memref_slice %arg10[%dma_start3A_1213, %dma_start3A_1222, %dma_start3A_1223] : memref<32x8x32xf32, #tpu.memory_space<vmem>> -> memref<1x8x32xf32, #tpu.memory_space<vmem>>
      %dma_start3A_1225 = tpu.memref_squeeze %dma_start3A_1224 : memref<1x8x32xf32, #tpu.memory_space<vmem>> -> memref<8x32xf32, #tpu.memory_space<vmem>>
      %dma_start3A_1226 = arith.constant 0 : i32
      %dma_start3A_1227 = arith.constant 0 : i32
      %dma_start3A_1228 = tpu.memref_slice %arg4[%squeeze3A_1212, %dma_start3A_1226, %dma_start3A_1227] : memref<125000x8x32xf32, #tpu.memory_space<hbm>> -> memref<1x8x32xf32, #tpu.memory_space<hbm>>
      %dma_start3A_1229 = tpu.memref_squeeze %dma_start3A_1228 : memref<1x8x32xf32, #tpu.memory_space<hbm>> -> memref<8x32xf32, #tpu.memory_space<hbm>>
      tpu.enqueue_dma source(%dma_start3A_1229 : memref<8x32xf32, #tpu.memory_space<hbm>>) target(%dma_start3A_1225 : memref<8x32xf32, #tpu.memory_space<vmem>>) target_semaphore(%arg14 : memref<!tpu.dma_semaphore, #tpu.memory_space<semaphore_mem>>)
      %slice3A_1230 = vector.extract_strided_slice %shift_right_arithmetic3A_640 {offsets = [15], sizes = [1], strides = [1]} : vector<16xi32> to vector<1xi32>
      %squeeze3A_1231 = vector.extract %slice3A_1230[0] : i32 from vector<1xi32>
      %dma_start3A_1232 = arith.constant 31 : i32
      %dma_start3A_1233 = arith.constant 0 : i32
      %dma_start3A_1234 = arith.constant 0 : i32
      %dma_start3A_1235 = tpu.memref_slice %arg11[%dma_start3A_1232, %dma_start3A_1233, %dma_start3A_1234] : memref<32x8x32xf32, #tpu.memory_space<vmem>> -> memref<1x8x32xf32, #tpu.memory_space<vmem>>
      %dma_start3A_1236 = tpu.memref_squeeze %dma_start3A_1235 : memref<1x8x32xf32, #tpu.memory_space<vmem>> -> memref<8x32xf32, #tpu.memory_space<vmem>>
      %dma_start3A_1237 = arith.constant 0 : i32
      %dma_start3A_1238 = arith.constant 0 : i32
      %dma_start3A_1239 = tpu.memref_slice %arg5[%squeeze3A_1231, %dma_start3A_1237, %dma_start3A_1238] : memref<125000x8x32xf32, #tpu.memory_space<hbm>> -> memref<1x8x32xf32, #tpu.memory_space<hbm>>
      %dma_start3A_1240 = tpu.memref_squeeze %dma_start3A_1239 : memref<1x8x32xf32, #tpu.memory_space<hbm>> -> memref<8x32xf32, #tpu.memory_space<hbm>>
      %dma_start3A_1241 = arith.constant 0 : i32
      %dma_start3A_1242 = arith.constant 0 : i32
      %dma_start3A_1243 = tpu.memref_slice %arg11[%dma_start3A_1232, %dma_start3A_1241, %dma_start3A_1242] : memref<32x8x32xf32, #tpu.memory_space<vmem>> -> memref<1x8x32xf32, #tpu.memory_space<vmem>>
      %dma_start3A_1244 = tpu.memref_squeeze %dma_start3A_1243 : memref<1x8x32xf32, #tpu.memory_space<vmem>> -> memref<8x32xf32, #tpu.memory_space<vmem>>
      %dma_start3A_1245 = arith.constant 0 : i32
      %dma_start3A_1246 = arith.constant 0 : i32
      %dma_start3A_1247 = tpu.memref_slice %arg5[%squeeze3A_1231, %dma_start3A_1245, %dma_start3A_1246] : memref<125000x8x32xf32, #tpu.memory_space<hbm>> -> memref<1x8x32xf32, #tpu.memory_space<hbm>>
      %dma_start3A_1248 = tpu.memref_squeeze %dma_start3A_1247 : memref<1x8x32xf32, #tpu.memory_space<hbm>> -> memref<8x32xf32, #tpu.memory_space<hbm>>
      tpu.enqueue_dma source(%dma_start3A_1248 : memref<8x32xf32, #tpu.memory_space<hbm>>) target(%dma_start3A_1244 : memref<8x32xf32, #tpu.memory_space<vmem>>) target_semaphore(%arg14 : memref<!tpu.dma_semaphore, #tpu.memory_space<semaphore_mem>>)
      %dma_wait3A = arith.constant 0 : i32
      %dma_wait3A_1249 = arith.constant 0 : i32
      %dma_wait3A_1250 = arith.constant 0 : i32
      %dma_wait3A_1251 = tpu.memref_slice %arg10[%dma_wait3A, %dma_wait3A_1249, %dma_wait3A_1250] : memref<32x8x32xf32, #tpu.memory_space<vmem>> -> memref<1x8x32xf32, #tpu.memory_space<vmem>>
      %dma_wait3A_1252 = tpu.memref_squeeze %dma_wait3A_1251 : memref<1x8x32xf32, #tpu.memory_space<vmem>> -> memref<8x32xf32, #tpu.memory_space<vmem>>
      %dma_wait3A_1253 = arith.constant 0 : i32
      %dma_wait3A_1254 = arith.constant 0 : i32
      %dma_wait3A_1255 = tpu.memref_slice %arg4[%squeeze3A, %dma_wait3A_1253, %dma_wait3A_1254] : memref<125000x8x32xf32, #tpu.memory_space<hbm>> -> memref<1x8x32xf32, #tpu.memory_space<hbm>>
      %dma_wait3A_1256 = tpu.memref_squeeze %dma_wait3A_1255 : memref<1x8x32xf32, #tpu.memory_space<hbm>> -> memref<8x32xf32, #tpu.memory_space<hbm>>
      %dma_wait3A_1257 = arith.constant 0 : i32
      %dma_wait3A_1258 = arith.constant 0 : i32
      %dma_wait3A_1259 = tpu.memref_slice %arg10[%dma_wait3A, %dma_wait3A_1257, %dma_wait3A_1258] : memref<32x8x32xf32, #tpu.memory_space<vmem>> -> memref<1x8x32xf32, #tpu.memory_space<vmem>>
      %dma_wait3A_1260 = tpu.memref_squeeze %dma_wait3A_1259 : memref<1x8x32xf32, #tpu.memory_space<vmem>> -> memref<8x32xf32, #tpu.memory_space<vmem>>
      %dma_wait3A_1261 = arith.constant 0 : i32
      %dma_wait3A_1262 = arith.constant 0 : i32
      %dma_wait3A_1263 = tpu.memref_slice %arg4[%squeeze3A, %dma_wait3A_1261, %dma_wait3A_1262] : memref<125000x8x32xf32, #tpu.memory_space<hbm>> -> memref<1x8x32xf32, #tpu.memory_space<hbm>>
      %dma_wait3A_1264 = tpu.memref_squeeze %dma_wait3A_1263 : memref<1x8x32xf32, #tpu.memory_space<hbm>> -> memref<8x32xf32, #tpu.memory_space<hbm>>
      tpu.wait_dma2 semaphore(%arg14 : memref<!tpu.dma_semaphore, #tpu.memory_space<semaphore_mem>>) src(%dma_wait3A_1264 : memref<8x32xf32, #tpu.memory_space<hbm>>) dst(%dma_wait3A_1260 : memref<8x32xf32, #tpu.memory_space<vmem>>)
      %dma_wait3A_1265 = arith.constant 0 : i32
      %dma_wait3A_1266 = arith.constant 0 : i32
      %dma_wait3A_1267 = arith.constant 0 : i32
      %dma_wait3A_1268 = tpu.memref_slice %arg11[%dma_wait3A_1265, %dma_wait3A_1266, %dma_wait3A_1267] : memref<32x8x32xf32, #tpu.memory_space<vmem>> -> memref<1x8x32xf32, #tpu.memory_space<vmem>>
      %dma_wait3A_1269 = tpu.memref_squeeze %dma_wait3A_1268 : memref<1x8x32xf32, #tpu.memory_space<vmem>> -> memref<8x32xf32, #tpu.memory_space<vmem>>
      %dma_wait3A_1270 = arith.constant 0 : i32
      %dma_wait3A_1271 = arith.constant 0 : i32
      %dma_wait3A_1272 = tpu.memref_slice %arg5[%squeeze3A_39, %dma_wait3A_1270, %dma_wait3A_1271] : memref<125000x8x32xf32, #tpu.memory_space<hbm>> -> memref<1x8x32xf32, #tpu.memory_space<hbm>>
      %dma_wait3A_1273 = tpu.memref_squeeze %dma_wait3A_1272 : memref<1x8x32xf32, #tpu.memory_space<hbm>> -> memref<8x32xf32, #tpu.memory_space<hbm>>
      %dma_wait3A_1274 = arith.constant 0 : i32
      %dma_wait3A_1275 = arith.constant 0 : i32
      %dma_wait3A_1276 = tpu.memref_slice %arg11[%dma_wait3A_1265, %dma_wait3A_1274, %dma_wait3A_1275] : memref<32x8x32xf32, #tpu.memory_space<vmem>> -> memref<1x8x32xf32, #tpu.memory_space<vmem>>
      %dma_wait3A_1277 = tpu.memref_squeeze %dma_wait3A_1276 : memref<1x8x32xf32, #tpu.memory_space<vmem>> -> memref<8x32xf32, #tpu.memory_space<vmem>>
      %dma_wait3A_1278 = arith.constant 0 : i32
      %dma_wait3A_1279 = arith.constant 0 : i32
      %dma_wait3A_1280 = tpu.memref_slice %arg5[%squeeze3A_39, %dma_wait3A_1278, %dma_wait3A_1279] : memref<125000x8x32xf32, #tpu.memory_space<hbm>> -> memref<1x8x32xf32, #tpu.memory_space<hbm>>
      %dma_wait3A_1281 = tpu.memref_squeeze %dma_wait3A_1280 : memref<1x8x32xf32, #tpu.memory_space<hbm>> -> memref<8x32xf32, #tpu.memory_space<hbm>>
      tpu.wait_dma2 semaphore(%arg14 : memref<!tpu.dma_semaphore, #tpu.memory_space<semaphore_mem>>) src(%dma_wait3A_1281 : memref<8x32xf32, #tpu.memory_space<hbm>>) dst(%dma_wait3A_1277 : memref<8x32xf32, #tpu.memory_space<vmem>>)
      %dma_wait3A_1282 = arith.constant 1 : i32
      %dma_wait3A_1283 = arith.constant 0 : i32
      %dma_wait3A_1284 = arith.constant 0 : i32
      %dma_wait3A_1285 = tpu.memref_slice %arg10[%dma_wait3A_1282, %dma_wait3A_1283, %dma_wait3A_1284] : memref<32x8x32xf32, #tpu.memory_space<vmem>> -> memref<1x8x32xf32, #tpu.memory_space<vmem>>
      %dma_wait3A_1286 = tpu.memref_squeeze %dma_wait3A_1285 : memref<1x8x32xf32, #tpu.memory_space<vmem>> -> memref<8x32xf32, #tpu.memory_space<vmem>>
      %dma_wait3A_1287 = arith.constant 0 : i32
      %dma_wait3A_1288 = arith.constant 0 : i32
      %dma_wait3A_1289 = tpu.memref_slice %arg4[%squeeze3A_58, %dma_wait3A_1287, %dma_wait3A_1288] : memref<125000x8x32xf32, #tpu.memory_space<hbm>> -> memref<1x8x32xf32, #tpu.memory_space<hbm>>
      %dma_wait3A_1290 = tpu.memref_squeeze %dma_wait3A_1289 : memref<1x8x32xf32, #tpu.memory_space<hbm>> -> memref<8x32xf32, #tpu.memory_space<hbm>>
      %dma_wait3A_1291 = arith.constant 0 : i32
      %dma_wait3A_1292 = arith.constant 0 : i32
      %dma_wait3A_1293 = tpu.memref_slice %arg10[%dma_wait3A_1282, %dma_wait3A_1291, %dma_wait3A_1292] : memref<32x8x32xf32, #tpu.memory_space<vmem>> -> memref<1x8x32xf32, #tpu.memory_space<vmem>>
      %dma_wait3A_1294 = tpu.memref_squeeze %dma_wait3A_1293 : memref<1x8x32xf32, #tpu.memory_space<vmem>> -> memref<8x32xf32, #tpu.memory_space<vmem>>
      %dma_wait3A_1295 = arith.constant 0 : i32
      %dma_wait3A_1296 = arith.constant 0 : i32
      %dma_wait3A_1297 = tpu.memref_slice %arg4[%squeeze3A_58, %dma_wait3A_1295, %dma_wait3A_1296] : memref<125000x8x32xf32, #tpu.memory_space<hbm>> -> memref<1x8x32xf32, #tpu.memory_space<hbm>>
      %dma_wait3A_1298 = tpu.memref_squeeze %dma_wait3A_1297 : memref<1x8x32xf32, #tpu.memory_space<hbm>> -> memref<8x32xf32, #tpu.memory_space<hbm>>
      tpu.wait_dma2 semaphore(%arg14 : memref<!tpu.dma_semaphore, #tpu.memory_space<semaphore_mem>>) src(%dma_wait3A_1298 : memref<8x32xf32, #tpu.memory_space<hbm>>) dst(%dma_wait3A_1294 : memref<8x32xf32, #tpu.memory_space<vmem>>)
      %dma_wait3A_1299 = arith.constant 1 : i32
      %dma_wait3A_1300 = arith.constant 0 : i32
      %dma_wait3A_1301 = arith.constant 0 : i32
      %dma_wait3A_1302 = tpu.memref_slice %arg11[%dma_wait3A_1299, %dma_wait3A_1300, %dma_wait3A_1301] : memref<32x8x32xf32, #tpu.memory_space<vmem>> -> memref<1x8x32xf32, #tpu.memory_space<vmem>>
      %dma_wait3A_1303 = tpu.memref_squeeze %dma_wait3A_1302 : memref<1x8x32xf32, #tpu.memory_space<vmem>> -> memref<8x32xf32, #tpu.memory_space<vmem>>
      %dma_wait3A_1304 = arith.constant 0 : i32
      %dma_wait3A_1305 = arith.constant 0 : i32
      %dma_wait3A_1306 = tpu.memref_slice %arg5[%squeeze3A_77, %dma_wait3A_1304, %dma_wait3A_1305] : memref<125000x8x32xf32, #tpu.memory_space<hbm>> -> memref<1x8x32xf32, #tpu.memory_space<hbm>>
      %dma_wait3A_1307 = tpu.memref_squeeze %dma_wait3A_1306 : memref<1x8x32xf32, #tpu.memory_space<hbm>> -> memref<8x32xf32, #tpu.memory_space<hbm>>
      %dma_wait3A_1308 = arith.constant 0 : i32
      %dma_wait3A_1309 = arith.constant 0 : i32
      %dma_wait3A_1310 = tpu.memref_slice %arg11[%dma_wait3A_1299, %dma_wait3A_1308, %dma_wait3A_1309] : memref<32x8x32xf32, #tpu.memory_space<vmem>> -> memref<1x8x32xf32, #tpu.memory_space<vmem>>
      %dma_wait3A_1311 = tpu.memref_squeeze %dma_wait3A_1310 : memref<1x8x32xf32, #tpu.memory_space<vmem>> -> memref<8x32xf32, #tpu.memory_space<vmem>>
      %dma_wait3A_1312 = arith.constant 0 : i32
      %dma_wait3A_1313 = arith.constant 0 : i32
      %dma_wait3A_1314 = tpu.memref_slice %arg5[%squeeze3A_77, %dma_wait3A_1312, %dma_wait3A_1313] : memref<125000x8x32xf32, #tpu.memory_space<hbm>> -> memref<1x8x32xf32, #tpu.memory_space<hbm>>
      %dma_wait3A_1315 = tpu.memref_squeeze %dma_wait3A_1314 : memref<1x8x32xf32, #tpu.memory_space<hbm>> -> memref<8x32xf32, #tpu.memory_space<hbm>>
      tpu.wait_dma2 semaphore(%arg14 : memref<!tpu.dma_semaphore, #tpu.memory_space<semaphore_mem>>) src(%dma_wait3A_1315 : memref<8x32xf32, #tpu.memory_space<hbm>>) dst(%dma_wait3A_1311 : memref<8x32xf32, #tpu.memory_space<vmem>>)
      %dma_wait3A_1316 = arith.constant 2 : i32
      %dma_wait3A_1317 = arith.constant 0 : i32
      %dma_wait3A_1318 = arith.constant 0 : i32
      %dma_wait3A_1319 = tpu.memref_slice %arg10[%dma_wait3A_1316, %dma_wait3A_1317, %dma_wait3A_1318] : memref<32x8x32xf32, #tpu.memory_space<vmem>> -> memref<1x8x32xf32, #tpu.memory_space<vmem>>
      %dma_wait3A_1320 = tpu.memref_squeeze %dma_wait3A_1319 : memref<1x8x32xf32, #tpu.memory_space<vmem>> -> memref<8x32xf32, #tpu.memory_space<vmem>>
      %dma_wait3A_1321 = arith.constant 0 : i32
      %dma_wait3A_1322 = arith.constant 0 : i32
      %dma_wait3A_1323 = tpu.memref_slice %arg4[%squeeze3A_96, %dma_wait3A_1321, %dma_wait3A_1322] : memref<125000x8x32xf32, #tpu.memory_space<hbm>> -> memref<1x8x32xf32, #tpu.memory_space<hbm>>
      %dma_wait3A_1324 = tpu.memref_squeeze %dma_wait3A_1323 : memref<1x8x32xf32, #tpu.memory_space<hbm>> -> memref<8x32xf32, #tpu.memory_space<hbm>>
      %dma_wait3A_1325 = arith.constant 0 : i32
      %dma_wait3A_1326 = arith.constant 0 : i32
      %dma_wait3A_1327 = tpu.memref_slice %arg10[%dma_wait3A_1316, %dma_wait3A_1325, %dma_wait3A_1326] : memref<32x8x32xf32, #tpu.memory_space<vmem>> -> memref<1x8x32xf32, #tpu.memory_space<vmem>>
      %dma_wait3A_1328 = tpu.memref_squeeze %dma_wait3A_1327 : memref<1x8x32xf32, #tpu.memory_space<vmem>> -> memref<8x32xf32, #tpu.memory_space<vmem>>
      %dma_wait3A_1329 = arith.constant 0 : i32
      %dma_wait3A_1330 = arith.constant 0 : i32
      %dma_wait3A_1331 = tpu.memref_slice %arg4[%squeeze3A_96, %dma_wait3A_1329, %dma_wait3A_1330] : memref<125000x8x32xf32, #tpu.memory_space<hbm>> -> memref<1x8x32xf32, #tpu.memory_space<hbm>>
      %dma_wait3A_1332 = tpu.memref_squeeze %dma_wait3A_1331 : memref<1x8x32xf32, #tpu.memory_space<hbm>> -> memref<8x32xf32, #tpu.memory_space<hbm>>
      tpu.wait_dma2 semaphore(%arg14 : memref<!tpu.dma_semaphore, #tpu.memory_space<semaphore_mem>>) src(%dma_wait3A_1332 : memref<8x32xf32, #tpu.memory_space<hbm>>) dst(%dma_wait3A_1328 : memref<8x32xf32, #tpu.memory_space<vmem>>)
      %dma_wait3A_1333 = arith.constant 2 : i32
      %dma_wait3A_1334 = arith.constant 0 : i32
      %dma_wait3A_1335 = arith.constant 0 : i32
      %dma_wait3A_1336 = tpu.memref_slice %arg11[%dma_wait3A_1333, %dma_wait3A_1334, %dma_wait3A_1335] : memref<32x8x32xf32, #tpu.memory_space<vmem>> -> memref<1x8x32xf32, #tpu.memory_space<vmem>>
      %dma_wait3A_1337 = tpu.memref_squeeze %dma_wait3A_1336 : memref<1x8x32xf32, #tpu.memory_space<vmem>> -> memref<8x32xf32, #tpu.memory_space<vmem>>
      %dma_wait3A_1338 = arith.constant 0 : i32
      %dma_wait3A_1339 = arith.constant 0 : i32
      %dma_wait3A_1340 = tpu.memref_slice %arg5[%squeeze3A_115, %dma_wait3A_1338, %dma_wait3A_1339] : memref<125000x8x32xf32, #tpu.memory_space<hbm>> -> memref<1x8x32xf32, #tpu.memory_space<hbm>>
      %dma_wait3A_1341 = tpu.memref_squeeze %dma_wait3A_1340 : memref<1x8x32xf32, #tpu.memory_space<hbm>> -> memref<8x32xf32, #tpu.memory_space<hbm>>
      %dma_wait3A_1342 = arith.constant 0 : i32
      %dma_wait3A_1343 = arith.constant 0 : i32
      %dma_wait3A_1344 = tpu.memref_slice %arg11[%dma_wait3A_1333, %dma_wait3A_1342, %dma_wait3A_1343] : memref<32x8x32xf32, #tpu.memory_space<vmem>> -> memref<1x8x32xf32, #tpu.memory_space<vmem>>
      %dma_wait3A_1345 = tpu.memref_squeeze %dma_wait3A_1344 : memref<1x8x32xf32, #tpu.memory_space<vmem>> -> memref<8x32xf32, #tpu.memory_space<vmem>>
      %dma_wait3A_1346 = arith.constant 0 : i32
      %dma_wait3A_1347 = arith.constant 0 : i32
      %dma_wait3A_1348 = tpu.memref_slice %arg5[%squeeze3A_115, %dma_wait3A_1346, %dma_wait3A_1347] : memref<125000x8x32xf32, #tpu.memory_space<hbm>> -> memref<1x8x32xf32, #tpu.memory_space<hbm>>
      %dma_wait3A_1349 = tpu.memref_squeeze %dma_wait3A_1348 : memref<1x8x32xf32, #tpu.memory_space<hbm>> -> memref<8x32xf32, #tpu.memory_space<hbm>>
      tpu.wait_dma2 semaphore(%arg14 : memref<!tpu.dma_semaphore, #tpu.memory_space<semaphore_mem>>) src(%dma_wait3A_1349 : memref<8x32xf32, #tpu.memory_space<hbm>>) dst(%dma_wait3A_1345 : memref<8x32xf32, #tpu.memory_space<vmem>>)
      %dma_wait3A_1350 = arith.constant 3 : i32
      %dma_wait3A_1351 = arith.constant 0 : i32
      %dma_wait3A_1352 = arith.constant 0 : i32
      %dma_wait3A_1353 = tpu.memref_slice %arg10[%dma_wait3A_1350, %dma_wait3A_1351, %dma_wait3A_1352] : memref<32x8x32xf32, #tpu.memory_space<vmem>> -> memref<1x8x32xf32, #tpu.memory_space<vmem>>
      %dma_wait3A_1354 = tpu.memref_squeeze %dma_wait3A_1353 : memref<1x8x32xf32, #tpu.memory_space<vmem>> -> memref<8x32xf32, #tpu.memory_space<vmem>>
      %dma_wait3A_1355 = arith.constant 0 : i32
      %dma_wait3A_1356 = arith.constant 0 : i32
      %dma_wait3A_1357 = tpu.memref_slice %arg4[%squeeze3A_134, %dma_wait3A_1355, %dma_wait3A_1356] : memref<125000x8x32xf32, #tpu.memory_space<hbm>> -> memref<1x8x32xf32, #tpu.memory_space<hbm>>
      %dma_wait3A_1358 = tpu.memref_squeeze %dma_wait3A_1357 : memref<1x8x32xf32, #tpu.memory_space<hbm>> -> memref<8x32xf32, #tpu.memory_space<hbm>>
      %dma_wait3A_1359 = arith.constant 0 : i32
      %dma_wait3A_1360 = arith.constant 0 : i32
      %dma_wait3A_1361 = tpu.memref_slice %arg10[%dma_wait3A_1350, %dma_wait3A_1359, %dma_wait3A_1360] : memref<32x8x32xf32, #tpu.memory_space<vmem>> -> memref<1x8x32xf32, #tpu.memory_space<vmem>>
      %dma_wait3A_1362 = tpu.memref_squeeze %dma_wait3A_1361 : memref<1x8x32xf32, #tpu.memory_space<vmem>> -> memref<8x32xf32, #tpu.memory_space<vmem>>
      %dma_wait3A_1363 = arith.constant 0 : i32
      %dma_wait3A_1364 = arith.constant 0 : i32
      %dma_wait3A_1365 = tpu.memref_slice %arg4[%squeeze3A_134, %dma_wait3A_1363, %dma_wait3A_1364] : memref<125000x8x32xf32, #tpu.memory_space<hbm>> -> memref<1x8x32xf32, #tpu.memory_space<hbm>>
      %dma_wait3A_1366 = tpu.memref_squeeze %dma_wait3A_1365 : memref<1x8x32xf32, #tpu.memory_space<hbm>> -> memref<8x32xf32, #tpu.memory_space<hbm>>
      tpu.wait_dma2 semaphore(%arg14 : memref<!tpu.dma_semaphore, #tpu.memory_space<semaphore_mem>>) src(%dma_wait3A_1366 : memref<8x32xf32, #tpu.memory_space<hbm>>) dst(%dma_wait3A_1362 : memref<8x32xf32, #tpu.memory_space<vmem>>)
      %dma_wait3A_1367 = arith.constant 3 : i32
      %dma_wait3A_1368 = arith.constant 0 : i32
      %dma_wait3A_1369 = arith.constant 0 : i32
      %dma_wait3A_1370 = tpu.memref_slice %arg11[%dma_wait3A_1367, %dma_wait3A_1368, %dma_wait3A_1369] : memref<32x8x32xf32, #tpu.memory_space<vmem>> -> memref<1x8x32xf32, #tpu.memory_space<vmem>>
      %dma_wait3A_1371 = tpu.memref_squeeze %dma_wait3A_1370 : memref<1x8x32xf32, #tpu.memory_space<vmem>> -> memref<8x32xf32, #tpu.memory_space<vmem>>
      %dma_wait3A_1372 = arith.constant 0 : i32
      %dma_wait3A_1373 = arith.constant 0 : i32
      %dma_wait3A_1374 = tpu.memref_slice %arg5[%squeeze3A_153, %dma_wait3A_1372, %dma_wait3A_1373] : memref<125000x8x32xf32, #tpu.memory_space<hbm>> -> memref<1x8x32xf32, #tpu.memory_space<hbm>>
      %dma_wait3A_1375 = tpu.memref_squeeze %dma_wait3A_1374 : memref<1x8x32xf32, #tpu.memory_space<hbm>> -> memref<8x32xf32, #tpu.memory_space<hbm>>
      %dma_wait3A_1376 = arith.constant 0 : i32
      %dma_wait3A_1377 = arith.constant 0 : i32
      %dma_wait3A_1378 = tpu.memref_slice %arg11[%dma_wait3A_1367, %dma_wait3A_1376, %dma_wait3A_1377] : memref<32x8x32xf32, #tpu.memory_space<vmem>> -> memref<1x8x32xf32, #tpu.memory_space<vmem>>
      %dma_wait3A_1379 = tpu.memref_squeeze %dma_wait3A_1378 : memref<1x8x32xf32, #tpu.memory_space<vmem>> -> memref<8x32xf32, #tpu.memory_space<vmem>>
      %dma_wait3A_1380 = arith.constant 0 : i32
      %dma_wait3A_1381 = arith.constant 0 : i32
      %dma_wait3A_1382 = tpu.memref_slice %arg5[%squeeze3A_153, %dma_wait3A_1380, %dma_wait3A_1381] : memref<125000x8x32xf32, #tpu.memory_space<hbm>> -> memref<1x8x32xf32, #tpu.memory_space<hbm>>
      %dma_wait3A_1383 = tpu.memref_squeeze %dma_wait3A_1382 : memref<1x8x32xf32, #tpu.memory_space<hbm>> -> memref<8x32xf32, #tpu.memory_space<hbm>>
      tpu.wait_dma2 semaphore(%arg14 : memref<!tpu.dma_semaphore, #tpu.memory_space<semaphore_mem>>) src(%dma_wait3A_1383 : memref<8x32xf32, #tpu.memory_space<hbm>>) dst(%dma_wait3A_1379 : memref<8x32xf32, #tpu.memory_space<vmem>>)
      %dma_wait3A_1384 = arith.constant 4 : i32
      %dma_wait3A_1385 = arith.constant 0 : i32
      %dma_wait3A_1386 = arith.constant 0 : i32
      %dma_wait3A_1387 = tpu.memref_slice %arg10[%dma_wait3A_1384, %dma_wait3A_1385, %dma_wait3A_1386] : memref<32x8x32xf32, #tpu.memory_space<vmem>> -> memref<1x8x32xf32, #tpu.memory_space<vmem>>
      %dma_wait3A_1388 = tpu.memref_squeeze %dma_wait3A_1387 : memref<1x8x32xf32, #tpu.memory_space<vmem>> -> memref<8x32xf32, #tpu.memory_space<vmem>>
      %dma_wait3A_1389 = arith.constant 0 : i32
      %dma_wait3A_1390 = arith.constant 0 : i32
      %dma_wait3A_1391 = tpu.memref_slice %arg4[%squeeze3A_172, %dma_wait3A_1389, %dma_wait3A_1390] : memref<125000x8x32xf32, #tpu.memory_space<hbm>> -> memref<1x8x32xf32, #tpu.memory_space<hbm>>
      %dma_wait3A_1392 = tpu.memref_squeeze %dma_wait3A_1391 : memref<1x8x32xf32, #tpu.memory_space<hbm>> -> memref<8x32xf32, #tpu.memory_space<hbm>>
      %dma_wait3A_1393 = arith.constant 0 : i32
      %dma_wait3A_1394 = arith.constant 0 : i32
      %dma_wait3A_1395 = tpu.memref_slice %arg10[%dma_wait3A_1384, %dma_wait3A_1393, %dma_wait3A_1394] : memref<32x8x32xf32, #tpu.memory_space<vmem>> -> memref<1x8x32xf32, #tpu.memory_space<vmem>>
      %dma_wait3A_1396 = tpu.memref_squeeze %dma_wait3A_1395 : memref<1x8x32xf32, #tpu.memory_space<vmem>> -> memref<8x32xf32, #tpu.memory_space<vmem>>
      %dma_wait3A_1397 = arith.constant 0 : i32
      %dma_wait3A_1398 = arith.constant 0 : i32
      %dma_wait3A_1399 = tpu.memref_slice %arg4[%squeeze3A_172, %dma_wait3A_1397, %dma_wait3A_1398] : memref<125000x8x32xf32, #tpu.memory_space<hbm>> -> memref<1x8x32xf32, #tpu.memory_space<hbm>>
      %dma_wait3A_1400 = tpu.memref_squeeze %dma_wait3A_1399 : memref<1x8x32xf32, #tpu.memory_space<hbm>> -> memref<8x32xf32, #tpu.memory_space<hbm>>
      tpu.wait_dma2 semaphore(%arg14 : memref<!tpu.dma_semaphore, #tpu.memory_space<semaphore_mem>>) src(%dma_wait3A_1400 : memref<8x32xf32, #tpu.memory_space<hbm>>) dst(%dma_wait3A_1396 : memref<8x32xf32, #tpu.memory_space<vmem>>)
      %dma_wait3A_1401 = arith.constant 4 : i32
      %dma_wait3A_1402 = arith.constant 0 : i32
      %dma_wait3A_1403 = arith.constant 0 : i32
      %dma_wait3A_1404 = tpu.memref_slice %arg11[%dma_wait3A_1401, %dma_wait3A_1402, %dma_wait3A_1403] : memref<32x8x32xf32, #tpu.memory_space<vmem>> -> memref<1x8x32xf32, #tpu.memory_space<vmem>>
      %dma_wait3A_1405 = tpu.memref_squeeze %dma_wait3A_1404 : memref<1x8x32xf32, #tpu.memory_space<vmem>> -> memref<8x32xf32, #tpu.memory_space<vmem>>
      %dma_wait3A_1406 = arith.constant 0 : i32
      %dma_wait3A_1407 = arith.constant 0 : i32
      %dma_wait3A_1408 = tpu.memref_slice %arg5[%squeeze3A_191, %dma_wait3A_1406, %dma_wait3A_1407] : memref<125000x8x32xf32, #tpu.memory_space<hbm>> -> memref<1x8x32xf32, #tpu.memory_space<hbm>>
      %dma_wait3A_1409 = tpu.memref_squeeze %dma_wait3A_1408 : memref<1x8x32xf32, #tpu.memory_space<hbm>> -> memref<8x32xf32, #tpu.memory_space<hbm>>
      %dma_wait3A_1410 = arith.constant 0 : i32
      %dma_wait3A_1411 = arith.constant 0 : i32
      %dma_wait3A_1412 = tpu.memref_slice %arg11[%dma_wait3A_1401, %dma_wait3A_1410, %dma_wait3A_1411] : memref<32x8x32xf32, #tpu.memory_space<vmem>> -> memref<1x8x32xf32, #tpu.memory_space<vmem>>
      %dma_wait3A_1413 = tpu.memref_squeeze %dma_wait3A_1412 : memref<1x8x32xf32, #tpu.memory_space<vmem>> -> memref<8x32xf32, #tpu.memory_space<vmem>>
      %dma_wait3A_1414 = arith.constant 0 : i32
      %dma_wait3A_1415 = arith.constant 0 : i32
      %dma_wait3A_1416 = tpu.memref_slice %arg5[%squeeze3A_191, %dma_wait3A_1414, %dma_wait3A_1415] : memref<125000x8x32xf32, #tpu.memory_space<hbm>> -> memref<1x8x32xf32, #tpu.memory_space<hbm>>
      %dma_wait3A_1417 = tpu.memref_squeeze %dma_wait3A_1416 : memref<1x8x32xf32, #tpu.memory_space<hbm>> -> memref<8x32xf32, #tpu.memory_space<hbm>>
      tpu.wait_dma2 semaphore(%arg14 : memref<!tpu.dma_semaphore, #tpu.memory_space<semaphore_mem>>) src(%dma_wait3A_1417 : memref<8x32xf32, #tpu.memory_space<hbm>>) dst(%dma_wait3A_1413 : memref<8x32xf32, #tpu.memory_space<vmem>>)
      %dma_wait3A_1418 = arith.constant 5 : i32
      %dma_wait3A_1419 = arith.constant 0 : i32
      %dma_wait3A_1420 = arith.constant 0 : i32
      %dma_wait3A_1421 = tpu.memref_slice %arg10[%dma_wait3A_1418, %dma_wait3A_1419, %dma_wait3A_1420] : memref<32x8x32xf32, #tpu.memory_space<vmem>> -> memref<1x8x32xf32, #tpu.memory_space<vmem>>
      %dma_wait3A_1422 = tpu.memref_squeeze %dma_wait3A_1421 : memref<1x8x32xf32, #tpu.memory_space<vmem>> -> memref<8x32xf32, #tpu.memory_space<vmem>>
      %dma_wait3A_1423 = arith.constant 0 : i32
      %dma_wait3A_1424 = arith.constant 0 : i32
      %dma_wait3A_1425 = tpu.memref_slice %arg4[%squeeze3A_210, %dma_wait3A_1423, %dma_wait3A_1424] : memref<125000x8x32xf32, #tpu.memory_space<hbm>> -> memref<1x8x32xf32, #tpu.memory_space<hbm>>
      %dma_wait3A_1426 = tpu.memref_squeeze %dma_wait3A_1425 : memref<1x8x32xf32, #tpu.memory_space<hbm>> -> memref<8x32xf32, #tpu.memory_space<hbm>>
      %dma_wait3A_1427 = arith.constant 0 : i32
      %dma_wait3A_1428 = arith.constant 0 : i32
      %dma_wait3A_1429 = tpu.memref_slice %arg10[%dma_wait3A_1418, %dma_wait3A_1427, %dma_wait3A_1428] : memref<32x8x32xf32, #tpu.memory_space<vmem>> -> memref<1x8x32xf32, #tpu.memory_space<vmem>>
      %dma_wait3A_1430 = tpu.memref_squeeze %dma_wait3A_1429 : memref<1x8x32xf32, #tpu.memory_space<vmem>> -> memref<8x32xf32, #tpu.memory_space<vmem>>
      %dma_wait3A_1431 = arith.constant 0 : i32
      %dma_wait3A_1432 = arith.constant 0 : i32
      %dma_wait3A_1433 = tpu.memref_slice %arg4[%squeeze3A_210, %dma_wait3A_1431, %dma_wait3A_1432] : memref<125000x8x32xf32, #tpu.memory_space<hbm>> -> memref<1x8x32xf32, #tpu.memory_space<hbm>>
      %dma_wait3A_1434 = tpu.memref_squeeze %dma_wait3A_1433 : memref<1x8x32xf32, #tpu.memory_space<hbm>> -> memref<8x32xf32, #tpu.memory_space<hbm>>
      tpu.wait_dma2 semaphore(%arg14 : memref<!tpu.dma_semaphore, #tpu.memory_space<semaphore_mem>>) src(%dma_wait3A_1434 : memref<8x32xf32, #tpu.memory_space<hbm>>) dst(%dma_wait3A_1430 : memref<8x32xf32, #tpu.memory_space<vmem>>)
      %dma_wait3A_1435 = arith.constant 5 : i32
      %dma_wait3A_1436 = arith.constant 0 : i32
      %dma_wait3A_1437 = arith.constant 0 : i32
      %dma_wait3A_1438 = tpu.memref_slice %arg11[%dma_wait3A_1435, %dma_wait3A_1436, %dma_wait3A_1437] : memref<32x8x32xf32, #tpu.memory_space<vmem>> -> memref<1x8x32xf32, #tpu.memory_space<vmem>>
      %dma_wait3A_1439 = tpu.memref_squeeze %dma_wait3A_1438 : memref<1x8x32xf32, #tpu.memory_space<vmem>> -> memref<8x32xf32, #tpu.memory_space<vmem>>
      %dma_wait3A_1440 = arith.constant 0 : i32
      %dma_wait3A_1441 = arith.constant 0 : i32
      %dma_wait3A_1442 = tpu.memref_slice %arg5[%squeeze3A_229, %dma_wait3A_1440, %dma_wait3A_1441] : memref<125000x8x32xf32, #tpu.memory_space<hbm>> -> memref<1x8x32xf32, #tpu.memory_space<hbm>>
      %dma_wait3A_1443 = tpu.memref_squeeze %dma_wait3A_1442 : memref<1x8x32xf32, #tpu.memory_space<hbm>> -> memref<8x32xf32, #tpu.memory_space<hbm>>
      %dma_wait3A_1444 = arith.constant 0 : i32
      %dma_wait3A_1445 = arith.constant 0 : i32
      %dma_wait3A_1446 = tpu.memref_slice %arg11[%dma_wait3A_1435, %dma_wait3A_1444, %dma_wait3A_1445] : memref<32x8x32xf32, #tpu.memory_space<vmem>> -> memref<1x8x32xf32, #tpu.memory_space<vmem>>
      %dma_wait3A_1447 = tpu.memref_squeeze %dma_wait3A_1446 : memref<1x8x32xf32, #tpu.memory_space<vmem>> -> memref<8x32xf32, #tpu.memory_space<vmem>>
      %dma_wait3A_1448 = arith.constant 0 : i32
      %dma_wait3A_1449 = arith.constant 0 : i32
      %dma_wait3A_1450 = tpu.memref_slice %arg5[%squeeze3A_229, %dma_wait3A_1448, %dma_wait3A_1449] : memref<125000x8x32xf32, #tpu.memory_space<hbm>> -> memref<1x8x32xf32, #tpu.memory_space<hbm>>
      %dma_wait3A_1451 = tpu.memref_squeeze %dma_wait3A_1450 : memref<1x8x32xf32, #tpu.memory_space<hbm>> -> memref<8x32xf32, #tpu.memory_space<hbm>>
      tpu.wait_dma2 semaphore(%arg14 : memref<!tpu.dma_semaphore, #tpu.memory_space<semaphore_mem>>) src(%dma_wait3A_1451 : memref<8x32xf32, #tpu.memory_space<hbm>>) dst(%dma_wait3A_1447 : memref<8x32xf32, #tpu.memory_space<vmem>>)
      %dma_wait3A_1452 = arith.constant 6 : i32
      %dma_wait3A_1453 = arith.constant 0 : i32
      %dma_wait3A_1454 = arith.constant 0 : i32
      %dma_wait3A_1455 = tpu.memref_slice %arg10[%dma_wait3A_1452, %dma_wait3A_1453, %dma_wait3A_1454] : memref<32x8x32xf32, #tpu.memory_space<vmem>> -> memref<1x8x32xf32, #tpu.memory_space<vmem>>
      %dma_wait3A_1456 = tpu.memref_squeeze %dma_wait3A_1455 : memref<1x8x32xf32, #tpu.memory_space<vmem>> -> memref<8x32xf32, #tpu.memory_space<vmem>>
      %dma_wait3A_1457 = arith.constant 0 : i32
      %dma_wait3A_1458 = arith.constant 0 : i32
      %dma_wait3A_1459 = tpu.memref_slice %arg4[%squeeze3A_248, %dma_wait3A_1457, %dma_wait3A_1458] : memref<125000x8x32xf32, #tpu.memory_space<hbm>> -> memref<1x8x32xf32, #tpu.memory_space<hbm>>
      %dma_wait3A_1460 = tpu.memref_squeeze %dma_wait3A_1459 : memref<1x8x32xf32, #tpu.memory_space<hbm>> -> memref<8x32xf32, #tpu.memory_space<hbm>>
      %dma_wait3A_1461 = arith.constant 0 : i32
      %dma_wait3A_1462 = arith.constant 0 : i32
      %dma_wait3A_1463 = tpu.memref_slice %arg10[%dma_wait3A_1452, %dma_wait3A_1461, %dma_wait3A_1462] : memref<32x8x32xf32, #tpu.memory_space<vmem>> -> memref<1x8x32xf32, #tpu.memory_space<vmem>>
      %dma_wait3A_1464 = tpu.memref_squeeze %dma_wait3A_1463 : memref<1x8x32xf32, #tpu.memory_space<vmem>> -> memref<8x32xf32, #tpu.memory_space<vmem>>
      %dma_wait3A_1465 = arith.constant 0 : i32
      %dma_wait3A_1466 = arith.constant 0 : i32
      %dma_wait3A_1467 = tpu.memref_slice %arg4[%squeeze3A_248, %dma_wait3A_1465, %dma_wait3A_1466] : memref<125000x8x32xf32, #tpu.memory_space<hbm>> -> memref<1x8x32xf32, #tpu.memory_space<hbm>>
      %dma_wait3A_1468 = tpu.memref_squeeze %dma_wait3A_1467 : memref<1x8x32xf32, #tpu.memory_space<hbm>> -> memref<8x32xf32, #tpu.memory_space<hbm>>
      tpu.wait_dma2 semaphore(%arg14 : memref<!tpu.dma_semaphore, #tpu.memory_space<semaphore_mem>>) src(%dma_wait3A_1468 : memref<8x32xf32, #tpu.memory_space<hbm>>) dst(%dma_wait3A_1464 : memref<8x32xf32, #tpu.memory_space<vmem>>)
      %dma_wait3A_1469 = arith.constant 6 : i32
      %dma_wait3A_1470 = arith.constant 0 : i32
      %dma_wait3A_1471 = arith.constant 0 : i32
      %dma_wait3A_1472 = tpu.memref_slice %arg11[%dma_wait3A_1469, %dma_wait3A_1470, %dma_wait3A_1471] : memref<32x8x32xf32, #tpu.memory_space<vmem>> -> memref<1x8x32xf32, #tpu.memory_space<vmem>>
      %dma_wait3A_1473 = tpu.memref_squeeze %dma_wait3A_1472 : memref<1x8x32xf32, #tpu.memory_space<vmem>> -> memref<8x32xf32, #tpu.memory_space<vmem>>
      %dma_wait3A_1474 = arith.constant 0 : i32
      %dma_wait3A_1475 = arith.constant 0 : i32
      %dma_wait3A_1476 = tpu.memref_slice %arg5[%squeeze3A_267, %dma_wait3A_1474, %dma_wait3A_1475] : memref<125000x8x32xf32, #tpu.memory_space<hbm>> -> memref<1x8x32xf32, #tpu.memory_space<hbm>>
      %dma_wait3A_1477 = tpu.memref_squeeze %dma_wait3A_1476 : memref<1x8x32xf32, #tpu.memory_space<hbm>> -> memref<8x32xf32, #tpu.memory_space<hbm>>
      %dma_wait3A_1478 = arith.constant 0 : i32
      %dma_wait3A_1479 = arith.constant 0 : i32
      %dma_wait3A_1480 = tpu.memref_slice %arg11[%dma_wait3A_1469, %dma_wait3A_1478, %dma_wait3A_1479] : memref<32x8x32xf32, #tpu.memory_space<vmem>> -> memref<1x8x32xf32, #tpu.memory_space<vmem>>
      %dma_wait3A_1481 = tpu.memref_squeeze %dma_wait3A_1480 : memref<1x8x32xf32, #tpu.memory_space<vmem>> -> memref<8x32xf32, #tpu.memory_space<vmem>>
      %dma_wait3A_1482 = arith.constant 0 : i32
      %dma_wait3A_1483 = arith.constant 0 : i32
      %dma_wait3A_1484 = tpu.memref_slice %arg5[%squeeze3A_267, %dma_wait3A_1482, %dma_wait3A_1483] : memref<125000x8x32xf32, #tpu.memory_space<hbm>> -> memref<1x8x32xf32, #tpu.memory_space<hbm>>
      %dma_wait3A_1485 = tpu.memref_squeeze %dma_wait3A_1484 : memref<1x8x32xf32, #tpu.memory_space<hbm>> -> memref<8x32xf32, #tpu.memory_space<hbm>>
      tpu.wait_dma2 semaphore(%arg14 : memref<!tpu.dma_semaphore, #tpu.memory_space<semaphore_mem>>) src(%dma_wait3A_1485 : memref<8x32xf32, #tpu.memory_space<hbm>>) dst(%dma_wait3A_1481 : memref<8x32xf32, #tpu.memory_space<vmem>>)
      %dma_wait3A_1486 = arith.constant 7 : i32
      %dma_wait3A_1487 = arith.constant 0 : i32
      %dma_wait3A_1488 = arith.constant 0 : i32
      %dma_wait3A_1489 = tpu.memref_slice %arg10[%dma_wait3A_1486, %dma_wait3A_1487, %dma_wait3A_1488] : memref<32x8x32xf32, #tpu.memory_space<vmem>> -> memref<1x8x32xf32, #tpu.memory_space<vmem>>
      %dma_wait3A_1490 = tpu.memref_squeeze %dma_wait3A_1489 : memref<1x8x32xf32, #tpu.memory_space<vmem>> -> memref<8x32xf32, #tpu.memory_space<vmem>>
      %dma_wait3A_1491 = arith.constant 0 : i32
      %dma_wait3A_1492 = arith.constant 0 : i32
      %dma_wait3A_1493 = tpu.memref_slice %arg4[%squeeze3A_286, %dma_wait3A_1491, %dma_wait3A_1492] : memref<125000x8x32xf32, #tpu.memory_space<hbm>> -> memref<1x8x32xf32, #tpu.memory_space<hbm>>
      %dma_wait3A_1494 = tpu.memref_squeeze %dma_wait3A_1493 : memref<1x8x32xf32, #tpu.memory_space<hbm>> -> memref<8x32xf32, #tpu.memory_space<hbm>>
      %dma_wait3A_1495 = arith.constant 0 : i32
      %dma_wait3A_1496 = arith.constant 0 : i32
      %dma_wait3A_1497 = tpu.memref_slice %arg10[%dma_wait3A_1486, %dma_wait3A_1495, %dma_wait3A_1496] : memref<32x8x32xf32, #tpu.memory_space<vmem>> -> memref<1x8x32xf32, #tpu.memory_space<vmem>>
      %dma_wait3A_1498 = tpu.memref_squeeze %dma_wait3A_1497 : memref<1x8x32xf32, #tpu.memory_space<vmem>> -> memref<8x32xf32, #tpu.memory_space<vmem>>
      %dma_wait3A_1499 = arith.constant 0 : i32
      %dma_wait3A_1500 = arith.constant 0 : i32
      %dma_wait3A_1501 = tpu.memref_slice %arg4[%squeeze3A_286, %dma_wait3A_1499, %dma_wait3A_1500] : memref<125000x8x32xf32, #tpu.memory_space<hbm>> -> memref<1x8x32xf32, #tpu.memory_space<hbm>>
      %dma_wait3A_1502 = tpu.memref_squeeze %dma_wait3A_1501 : memref<1x8x32xf32, #tpu.memory_space<hbm>> -> memref<8x32xf32, #tpu.memory_space<hbm>>
      tpu.wait_dma2 semaphore(%arg14 : memref<!tpu.dma_semaphore, #tpu.memory_space<semaphore_mem>>) src(%dma_wait3A_1502 : memref<8x32xf32, #tpu.memory_space<hbm>>) dst(%dma_wait3A_1498 : memref<8x32xf32, #tpu.memory_space<vmem>>)
      %dma_wait3A_1503 = arith.constant 7 : i32
      %dma_wait3A_1504 = arith.constant 0 : i32
      %dma_wait3A_1505 = arith.constant 0 : i32
      %dma_wait3A_1506 = tpu.memref_slice %arg11[%dma_wait3A_1503, %dma_wait3A_1504, %dma_wait3A_1505] : memref<32x8x32xf32, #tpu.memory_space<vmem>> -> memref<1x8x32xf32, #tpu.memory_space<vmem>>
      %dma_wait3A_1507 = tpu.memref_squeeze %dma_wait3A_1506 : memref<1x8x32xf32, #tpu.memory_space<vmem>> -> memref<8x32xf32, #tpu.memory_space<vmem>>
      %dma_wait3A_1508 = arith.constant 0 : i32
      %dma_wait3A_1509 = arith.constant 0 : i32
      %dma_wait3A_1510 = tpu.memref_slice %arg5[%squeeze3A_305, %dma_wait3A_1508, %dma_wait3A_1509] : memref<125000x8x32xf32, #tpu.memory_space<hbm>> -> memref<1x8x32xf32, #tpu.memory_space<hbm>>
      %dma_wait3A_1511 = tpu.memref_squeeze %dma_wait3A_1510 : memref<1x8x32xf32, #tpu.memory_space<hbm>> -> memref<8x32xf32, #tpu.memory_space<hbm>>
      %dma_wait3A_1512 = arith.constant 0 : i32
      %dma_wait3A_1513 = arith.constant 0 : i32
      %dma_wait3A_1514 = tpu.memref_slice %arg11[%dma_wait3A_1503, %dma_wait3A_1512, %dma_wait3A_1513] : memref<32x8x32xf32, #tpu.memory_space<vmem>> -> memref<1x8x32xf32, #tpu.memory_space<vmem>>
      %dma_wait3A_1515 = tpu.memref_squeeze %dma_wait3A_1514 : memref<1x8x32xf32, #tpu.memory_space<vmem>> -> memref<8x32xf32, #tpu.memory_space<vmem>>
      %dma_wait3A_1516 = arith.constant 0 : i32
      %dma_wait3A_1517 = arith.constant 0 : i32
      %dma_wait3A_1518 = tpu.memref_slice %arg5[%squeeze3A_305, %dma_wait3A_1516, %dma_wait3A_1517] : memref<125000x8x32xf32, #tpu.memory_space<hbm>> -> memref<1x8x32xf32, #tpu.memory_space<hbm>>
      %dma_wait3A_1519 = tpu.memref_squeeze %dma_wait3A_1518 : memref<1x8x32xf32, #tpu.memory_space<hbm>> -> memref<8x32xf32, #tpu.memory_space<hbm>>
      tpu.wait_dma2 semaphore(%arg14 : memref<!tpu.dma_semaphore, #tpu.memory_space<semaphore_mem>>) src(%dma_wait3A_1519 : memref<8x32xf32, #tpu.memory_space<hbm>>) dst(%dma_wait3A_1515 : memref<8x32xf32, #tpu.memory_space<vmem>>)
      %dma_wait3A_1520 = arith.constant 8 : i32
      %dma_wait3A_1521 = arith.constant 0 : i32
      %dma_wait3A_1522 = arith.constant 0 : i32
      %dma_wait3A_1523 = tpu.memref_slice %arg10[%dma_wait3A_1520, %dma_wait3A_1521, %dma_wait3A_1522] : memref<32x8x32xf32, #tpu.memory_space<vmem>> -> memref<1x8x32xf32, #tpu.memory_space<vmem>>
      %dma_wait3A_1524 = tpu.memref_squeeze %dma_wait3A_1523 : memref<1x8x32xf32, #tpu.memory_space<vmem>> -> memref<8x32xf32, #tpu.memory_space<vmem>>
      %dma_wait3A_1525 = arith.constant 0 : i32
      %dma_wait3A_1526 = arith.constant 0 : i32
      %dma_wait3A_1527 = tpu.memref_slice %arg4[%squeeze3A_324, %dma_wait3A_1525, %dma_wait3A_1526] : memref<125000x8x32xf32, #tpu.memory_space<hbm>> -> memref<1x8x32xf32, #tpu.memory_space<hbm>>
      %dma_wait3A_1528 = tpu.memref_squeeze %dma_wait3A_1527 : memref<1x8x32xf32, #tpu.memory_space<hbm>> -> memref<8x32xf32, #tpu.memory_space<hbm>>
      %dma_wait3A_1529 = arith.constant 0 : i32
      %dma_wait3A_1530 = arith.constant 0 : i32
      %dma_wait3A_1531 = tpu.memref_slice %arg10[%dma_wait3A_1520, %dma_wait3A_1529, %dma_wait3A_1530] : memref<32x8x32xf32, #tpu.memory_space<vmem>> -> memref<1x8x32xf32, #tpu.memory_space<vmem>>
      %dma_wait3A_1532 = tpu.memref_squeeze %dma_wait3A_1531 : memref<1x8x32xf32, #tpu.memory_space<vmem>> -> memref<8x32xf32, #tpu.memory_space<vmem>>
      %dma_wait3A_1533 = arith.constant 0 : i32
      %dma_wait3A_1534 = arith.constant 0 : i32
      %dma_wait3A_1535 = tpu.memref_slice %arg4[%squeeze3A_324, %dma_wait3A_1533, %dma_wait3A_1534] : memref<125000x8x32xf32, #tpu.memory_space<hbm>> -> memref<1x8x32xf32, #tpu.memory_space<hbm>>
      %dma_wait3A_1536 = tpu.memref_squeeze %dma_wait3A_1535 : memref<1x8x32xf32, #tpu.memory_space<hbm>> -> memref<8x32xf32, #tpu.memory_space<hbm>>
      tpu.wait_dma2 semaphore(%arg14 : memref<!tpu.dma_semaphore, #tpu.memory_space<semaphore_mem>>) src(%dma_wait3A_1536 : memref<8x32xf32, #tpu.memory_space<hbm>>) dst(%dma_wait3A_1532 : memref<8x32xf32, #tpu.memory_space<vmem>>)
      %dma_wait3A_1537 = arith.constant 8 : i32
      %dma_wait3A_1538 = arith.constant 0 : i32
      %dma_wait3A_1539 = arith.constant 0 : i32
      %dma_wait3A_1540 = tpu.memref_slice %arg11[%dma_wait3A_1537, %dma_wait3A_1538, %dma_wait3A_1539] : memref<32x8x32xf32, #tpu.memory_space<vmem>> -> memref<1x8x32xf32, #tpu.memory_space<vmem>>
      %dma_wait3A_1541 = tpu.memref_squeeze %dma_wait3A_1540 : memref<1x8x32xf32, #tpu.memory_space<vmem>> -> memref<8x32xf32, #tpu.memory_space<vmem>>
      %dma_wait3A_1542 = arith.constant 0 : i32
      %dma_wait3A_1543 = arith.constant 0 : i32
      %dma_wait3A_1544 = tpu.memref_slice %arg5[%squeeze3A_343, %dma_wait3A_1542, %dma_wait3A_1543] : memref<125000x8x32xf32, #tpu.memory_space<hbm>> -> memref<1x8x32xf32, #tpu.memory_space<hbm>>
      %dma_wait3A_1545 = tpu.memref_squeeze %dma_wait3A_1544 : memref<1x8x32xf32, #tpu.memory_space<hbm>> -> memref<8x32xf32, #tpu.memory_space<hbm>>
      %dma_wait3A_1546 = arith.constant 0 : i32
      %dma_wait3A_1547 = arith.constant 0 : i32
      %dma_wait3A_1548 = tpu.memref_slice %arg11[%dma_wait3A_1537, %dma_wait3A_1546, %dma_wait3A_1547] : memref<32x8x32xf32, #tpu.memory_space<vmem>> -> memref<1x8x32xf32, #tpu.memory_space<vmem>>
      %dma_wait3A_1549 = tpu.memref_squeeze %dma_wait3A_1548 : memref<1x8x32xf32, #tpu.memory_space<vmem>> -> memref<8x32xf32, #tpu.memory_space<vmem>>
      %dma_wait3A_1550 = arith.constant 0 : i32
      %dma_wait3A_1551 = arith.constant 0 : i32
      %dma_wait3A_1552 = tpu.memref_slice %arg5[%squeeze3A_343, %dma_wait3A_1550, %dma_wait3A_1551] : memref<125000x8x32xf32, #tpu.memory_space<hbm>> -> memref<1x8x32xf32, #tpu.memory_space<hbm>>
      %dma_wait3A_1553 = tpu.memref_squeeze %dma_wait3A_1552 : memref<1x8x32xf32, #tpu.memory_space<hbm>> -> memref<8x32xf32, #tpu.memory_space<hbm>>
      tpu.wait_dma2 semaphore(%arg14 : memref<!tpu.dma_semaphore, #tpu.memory_space<semaphore_mem>>) src(%dma_wait3A_1553 : memref<8x32xf32, #tpu.memory_space<hbm>>) dst(%dma_wait3A_1549 : memref<8x32xf32, #tpu.memory_space<vmem>>)
      %dma_wait3A_1554 = arith.constant 9 : i32
      %dma_wait3A_1555 = arith.constant 0 : i32
      %dma_wait3A_1556 = arith.constant 0 : i32
      %dma_wait3A_1557 = tpu.memref_slice %arg10[%dma_wait3A_1554, %dma_wait3A_1555, %dma_wait3A_1556] : memref<32x8x32xf32, #tpu.memory_space<vmem>> -> memref<1x8x32xf32, #tpu.memory_space<vmem>>
      %dma_wait3A_1558 = tpu.memref_squeeze %dma_wait3A_1557 : memref<1x8x32xf32, #tpu.memory_space<vmem>> -> memref<8x32xf32, #tpu.memory_space<vmem>>
      %dma_wait3A_1559 = arith.constant 0 : i32
      %dma_wait3A_1560 = arith.constant 0 : i32
      %dma_wait3A_1561 = tpu.memref_slice %arg4[%squeeze3A_362, %dma_wait3A_1559, %dma_wait3A_1560] : memref<125000x8x32xf32, #tpu.memory_space<hbm>> -> memref<1x8x32xf32, #tpu.memory_space<hbm>>
      %dma_wait3A_1562 = tpu.memref_squeeze %dma_wait3A_1561 : memref<1x8x32xf32, #tpu.memory_space<hbm>> -> memref<8x32xf32, #tpu.memory_space<hbm>>
      %dma_wait3A_1563 = arith.constant 0 : i32
      %dma_wait3A_1564 = arith.constant 0 : i32
      %dma_wait3A_1565 = tpu.memref_slice %arg10[%dma_wait3A_1554, %dma_wait3A_1563, %dma_wait3A_1564] : memref<32x8x32xf32, #tpu.memory_space<vmem>> -> memref<1x8x32xf32, #tpu.memory_space<vmem>>
      %dma_wait3A_1566 = tpu.memref_squeeze %dma_wait3A_1565 : memref<1x8x32xf32, #tpu.memory_space<vmem>> -> memref<8x32xf32, #tpu.memory_space<vmem>>
      %dma_wait3A_1567 = arith.constant 0 : i32
      %dma_wait3A_1568 = arith.constant 0 : i32
      %dma_wait3A_1569 = tpu.memref_slice %arg4[%squeeze3A_362, %dma_wait3A_1567, %dma_wait3A_1568] : memref<125000x8x32xf32, #tpu.memory_space<hbm>> -> memref<1x8x32xf32, #tpu.memory_space<hbm>>
      %dma_wait3A_1570 = tpu.memref_squeeze %dma_wait3A_1569 : memref<1x8x32xf32, #tpu.memory_space<hbm>> -> memref<8x32xf32, #tpu.memory_space<hbm>>
      tpu.wait_dma2 semaphore(%arg14 : memref<!tpu.dma_semaphore, #tpu.memory_space<semaphore_mem>>) src(%dma_wait3A_1570 : memref<8x32xf32, #tpu.memory_space<hbm>>) dst(%dma_wait3A_1566 : memref<8x32xf32, #tpu.memory_space<vmem>>)
      %dma_wait3A_1571 = arith.constant 9 : i32
      %dma_wait3A_1572 = arith.constant 0 : i32
      %dma_wait3A_1573 = arith.constant 0 : i32
      %dma_wait3A_1574 = tpu.memref_slice %arg11[%dma_wait3A_1571, %dma_wait3A_1572, %dma_wait3A_1573] : memref<32x8x32xf32, #tpu.memory_space<vmem>> -> memref<1x8x32xf32, #tpu.memory_space<vmem>>
      %dma_wait3A_1575 = tpu.memref_squeeze %dma_wait3A_1574 : memref<1x8x32xf32, #tpu.memory_space<vmem>> -> memref<8x32xf32, #tpu.memory_space<vmem>>
      %dma_wait3A_1576 = arith.constant 0 : i32
      %dma_wait3A_1577 = arith.constant 0 : i32
      %dma_wait3A_1578 = tpu.memref_slice %arg5[%squeeze3A_381, %dma_wait3A_1576, %dma_wait3A_1577] : memref<125000x8x32xf32, #tpu.memory_space<hbm>> -> memref<1x8x32xf32, #tpu.memory_space<hbm>>
      %dma_wait3A_1579 = tpu.memref_squeeze %dma_wait3A_1578 : memref<1x8x32xf32, #tpu.memory_space<hbm>> -> memref<8x32xf32, #tpu.memory_space<hbm>>
      %dma_wait3A_1580 = arith.constant 0 : i32
      %dma_wait3A_1581 = arith.constant 0 : i32
      %dma_wait3A_1582 = tpu.memref_slice %arg11[%dma_wait3A_1571, %dma_wait3A_1580, %dma_wait3A_1581] : memref<32x8x32xf32, #tpu.memory_space<vmem>> -> memref<1x8x32xf32, #tpu.memory_space<vmem>>
      %dma_wait3A_1583 = tpu.memref_squeeze %dma_wait3A_1582 : memref<1x8x32xf32, #tpu.memory_space<vmem>> -> memref<8x32xf32, #tpu.memory_space<vmem>>
      %dma_wait3A_1584 = arith.constant 0 : i32
      %dma_wait3A_1585 = arith.constant 0 : i32
      %dma_wait3A_1586 = tpu.memref_slice %arg5[%squeeze3A_381, %dma_wait3A_1584, %dma_wait3A_1585] : memref<125000x8x32xf32, #tpu.memory_space<hbm>> -> memref<1x8x32xf32, #tpu.memory_space<hbm>>
      %dma_wait3A_1587 = tpu.memref_squeeze %dma_wait3A_1586 : memref<1x8x32xf32, #tpu.memory_space<hbm>> -> memref<8x32xf32, #tpu.memory_space<hbm>>
      tpu.wait_dma2 semaphore(%arg14 : memref<!tpu.dma_semaphore, #tpu.memory_space<semaphore_mem>>) src(%dma_wait3A_1587 : memref<8x32xf32, #tpu.memory_space<hbm>>) dst(%dma_wait3A_1583 : memref<8x32xf32, #tpu.memory_space<vmem>>)
      %dma_wait3A_1588 = arith.constant 10 : i32
      %dma_wait3A_1589 = arith.constant 0 : i32
      %dma_wait3A_1590 = arith.constant 0 : i32
      %dma_wait3A_1591 = tpu.memref_slice %arg10[%dma_wait3A_1588, %dma_wait3A_1589, %dma_wait3A_1590] : memref<32x8x32xf32, #tpu.memory_space<vmem>> -> memref<1x8x32xf32, #tpu.memory_space<vmem>>
      %dma_wait3A_1592 = tpu.memref_squeeze %dma_wait3A_1591 : memref<1x8x32xf32, #tpu.memory_space<vmem>> -> memref<8x32xf32, #tpu.memory_space<vmem>>
      %dma_wait3A_1593 = arith.constant 0 : i32
      %dma_wait3A_1594 = arith.constant 0 : i32
      %dma_wait3A_1595 = tpu.memref_slice %arg4[%squeeze3A_400, %dma_wait3A_1593, %dma_wait3A_1594] : memref<125000x8x32xf32, #tpu.memory_space<hbm>> -> memref<1x8x32xf32, #tpu.memory_space<hbm>>
      %dma_wait3A_1596 = tpu.memref_squeeze %dma_wait3A_1595 : memref<1x8x32xf32, #tpu.memory_space<hbm>> -> memref<8x32xf32, #tpu.memory_space<hbm>>
      %dma_wait3A_1597 = arith.constant 0 : i32
      %dma_wait3A_1598 = arith.constant 0 : i32
      %dma_wait3A_1599 = tpu.memref_slice %arg10[%dma_wait3A_1588, %dma_wait3A_1597, %dma_wait3A_1598] : memref<32x8x32xf32, #tpu.memory_space<vmem>> -> memref<1x8x32xf32, #tpu.memory_space<vmem>>
      %dma_wait3A_1600 = tpu.memref_squeeze %dma_wait3A_1599 : memref<1x8x32xf32, #tpu.memory_space<vmem>> -> memref<8x32xf32, #tpu.memory_space<vmem>>
      %dma_wait3A_1601 = arith.constant 0 : i32
      %dma_wait3A_1602 = arith.constant 0 : i32
      %dma_wait3A_1603 = tpu.memref_slice %arg4[%squeeze3A_400, %dma_wait3A_1601, %dma_wait3A_1602] : memref<125000x8x32xf32, #tpu.memory_space<hbm>> -> memref<1x8x32xf32, #tpu.memory_space<hbm>>
      %dma_wait3A_1604 = tpu.memref_squeeze %dma_wait3A_1603 : memref<1x8x32xf32, #tpu.memory_space<hbm>> -> memref<8x32xf32, #tpu.memory_space<hbm>>
      tpu.wait_dma2 semaphore(%arg14 : memref<!tpu.dma_semaphore, #tpu.memory_space<semaphore_mem>>) src(%dma_wait3A_1604 : memref<8x32xf32, #tpu.memory_space<hbm>>) dst(%dma_wait3A_1600 : memref<8x32xf32, #tpu.memory_space<vmem>>)
      %dma_wait3A_1605 = arith.constant 10 : i32
      %dma_wait3A_1606 = arith.constant 0 : i32
      %dma_wait3A_1607 = arith.constant 0 : i32
      %dma_wait3A_1608 = tpu.memref_slice %arg11[%dma_wait3A_1605, %dma_wait3A_1606, %dma_wait3A_1607] : memref<32x8x32xf32, #tpu.memory_space<vmem>> -> memref<1x8x32xf32, #tpu.memory_space<vmem>>
      %dma_wait3A_1609 = tpu.memref_squeeze %dma_wait3A_1608 : memref<1x8x32xf32, #tpu.memory_space<vmem>> -> memref<8x32xf32, #tpu.memory_space<vmem>>
      %dma_wait3A_1610 = arith.constant 0 : i32
      %dma_wait3A_1611 = arith.constant 0 : i32
      %dma_wait3A_1612 = tpu.memref_slice %arg5[%squeeze3A_419, %dma_wait3A_1610, %dma_wait3A_1611] : memref<125000x8x32xf32, #tpu.memory_space<hbm>> -> memref<1x8x32xf32, #tpu.memory_space<hbm>>
      %dma_wait3A_1613 = tpu.memref_squeeze %dma_wait3A_1612 : memref<1x8x32xf32, #tpu.memory_space<hbm>> -> memref<8x32xf32, #tpu.memory_space<hbm>>
      %dma_wait3A_1614 = arith.constant 0 : i32
      %dma_wait3A_1615 = arith.constant 0 : i32
      %dma_wait3A_1616 = tpu.memref_slice %arg11[%dma_wait3A_1605, %dma_wait3A_1614, %dma_wait3A_1615] : memref<32x8x32xf32, #tpu.memory_space<vmem>> -> memref<1x8x32xf32, #tpu.memory_space<vmem>>
      %dma_wait3A_1617 = tpu.memref_squeeze %dma_wait3A_1616 : memref<1x8x32xf32, #tpu.memory_space<vmem>> -> memref<8x32xf32, #tpu.memory_space<vmem>>
      %dma_wait3A_1618 = arith.constant 0 : i32
      %dma_wait3A_1619 = arith.constant 0 : i32
      %dma_wait3A_1620 = tpu.memref_slice %arg5[%squeeze3A_419, %dma_wait3A_1618, %dma_wait3A_1619] : memref<125000x8x32xf32, #tpu.memory_space<hbm>> -> memref<1x8x32xf32, #tpu.memory_space<hbm>>
      %dma_wait3A_1621 = tpu.memref_squeeze %dma_wait3A_1620 : memref<1x8x32xf32, #tpu.memory_space<hbm>> -> memref<8x32xf32, #tpu.memory_space<hbm>>
      tpu.wait_dma2 semaphore(%arg14 : memref<!tpu.dma_semaphore, #tpu.memory_space<semaphore_mem>>) src(%dma_wait3A_1621 : memref<8x32xf32, #tpu.memory_space<hbm>>) dst(%dma_wait3A_1617 : memref<8x32xf32, #tpu.memory_space<vmem>>)
      %dma_wait3A_1622 = arith.constant 11 : i32
      %dma_wait3A_1623 = arith.constant 0 : i32
      %dma_wait3A_1624 = arith.constant 0 : i32
      %dma_wait3A_1625 = tpu.memref_slice %arg10[%dma_wait3A_1622, %dma_wait3A_1623, %dma_wait3A_1624] : memref<32x8x32xf32, #tpu.memory_space<vmem>> -> memref<1x8x32xf32, #tpu.memory_space<vmem>>
      %dma_wait3A_1626 = tpu.memref_squeeze %dma_wait3A_1625 : memref<1x8x32xf32, #tpu.memory_space<vmem>> -> memref<8x32xf32, #tpu.memory_space<vmem>>
      %dma_wait3A_1627 = arith.constant 0 : i32
      %dma_wait3A_1628 = arith.constant 0 : i32
      %dma_wait3A_1629 = tpu.memref_slice %arg4[%squeeze3A_438, %dma_wait3A_1627, %dma_wait3A_1628] : memref<125000x8x32xf32, #tpu.memory_space<hbm>> -> memref<1x8x32xf32, #tpu.memory_space<hbm>>
      %dma_wait3A_1630 = tpu.memref_squeeze %dma_wait3A_1629 : memref<1x8x32xf32, #tpu.memory_space<hbm>> -> memref<8x32xf32, #tpu.memory_space<hbm>>
      %dma_wait3A_1631 = arith.constant 0 : i32
      %dma_wait3A_1632 = arith.constant 0 : i32
      %dma_wait3A_1633 = tpu.memref_slice %arg10[%dma_wait3A_1622, %dma_wait3A_1631, %dma_wait3A_1632] : memref<32x8x32xf32, #tpu.memory_space<vmem>> -> memref<1x8x32xf32, #tpu.memory_space<vmem>>
      %dma_wait3A_1634 = tpu.memref_squeeze %dma_wait3A_1633 : memref<1x8x32xf32, #tpu.memory_space<vmem>> -> memref<8x32xf32, #tpu.memory_space<vmem>>
      %dma_wait3A_1635 = arith.constant 0 : i32
      %dma_wait3A_1636 = arith.constant 0 : i32
      %dma_wait3A_1637 = tpu.memref_slice %arg4[%squeeze3A_438, %dma_wait3A_1635, %dma_wait3A_1636] : memref<125000x8x32xf32, #tpu.memory_space<hbm>> -> memref<1x8x32xf32, #tpu.memory_space<hbm>>
      %dma_wait3A_1638 = tpu.memref_squeeze %dma_wait3A_1637 : memref<1x8x32xf32, #tpu.memory_space<hbm>> -> memref<8x32xf32, #tpu.memory_space<hbm>>
      tpu.wait_dma2 semaphore(%arg14 : memref<!tpu.dma_semaphore, #tpu.memory_space<semaphore_mem>>) src(%dma_wait3A_1638 : memref<8x32xf32, #tpu.memory_space<hbm>>) dst(%dma_wait3A_1634 : memref<8x32xf32, #tpu.memory_space<vmem>>)
      %dma_wait3A_1639 = arith.constant 11 : i32
      %dma_wait3A_1640 = arith.constant 0 : i32
      %dma_wait3A_1641 = arith.constant 0 : i32
      %dma_wait3A_1642 = tpu.memref_slice %arg11[%dma_wait3A_1639, %dma_wait3A_1640, %dma_wait3A_1641] : memref<32x8x32xf32, #tpu.memory_space<vmem>> -> memref<1x8x32xf32, #tpu.memory_space<vmem>>
      %dma_wait3A_1643 = tpu.memref_squeeze %dma_wait3A_1642 : memref<1x8x32xf32, #tpu.memory_space<vmem>> -> memref<8x32xf32, #tpu.memory_space<vmem>>
      %dma_wait3A_1644 = arith.constant 0 : i32
      %dma_wait3A_1645 = arith.constant 0 : i32
      %dma_wait3A_1646 = tpu.memref_slice %arg5[%squeeze3A_457, %dma_wait3A_1644, %dma_wait3A_1645] : memref<125000x8x32xf32, #tpu.memory_space<hbm>> -> memref<1x8x32xf32, #tpu.memory_space<hbm>>
      %dma_wait3A_1647 = tpu.memref_squeeze %dma_wait3A_1646 : memref<1x8x32xf32, #tpu.memory_space<hbm>> -> memref<8x32xf32, #tpu.memory_space<hbm>>
      %dma_wait3A_1648 = arith.constant 0 : i32
      %dma_wait3A_1649 = arith.constant 0 : i32
      %dma_wait3A_1650 = tpu.memref_slice %arg11[%dma_wait3A_1639, %dma_wait3A_1648, %dma_wait3A_1649] : memref<32x8x32xf32, #tpu.memory_space<vmem>> -> memref<1x8x32xf32, #tpu.memory_space<vmem>>
      %dma_wait3A_1651 = tpu.memref_squeeze %dma_wait3A_1650 : memref<1x8x32xf32, #tpu.memory_space<vmem>> -> memref<8x32xf32, #tpu.memory_space<vmem>>
      %dma_wait3A_1652 = arith.constant 0 : i32
      %dma_wait3A_1653 = arith.constant 0 : i32
      %dma_wait3A_1654 = tpu.memref_slice %arg5[%squeeze3A_457, %dma_wait3A_1652, %dma_wait3A_1653] : memref<125000x8x32xf32, #tpu.memory_space<hbm>> -> memref<1x8x32xf32, #tpu.memory_space<hbm>>
      %dma_wait3A_1655 = tpu.memref_squeeze %dma_wait3A_1654 : memref<1x8x32xf32, #tpu.memory_space<hbm>> -> memref<8x32xf32, #tpu.memory_space<hbm>>
      tpu.wait_dma2 semaphore(%arg14 : memref<!tpu.dma_semaphore, #tpu.memory_space<semaphore_mem>>) src(%dma_wait3A_1655 : memref<8x32xf32, #tpu.memory_space<hbm>>) dst(%dma_wait3A_1651 : memref<8x32xf32, #tpu.memory_space<vmem>>)
      %dma_wait3A_1656 = arith.constant 12 : i32
      %dma_wait3A_1657 = arith.constant 0 : i32
      %dma_wait3A_1658 = arith.constant 0 : i32
      %dma_wait3A_1659 = tpu.memref_slice %arg10[%dma_wait3A_1656, %dma_wait3A_1657, %dma_wait3A_1658] : memref<32x8x32xf32, #tpu.memory_space<vmem>> -> memref<1x8x32xf32, #tpu.memory_space<vmem>>
      %dma_wait3A_1660 = tpu.memref_squeeze %dma_wait3A_1659 : memref<1x8x32xf32, #tpu.memory_space<vmem>> -> memref<8x32xf32, #tpu.memory_space<vmem>>
      %dma_wait3A_1661 = arith.constant 0 : i32
      %dma_wait3A_1662 = arith.constant 0 : i32
      %dma_wait3A_1663 = tpu.memref_slice %arg4[%squeeze3A_476, %dma_wait3A_1661, %dma_wait3A_1662] : memref<125000x8x32xf32, #tpu.memory_space<hbm>> -> memref<1x8x32xf32, #tpu.memory_space<hbm>>
      %dma_wait3A_1664 = tpu.memref_squeeze %dma_wait3A_1663 : memref<1x8x32xf32, #tpu.memory_space<hbm>> -> memref<8x32xf32, #tpu.memory_space<hbm>>
      %dma_wait3A_1665 = arith.constant 0 : i32
      %dma_wait3A_1666 = arith.constant 0 : i32
      %dma_wait3A_1667 = tpu.memref_slice %arg10[%dma_wait3A_1656, %dma_wait3A_1665, %dma_wait3A_1666] : memref<32x8x32xf32, #tpu.memory_space<vmem>> -> memref<1x8x32xf32, #tpu.memory_space<vmem>>
      %dma_wait3A_1668 = tpu.memref_squeeze %dma_wait3A_1667 : memref<1x8x32xf32, #tpu.memory_space<vmem>> -> memref<8x32xf32, #tpu.memory_space<vmem>>
      %dma_wait3A_1669 = arith.constant 0 : i32
      %dma_wait3A_1670 = arith.constant 0 : i32
      %dma_wait3A_1671 = tpu.memref_slice %arg4[%squeeze3A_476, %dma_wait3A_1669, %dma_wait3A_1670] : memref<125000x8x32xf32, #tpu.memory_space<hbm>> -> memref<1x8x32xf32, #tpu.memory_space<hbm>>
      %dma_wait3A_1672 = tpu.memref_squeeze %dma_wait3A_1671 : memref<1x8x32xf32, #tpu.memory_space<hbm>> -> memref<8x32xf32, #tpu.memory_space<hbm>>
      tpu.wait_dma2 semaphore(%arg14 : memref<!tpu.dma_semaphore, #tpu.memory_space<semaphore_mem>>) src(%dma_wait3A_1672 : memref<8x32xf32, #tpu.memory_space<hbm>>) dst(%dma_wait3A_1668 : memref<8x32xf32, #tpu.memory_space<vmem>>)
      %dma_wait3A_1673 = arith.constant 12 : i32
      %dma_wait3A_1674 = arith.constant 0 : i32
      %dma_wait3A_1675 = arith.constant 0 : i32
      %dma_wait3A_1676 = tpu.memref_slice %arg11[%dma_wait3A_1673, %dma_wait3A_1674, %dma_wait3A_1675] : memref<32x8x32xf32, #tpu.memory_space<vmem>> -> memref<1x8x32xf32, #tpu.memory_space<vmem>>
      %dma_wait3A_1677 = tpu.memref_squeeze %dma_wait3A_1676 : memref<1x8x32xf32, #tpu.memory_space<vmem>> -> memref<8x32xf32, #tpu.memory_space<vmem>>
      %dma_wait3A_1678 = arith.constant 0 : i32
      %dma_wait3A_1679 = arith.constant 0 : i32
      %dma_wait3A_1680 = tpu.memref_slice %arg5[%squeeze3A_495, %dma_wait3A_1678, %dma_wait3A_1679] : memref<125000x8x32xf32, #tpu.memory_space<hbm>> -> memref<1x8x32xf32, #tpu.memory_space<hbm>>
      %dma_wait3A_1681 = tpu.memref_squeeze %dma_wait3A_1680 : memref<1x8x32xf32, #tpu.memory_space<hbm>> -> memref<8x32xf32, #tpu.memory_space<hbm>>
      %dma_wait3A_1682 = arith.constant 0 : i32
      %dma_wait3A_1683 = arith.constant 0 : i32
      %dma_wait3A_1684 = tpu.memref_slice %arg11[%dma_wait3A_1673, %dma_wait3A_1682, %dma_wait3A_1683] : memref<32x8x32xf32, #tpu.memory_space<vmem>> -> memref<1x8x32xf32, #tpu.memory_space<vmem>>
      %dma_wait3A_1685 = tpu.memref_squeeze %dma_wait3A_1684 : memref<1x8x32xf32, #tpu.memory_space<vmem>> -> memref<8x32xf32, #tpu.memory_space<vmem>>
      %dma_wait3A_1686 = arith.constant 0 : i32
      %dma_wait3A_1687 = arith.constant 0 : i32
      %dma_wait3A_1688 = tpu.memref_slice %arg5[%squeeze3A_495, %dma_wait3A_1686, %dma_wait3A_1687] : memref<125000x8x32xf32, #tpu.memory_space<hbm>> -> memref<1x8x32xf32, #tpu.memory_space<hbm>>
      %dma_wait3A_1689 = tpu.memref_squeeze %dma_wait3A_1688 : memref<1x8x32xf32, #tpu.memory_space<hbm>> -> memref<8x32xf32, #tpu.memory_space<hbm>>
      tpu.wait_dma2 semaphore(%arg14 : memref<!tpu.dma_semaphore, #tpu.memory_space<semaphore_mem>>) src(%dma_wait3A_1689 : memref<8x32xf32, #tpu.memory_space<hbm>>) dst(%dma_wait3A_1685 : memref<8x32xf32, #tpu.memory_space<vmem>>)
      %dma_wait3A_1690 = arith.constant 13 : i32
      %dma_wait3A_1691 = arith.constant 0 : i32
      %dma_wait3A_1692 = arith.constant 0 : i32
      %dma_wait3A_1693 = tpu.memref_slice %arg10[%dma_wait3A_1690, %dma_wait3A_1691, %dma_wait3A_1692] : memref<32x8x32xf32, #tpu.memory_space<vmem>> -> memref<1x8x32xf32, #tpu.memory_space<vmem>>
      %dma_wait3A_1694 = tpu.memref_squeeze %dma_wait3A_1693 : memref<1x8x32xf32, #tpu.memory_space<vmem>> -> memref<8x32xf32, #tpu.memory_space<vmem>>
      %dma_wait3A_1695 = arith.constant 0 : i32
      %dma_wait3A_1696 = arith.constant 0 : i32
      %dma_wait3A_1697 = tpu.memref_slice %arg4[%squeeze3A_514, %dma_wait3A_1695, %dma_wait3A_1696] : memref<125000x8x32xf32, #tpu.memory_space<hbm>> -> memref<1x8x32xf32, #tpu.memory_space<hbm>>
      %dma_wait3A_1698 = tpu.memref_squeeze %dma_wait3A_1697 : memref<1x8x32xf32, #tpu.memory_space<hbm>> -> memref<8x32xf32, #tpu.memory_space<hbm>>
      %dma_wait3A_1699 = arith.constant 0 : i32
      %dma_wait3A_1700 = arith.constant 0 : i32
      %dma_wait3A_1701 = tpu.memref_slice %arg10[%dma_wait3A_1690, %dma_wait3A_1699, %dma_wait3A_1700] : memref<32x8x32xf32, #tpu.memory_space<vmem>> -> memref<1x8x32xf32, #tpu.memory_space<vmem>>
      %dma_wait3A_1702 = tpu.memref_squeeze %dma_wait3A_1701 : memref<1x8x32xf32, #tpu.memory_space<vmem>> -> memref<8x32xf32, #tpu.memory_space<vmem>>
      %dma_wait3A_1703 = arith.constant 0 : i32
      %dma_wait3A_1704 = arith.constant 0 : i32
      %dma_wait3A_1705 = tpu.memref_slice %arg4[%squeeze3A_514, %dma_wait3A_1703, %dma_wait3A_1704] : memref<125000x8x32xf32, #tpu.memory_space<hbm>> -> memref<1x8x32xf32, #tpu.memory_space<hbm>>
      %dma_wait3A_1706 = tpu.memref_squeeze %dma_wait3A_1705 : memref<1x8x32xf32, #tpu.memory_space<hbm>> -> memref<8x32xf32, #tpu.memory_space<hbm>>
      tpu.wait_dma2 semaphore(%arg14 : memref<!tpu.dma_semaphore, #tpu.memory_space<semaphore_mem>>) src(%dma_wait3A_1706 : memref<8x32xf32, #tpu.memory_space<hbm>>) dst(%dma_wait3A_1702 : memref<8x32xf32, #tpu.memory_space<vmem>>)
      %dma_wait3A_1707 = arith.constant 13 : i32
      %dma_wait3A_1708 = arith.constant 0 : i32
      %dma_wait3A_1709 = arith.constant 0 : i32
      %dma_wait3A_1710 = tpu.memref_slice %arg11[%dma_wait3A_1707, %dma_wait3A_1708, %dma_wait3A_1709] : memref<32x8x32xf32, #tpu.memory_space<vmem>> -> memref<1x8x32xf32, #tpu.memory_space<vmem>>
      %dma_wait3A_1711 = tpu.memref_squeeze %dma_wait3A_1710 : memref<1x8x32xf32, #tpu.memory_space<vmem>> -> memref<8x32xf32, #tpu.memory_space<vmem>>
      %dma_wait3A_1712 = arith.constant 0 : i32
      %dma_wait3A_1713 = arith.constant 0 : i32
      %dma_wait3A_1714 = tpu.memref_slice %arg5[%squeeze3A_533, %dma_wait3A_1712, %dma_wait3A_1713] : memref<125000x8x32xf32, #tpu.memory_space<hbm>> -> memref<1x8x32xf32, #tpu.memory_space<hbm>>
      %dma_wait3A_1715 = tpu.memref_squeeze %dma_wait3A_1714 : memref<1x8x32xf32, #tpu.memory_space<hbm>> -> memref<8x32xf32, #tpu.memory_space<hbm>>
      %dma_wait3A_1716 = arith.constant 0 : i32
      %dma_wait3A_1717 = arith.constant 0 : i32
      %dma_wait3A_1718 = tpu.memref_slice %arg11[%dma_wait3A_1707, %dma_wait3A_1716, %dma_wait3A_1717] : memref<32x8x32xf32, #tpu.memory_space<vmem>> -> memref<1x8x32xf32, #tpu.memory_space<vmem>>
      %dma_wait3A_1719 = tpu.memref_squeeze %dma_wait3A_1718 : memref<1x8x32xf32, #tpu.memory_space<vmem>> -> memref<8x32xf32, #tpu.memory_space<vmem>>
      %dma_wait3A_1720 = arith.constant 0 : i32
      %dma_wait3A_1721 = arith.constant 0 : i32
      %dma_wait3A_1722 = tpu.memref_slice %arg5[%squeeze3A_533, %dma_wait3A_1720, %dma_wait3A_1721] : memref<125000x8x32xf32, #tpu.memory_space<hbm>> -> memref<1x8x32xf32, #tpu.memory_space<hbm>>
      %dma_wait3A_1723 = tpu.memref_squeeze %dma_wait3A_1722 : memref<1x8x32xf32, #tpu.memory_space<hbm>> -> memref<8x32xf32, #tpu.memory_space<hbm>>
      tpu.wait_dma2 semaphore(%arg14 : memref<!tpu.dma_semaphore, #tpu.memory_space<semaphore_mem>>) src(%dma_wait3A_1723 : memref<8x32xf32, #tpu.memory_space<hbm>>) dst(%dma_wait3A_1719 : memref<8x32xf32, #tpu.memory_space<vmem>>)
      %dma_wait3A_1724 = arith.constant 14 : i32
      %dma_wait3A_1725 = arith.constant 0 : i32
      %dma_wait3A_1726 = arith.constant 0 : i32
      %dma_wait3A_1727 = tpu.memref_slice %arg10[%dma_wait3A_1724, %dma_wait3A_1725, %dma_wait3A_1726] : memref<32x8x32xf32, #tpu.memory_space<vmem>> -> memref<1x8x32xf32, #tpu.memory_space<vmem>>
      %dma_wait3A_1728 = tpu.memref_squeeze %dma_wait3A_1727 : memref<1x8x32xf32, #tpu.memory_space<vmem>> -> memref<8x32xf32, #tpu.memory_space<vmem>>
      %dma_wait3A_1729 = arith.constant 0 : i32
      %dma_wait3A_1730 = arith.constant 0 : i32
      %dma_wait3A_1731 = tpu.memref_slice %arg4[%squeeze3A_552, %dma_wait3A_1729, %dma_wait3A_1730] : memref<125000x8x32xf32, #tpu.memory_space<hbm>> -> memref<1x8x32xf32, #tpu.memory_space<hbm>>
      %dma_wait3A_1732 = tpu.memref_squeeze %dma_wait3A_1731 : memref<1x8x32xf32, #tpu.memory_space<hbm>> -> memref<8x32xf32, #tpu.memory_space<hbm>>
      %dma_wait3A_1733 = arith.constant 0 : i32
      %dma_wait3A_1734 = arith.constant 0 : i32
      %dma_wait3A_1735 = tpu.memref_slice %arg10[%dma_wait3A_1724, %dma_wait3A_1733, %dma_wait3A_1734] : memref<32x8x32xf32, #tpu.memory_space<vmem>> -> memref<1x8x32xf32, #tpu.memory_space<vmem>>
      %dma_wait3A_1736 = tpu.memref_squeeze %dma_wait3A_1735 : memref<1x8x32xf32, #tpu.memory_space<vmem>> -> memref<8x32xf32, #tpu.memory_space<vmem>>
      %dma_wait3A_1737 = arith.constant 0 : i32
      %dma_wait3A_1738 = arith.constant 0 : i32
      %dma_wait3A_1739 = tpu.memref_slice %arg4[%squeeze3A_552, %dma_wait3A_1737, %dma_wait3A_1738] : memref<125000x8x32xf32, #tpu.memory_space<hbm>> -> memref<1x8x32xf32, #tpu.memory_space<hbm>>
      %dma_wait3A_1740 = tpu.memref_squeeze %dma_wait3A_1739 : memref<1x8x32xf32, #tpu.memory_space<hbm>> -> memref<8x32xf32, #tpu.memory_space<hbm>>
      tpu.wait_dma2 semaphore(%arg14 : memref<!tpu.dma_semaphore, #tpu.memory_space<semaphore_mem>>) src(%dma_wait3A_1740 : memref<8x32xf32, #tpu.memory_space<hbm>>) dst(%dma_wait3A_1736 : memref<8x32xf32, #tpu.memory_space<vmem>>)
      %dma_wait3A_1741 = arith.constant 14 : i32
      %dma_wait3A_1742 = arith.constant 0 : i32
      %dma_wait3A_1743 = arith.constant 0 : i32
      %dma_wait3A_1744 = tpu.memref_slice %arg11[%dma_wait3A_1741, %dma_wait3A_1742, %dma_wait3A_1743] : memref<32x8x32xf32, #tpu.memory_space<vmem>> -> memref<1x8x32xf32, #tpu.memory_space<vmem>>
      %dma_wait3A_1745 = tpu.memref_squeeze %dma_wait3A_1744 : memref<1x8x32xf32, #tpu.memory_space<vmem>> -> memref<8x32xf32, #tpu.memory_space<vmem>>
      %dma_wait3A_1746 = arith.constant 0 : i32
      %dma_wait3A_1747 = arith.constant 0 : i32
      %dma_wait3A_1748 = tpu.memref_slice %arg5[%squeeze3A_571, %dma_wait3A_1746, %dma_wait3A_1747] : memref<125000x8x32xf32, #tpu.memory_space<hbm>> -> memref<1x8x32xf32, #tpu.memory_space<hbm>>
      %dma_wait3A_1749 = tpu.memref_squeeze %dma_wait3A_1748 : memref<1x8x32xf32, #tpu.memory_space<hbm>> -> memref<8x32xf32, #tpu.memory_space<hbm>>
      %dma_wait3A_1750 = arith.constant 0 : i32
      %dma_wait3A_1751 = arith.constant 0 : i32
      %dma_wait3A_1752 = tpu.memref_slice %arg11[%dma_wait3A_1741, %dma_wait3A_1750, %dma_wait3A_1751] : memref<32x8x32xf32, #tpu.memory_space<vmem>> -> memref<1x8x32xf32, #tpu.memory_space<vmem>>
      %dma_wait3A_1753 = tpu.memref_squeeze %dma_wait3A_1752 : memref<1x8x32xf32, #tpu.memory_space<vmem>> -> memref<8x32xf32, #tpu.memory_space<vmem>>
      %dma_wait3A_1754 = arith.constant 0 : i32
      %dma_wait3A_1755 = arith.constant 0 : i32
      %dma_wait3A_1756 = tpu.memref_slice %arg5[%squeeze3A_571, %dma_wait3A_1754, %dma_wait3A_1755] : memref<125000x8x32xf32, #tpu.memory_space<hbm>> -> memref<1x8x32xf32, #tpu.memory_space<hbm>>
      %dma_wait3A_1757 = tpu.memref_squeeze %dma_wait3A_1756 : memref<1x8x32xf32, #tpu.memory_space<hbm>> -> memref<8x32xf32, #tpu.memory_space<hbm>>
      tpu.wait_dma2 semaphore(%arg14 : memref<!tpu.dma_semaphore, #tpu.memory_space<semaphore_mem>>) src(%dma_wait3A_1757 : memref<8x32xf32, #tpu.memory_space<hbm>>) dst(%dma_wait3A_1753 : memref<8x32xf32, #tpu.memory_space<vmem>>)
      %dma_wait3A_1758 = arith.constant 15 : i32
      %dma_wait3A_1759 = arith.constant 0 : i32
      %dma_wait3A_1760 = arith.constant 0 : i32
      %dma_wait3A_1761 = tpu.memref_slice %arg10[%dma_wait3A_1758, %dma_wait3A_1759, %dma_wait3A_1760] : memref<32x8x32xf32, #tpu.memory_space<vmem>> -> memref<1x8x32xf32, #tpu.memory_space<vmem>>
      %dma_wait3A_1762 = tpu.memref_squeeze %dma_wait3A_1761 : memref<1x8x32xf32, #tpu.memory_space<vmem>> -> memref<8x32xf32, #tpu.memory_space<vmem>>
      %dma_wait3A_1763 = arith.constant 0 : i32
      %dma_wait3A_1764 = arith.constant 0 : i32
      %dma_wait3A_1765 = tpu.memref_slice %arg4[%squeeze3A_590, %dma_wait3A_1763, %dma_wait3A_1764] : memref<125000x8x32xf32, #tpu.memory_space<hbm>> -> memref<1x8x32xf32, #tpu.memory_space<hbm>>
      %dma_wait3A_1766 = tpu.memref_squeeze %dma_wait3A_1765 : memref<1x8x32xf32, #tpu.memory_space<hbm>> -> memref<8x32xf32, #tpu.memory_space<hbm>>
      %dma_wait3A_1767 = arith.constant 0 : i32
      %dma_wait3A_1768 = arith.constant 0 : i32
      %dma_wait3A_1769 = tpu.memref_slice %arg10[%dma_wait3A_1758, %dma_wait3A_1767, %dma_wait3A_1768] : memref<32x8x32xf32, #tpu.memory_space<vmem>> -> memref<1x8x32xf32, #tpu.memory_space<vmem>>
      %dma_wait3A_1770 = tpu.memref_squeeze %dma_wait3A_1769 : memref<1x8x32xf32, #tpu.memory_space<vmem>> -> memref<8x32xf32, #tpu.memory_space<vmem>>
      %dma_wait3A_1771 = arith.constant 0 : i32
      %dma_wait3A_1772 = arith.constant 0 : i32
      %dma_wait3A_1773 = tpu.memref_slice %arg4[%squeeze3A_590, %dma_wait3A_1771, %dma_wait3A_1772] : memref<125000x8x32xf32, #tpu.memory_space<hbm>> -> memref<1x8x32xf32, #tpu.memory_space<hbm>>
      %dma_wait3A_1774 = tpu.memref_squeeze %dma_wait3A_1773 : memref<1x8x32xf32, #tpu.memory_space<hbm>> -> memref<8x32xf32, #tpu.memory_space<hbm>>
      tpu.wait_dma2 semaphore(%arg14 : memref<!tpu.dma_semaphore, #tpu.memory_space<semaphore_mem>>) src(%dma_wait3A_1774 : memref<8x32xf32, #tpu.memory_space<hbm>>) dst(%dma_wait3A_1770 : memref<8x32xf32, #tpu.memory_space<vmem>>)
      %dma_wait3A_1775 = arith.constant 15 : i32
      %dma_wait3A_1776 = arith.constant 0 : i32
      %dma_wait3A_1777 = arith.constant 0 : i32
      %dma_wait3A_1778 = tpu.memref_slice %arg11[%dma_wait3A_1775, %dma_wait3A_1776, %dma_wait3A_1777] : memref<32x8x32xf32, #tpu.memory_space<vmem>> -> memref<1x8x32xf32, #tpu.memory_space<vmem>>
      %dma_wait3A_1779 = tpu.memref_squeeze %dma_wait3A_1778 : memref<1x8x32xf32, #tpu.memory_space<vmem>> -> memref<8x32xf32, #tpu.memory_space<vmem>>
      %dma_wait3A_1780 = arith.constant 0 : i32
      %dma_wait3A_1781 = arith.constant 0 : i32
      %dma_wait3A_1782 = tpu.memref_slice %arg5[%squeeze3A_609, %dma_wait3A_1780, %dma_wait3A_1781] : memref<125000x8x32xf32, #tpu.memory_space<hbm>> -> memref<1x8x32xf32, #tpu.memory_space<hbm>>
      %dma_wait3A_1783 = tpu.memref_squeeze %dma_wait3A_1782 : memref<1x8x32xf32, #tpu.memory_space<hbm>> -> memref<8x32xf32, #tpu.memory_space<hbm>>
      %dma_wait3A_1784 = arith.constant 0 : i32
      %dma_wait3A_1785 = arith.constant 0 : i32
      %dma_wait3A_1786 = tpu.memref_slice %arg11[%dma_wait3A_1775, %dma_wait3A_1784, %dma_wait3A_1785] : memref<32x8x32xf32, #tpu.memory_space<vmem>> -> memref<1x8x32xf32, #tpu.memory_space<vmem>>
      %dma_wait3A_1787 = tpu.memref_squeeze %dma_wait3A_1786 : memref<1x8x32xf32, #tpu.memory_space<vmem>> -> memref<8x32xf32, #tpu.memory_space<vmem>>
      %dma_wait3A_1788 = arith.constant 0 : i32
      %dma_wait3A_1789 = arith.constant 0 : i32
      %dma_wait3A_1790 = tpu.memref_slice %arg5[%squeeze3A_609, %dma_wait3A_1788, %dma_wait3A_1789] : memref<125000x8x32xf32, #tpu.memory_space<hbm>> -> memref<1x8x32xf32, #tpu.memory_space<hbm>>
      %dma_wait3A_1791 = tpu.memref_squeeze %dma_wait3A_1790 : memref<1x8x32xf32, #tpu.memory_space<hbm>> -> memref<8x32xf32, #tpu.memory_space<hbm>>
      tpu.wait_dma2 semaphore(%arg14 : memref<!tpu.dma_semaphore, #tpu.memory_space<semaphore_mem>>) src(%dma_wait3A_1791 : memref<8x32xf32, #tpu.memory_space<hbm>>) dst(%dma_wait3A_1787 : memref<8x32xf32, #tpu.memory_space<vmem>>)
      %dma_wait3A_1792 = arith.constant 16 : i32
      %dma_wait3A_1793 = arith.constant 0 : i32
      %dma_wait3A_1794 = arith.constant 0 : i32
      %dma_wait3A_1795 = tpu.memref_slice %arg10[%dma_wait3A_1792, %dma_wait3A_1793, %dma_wait3A_1794] : memref<32x8x32xf32, #tpu.memory_space<vmem>> -> memref<1x8x32xf32, #tpu.memory_space<vmem>>
      %dma_wait3A_1796 = tpu.memref_squeeze %dma_wait3A_1795 : memref<1x8x32xf32, #tpu.memory_space<vmem>> -> memref<8x32xf32, #tpu.memory_space<vmem>>
      %dma_wait3A_1797 = arith.constant 0 : i32
      %dma_wait3A_1798 = arith.constant 0 : i32
      %dma_wait3A_1799 = tpu.memref_slice %arg4[%squeeze3A_642, %dma_wait3A_1797, %dma_wait3A_1798] : memref<125000x8x32xf32, #tpu.memory_space<hbm>> -> memref<1x8x32xf32, #tpu.memory_space<hbm>>
      %dma_wait3A_1800 = tpu.memref_squeeze %dma_wait3A_1799 : memref<1x8x32xf32, #tpu.memory_space<hbm>> -> memref<8x32xf32, #tpu.memory_space<hbm>>
      %dma_wait3A_1801 = arith.constant 0 : i32
      %dma_wait3A_1802 = arith.constant 0 : i32
      %dma_wait3A_1803 = tpu.memref_slice %arg10[%dma_wait3A_1792, %dma_wait3A_1801, %dma_wait3A_1802] : memref<32x8x32xf32, #tpu.memory_space<vmem>> -> memref<1x8x32xf32, #tpu.memory_space<vmem>>
      %dma_wait3A_1804 = tpu.memref_squeeze %dma_wait3A_1803 : memref<1x8x32xf32, #tpu.memory_space<vmem>> -> memref<8x32xf32, #tpu.memory_space<vmem>>
      %dma_wait3A_1805 = arith.constant 0 : i32
      %dma_wait3A_1806 = arith.constant 0 : i32
      %dma_wait3A_1807 = tpu.memref_slice %arg4[%squeeze3A_642, %dma_wait3A_1805, %dma_wait3A_1806] : memref<125000x8x32xf32, #tpu.memory_space<hbm>> -> memref<1x8x32xf32, #tpu.memory_space<hbm>>
      %dma_wait3A_1808 = tpu.memref_squeeze %dma_wait3A_1807 : memref<1x8x32xf32, #tpu.memory_space<hbm>> -> memref<8x32xf32, #tpu.memory_space<hbm>>
      tpu.wait_dma2 semaphore(%arg14 : memref<!tpu.dma_semaphore, #tpu.memory_space<semaphore_mem>>) src(%dma_wait3A_1808 : memref<8x32xf32, #tpu.memory_space<hbm>>) dst(%dma_wait3A_1804 : memref<8x32xf32, #tpu.memory_space<vmem>>)
      %dma_wait3A_1809 = arith.constant 16 : i32
      %dma_wait3A_1810 = arith.constant 0 : i32
      %dma_wait3A_1811 = arith.constant 0 : i32
      %dma_wait3A_1812 = tpu.memref_slice %arg11[%dma_wait3A_1809, %dma_wait3A_1810, %dma_wait3A_1811] : memref<32x8x32xf32, #tpu.memory_space<vmem>> -> memref<1x8x32xf32, #tpu.memory_space<vmem>>
      %dma_wait3A_1813 = tpu.memref_squeeze %dma_wait3A_1812 : memref<1x8x32xf32, #tpu.memory_space<vmem>> -> memref<8x32xf32, #tpu.memory_space<vmem>>
      %dma_wait3A_1814 = arith.constant 0 : i32
      %dma_wait3A_1815 = arith.constant 0 : i32
      %dma_wait3A_1816 = tpu.memref_slice %arg5[%squeeze3A_661, %dma_wait3A_1814, %dma_wait3A_1815] : memref<125000x8x32xf32, #tpu.memory_space<hbm>> -> memref<1x8x32xf32, #tpu.memory_space<hbm>>
      %dma_wait3A_1817 = tpu.memref_squeeze %dma_wait3A_1816 : memref<1x8x32xf32, #tpu.memory_space<hbm>> -> memref<8x32xf32, #tpu.memory_space<hbm>>
      %dma_wait3A_1818 = arith.constant 0 : i32
      %dma_wait3A_1819 = arith.constant 0 : i32
      %dma_wait3A_1820 = tpu.memref_slice %arg11[%dma_wait3A_1809, %dma_wait3A_1818, %dma_wait3A_1819] : memref<32x8x32xf32, #tpu.memory_space<vmem>> -> memref<1x8x32xf32, #tpu.memory_space<vmem>>
      %dma_wait3A_1821 = tpu.memref_squeeze %dma_wait3A_1820 : memref<1x8x32xf32, #tpu.memory_space<vmem>> -> memref<8x32xf32, #tpu.memory_space<vmem>>
      %dma_wait3A_1822 = arith.constant 0 : i32
      %dma_wait3A_1823 = arith.constant 0 : i32
      %dma_wait3A_1824 = tpu.memref_slice %arg5[%squeeze3A_661, %dma_wait3A_1822, %dma_wait3A_1823] : memref<125000x8x32xf32, #tpu.memory_space<hbm>> -> memref<1x8x32xf32, #tpu.memory_space<hbm>>
      %dma_wait3A_1825 = tpu.memref_squeeze %dma_wait3A_1824 : memref<1x8x32xf32, #tpu.memory_space<hbm>> -> memref<8x32xf32, #tpu.memory_space<hbm>>
      tpu.wait_dma2 semaphore(%arg14 : memref<!tpu.dma_semaphore, #tpu.memory_space<semaphore_mem>>) src(%dma_wait3A_1825 : memref<8x32xf32, #tpu.memory_space<hbm>>) dst(%dma_wait3A_1821 : memref<8x32xf32, #tpu.memory_space<vmem>>)
      %dma_wait3A_1826 = arith.constant 17 : i32
      %dma_wait3A_1827 = arith.constant 0 : i32
      %dma_wait3A_1828 = arith.constant 0 : i32
      %dma_wait3A_1829 = tpu.memref_slice %arg10[%dma_wait3A_1826, %dma_wait3A_1827, %dma_wait3A_1828] : memref<32x8x32xf32, #tpu.memory_space<vmem>> -> memref<1x8x32xf32, #tpu.memory_space<vmem>>
      %dma_wait3A_1830 = tpu.memref_squeeze %dma_wait3A_1829 : memref<1x8x32xf32, #tpu.memory_space<vmem>> -> memref<8x32xf32, #tpu.memory_space<vmem>>
      %dma_wait3A_1831 = arith.constant 0 : i32
      %dma_wait3A_1832 = arith.constant 0 : i32
      %dma_wait3A_1833 = tpu.memref_slice %arg4[%squeeze3A_680, %dma_wait3A_1831, %dma_wait3A_1832] : memref<125000x8x32xf32, #tpu.memory_space<hbm>> -> memref<1x8x32xf32, #tpu.memory_space<hbm>>
      %dma_wait3A_1834 = tpu.memref_squeeze %dma_wait3A_1833 : memref<1x8x32xf32, #tpu.memory_space<hbm>> -> memref<8x32xf32, #tpu.memory_space<hbm>>
      %dma_wait3A_1835 = arith.constant 0 : i32
      %dma_wait3A_1836 = arith.constant 0 : i32
      %dma_wait3A_1837 = tpu.memref_slice %arg10[%dma_wait3A_1826, %dma_wait3A_1835, %dma_wait3A_1836] : memref<32x8x32xf32, #tpu.memory_space<vmem>> -> memref<1x8x32xf32, #tpu.memory_space<vmem>>
      %dma_wait3A_1838 = tpu.memref_squeeze %dma_wait3A_1837 : memref<1x8x32xf32, #tpu.memory_space<vmem>> -> memref<8x32xf32, #tpu.memory_space<vmem>>
      %dma_wait3A_1839 = arith.constant 0 : i32
      %dma_wait3A_1840 = arith.constant 0 : i32
      %dma_wait3A_1841 = tpu.memref_slice %arg4[%squeeze3A_680, %dma_wait3A_1839, %dma_wait3A_1840] : memref<125000x8x32xf32, #tpu.memory_space<hbm>> -> memref<1x8x32xf32, #tpu.memory_space<hbm>>
      %dma_wait3A_1842 = tpu.memref_squeeze %dma_wait3A_1841 : memref<1x8x32xf32, #tpu.memory_space<hbm>> -> memref<8x32xf32, #tpu.memory_space<hbm>>
      tpu.wait_dma2 semaphore(%arg14 : memref<!tpu.dma_semaphore, #tpu.memory_space<semaphore_mem>>) src(%dma_wait3A_1842 : memref<8x32xf32, #tpu.memory_space<hbm>>) dst(%dma_wait3A_1838 : memref<8x32xf32, #tpu.memory_space<vmem>>)
      %dma_wait3A_1843 = arith.constant 17 : i32
      %dma_wait3A_1844 = arith.constant 0 : i32
      %dma_wait3A_1845 = arith.constant 0 : i32
      %dma_wait3A_1846 = tpu.memref_slice %arg11[%dma_wait3A_1843, %dma_wait3A_1844, %dma_wait3A_1845] : memref<32x8x32xf32, #tpu.memory_space<vmem>> -> memref<1x8x32xf32, #tpu.memory_space<vmem>>
      %dma_wait3A_1847 = tpu.memref_squeeze %dma_wait3A_1846 : memref<1x8x32xf32, #tpu.memory_space<vmem>> -> memref<8x32xf32, #tpu.memory_space<vmem>>
      %dma_wait3A_1848 = arith.constant 0 : i32
      %dma_wait3A_1849 = arith.constant 0 : i32
      %dma_wait3A_1850 = tpu.memref_slice %arg5[%squeeze3A_699, %dma_wait3A_1848, %dma_wait3A_1849] : memref<125000x8x32xf32, #tpu.memory_space<hbm>> -> memref<1x8x32xf32, #tpu.memory_space<hbm>>
      %dma_wait3A_1851 = tpu.memref_squeeze %dma_wait3A_1850 : memref<1x8x32xf32, #tpu.memory_space<hbm>> -> memref<8x32xf32, #tpu.memory_space<hbm>>
      %dma_wait3A_1852 = arith.constant 0 : i32
      %dma_wait3A_1853 = arith.constant 0 : i32
      %dma_wait3A_1854 = tpu.memref_slice %arg11[%dma_wait3A_1843, %dma_wait3A_1852, %dma_wait3A_1853] : memref<32x8x32xf32, #tpu.memory_space<vmem>> -> memref<1x8x32xf32, #tpu.memory_space<vmem>>
      %dma_wait3A_1855 = tpu.memref_squeeze %dma_wait3A_1854 : memref<1x8x32xf32, #tpu.memory_space<vmem>> -> memref<8x32xf32, #tpu.memory_space<vmem>>
      %dma_wait3A_1856 = arith.constant 0 : i32
      %dma_wait3A_1857 = arith.constant 0 : i32
      %dma_wait3A_1858 = tpu.memref_slice %arg5[%squeeze3A_699, %dma_wait3A_1856, %dma_wait3A_1857] : memref<125000x8x32xf32, #tpu.memory_space<hbm>> -> memref<1x8x32xf32, #tpu.memory_space<hbm>>
      %dma_wait3A_1859 = tpu.memref_squeeze %dma_wait3A_1858 : memref<1x8x32xf32, #tpu.memory_space<hbm>> -> memref<8x32xf32, #tpu.memory_space<hbm>>
      tpu.wait_dma2 semaphore(%arg14 : memref<!tpu.dma_semaphore, #tpu.memory_space<semaphore_mem>>) src(%dma_wait3A_1859 : memref<8x32xf32, #tpu.memory_space<hbm>>) dst(%dma_wait3A_1855 : memref<8x32xf32, #tpu.memory_space<vmem>>)
      %dma_wait3A_1860 = arith.constant 18 : i32
      %dma_wait3A_1861 = arith.constant 0 : i32
      %dma_wait3A_1862 = arith.constant 0 : i32
      %dma_wait3A_1863 = tpu.memref_slice %arg10[%dma_wait3A_1860, %dma_wait3A_1861, %dma_wait3A_1862] : memref<32x8x32xf32, #tpu.memory_space<vmem>> -> memref<1x8x32xf32, #tpu.memory_space<vmem>>
      %dma_wait3A_1864 = tpu.memref_squeeze %dma_wait3A_1863 : memref<1x8x32xf32, #tpu.memory_space<vmem>> -> memref<8x32xf32, #tpu.memory_space<vmem>>
      %dma_wait3A_1865 = arith.constant 0 : i32
      %dma_wait3A_1866 = arith.constant 0 : i32
      %dma_wait3A_1867 = tpu.memref_slice %arg4[%squeeze3A_718, %dma_wait3A_1865, %dma_wait3A_1866] : memref<125000x8x32xf32, #tpu.memory_space<hbm>> -> memref<1x8x32xf32, #tpu.memory_space<hbm>>
      %dma_wait3A_1868 = tpu.memref_squeeze %dma_wait3A_1867 : memref<1x8x32xf32, #tpu.memory_space<hbm>> -> memref<8x32xf32, #tpu.memory_space<hbm>>
      %dma_wait3A_1869 = arith.constant 0 : i32
      %dma_wait3A_1870 = arith.constant 0 : i32
      %dma_wait3A_1871 = tpu.memref_slice %arg10[%dma_wait3A_1860, %dma_wait3A_1869, %dma_wait3A_1870] : memref<32x8x32xf32, #tpu.memory_space<vmem>> -> memref<1x8x32xf32, #tpu.memory_space<vmem>>
      %dma_wait3A_1872 = tpu.memref_squeeze %dma_wait3A_1871 : memref<1x8x32xf32, #tpu.memory_space<vmem>> -> memref<8x32xf32, #tpu.memory_space<vmem>>
      %dma_wait3A_1873 = arith.constant 0 : i32
      %dma_wait3A_1874 = arith.constant 0 : i32
      %dma_wait3A_1875 = tpu.memref_slice %arg4[%squeeze3A_718, %dma_wait3A_1873, %dma_wait3A_1874] : memref<125000x8x32xf32, #tpu.memory_space<hbm>> -> memref<1x8x32xf32, #tpu.memory_space<hbm>>
      %dma_wait3A_1876 = tpu.memref_squeeze %dma_wait3A_1875 : memref<1x8x32xf32, #tpu.memory_space<hbm>> -> memref<8x32xf32, #tpu.memory_space<hbm>>
      tpu.wait_dma2 semaphore(%arg14 : memref<!tpu.dma_semaphore, #tpu.memory_space<semaphore_mem>>) src(%dma_wait3A_1876 : memref<8x32xf32, #tpu.memory_space<hbm>>) dst(%dma_wait3A_1872 : memref<8x32xf32, #tpu.memory_space<vmem>>)
      %dma_wait3A_1877 = arith.constant 18 : i32
      %dma_wait3A_1878 = arith.constant 0 : i32
      %dma_wait3A_1879 = arith.constant 0 : i32
      %dma_wait3A_1880 = tpu.memref_slice %arg11[%dma_wait3A_1877, %dma_wait3A_1878, %dma_wait3A_1879] : memref<32x8x32xf32, #tpu.memory_space<vmem>> -> memref<1x8x32xf32, #tpu.memory_space<vmem>>
      %dma_wait3A_1881 = tpu.memref_squeeze %dma_wait3A_1880 : memref<1x8x32xf32, #tpu.memory_space<vmem>> -> memref<8x32xf32, #tpu.memory_space<vmem>>
      %dma_wait3A_1882 = arith.constant 0 : i32
      %dma_wait3A_1883 = arith.constant 0 : i32
      %dma_wait3A_1884 = tpu.memref_slice %arg5[%squeeze3A_737, %dma_wait3A_1882, %dma_wait3A_1883] : memref<125000x8x32xf32, #tpu.memory_space<hbm>> -> memref<1x8x32xf32, #tpu.memory_space<hbm>>
      %dma_wait3A_1885 = tpu.memref_squeeze %dma_wait3A_1884 : memref<1x8x32xf32, #tpu.memory_space<hbm>> -> memref<8x32xf32, #tpu.memory_space<hbm>>
      %dma_wait3A_1886 = arith.constant 0 : i32
      %dma_wait3A_1887 = arith.constant 0 : i32
      %dma_wait3A_1888 = tpu.memref_slice %arg11[%dma_wait3A_1877, %dma_wait3A_1886, %dma_wait3A_1887] : memref<32x8x32xf32, #tpu.memory_space<vmem>> -> memref<1x8x32xf32, #tpu.memory_space<vmem>>
      %dma_wait3A_1889 = tpu.memref_squeeze %dma_wait3A_1888 : memref<1x8x32xf32, #tpu.memory_space<vmem>> -> memref<8x32xf32, #tpu.memory_space<vmem>>
      %dma_wait3A_1890 = arith.constant 0 : i32
      %dma_wait3A_1891 = arith.constant 0 : i32
      %dma_wait3A_1892 = tpu.memref_slice %arg5[%squeeze3A_737, %dma_wait3A_1890, %dma_wait3A_1891] : memref<125000x8x32xf32, #tpu.memory_space<hbm>> -> memref<1x8x32xf32, #tpu.memory_space<hbm>>
      %dma_wait3A_1893 = tpu.memref_squeeze %dma_wait3A_1892 : memref<1x8x32xf32, #tpu.memory_space<hbm>> -> memref<8x32xf32, #tpu.memory_space<hbm>>
      tpu.wait_dma2 semaphore(%arg14 : memref<!tpu.dma_semaphore, #tpu.memory_space<semaphore_mem>>) src(%dma_wait3A_1893 : memref<8x32xf32, #tpu.memory_space<hbm>>) dst(%dma_wait3A_1889 : memref<8x32xf32, #tpu.memory_space<vmem>>)
      %dma_wait3A_1894 = arith.constant 19 : i32
      %dma_wait3A_1895 = arith.constant 0 : i32
      %dma_wait3A_1896 = arith.constant 0 : i32
      %dma_wait3A_1897 = tpu.memref_slice %arg10[%dma_wait3A_1894, %dma_wait3A_1895, %dma_wait3A_1896] : memref<32x8x32xf32, #tpu.memory_space<vmem>> -> memref<1x8x32xf32, #tpu.memory_space<vmem>>
      %dma_wait3A_1898 = tpu.memref_squeeze %dma_wait3A_1897 : memref<1x8x32xf32, #tpu.memory_space<vmem>> -> memref<8x32xf32, #tpu.memory_space<vmem>>
      %dma_wait3A_1899 = arith.constant 0 : i32
      %dma_wait3A_1900 = arith.constant 0 : i32
      %dma_wait3A_1901 = tpu.memref_slice %arg4[%squeeze3A_756, %dma_wait3A_1899, %dma_wait3A_1900] : memref<125000x8x32xf32, #tpu.memory_space<hbm>> -> memref<1x8x32xf32, #tpu.memory_space<hbm>>
      %dma_wait3A_1902 = tpu.memref_squeeze %dma_wait3A_1901 : memref<1x8x32xf32, #tpu.memory_space<hbm>> -> memref<8x32xf32, #tpu.memory_space<hbm>>
      %dma_wait3A_1903 = arith.constant 0 : i32
      %dma_wait3A_1904 = arith.constant 0 : i32
      %dma_wait3A_1905 = tpu.memref_slice %arg10[%dma_wait3A_1894, %dma_wait3A_1903, %dma_wait3A_1904] : memref<32x8x32xf32, #tpu.memory_space<vmem>> -> memref<1x8x32xf32, #tpu.memory_space<vmem>>
      %dma_wait3A_1906 = tpu.memref_squeeze %dma_wait3A_1905 : memref<1x8x32xf32, #tpu.memory_space<vmem>> -> memref<8x32xf32, #tpu.memory_space<vmem>>
      %dma_wait3A_1907 = arith.constant 0 : i32
      %dma_wait3A_1908 = arith.constant 0 : i32
      %dma_wait3A_1909 = tpu.memref_slice %arg4[%squeeze3A_756, %dma_wait3A_1907, %dma_wait3A_1908] : memref<125000x8x32xf32, #tpu.memory_space<hbm>> -> memref<1x8x32xf32, #tpu.memory_space<hbm>>
      %dma_wait3A_1910 = tpu.memref_squeeze %dma_wait3A_1909 : memref<1x8x32xf32, #tpu.memory_space<hbm>> -> memref<8x32xf32, #tpu.memory_space<hbm>>
      tpu.wait_dma2 semaphore(%arg14 : memref<!tpu.dma_semaphore, #tpu.memory_space<semaphore_mem>>) src(%dma_wait3A_1910 : memref<8x32xf32, #tpu.memory_space<hbm>>) dst(%dma_wait3A_1906 : memref<8x32xf32, #tpu.memory_space<vmem>>)
      %dma_wait3A_1911 = arith.constant 19 : i32
      %dma_wait3A_1912 = arith.constant 0 : i32
      %dma_wait3A_1913 = arith.constant 0 : i32
      %dma_wait3A_1914 = tpu.memref_slice %arg11[%dma_wait3A_1911, %dma_wait3A_1912, %dma_wait3A_1913] : memref<32x8x32xf32, #tpu.memory_space<vmem>> -> memref<1x8x32xf32, #tpu.memory_space<vmem>>
      %dma_wait3A_1915 = tpu.memref_squeeze %dma_wait3A_1914 : memref<1x8x32xf32, #tpu.memory_space<vmem>> -> memref<8x32xf32, #tpu.memory_space<vmem>>
      %dma_wait3A_1916 = arith.constant 0 : i32
      %dma_wait3A_1917 = arith.constant 0 : i32
      %dma_wait3A_1918 = tpu.memref_slice %arg5[%squeeze3A_775, %dma_wait3A_1916, %dma_wait3A_1917] : memref<125000x8x32xf32, #tpu.memory_space<hbm>> -> memref<1x8x32xf32, #tpu.memory_space<hbm>>
      %dma_wait3A_1919 = tpu.memref_squeeze %dma_wait3A_1918 : memref<1x8x32xf32, #tpu.memory_space<hbm>> -> memref<8x32xf32, #tpu.memory_space<hbm>>
      %dma_wait3A_1920 = arith.constant 0 : i32
      %dma_wait3A_1921 = arith.constant 0 : i32
      %dma_wait3A_1922 = tpu.memref_slice %arg11[%dma_wait3A_1911, %dma_wait3A_1920, %dma_wait3A_1921] : memref<32x8x32xf32, #tpu.memory_space<vmem>> -> memref<1x8x32xf32, #tpu.memory_space<vmem>>
      %dma_wait3A_1923 = tpu.memref_squeeze %dma_wait3A_1922 : memref<1x8x32xf32, #tpu.memory_space<vmem>> -> memref<8x32xf32, #tpu.memory_space<vmem>>
      %dma_wait3A_1924 = arith.constant 0 : i32
      %dma_wait3A_1925 = arith.constant 0 : i32
      %dma_wait3A_1926 = tpu.memref_slice %arg5[%squeeze3A_775, %dma_wait3A_1924, %dma_wait3A_1925] : memref<125000x8x32xf32, #tpu.memory_space<hbm>> -> memref<1x8x32xf32, #tpu.memory_space<hbm>>
      %dma_wait3A_1927 = tpu.memref_squeeze %dma_wait3A_1926 : memref<1x8x32xf32, #tpu.memory_space<hbm>> -> memref<8x32xf32, #tpu.memory_space<hbm>>
      tpu.wait_dma2 semaphore(%arg14 : memref<!tpu.dma_semaphore, #tpu.memory_space<semaphore_mem>>) src(%dma_wait3A_1927 : memref<8x32xf32, #tpu.memory_space<hbm>>) dst(%dma_wait3A_1923 : memref<8x32xf32, #tpu.memory_space<vmem>>)
      %dma_wait3A_1928 = arith.constant 20 : i32
      %dma_wait3A_1929 = arith.constant 0 : i32
      %dma_wait3A_1930 = arith.constant 0 : i32
      %dma_wait3A_1931 = tpu.memref_slice %arg10[%dma_wait3A_1928, %dma_wait3A_1929, %dma_wait3A_1930] : memref<32x8x32xf32, #tpu.memory_space<vmem>> -> memref<1x8x32xf32, #tpu.memory_space<vmem>>
      %dma_wait3A_1932 = tpu.memref_squeeze %dma_wait3A_1931 : memref<1x8x32xf32, #tpu.memory_space<vmem>> -> memref<8x32xf32, #tpu.memory_space<vmem>>
      %dma_wait3A_1933 = arith.constant 0 : i32
      %dma_wait3A_1934 = arith.constant 0 : i32
      %dma_wait3A_1935 = tpu.memref_slice %arg4[%squeeze3A_794, %dma_wait3A_1933, %dma_wait3A_1934] : memref<125000x8x32xf32, #tpu.memory_space<hbm>> -> memref<1x8x32xf32, #tpu.memory_space<hbm>>
      %dma_wait3A_1936 = tpu.memref_squeeze %dma_wait3A_1935 : memref<1x8x32xf32, #tpu.memory_space<hbm>> -> memref<8x32xf32, #tpu.memory_space<hbm>>
      %dma_wait3A_1937 = arith.constant 0 : i32
      %dma_wait3A_1938 = arith.constant 0 : i32
      %dma_wait3A_1939 = tpu.memref_slice %arg10[%dma_wait3A_1928, %dma_wait3A_1937, %dma_wait3A_1938] : memref<32x8x32xf32, #tpu.memory_space<vmem>> -> memref<1x8x32xf32, #tpu.memory_space<vmem>>
      %dma_wait3A_1940 = tpu.memref_squeeze %dma_wait3A_1939 : memref<1x8x32xf32, #tpu.memory_space<vmem>> -> memref<8x32xf32, #tpu.memory_space<vmem>>
      %dma_wait3A_1941 = arith.constant 0 : i32
      %dma_wait3A_1942 = arith.constant 0 : i32
      %dma_wait3A_1943 = tpu.memref_slice %arg4[%squeeze3A_794, %dma_wait3A_1941, %dma_wait3A_1942] : memref<125000x8x32xf32, #tpu.memory_space<hbm>> -> memref<1x8x32xf32, #tpu.memory_space<hbm>>
      %dma_wait3A_1944 = tpu.memref_squeeze %dma_wait3A_1943 : memref<1x8x32xf32, #tpu.memory_space<hbm>> -> memref<8x32xf32, #tpu.memory_space<hbm>>
      tpu.wait_dma2 semaphore(%arg14 : memref<!tpu.dma_semaphore, #tpu.memory_space<semaphore_mem>>) src(%dma_wait3A_1944 : memref<8x32xf32, #tpu.memory_space<hbm>>) dst(%dma_wait3A_1940 : memref<8x32xf32, #tpu.memory_space<vmem>>)
      %dma_wait3A_1945 = arith.constant 20 : i32
      %dma_wait3A_1946 = arith.constant 0 : i32
      %dma_wait3A_1947 = arith.constant 0 : i32
      %dma_wait3A_1948 = tpu.memref_slice %arg11[%dma_wait3A_1945, %dma_wait3A_1946, %dma_wait3A_1947] : memref<32x8x32xf32, #tpu.memory_space<vmem>> -> memref<1x8x32xf32, #tpu.memory_space<vmem>>
      %dma_wait3A_1949 = tpu.memref_squeeze %dma_wait3A_1948 : memref<1x8x32xf32, #tpu.memory_space<vmem>> -> memref<8x32xf32, #tpu.memory_space<vmem>>
      %dma_wait3A_1950 = arith.constant 0 : i32
      %dma_wait3A_1951 = arith.constant 0 : i32
      %dma_wait3A_1952 = tpu.memref_slice %arg5[%squeeze3A_813, %dma_wait3A_1950, %dma_wait3A_1951] : memref<125000x8x32xf32, #tpu.memory_space<hbm>> -> memref<1x8x32xf32, #tpu.memory_space<hbm>>
      %dma_wait3A_1953 = tpu.memref_squeeze %dma_wait3A_1952 : memref<1x8x32xf32, #tpu.memory_space<hbm>> -> memref<8x32xf32, #tpu.memory_space<hbm>>
      %dma_wait3A_1954 = arith.constant 0 : i32
      %dma_wait3A_1955 = arith.constant 0 : i32
      %dma_wait3A_1956 = tpu.memref_slice %arg11[%dma_wait3A_1945, %dma_wait3A_1954, %dma_wait3A_1955] : memref<32x8x32xf32, #tpu.memory_space<vmem>> -> memref<1x8x32xf32, #tpu.memory_space<vmem>>
      %dma_wait3A_1957 = tpu.memref_squeeze %dma_wait3A_1956 : memref<1x8x32xf32, #tpu.memory_space<vmem>> -> memref<8x32xf32, #tpu.memory_space<vmem>>
      %dma_wait3A_1958 = arith.constant 0 : i32
      %dma_wait3A_1959 = arith.constant 0 : i32
      %dma_wait3A_1960 = tpu.memref_slice %arg5[%squeeze3A_813, %dma_wait3A_1958, %dma_wait3A_1959] : memref<125000x8x32xf32, #tpu.memory_space<hbm>> -> memref<1x8x32xf32, #tpu.memory_space<hbm>>
      %dma_wait3A_1961 = tpu.memref_squeeze %dma_wait3A_1960 : memref<1x8x32xf32, #tpu.memory_space<hbm>> -> memref<8x32xf32, #tpu.memory_space<hbm>>
      tpu.wait_dma2 semaphore(%arg14 : memref<!tpu.dma_semaphore, #tpu.memory_space<semaphore_mem>>) src(%dma_wait3A_1961 : memref<8x32xf32, #tpu.memory_space<hbm>>) dst(%dma_wait3A_1957 : memref<8x32xf32, #tpu.memory_space<vmem>>)
      %dma_wait3A_1962 = arith.constant 21 : i32
      %dma_wait3A_1963 = arith.constant 0 : i32
      %dma_wait3A_1964 = arith.constant 0 : i32
      %dma_wait3A_1965 = tpu.memref_slice %arg10[%dma_wait3A_1962, %dma_wait3A_1963, %dma_wait3A_1964] : memref<32x8x32xf32, #tpu.memory_space<vmem>> -> memref<1x8x32xf32, #tpu.memory_space<vmem>>
      %dma_wait3A_1966 = tpu.memref_squeeze %dma_wait3A_1965 : memref<1x8x32xf32, #tpu.memory_space<vmem>> -> memref<8x32xf32, #tpu.memory_space<vmem>>
      %dma_wait3A_1967 = arith.constant 0 : i32
      %dma_wait3A_1968 = arith.constant 0 : i32
      %dma_wait3A_1969 = tpu.memref_slice %arg4[%squeeze3A_832, %dma_wait3A_1967, %dma_wait3A_1968] : memref<125000x8x32xf32, #tpu.memory_space<hbm>> -> memref<1x8x32xf32, #tpu.memory_space<hbm>>
      %dma_wait3A_1970 = tpu.memref_squeeze %dma_wait3A_1969 : memref<1x8x32xf32, #tpu.memory_space<hbm>> -> memref<8x32xf32, #tpu.memory_space<hbm>>
      %dma_wait3A_1971 = arith.constant 0 : i32
      %dma_wait3A_1972 = arith.constant 0 : i32
      %dma_wait3A_1973 = tpu.memref_slice %arg10[%dma_wait3A_1962, %dma_wait3A_1971, %dma_wait3A_1972] : memref<32x8x32xf32, #tpu.memory_space<vmem>> -> memref<1x8x32xf32, #tpu.memory_space<vmem>>
      %dma_wait3A_1974 = tpu.memref_squeeze %dma_wait3A_1973 : memref<1x8x32xf32, #tpu.memory_space<vmem>> -> memref<8x32xf32, #tpu.memory_space<vmem>>
      %dma_wait3A_1975 = arith.constant 0 : i32
      %dma_wait3A_1976 = arith.constant 0 : i32
      %dma_wait3A_1977 = tpu.memref_slice %arg4[%squeeze3A_832, %dma_wait3A_1975, %dma_wait3A_1976] : memref<125000x8x32xf32, #tpu.memory_space<hbm>> -> memref<1x8x32xf32, #tpu.memory_space<hbm>>
      %dma_wait3A_1978 = tpu.memref_squeeze %dma_wait3A_1977 : memref<1x8x32xf32, #tpu.memory_space<hbm>> -> memref<8x32xf32, #tpu.memory_space<hbm>>
      tpu.wait_dma2 semaphore(%arg14 : memref<!tpu.dma_semaphore, #tpu.memory_space<semaphore_mem>>) src(%dma_wait3A_1978 : memref<8x32xf32, #tpu.memory_space<hbm>>) dst(%dma_wait3A_1974 : memref<8x32xf32, #tpu.memory_space<vmem>>)
      %dma_wait3A_1979 = arith.constant 21 : i32
      %dma_wait3A_1980 = arith.constant 0 : i32
      %dma_wait3A_1981 = arith.constant 0 : i32
      %dma_wait3A_1982 = tpu.memref_slice %arg11[%dma_wait3A_1979, %dma_wait3A_1980, %dma_wait3A_1981] : memref<32x8x32xf32, #tpu.memory_space<vmem>> -> memref<1x8x32xf32, #tpu.memory_space<vmem>>
      %dma_wait3A_1983 = tpu.memref_squeeze %dma_wait3A_1982 : memref<1x8x32xf32, #tpu.memory_space<vmem>> -> memref<8x32xf32, #tpu.memory_space<vmem>>
      %dma_wait3A_1984 = arith.constant 0 : i32
      %dma_wait3A_1985 = arith.constant 0 : i32
      %dma_wait3A_1986 = tpu.memref_slice %arg5[%squeeze3A_851, %dma_wait3A_1984, %dma_wait3A_1985] : memref<125000x8x32xf32, #tpu.memory_space<hbm>> -> memref<1x8x32xf32, #tpu.memory_space<hbm>>
      %dma_wait3A_1987 = tpu.memref_squeeze %dma_wait3A_1986 : memref<1x8x32xf32, #tpu.memory_space<hbm>> -> memref<8x32xf32, #tpu.memory_space<hbm>>
      %dma_wait3A_1988 = arith.constant 0 : i32
      %dma_wait3A_1989 = arith.constant 0 : i32
      %dma_wait3A_1990 = tpu.memref_slice %arg11[%dma_wait3A_1979, %dma_wait3A_1988, %dma_wait3A_1989] : memref<32x8x32xf32, #tpu.memory_space<vmem>> -> memref<1x8x32xf32, #tpu.memory_space<vmem>>
      %dma_wait3A_1991 = tpu.memref_squeeze %dma_wait3A_1990 : memref<1x8x32xf32, #tpu.memory_space<vmem>> -> memref<8x32xf32, #tpu.memory_space<vmem>>
      %dma_wait3A_1992 = arith.constant 0 : i32
      %dma_wait3A_1993 = arith.constant 0 : i32
      %dma_wait3A_1994 = tpu.memref_slice %arg5[%squeeze3A_851, %dma_wait3A_1992, %dma_wait3A_1993] : memref<125000x8x32xf32, #tpu.memory_space<hbm>> -> memref<1x8x32xf32, #tpu.memory_space<hbm>>
      %dma_wait3A_1995 = tpu.memref_squeeze %dma_wait3A_1994 : memref<1x8x32xf32, #tpu.memory_space<hbm>> -> memref<8x32xf32, #tpu.memory_space<hbm>>
      tpu.wait_dma2 semaphore(%arg14 : memref<!tpu.dma_semaphore, #tpu.memory_space<semaphore_mem>>) src(%dma_wait3A_1995 : memref<8x32xf32, #tpu.memory_space<hbm>>) dst(%dma_wait3A_1991 : memref<8x32xf32, #tpu.memory_space<vmem>>)
      %dma_wait3A_1996 = arith.constant 22 : i32
      %dma_wait3A_1997 = arith.constant 0 : i32
      %dma_wait3A_1998 = arith.constant 0 : i32
      %dma_wait3A_1999 = tpu.memref_slice %arg10[%dma_wait3A_1996, %dma_wait3A_1997, %dma_wait3A_1998] : memref<32x8x32xf32, #tpu.memory_space<vmem>> -> memref<1x8x32xf32, #tpu.memory_space<vmem>>
      %dma_wait3A_2000 = tpu.memref_squeeze %dma_wait3A_1999 : memref<1x8x32xf32, #tpu.memory_space<vmem>> -> memref<8x32xf32, #tpu.memory_space<vmem>>
      %dma_wait3A_2001 = arith.constant 0 : i32
      %dma_wait3A_2002 = arith.constant 0 : i32
      %dma_wait3A_2003 = tpu.memref_slice %arg4[%squeeze3A_870, %dma_wait3A_2001, %dma_wait3A_2002] : memref<125000x8x32xf32, #tpu.memory_space<hbm>> -> memref<1x8x32xf32, #tpu.memory_space<hbm>>
      %dma_wait3A_2004 = tpu.memref_squeeze %dma_wait3A_2003 : memref<1x8x32xf32, #tpu.memory_space<hbm>> -> memref<8x32xf32, #tpu.memory_space<hbm>>
      %dma_wait3A_2005 = arith.constant 0 : i32
      %dma_wait3A_2006 = arith.constant 0 : i32
      %dma_wait3A_2007 = tpu.memref_slice %arg10[%dma_wait3A_1996, %dma_wait3A_2005, %dma_wait3A_2006] : memref<32x8x32xf32, #tpu.memory_space<vmem>> -> memref<1x8x32xf32, #tpu.memory_space<vmem>>
      %dma_wait3A_2008 = tpu.memref_squeeze %dma_wait3A_2007 : memref<1x8x32xf32, #tpu.memory_space<vmem>> -> memref<8x32xf32, #tpu.memory_space<vmem>>
      %dma_wait3A_2009 = arith.constant 0 : i32
      %dma_wait3A_2010 = arith.constant 0 : i32
      %dma_wait3A_2011 = tpu.memref_slice %arg4[%squeeze3A_870, %dma_wait3A_2009, %dma_wait3A_2010] : memref<125000x8x32xf32, #tpu.memory_space<hbm>> -> memref<1x8x32xf32, #tpu.memory_space<hbm>>
      %dma_wait3A_2012 = tpu.memref_squeeze %dma_wait3A_2011 : memref<1x8x32xf32, #tpu.memory_space<hbm>> -> memref<8x32xf32, #tpu.memory_space<hbm>>
      tpu.wait_dma2 semaphore(%arg14 : memref<!tpu.dma_semaphore, #tpu.memory_space<semaphore_mem>>) src(%dma_wait3A_2012 : memref<8x32xf32, #tpu.memory_space<hbm>>) dst(%dma_wait3A_2008 : memref<8x32xf32, #tpu.memory_space<vmem>>)
      %dma_wait3A_2013 = arith.constant 22 : i32
      %dma_wait3A_2014 = arith.constant 0 : i32
      %dma_wait3A_2015 = arith.constant 0 : i32
      %dma_wait3A_2016 = tpu.memref_slice %arg11[%dma_wait3A_2013, %dma_wait3A_2014, %dma_wait3A_2015] : memref<32x8x32xf32, #tpu.memory_space<vmem>> -> memref<1x8x32xf32, #tpu.memory_space<vmem>>
      %dma_wait3A_2017 = tpu.memref_squeeze %dma_wait3A_2016 : memref<1x8x32xf32, #tpu.memory_space<vmem>> -> memref<8x32xf32, #tpu.memory_space<vmem>>
      %dma_wait3A_2018 = arith.constant 0 : i32
      %dma_wait3A_2019 = arith.constant 0 : i32
      %dma_wait3A_2020 = tpu.memref_slice %arg5[%squeeze3A_889, %dma_wait3A_2018, %dma_wait3A_2019] : memref<125000x8x32xf32, #tpu.memory_space<hbm>> -> memref<1x8x32xf32, #tpu.memory_space<hbm>>
      %dma_wait3A_2021 = tpu.memref_squeeze %dma_wait3A_2020 : memref<1x8x32xf32, #tpu.memory_space<hbm>> -> memref<8x32xf32, #tpu.memory_space<hbm>>
      %dma_wait3A_2022 = arith.constant 0 : i32
      %dma_wait3A_2023 = arith.constant 0 : i32
      %dma_wait3A_2024 = tpu.memref_slice %arg11[%dma_wait3A_2013, %dma_wait3A_2022, %dma_wait3A_2023] : memref<32x8x32xf32, #tpu.memory_space<vmem>> -> memref<1x8x32xf32, #tpu.memory_space<vmem>>
      %dma_wait3A_2025 = tpu.memref_squeeze %dma_wait3A_2024 : memref<1x8x32xf32, #tpu.memory_space<vmem>> -> memref<8x32xf32, #tpu.memory_space<vmem>>
      %dma_wait3A_2026 = arith.constant 0 : i32
      %dma_wait3A_2027 = arith.constant 0 : i32
      %dma_wait3A_2028 = tpu.memref_slice %arg5[%squeeze3A_889, %dma_wait3A_2026, %dma_wait3A_2027] : memref<125000x8x32xf32, #tpu.memory_space<hbm>> -> memref<1x8x32xf32, #tpu.memory_space<hbm>>
      %dma_wait3A_2029 = tpu.memref_squeeze %dma_wait3A_2028 : memref<1x8x32xf32, #tpu.memory_space<hbm>> -> memref<8x32xf32, #tpu.memory_space<hbm>>
      tpu.wait_dma2 semaphore(%arg14 : memref<!tpu.dma_semaphore, #tpu.memory_space<semaphore_mem>>) src(%dma_wait3A_2029 : memref<8x32xf32, #tpu.memory_space<hbm>>) dst(%dma_wait3A_2025 : memref<8x32xf32, #tpu.memory_space<vmem>>)
      %dma_wait3A_2030 = arith.constant 23 : i32
      %dma_wait3A_2031 = arith.constant 0 : i32
      %dma_wait3A_2032 = arith.constant 0 : i32
      %dma_wait3A_2033 = tpu.memref_slice %arg10[%dma_wait3A_2030, %dma_wait3A_2031, %dma_wait3A_2032] : memref<32x8x32xf32, #tpu.memory_space<vmem>> -> memref<1x8x32xf32, #tpu.memory_space<vmem>>
      %dma_wait3A_2034 = tpu.memref_squeeze %dma_wait3A_2033 : memref<1x8x32xf32, #tpu.memory_space<vmem>> -> memref<8x32xf32, #tpu.memory_space<vmem>>
      %dma_wait3A_2035 = arith.constant 0 : i32
      %dma_wait3A_2036 = arith.constant 0 : i32
      %dma_wait3A_2037 = tpu.memref_slice %arg4[%squeeze3A_908, %dma_wait3A_2035, %dma_wait3A_2036] : memref<125000x8x32xf32, #tpu.memory_space<hbm>> -> memref<1x8x32xf32, #tpu.memory_space<hbm>>
      %dma_wait3A_2038 = tpu.memref_squeeze %dma_wait3A_2037 : memref<1x8x32xf32, #tpu.memory_space<hbm>> -> memref<8x32xf32, #tpu.memory_space<hbm>>
      %dma_wait3A_2039 = arith.constant 0 : i32
      %dma_wait3A_2040 = arith.constant 0 : i32
      %dma_wait3A_2041 = tpu.memref_slice %arg10[%dma_wait3A_2030, %dma_wait3A_2039, %dma_wait3A_2040] : memref<32x8x32xf32, #tpu.memory_space<vmem>> -> memref<1x8x32xf32, #tpu.memory_space<vmem>>
      %dma_wait3A_2042 = tpu.memref_squeeze %dma_wait3A_2041 : memref<1x8x32xf32, #tpu.memory_space<vmem>> -> memref<8x32xf32, #tpu.memory_space<vmem>>
      %dma_wait3A_2043 = arith.constant 0 : i32
      %dma_wait3A_2044 = arith.constant 0 : i32
      %dma_wait3A_2045 = tpu.memref_slice %arg4[%squeeze3A_908, %dma_wait3A_2043, %dma_wait3A_2044] : memref<125000x8x32xf32, #tpu.memory_space<hbm>> -> memref<1x8x32xf32, #tpu.memory_space<hbm>>
      %dma_wait3A_2046 = tpu.memref_squeeze %dma_wait3A_2045 : memref<1x8x32xf32, #tpu.memory_space<hbm>> -> memref<8x32xf32, #tpu.memory_space<hbm>>
      tpu.wait_dma2 semaphore(%arg14 : memref<!tpu.dma_semaphore, #tpu.memory_space<semaphore_mem>>) src(%dma_wait3A_2046 : memref<8x32xf32, #tpu.memory_space<hbm>>) dst(%dma_wait3A_2042 : memref<8x32xf32, #tpu.memory_space<vmem>>)
      %dma_wait3A_2047 = arith.constant 23 : i32
      %dma_wait3A_2048 = arith.constant 0 : i32
      %dma_wait3A_2049 = arith.constant 0 : i32
      %dma_wait3A_2050 = tpu.memref_slice %arg11[%dma_wait3A_2047, %dma_wait3A_2048, %dma_wait3A_2049] : memref<32x8x32xf32, #tpu.memory_space<vmem>> -> memref<1x8x32xf32, #tpu.memory_space<vmem>>
      %dma_wait3A_2051 = tpu.memref_squeeze %dma_wait3A_2050 : memref<1x8x32xf32, #tpu.memory_space<vmem>> -> memref<8x32xf32, #tpu.memory_space<vmem>>
      %dma_wait3A_2052 = arith.constant 0 : i32
      %dma_wait3A_2053 = arith.constant 0 : i32
      %dma_wait3A_2054 = tpu.memref_slice %arg5[%squeeze3A_927, %dma_wait3A_2052, %dma_wait3A_2053] : memref<125000x8x32xf32, #tpu.memory_space<hbm>> -> memref<1x8x32xf32, #tpu.memory_space<hbm>>
      %dma_wait3A_2055 = tpu.memref_squeeze %dma_wait3A_2054 : memref<1x8x32xf32, #tpu.memory_space<hbm>> -> memref<8x32xf32, #tpu.memory_space<hbm>>
      %dma_wait3A_2056 = arith.constant 0 : i32
      %dma_wait3A_2057 = arith.constant 0 : i32
      %dma_wait3A_2058 = tpu.memref_slice %arg11[%dma_wait3A_2047, %dma_wait3A_2056, %dma_wait3A_2057] : memref<32x8x32xf32, #tpu.memory_space<vmem>> -> memref<1x8x32xf32, #tpu.memory_space<vmem>>
      %dma_wait3A_2059 = tpu.memref_squeeze %dma_wait3A_2058 : memref<1x8x32xf32, #tpu.memory_space<vmem>> -> memref<8x32xf32, #tpu.memory_space<vmem>>
      %dma_wait3A_2060 = arith.constant 0 : i32
      %dma_wait3A_2061 = arith.constant 0 : i32
      %dma_wait3A_2062 = tpu.memref_slice %arg5[%squeeze3A_927, %dma_wait3A_2060, %dma_wait3A_2061] : memref<125000x8x32xf32, #tpu.memory_space<hbm>> -> memref<1x8x32xf32, #tpu.memory_space<hbm>>
      %dma_wait3A_2063 = tpu.memref_squeeze %dma_wait3A_2062 : memref<1x8x32xf32, #tpu.memory_space<hbm>> -> memref<8x32xf32, #tpu.memory_space<hbm>>
      tpu.wait_dma2 semaphore(%arg14 : memref<!tpu.dma_semaphore, #tpu.memory_space<semaphore_mem>>) src(%dma_wait3A_2063 : memref<8x32xf32, #tpu.memory_space<hbm>>) dst(%dma_wait3A_2059 : memref<8x32xf32, #tpu.memory_space<vmem>>)
      %dma_wait3A_2064 = arith.constant 24 : i32
      %dma_wait3A_2065 = arith.constant 0 : i32
      %dma_wait3A_2066 = arith.constant 0 : i32
      %dma_wait3A_2067 = tpu.memref_slice %arg10[%dma_wait3A_2064, %dma_wait3A_2065, %dma_wait3A_2066] : memref<32x8x32xf32, #tpu.memory_space<vmem>> -> memref<1x8x32xf32, #tpu.memory_space<vmem>>
      %dma_wait3A_2068 = tpu.memref_squeeze %dma_wait3A_2067 : memref<1x8x32xf32, #tpu.memory_space<vmem>> -> memref<8x32xf32, #tpu.memory_space<vmem>>
      %dma_wait3A_2069 = arith.constant 0 : i32
      %dma_wait3A_2070 = arith.constant 0 : i32
      %dma_wait3A_2071 = tpu.memref_slice %arg4[%squeeze3A_946, %dma_wait3A_2069, %dma_wait3A_2070] : memref<125000x8x32xf32, #tpu.memory_space<hbm>> -> memref<1x8x32xf32, #tpu.memory_space<hbm>>
      %dma_wait3A_2072 = tpu.memref_squeeze %dma_wait3A_2071 : memref<1x8x32xf32, #tpu.memory_space<hbm>> -> memref<8x32xf32, #tpu.memory_space<hbm>>
      %dma_wait3A_2073 = arith.constant 0 : i32
      %dma_wait3A_2074 = arith.constant 0 : i32
      %dma_wait3A_2075 = tpu.memref_slice %arg10[%dma_wait3A_2064, %dma_wait3A_2073, %dma_wait3A_2074] : memref<32x8x32xf32, #tpu.memory_space<vmem>> -> memref<1x8x32xf32, #tpu.memory_space<vmem>>
      %dma_wait3A_2076 = tpu.memref_squeeze %dma_wait3A_2075 : memref<1x8x32xf32, #tpu.memory_space<vmem>> -> memref<8x32xf32, #tpu.memory_space<vmem>>
      %dma_wait3A_2077 = arith.constant 0 : i32
      %dma_wait3A_2078 = arith.constant 0 : i32
      %dma_wait3A_2079 = tpu.memref_slice %arg4[%squeeze3A_946, %dma_wait3A_2077, %dma_wait3A_2078] : memref<125000x8x32xf32, #tpu.memory_space<hbm>> -> memref<1x8x32xf32, #tpu.memory_space<hbm>>
      %dma_wait3A_2080 = tpu.memref_squeeze %dma_wait3A_2079 : memref<1x8x32xf32, #tpu.memory_space<hbm>> -> memref<8x32xf32, #tpu.memory_space<hbm>>
      tpu.wait_dma2 semaphore(%arg14 : memref<!tpu.dma_semaphore, #tpu.memory_space<semaphore_mem>>) src(%dma_wait3A_2080 : memref<8x32xf32, #tpu.memory_space<hbm>>) dst(%dma_wait3A_2076 : memref<8x32xf32, #tpu.memory_space<vmem>>)
      %dma_wait3A_2081 = arith.constant 24 : i32
      %dma_wait3A_2082 = arith.constant 0 : i32
      %dma_wait3A_2083 = arith.constant 0 : i32
      %dma_wait3A_2084 = tpu.memref_slice %arg11[%dma_wait3A_2081, %dma_wait3A_2082, %dma_wait3A_2083] : memref<32x8x32xf32, #tpu.memory_space<vmem>> -> memref<1x8x32xf32, #tpu.memory_space<vmem>>
      %dma_wait3A_2085 = tpu.memref_squeeze %dma_wait3A_2084 : memref<1x8x32xf32, #tpu.memory_space<vmem>> -> memref<8x32xf32, #tpu.memory_space<vmem>>
      %dma_wait3A_2086 = arith.constant 0 : i32
      %dma_wait3A_2087 = arith.constant 0 : i32
      %dma_wait3A_2088 = tpu.memref_slice %arg5[%squeeze3A_965, %dma_wait3A_2086, %dma_wait3A_2087] : memref<125000x8x32xf32, #tpu.memory_space<hbm>> -> memref<1x8x32xf32, #tpu.memory_space<hbm>>
      %dma_wait3A_2089 = tpu.memref_squeeze %dma_wait3A_2088 : memref<1x8x32xf32, #tpu.memory_space<hbm>> -> memref<8x32xf32, #tpu.memory_space<hbm>>
      %dma_wait3A_2090 = arith.constant 0 : i32
      %dma_wait3A_2091 = arith.constant 0 : i32
      %dma_wait3A_2092 = tpu.memref_slice %arg11[%dma_wait3A_2081, %dma_wait3A_2090, %dma_wait3A_2091] : memref<32x8x32xf32, #tpu.memory_space<vmem>> -> memref<1x8x32xf32, #tpu.memory_space<vmem>>
      %dma_wait3A_2093 = tpu.memref_squeeze %dma_wait3A_2092 : memref<1x8x32xf32, #tpu.memory_space<vmem>> -> memref<8x32xf32, #tpu.memory_space<vmem>>
      %dma_wait3A_2094 = arith.constant 0 : i32
      %dma_wait3A_2095 = arith.constant 0 : i32
      %dma_wait3A_2096 = tpu.memref_slice %arg5[%squeeze3A_965, %dma_wait3A_2094, %dma_wait3A_2095] : memref<125000x8x32xf32, #tpu.memory_space<hbm>> -> memref<1x8x32xf32, #tpu.memory_space<hbm>>
      %dma_wait3A_2097 = tpu.memref_squeeze %dma_wait3A_2096 : memref<1x8x32xf32, #tpu.memory_space<hbm>> -> memref<8x32xf32, #tpu.memory_space<hbm>>
      tpu.wait_dma2 semaphore(%arg14 : memref<!tpu.dma_semaphore, #tpu.memory_space<semaphore_mem>>) src(%dma_wait3A_2097 : memref<8x32xf32, #tpu.memory_space<hbm>>) dst(%dma_wait3A_2093 : memref<8x32xf32, #tpu.memory_space<vmem>>)
      %dma_wait3A_2098 = arith.constant 25 : i32
      %dma_wait3A_2099 = arith.constant 0 : i32
      %dma_wait3A_2100 = arith.constant 0 : i32
      %dma_wait3A_2101 = tpu.memref_slice %arg10[%dma_wait3A_2098, %dma_wait3A_2099, %dma_wait3A_2100] : memref<32x8x32xf32, #tpu.memory_space<vmem>> -> memref<1x8x32xf32, #tpu.memory_space<vmem>>
      %dma_wait3A_2102 = tpu.memref_squeeze %dma_wait3A_2101 : memref<1x8x32xf32, #tpu.memory_space<vmem>> -> memref<8x32xf32, #tpu.memory_space<vmem>>
      %dma_wait3A_2103 = arith.constant 0 : i32
      %dma_wait3A_2104 = arith.constant 0 : i32
      %dma_wait3A_2105 = tpu.memref_slice %arg4[%squeeze3A_984, %dma_wait3A_2103, %dma_wait3A_2104] : memref<125000x8x32xf32, #tpu.memory_space<hbm>> -> memref<1x8x32xf32, #tpu.memory_space<hbm>>
      %dma_wait3A_2106 = tpu.memref_squeeze %dma_wait3A_2105 : memref<1x8x32xf32, #tpu.memory_space<hbm>> -> memref<8x32xf32, #tpu.memory_space<hbm>>
      %dma_wait3A_2107 = arith.constant 0 : i32
      %dma_wait3A_2108 = arith.constant 0 : i32
      %dma_wait3A_2109 = tpu.memref_slice %arg10[%dma_wait3A_2098, %dma_wait3A_2107, %dma_wait3A_2108] : memref<32x8x32xf32, #tpu.memory_space<vmem>> -> memref<1x8x32xf32, #tpu.memory_space<vmem>>
      %dma_wait3A_2110 = tpu.memref_squeeze %dma_wait3A_2109 : memref<1x8x32xf32, #tpu.memory_space<vmem>> -> memref<8x32xf32, #tpu.memory_space<vmem>>
      %dma_wait3A_2111 = arith.constant 0 : i32
      %dma_wait3A_2112 = arith.constant 0 : i32
      %dma_wait3A_2113 = tpu.memref_slice %arg4[%squeeze3A_984, %dma_wait3A_2111, %dma_wait3A_2112] : memref<125000x8x32xf32, #tpu.memory_space<hbm>> -> memref<1x8x32xf32, #tpu.memory_space<hbm>>
      %dma_wait3A_2114 = tpu.memref_squeeze %dma_wait3A_2113 : memref<1x8x32xf32, #tpu.memory_space<hbm>> -> memref<8x32xf32, #tpu.memory_space<hbm>>
      tpu.wait_dma2 semaphore(%arg14 : memref<!tpu.dma_semaphore, #tpu.memory_space<semaphore_mem>>) src(%dma_wait3A_2114 : memref<8x32xf32, #tpu.memory_space<hbm>>) dst(%dma_wait3A_2110 : memref<8x32xf32, #tpu.memory_space<vmem>>)
      %dma_wait3A_2115 = arith.constant 25 : i32
      %dma_wait3A_2116 = arith.constant 0 : i32
      %dma_wait3A_2117 = arith.constant 0 : i32
      %dma_wait3A_2118 = tpu.memref_slice %arg11[%dma_wait3A_2115, %dma_wait3A_2116, %dma_wait3A_2117] : memref<32x8x32xf32, #tpu.memory_space<vmem>> -> memref<1x8x32xf32, #tpu.memory_space<vmem>>
      %dma_wait3A_2119 = tpu.memref_squeeze %dma_wait3A_2118 : memref<1x8x32xf32, #tpu.memory_space<vmem>> -> memref<8x32xf32, #tpu.memory_space<vmem>>
      %dma_wait3A_2120 = arith.constant 0 : i32
      %dma_wait3A_2121 = arith.constant 0 : i32
      %dma_wait3A_2122 = tpu.memref_slice %arg5[%squeeze3A_1003, %dma_wait3A_2120, %dma_wait3A_2121] : memref<125000x8x32xf32, #tpu.memory_space<hbm>> -> memref<1x8x32xf32, #tpu.memory_space<hbm>>
      %dma_wait3A_2123 = tpu.memref_squeeze %dma_wait3A_2122 : memref<1x8x32xf32, #tpu.memory_space<hbm>> -> memref<8x32xf32, #tpu.memory_space<hbm>>
      %dma_wait3A_2124 = arith.constant 0 : i32
      %dma_wait3A_2125 = arith.constant 0 : i32
      %dma_wait3A_2126 = tpu.memref_slice %arg11[%dma_wait3A_2115, %dma_wait3A_2124, %dma_wait3A_2125] : memref<32x8x32xf32, #tpu.memory_space<vmem>> -> memref<1x8x32xf32, #tpu.memory_space<vmem>>
      %dma_wait3A_2127 = tpu.memref_squeeze %dma_wait3A_2126 : memref<1x8x32xf32, #tpu.memory_space<vmem>> -> memref<8x32xf32, #tpu.memory_space<vmem>>
      %dma_wait3A_2128 = arith.constant 0 : i32
      %dma_wait3A_2129 = arith.constant 0 : i32
      %dma_wait3A_2130 = tpu.memref_slice %arg5[%squeeze3A_1003, %dma_wait3A_2128, %dma_wait3A_2129] : memref<125000x8x32xf32, #tpu.memory_space<hbm>> -> memref<1x8x32xf32, #tpu.memory_space<hbm>>
      %dma_wait3A_2131 = tpu.memref_squeeze %dma_wait3A_2130 : memref<1x8x32xf32, #tpu.memory_space<hbm>> -> memref<8x32xf32, #tpu.memory_space<hbm>>
      tpu.wait_dma2 semaphore(%arg14 : memref<!tpu.dma_semaphore, #tpu.memory_space<semaphore_mem>>) src(%dma_wait3A_2131 : memref<8x32xf32, #tpu.memory_space<hbm>>) dst(%dma_wait3A_2127 : memref<8x32xf32, #tpu.memory_space<vmem>>)
      %dma_wait3A_2132 = arith.constant 26 : i32
      %dma_wait3A_2133 = arith.constant 0 : i32
      %dma_wait3A_2134 = arith.constant 0 : i32
      %dma_wait3A_2135 = tpu.memref_slice %arg10[%dma_wait3A_2132, %dma_wait3A_2133, %dma_wait3A_2134] : memref<32x8x32xf32, #tpu.memory_space<vmem>> -> memref<1x8x32xf32, #tpu.memory_space<vmem>>
      %dma_wait3A_2136 = tpu.memref_squeeze %dma_wait3A_2135 : memref<1x8x32xf32, #tpu.memory_space<vmem>> -> memref<8x32xf32, #tpu.memory_space<vmem>>
      %dma_wait3A_2137 = arith.constant 0 : i32
      %dma_wait3A_2138 = arith.constant 0 : i32
      %dma_wait3A_2139 = tpu.memref_slice %arg4[%squeeze3A_1022, %dma_wait3A_2137, %dma_wait3A_2138] : memref<125000x8x32xf32, #tpu.memory_space<hbm>> -> memref<1x8x32xf32, #tpu.memory_space<hbm>>
      %dma_wait3A_2140 = tpu.memref_squeeze %dma_wait3A_2139 : memref<1x8x32xf32, #tpu.memory_space<hbm>> -> memref<8x32xf32, #tpu.memory_space<hbm>>
      %dma_wait3A_2141 = arith.constant 0 : i32
      %dma_wait3A_2142 = arith.constant 0 : i32
      %dma_wait3A_2143 = tpu.memref_slice %arg10[%dma_wait3A_2132, %dma_wait3A_2141, %dma_wait3A_2142] : memref<32x8x32xf32, #tpu.memory_space<vmem>> -> memref<1x8x32xf32, #tpu.memory_space<vmem>>
      %dma_wait3A_2144 = tpu.memref_squeeze %dma_wait3A_2143 : memref<1x8x32xf32, #tpu.memory_space<vmem>> -> memref<8x32xf32, #tpu.memory_space<vmem>>
      %dma_wait3A_2145 = arith.constant 0 : i32
      %dma_wait3A_2146 = arith.constant 0 : i32
      %dma_wait3A_2147 = tpu.memref_slice %arg4[%squeeze3A_1022, %dma_wait3A_2145, %dma_wait3A_2146] : memref<125000x8x32xf32, #tpu.memory_space<hbm>> -> memref<1x8x32xf32, #tpu.memory_space<hbm>>
      %dma_wait3A_2148 = tpu.memref_squeeze %dma_wait3A_2147 : memref<1x8x32xf32, #tpu.memory_space<hbm>> -> memref<8x32xf32, #tpu.memory_space<hbm>>
      tpu.wait_dma2 semaphore(%arg14 : memref<!tpu.dma_semaphore, #tpu.memory_space<semaphore_mem>>) src(%dma_wait3A_2148 : memref<8x32xf32, #tpu.memory_space<hbm>>) dst(%dma_wait3A_2144 : memref<8x32xf32, #tpu.memory_space<vmem>>)
      %dma_wait3A_2149 = arith.constant 26 : i32
      %dma_wait3A_2150 = arith.constant 0 : i32
      %dma_wait3A_2151 = arith.constant 0 : i32
      %dma_wait3A_2152 = tpu.memref_slice %arg11[%dma_wait3A_2149, %dma_wait3A_2150, %dma_wait3A_2151] : memref<32x8x32xf32, #tpu.memory_space<vmem>> -> memref<1x8x32xf32, #tpu.memory_space<vmem>>
      %dma_wait3A_2153 = tpu.memref_squeeze %dma_wait3A_2152 : memref<1x8x32xf32, #tpu.memory_space<vmem>> -> memref<8x32xf32, #tpu.memory_space<vmem>>
      %dma_wait3A_2154 = arith.constant 0 : i32
      %dma_wait3A_2155 = arith.constant 0 : i32
      %dma_wait3A_2156 = tpu.memref_slice %arg5[%squeeze3A_1041, %dma_wait3A_2154, %dma_wait3A_2155] : memref<125000x8x32xf32, #tpu.memory_space<hbm>> -> memref<1x8x32xf32, #tpu.memory_space<hbm>>
      %dma_wait3A_2157 = tpu.memref_squeeze %dma_wait3A_2156 : memref<1x8x32xf32, #tpu.memory_space<hbm>> -> memref<8x32xf32, #tpu.memory_space<hbm>>
      %dma_wait3A_2158 = arith.constant 0 : i32
      %dma_wait3A_2159 = arith.constant 0 : i32
      %dma_wait3A_2160 = tpu.memref_slice %arg11[%dma_wait3A_2149, %dma_wait3A_2158, %dma_wait3A_2159] : memref<32x8x32xf32, #tpu.memory_space<vmem>> -> memref<1x8x32xf32, #tpu.memory_space<vmem>>
      %dma_wait3A_2161 = tpu.memref_squeeze %dma_wait3A_2160 : memref<1x8x32xf32, #tpu.memory_space<vmem>> -> memref<8x32xf32, #tpu.memory_space<vmem>>
      %dma_wait3A_2162 = arith.constant 0 : i32
      %dma_wait3A_2163 = arith.constant 0 : i32
      %dma_wait3A_2164 = tpu.memref_slice %arg5[%squeeze3A_1041, %dma_wait3A_2162, %dma_wait3A_2163] : memref<125000x8x32xf32, #tpu.memory_space<hbm>> -> memref<1x8x32xf32, #tpu.memory_space<hbm>>
      %dma_wait3A_2165 = tpu.memref_squeeze %dma_wait3A_2164 : memref<1x8x32xf32, #tpu.memory_space<hbm>> -> memref<8x32xf32, #tpu.memory_space<hbm>>
      tpu.wait_dma2 semaphore(%arg14 : memref<!tpu.dma_semaphore, #tpu.memory_space<semaphore_mem>>) src(%dma_wait3A_2165 : memref<8x32xf32, #tpu.memory_space<hbm>>) dst(%dma_wait3A_2161 : memref<8x32xf32, #tpu.memory_space<vmem>>)
      %dma_wait3A_2166 = arith.constant 27 : i32
      %dma_wait3A_2167 = arith.constant 0 : i32
      %dma_wait3A_2168 = arith.constant 0 : i32
      %dma_wait3A_2169 = tpu.memref_slice %arg10[%dma_wait3A_2166, %dma_wait3A_2167, %dma_wait3A_2168] : memref<32x8x32xf32, #tpu.memory_space<vmem>> -> memref<1x8x32xf32, #tpu.memory_space<vmem>>
      %dma_wait3A_2170 = tpu.memref_squeeze %dma_wait3A_2169 : memref<1x8x32xf32, #tpu.memory_space<vmem>> -> memref<8x32xf32, #tpu.memory_space<vmem>>
      %dma_wait3A_2171 = arith.constant 0 : i32
      %dma_wait3A_2172 = arith.constant 0 : i32
      %dma_wait3A_2173 = tpu.memref_slice %arg4[%squeeze3A_1060, %dma_wait3A_2171, %dma_wait3A_2172] : memref<125000x8x32xf32, #tpu.memory_space<hbm>> -> memref<1x8x32xf32, #tpu.memory_space<hbm>>
      %dma_wait3A_2174 = tpu.memref_squeeze %dma_wait3A_2173 : memref<1x8x32xf32, #tpu.memory_space<hbm>> -> memref<8x32xf32, #tpu.memory_space<hbm>>
      %dma_wait3A_2175 = arith.constant 0 : i32
      %dma_wait3A_2176 = arith.constant 0 : i32
      %dma_wait3A_2177 = tpu.memref_slice %arg10[%dma_wait3A_2166, %dma_wait3A_2175, %dma_wait3A_2176] : memref<32x8x32xf32, #tpu.memory_space<vmem>> -> memref<1x8x32xf32, #tpu.memory_space<vmem>>
      %dma_wait3A_2178 = tpu.memref_squeeze %dma_wait3A_2177 : memref<1x8x32xf32, #tpu.memory_space<vmem>> -> memref<8x32xf32, #tpu.memory_space<vmem>>
      %dma_wait3A_2179 = arith.constant 0 : i32
      %dma_wait3A_2180 = arith.constant 0 : i32
      %dma_wait3A_2181 = tpu.memref_slice %arg4[%squeeze3A_1060, %dma_wait3A_2179, %dma_wait3A_2180] : memref<125000x8x32xf32, #tpu.memory_space<hbm>> -> memref<1x8x32xf32, #tpu.memory_space<hbm>>
      %dma_wait3A_2182 = tpu.memref_squeeze %dma_wait3A_2181 : memref<1x8x32xf32, #tpu.memory_space<hbm>> -> memref<8x32xf32, #tpu.memory_space<hbm>>
      tpu.wait_dma2 semaphore(%arg14 : memref<!tpu.dma_semaphore, #tpu.memory_space<semaphore_mem>>) src(%dma_wait3A_2182 : memref<8x32xf32, #tpu.memory_space<hbm>>) dst(%dma_wait3A_2178 : memref<8x32xf32, #tpu.memory_space<vmem>>)
      %dma_wait3A_2183 = arith.constant 27 : i32
      %dma_wait3A_2184 = arith.constant 0 : i32
      %dma_wait3A_2185 = arith.constant 0 : i32
      %dma_wait3A_2186 = tpu.memref_slice %arg11[%dma_wait3A_2183, %dma_wait3A_2184, %dma_wait3A_2185] : memref<32x8x32xf32, #tpu.memory_space<vmem>> -> memref<1x8x32xf32, #tpu.memory_space<vmem>>
      %dma_wait3A_2187 = tpu.memref_squeeze %dma_wait3A_2186 : memref<1x8x32xf32, #tpu.memory_space<vmem>> -> memref<8x32xf32, #tpu.memory_space<vmem>>
      %dma_wait3A_2188 = arith.constant 0 : i32
      %dma_wait3A_2189 = arith.constant 0 : i32
      %dma_wait3A_2190 = tpu.memref_slice %arg5[%squeeze3A_1079, %dma_wait3A_2188, %dma_wait3A_2189] : memref<125000x8x32xf32, #tpu.memory_space<hbm>> -> memref<1x8x32xf32, #tpu.memory_space<hbm>>
      %dma_wait3A_2191 = tpu.memref_squeeze %dma_wait3A_2190 : memref<1x8x32xf32, #tpu.memory_space<hbm>> -> memref<8x32xf32, #tpu.memory_space<hbm>>
      %dma_wait3A_2192 = arith.constant 0 : i32
      %dma_wait3A_2193 = arith.constant 0 : i32
      %dma_wait3A_2194 = tpu.memref_slice %arg11[%dma_wait3A_2183, %dma_wait3A_2192, %dma_wait3A_2193] : memref<32x8x32xf32, #tpu.memory_space<vmem>> -> memref<1x8x32xf32, #tpu.memory_space<vmem>>
      %dma_wait3A_2195 = tpu.memref_squeeze %dma_wait3A_2194 : memref<1x8x32xf32, #tpu.memory_space<vmem>> -> memref<8x32xf32, #tpu.memory_space<vmem>>
      %dma_wait3A_2196 = arith.constant 0 : i32
      %dma_wait3A_2197 = arith.constant 0 : i32
      %dma_wait3A_2198 = tpu.memref_slice %arg5[%squeeze3A_1079, %dma_wait3A_2196, %dma_wait3A_2197] : memref<125000x8x32xf32, #tpu.memory_space<hbm>> -> memref<1x8x32xf32, #tpu.memory_space<hbm>>
      %dma_wait3A_2199 = tpu.memref_squeeze %dma_wait3A_2198 : memref<1x8x32xf32, #tpu.memory_space<hbm>> -> memref<8x32xf32, #tpu.memory_space<hbm>>
      tpu.wait_dma2 semaphore(%arg14 : memref<!tpu.dma_semaphore, #tpu.memory_space<semaphore_mem>>) src(%dma_wait3A_2199 : memref<8x32xf32, #tpu.memory_space<hbm>>) dst(%dma_wait3A_2195 : memref<8x32xf32, #tpu.memory_space<vmem>>)
      %dma_wait3A_2200 = arith.constant 28 : i32
      %dma_wait3A_2201 = arith.constant 0 : i32
      %dma_wait3A_2202 = arith.constant 0 : i32
      %dma_wait3A_2203 = tpu.memref_slice %arg10[%dma_wait3A_2200, %dma_wait3A_2201, %dma_wait3A_2202] : memref<32x8x32xf32, #tpu.memory_space<vmem>> -> memref<1x8x32xf32, #tpu.memory_space<vmem>>
      %dma_wait3A_2204 = tpu.memref_squeeze %dma_wait3A_2203 : memref<1x8x32xf32, #tpu.memory_space<vmem>> -> memref<8x32xf32, #tpu.memory_space<vmem>>
      %dma_wait3A_2205 = arith.constant 0 : i32
      %dma_wait3A_2206 = arith.constant 0 : i32
      %dma_wait3A_2207 = tpu.memref_slice %arg4[%squeeze3A_1098, %dma_wait3A_2205, %dma_wait3A_2206] : memref<125000x8x32xf32, #tpu.memory_space<hbm>> -> memref<1x8x32xf32, #tpu.memory_space<hbm>>
      %dma_wait3A_2208 = tpu.memref_squeeze %dma_wait3A_2207 : memref<1x8x32xf32, #tpu.memory_space<hbm>> -> memref<8x32xf32, #tpu.memory_space<hbm>>
      %dma_wait3A_2209 = arith.constant 0 : i32
      %dma_wait3A_2210 = arith.constant 0 : i32
      %dma_wait3A_2211 = tpu.memref_slice %arg10[%dma_wait3A_2200, %dma_wait3A_2209, %dma_wait3A_2210] : memref<32x8x32xf32, #tpu.memory_space<vmem>> -> memref<1x8x32xf32, #tpu.memory_space<vmem>>
      %dma_wait3A_2212 = tpu.memref_squeeze %dma_wait3A_2211 : memref<1x8x32xf32, #tpu.memory_space<vmem>> -> memref<8x32xf32, #tpu.memory_space<vmem>>
      %dma_wait3A_2213 = arith.constant 0 : i32
      %dma_wait3A_2214 = arith.constant 0 : i32
      %dma_wait3A_2215 = tpu.memref_slice %arg4[%squeeze3A_1098, %dma_wait3A_2213, %dma_wait3A_2214] : memref<125000x8x32xf32, #tpu.memory_space<hbm>> -> memref<1x8x32xf32, #tpu.memory_space<hbm>>
      %dma_wait3A_2216 = tpu.memref_squeeze %dma_wait3A_2215 : memref<1x8x32xf32, #tpu.memory_space<hbm>> -> memref<8x32xf32, #tpu.memory_space<hbm>>
      tpu.wait_dma2 semaphore(%arg14 : memref<!tpu.dma_semaphore, #tpu.memory_space<semaphore_mem>>) src(%dma_wait3A_2216 : memref<8x32xf32, #tpu.memory_space<hbm>>) dst(%dma_wait3A_2212 : memref<8x32xf32, #tpu.memory_space<vmem>>)
      %dma_wait3A_2217 = arith.constant 28 : i32
      %dma_wait3A_2218 = arith.constant 0 : i32
      %dma_wait3A_2219 = arith.constant 0 : i32
      %dma_wait3A_2220 = tpu.memref_slice %arg11[%dma_wait3A_2217, %dma_wait3A_2218, %dma_wait3A_2219] : memref<32x8x32xf32, #tpu.memory_space<vmem>> -> memref<1x8x32xf32, #tpu.memory_space<vmem>>
      %dma_wait3A_2221 = tpu.memref_squeeze %dma_wait3A_2220 : memref<1x8x32xf32, #tpu.memory_space<vmem>> -> memref<8x32xf32, #tpu.memory_space<vmem>>
      %dma_wait3A_2222 = arith.constant 0 : i32
      %dma_wait3A_2223 = arith.constant 0 : i32
      %dma_wait3A_2224 = tpu.memref_slice %arg5[%squeeze3A_1117, %dma_wait3A_2222, %dma_wait3A_2223] : memref<125000x8x32xf32, #tpu.memory_space<hbm>> -> memref<1x8x32xf32, #tpu.memory_space<hbm>>
      %dma_wait3A_2225 = tpu.memref_squeeze %dma_wait3A_2224 : memref<1x8x32xf32, #tpu.memory_space<hbm>> -> memref<8x32xf32, #tpu.memory_space<hbm>>
      %dma_wait3A_2226 = arith.constant 0 : i32
      %dma_wait3A_2227 = arith.constant 0 : i32
      %dma_wait3A_2228 = tpu.memref_slice %arg11[%dma_wait3A_2217, %dma_wait3A_2226, %dma_wait3A_2227] : memref<32x8x32xf32, #tpu.memory_space<vmem>> -> memref<1x8x32xf32, #tpu.memory_space<vmem>>
      %dma_wait3A_2229 = tpu.memref_squeeze %dma_wait3A_2228 : memref<1x8x32xf32, #tpu.memory_space<vmem>> -> memref<8x32xf32, #tpu.memory_space<vmem>>
      %dma_wait3A_2230 = arith.constant 0 : i32
      %dma_wait3A_2231 = arith.constant 0 : i32
      %dma_wait3A_2232 = tpu.memref_slice %arg5[%squeeze3A_1117, %dma_wait3A_2230, %dma_wait3A_2231] : memref<125000x8x32xf32, #tpu.memory_space<hbm>> -> memref<1x8x32xf32, #tpu.memory_space<hbm>>
      %dma_wait3A_2233 = tpu.memref_squeeze %dma_wait3A_2232 : memref<1x8x32xf32, #tpu.memory_space<hbm>> -> memref<8x32xf32, #tpu.memory_space<hbm>>
      tpu.wait_dma2 semaphore(%arg14 : memref<!tpu.dma_semaphore, #tpu.memory_space<semaphore_mem>>) src(%dma_wait3A_2233 : memref<8x32xf32, #tpu.memory_space<hbm>>) dst(%dma_wait3A_2229 : memref<8x32xf32, #tpu.memory_space<vmem>>)
      %dma_wait3A_2234 = arith.constant 29 : i32
      %dma_wait3A_2235 = arith.constant 0 : i32
      %dma_wait3A_2236 = arith.constant 0 : i32
      %dma_wait3A_2237 = tpu.memref_slice %arg10[%dma_wait3A_2234, %dma_wait3A_2235, %dma_wait3A_2236] : memref<32x8x32xf32, #tpu.memory_space<vmem>> -> memref<1x8x32xf32, #tpu.memory_space<vmem>>
      %dma_wait3A_2238 = tpu.memref_squeeze %dma_wait3A_2237 : memref<1x8x32xf32, #tpu.memory_space<vmem>> -> memref<8x32xf32, #tpu.memory_space<vmem>>
      %dma_wait3A_2239 = arith.constant 0 : i32
      %dma_wait3A_2240 = arith.constant 0 : i32
      %dma_wait3A_2241 = tpu.memref_slice %arg4[%squeeze3A_1136, %dma_wait3A_2239, %dma_wait3A_2240] : memref<125000x8x32xf32, #tpu.memory_space<hbm>> -> memref<1x8x32xf32, #tpu.memory_space<hbm>>
      %dma_wait3A_2242 = tpu.memref_squeeze %dma_wait3A_2241 : memref<1x8x32xf32, #tpu.memory_space<hbm>> -> memref<8x32xf32, #tpu.memory_space<hbm>>
      %dma_wait3A_2243 = arith.constant 0 : i32
      %dma_wait3A_2244 = arith.constant 0 : i32
      %dma_wait3A_2245 = tpu.memref_slice %arg10[%dma_wait3A_2234, %dma_wait3A_2243, %dma_wait3A_2244] : memref<32x8x32xf32, #tpu.memory_space<vmem>> -> memref<1x8x32xf32, #tpu.memory_space<vmem>>
      %dma_wait3A_2246 = tpu.memref_squeeze %dma_wait3A_2245 : memref<1x8x32xf32, #tpu.memory_space<vmem>> -> memref<8x32xf32, #tpu.memory_space<vmem>>
      %dma_wait3A_2247 = arith.constant 0 : i32
      %dma_wait3A_2248 = arith.constant 0 : i32
      %dma_wait3A_2249 = tpu.memref_slice %arg4[%squeeze3A_1136, %dma_wait3A_2247, %dma_wait3A_2248] : memref<125000x8x32xf32, #tpu.memory_space<hbm>> -> memref<1x8x32xf32, #tpu.memory_space<hbm>>
      %dma_wait3A_2250 = tpu.memref_squeeze %dma_wait3A_2249 : memref<1x8x32xf32, #tpu.memory_space<hbm>> -> memref<8x32xf32, #tpu.memory_space<hbm>>
      tpu.wait_dma2 semaphore(%arg14 : memref<!tpu.dma_semaphore, #tpu.memory_space<semaphore_mem>>) src(%dma_wait3A_2250 : memref<8x32xf32, #tpu.memory_space<hbm>>) dst(%dma_wait3A_2246 : memref<8x32xf32, #tpu.memory_space<vmem>>)
      %dma_wait3A_2251 = arith.constant 29 : i32
      %dma_wait3A_2252 = arith.constant 0 : i32
      %dma_wait3A_2253 = arith.constant 0 : i32
      %dma_wait3A_2254 = tpu.memref_slice %arg11[%dma_wait3A_2251, %dma_wait3A_2252, %dma_wait3A_2253] : memref<32x8x32xf32, #tpu.memory_space<vmem>> -> memref<1x8x32xf32, #tpu.memory_space<vmem>>
      %dma_wait3A_2255 = tpu.memref_squeeze %dma_wait3A_2254 : memref<1x8x32xf32, #tpu.memory_space<vmem>> -> memref<8x32xf32, #tpu.memory_space<vmem>>
      %dma_wait3A_2256 = arith.constant 0 : i32
      %dma_wait3A_2257 = arith.constant 0 : i32
      %dma_wait3A_2258 = tpu.memref_slice %arg5[%squeeze3A_1155, %dma_wait3A_2256, %dma_wait3A_2257] : memref<125000x8x32xf32, #tpu.memory_space<hbm>> -> memref<1x8x32xf32, #tpu.memory_space<hbm>>
      %dma_wait3A_2259 = tpu.memref_squeeze %dma_wait3A_2258 : memref<1x8x32xf32, #tpu.memory_space<hbm>> -> memref<8x32xf32, #tpu.memory_space<hbm>>
      %dma_wait3A_2260 = arith.constant 0 : i32
      %dma_wait3A_2261 = arith.constant 0 : i32
      %dma_wait3A_2262 = tpu.memref_slice %arg11[%dma_wait3A_2251, %dma_wait3A_2260, %dma_wait3A_2261] : memref<32x8x32xf32, #tpu.memory_space<vmem>> -> memref<1x8x32xf32, #tpu.memory_space<vmem>>
      %dma_wait3A_2263 = tpu.memref_squeeze %dma_wait3A_2262 : memref<1x8x32xf32, #tpu.memory_space<vmem>> -> memref<8x32xf32, #tpu.memory_space<vmem>>
      %dma_wait3A_2264 = arith.constant 0 : i32
      %dma_wait3A_2265 = arith.constant 0 : i32
      %dma_wait3A_2266 = tpu.memref_slice %arg5[%squeeze3A_1155, %dma_wait3A_2264, %dma_wait3A_2265] : memref<125000x8x32xf32, #tpu.memory_space<hbm>> -> memref<1x8x32xf32, #tpu.memory_space<hbm>>
      %dma_wait3A_2267 = tpu.memref_squeeze %dma_wait3A_2266 : memref<1x8x32xf32, #tpu.memory_space<hbm>> -> memref<8x32xf32, #tpu.memory_space<hbm>>
      tpu.wait_dma2 semaphore(%arg14 : memref<!tpu.dma_semaphore, #tpu.memory_space<semaphore_mem>>) src(%dma_wait3A_2267 : memref<8x32xf32, #tpu.memory_space<hbm>>) dst(%dma_wait3A_2263 : memref<8x32xf32, #tpu.memory_space<vmem>>)
      %dma_wait3A_2268 = arith.constant 30 : i32
      %dma_wait3A_2269 = arith.constant 0 : i32
      %dma_wait3A_2270 = arith.constant 0 : i32
      %dma_wait3A_2271 = tpu.memref_slice %arg10[%dma_wait3A_2268, %dma_wait3A_2269, %dma_wait3A_2270] : memref<32x8x32xf32, #tpu.memory_space<vmem>> -> memref<1x8x32xf32, #tpu.memory_space<vmem>>
      %dma_wait3A_2272 = tpu.memref_squeeze %dma_wait3A_2271 : memref<1x8x32xf32, #tpu.memory_space<vmem>> -> memref<8x32xf32, #tpu.memory_space<vmem>>
      %dma_wait3A_2273 = arith.constant 0 : i32
      %dma_wait3A_2274 = arith.constant 0 : i32
      %dma_wait3A_2275 = tpu.memref_slice %arg4[%squeeze3A_1174, %dma_wait3A_2273, %dma_wait3A_2274] : memref<125000x8x32xf32, #tpu.memory_space<hbm>> -> memref<1x8x32xf32, #tpu.memory_space<hbm>>
      %dma_wait3A_2276 = tpu.memref_squeeze %dma_wait3A_2275 : memref<1x8x32xf32, #tpu.memory_space<hbm>> -> memref<8x32xf32, #tpu.memory_space<hbm>>
      %dma_wait3A_2277 = arith.constant 0 : i32
      %dma_wait3A_2278 = arith.constant 0 : i32
      %dma_wait3A_2279 = tpu.memref_slice %arg10[%dma_wait3A_2268, %dma_wait3A_2277, %dma_wait3A_2278] : memref<32x8x32xf32, #tpu.memory_space<vmem>> -> memref<1x8x32xf32, #tpu.memory_space<vmem>>
      %dma_wait3A_2280 = tpu.memref_squeeze %dma_wait3A_2279 : memref<1x8x32xf32, #tpu.memory_space<vmem>> -> memref<8x32xf32, #tpu.memory_space<vmem>>
      %dma_wait3A_2281 = arith.constant 0 : i32
      %dma_wait3A_2282 = arith.constant 0 : i32
      %dma_wait3A_2283 = tpu.memref_slice %arg4[%squeeze3A_1174, %dma_wait3A_2281, %dma_wait3A_2282] : memref<125000x8x32xf32, #tpu.memory_space<hbm>> -> memref<1x8x32xf32, #tpu.memory_space<hbm>>
      %dma_wait3A_2284 = tpu.memref_squeeze %dma_wait3A_2283 : memref<1x8x32xf32, #tpu.memory_space<hbm>> -> memref<8x32xf32, #tpu.memory_space<hbm>>
      tpu.wait_dma2 semaphore(%arg14 : memref<!tpu.dma_semaphore, #tpu.memory_space<semaphore_mem>>) src(%dma_wait3A_2284 : memref<8x32xf32, #tpu.memory_space<hbm>>) dst(%dma_wait3A_2280 : memref<8x32xf32, #tpu.memory_space<vmem>>)
      %dma_wait3A_2285 = arith.constant 30 : i32
      %dma_wait3A_2286 = arith.constant 0 : i32
      %dma_wait3A_2287 = arith.constant 0 : i32
      %dma_wait3A_2288 = tpu.memref_slice %arg11[%dma_wait3A_2285, %dma_wait3A_2286, %dma_wait3A_2287] : memref<32x8x32xf32, #tpu.memory_space<vmem>> -> memref<1x8x32xf32, #tpu.memory_space<vmem>>
      %dma_wait3A_2289 = tpu.memref_squeeze %dma_wait3A_2288 : memref<1x8x32xf32, #tpu.memory_space<vmem>> -> memref<8x32xf32, #tpu.memory_space<vmem>>
      %dma_wait3A_2290 = arith.constant 0 : i32
      %dma_wait3A_2291 = arith.constant 0 : i32
      %dma_wait3A_2292 = tpu.memref_slice %arg5[%squeeze3A_1193, %dma_wait3A_2290, %dma_wait3A_2291] : memref<125000x8x32xf32, #tpu.memory_space<hbm>> -> memref<1x8x32xf32, #tpu.memory_space<hbm>>
      %dma_wait3A_2293 = tpu.memref_squeeze %dma_wait3A_2292 : memref<1x8x32xf32, #tpu.memory_space<hbm>> -> memref<8x32xf32, #tpu.memory_space<hbm>>
      %dma_wait3A_2294 = arith.constant 0 : i32
      %dma_wait3A_2295 = arith.constant 0 : i32
      %dma_wait3A_2296 = tpu.memref_slice %arg11[%dma_wait3A_2285, %dma_wait3A_2294, %dma_wait3A_2295] : memref<32x8x32xf32, #tpu.memory_space<vmem>> -> memref<1x8x32xf32, #tpu.memory_space<vmem>>
      %dma_wait3A_2297 = tpu.memref_squeeze %dma_wait3A_2296 : memref<1x8x32xf32, #tpu.memory_space<vmem>> -> memref<8x32xf32, #tpu.memory_space<vmem>>
      %dma_wait3A_2298 = arith.constant 0 : i32
      %dma_wait3A_2299 = arith.constant 0 : i32
      %dma_wait3A_2300 = tpu.memref_slice %arg5[%squeeze3A_1193, %dma_wait3A_2298, %dma_wait3A_2299] : memref<125000x8x32xf32, #tpu.memory_space<hbm>> -> memref<1x8x32xf32, #tpu.memory_space<hbm>>
      %dma_wait3A_2301 = tpu.memref_squeeze %dma_wait3A_2300 : memref<1x8x32xf32, #tpu.memory_space<hbm>> -> memref<8x32xf32, #tpu.memory_space<hbm>>
      tpu.wait_dma2 semaphore(%arg14 : memref<!tpu.dma_semaphore, #tpu.memory_space<semaphore_mem>>) src(%dma_wait3A_2301 : memref<8x32xf32, #tpu.memory_space<hbm>>) dst(%dma_wait3A_2297 : memref<8x32xf32, #tpu.memory_space<vmem>>)
      %dma_wait3A_2302 = arith.constant 31 : i32
      %dma_wait3A_2303 = arith.constant 0 : i32
      %dma_wait3A_2304 = arith.constant 0 : i32
      %dma_wait3A_2305 = tpu.memref_slice %arg10[%dma_wait3A_2302, %dma_wait3A_2303, %dma_wait3A_2304] : memref<32x8x32xf32, #tpu.memory_space<vmem>> -> memref<1x8x32xf32, #tpu.memory_space<vmem>>
      %dma_wait3A_2306 = tpu.memref_squeeze %dma_wait3A_2305 : memref<1x8x32xf32, #tpu.memory_space<vmem>> -> memref<8x32xf32, #tpu.memory_space<vmem>>
      %dma_wait3A_2307 = arith.constant 0 : i32
      %dma_wait3A_2308 = arith.constant 0 : i32
      %dma_wait3A_2309 = tpu.memref_slice %arg4[%squeeze3A_1212, %dma_wait3A_2307, %dma_wait3A_2308] : memref<125000x8x32xf32, #tpu.memory_space<hbm>> -> memref<1x8x32xf32, #tpu.memory_space<hbm>>
      %dma_wait3A_2310 = tpu.memref_squeeze %dma_wait3A_2309 : memref<1x8x32xf32, #tpu.memory_space<hbm>> -> memref<8x32xf32, #tpu.memory_space<hbm>>
      %dma_wait3A_2311 = arith.constant 0 : i32
      %dma_wait3A_2312 = arith.constant 0 : i32
      %dma_wait3A_2313 = tpu.memref_slice %arg10[%dma_wait3A_2302, %dma_wait3A_2311, %dma_wait3A_2312] : memref<32x8x32xf32, #tpu.memory_space<vmem>> -> memref<1x8x32xf32, #tpu.memory_space<vmem>>
      %dma_wait3A_2314 = tpu.memref_squeeze %dma_wait3A_2313 : memref<1x8x32xf32, #tpu.memory_space<vmem>> -> memref<8x32xf32, #tpu.memory_space<vmem>>
      %dma_wait3A_2315 = arith.constant 0 : i32
      %dma_wait3A_2316 = arith.constant 0 : i32
      %dma_wait3A_2317 = tpu.memref_slice %arg4[%squeeze3A_1212, %dma_wait3A_2315, %dma_wait3A_2316] : memref<125000x8x32xf32, #tpu.memory_space<hbm>> -> memref<1x8x32xf32, #tpu.memory_space<hbm>>
      %dma_wait3A_2318 = tpu.memref_squeeze %dma_wait3A_2317 : memref<1x8x32xf32, #tpu.memory_space<hbm>> -> memref<8x32xf32, #tpu.memory_space<hbm>>
      tpu.wait_dma2 semaphore(%arg14 : memref<!tpu.dma_semaphore, #tpu.memory_space<semaphore_mem>>) src(%dma_wait3A_2318 : memref<8x32xf32, #tpu.memory_space<hbm>>) dst(%dma_wait3A_2314 : memref<8x32xf32, #tpu.memory_space<vmem>>)
      %dma_wait3A_2319 = arith.constant 31 : i32
      %dma_wait3A_2320 = arith.constant 0 : i32
      %dma_wait3A_2321 = arith.constant 0 : i32
      %dma_wait3A_2322 = tpu.memref_slice %arg11[%dma_wait3A_2319, %dma_wait3A_2320, %dma_wait3A_2321] : memref<32x8x32xf32, #tpu.memory_space<vmem>> -> memref<1x8x32xf32, #tpu.memory_space<vmem>>
      %dma_wait3A_2323 = tpu.memref_squeeze %dma_wait3A_2322 : memref<1x8x32xf32, #tpu.memory_space<vmem>> -> memref<8x32xf32, #tpu.memory_space<vmem>>
      %dma_wait3A_2324 = arith.constant 0 : i32
      %dma_wait3A_2325 = arith.constant 0 : i32
      %dma_wait3A_2326 = tpu.memref_slice %arg5[%squeeze3A_1231, %dma_wait3A_2324, %dma_wait3A_2325] : memref<125000x8x32xf32, #tpu.memory_space<hbm>> -> memref<1x8x32xf32, #tpu.memory_space<hbm>>
      %dma_wait3A_2327 = tpu.memref_squeeze %dma_wait3A_2326 : memref<1x8x32xf32, #tpu.memory_space<hbm>> -> memref<8x32xf32, #tpu.memory_space<hbm>>
      %dma_wait3A_2328 = arith.constant 0 : i32
      %dma_wait3A_2329 = arith.constant 0 : i32
      %dma_wait3A_2330 = tpu.memref_slice %arg11[%dma_wait3A_2319, %dma_wait3A_2328, %dma_wait3A_2329] : memref<32x8x32xf32, #tpu.memory_space<vmem>> -> memref<1x8x32xf32, #tpu.memory_space<vmem>>
      %dma_wait3A_2331 = tpu.memref_squeeze %dma_wait3A_2330 : memref<1x8x32xf32, #tpu.memory_space<vmem>> -> memref<8x32xf32, #tpu.memory_space<vmem>>
      %dma_wait3A_2332 = arith.constant 0 : i32
      %dma_wait3A_2333 = arith.constant 0 : i32
      %dma_wait3A_2334 = tpu.memref_slice %arg5[%squeeze3A_1231, %dma_wait3A_2332, %dma_wait3A_2333] : memref<125000x8x32xf32, #tpu.memory_space<hbm>> -> memref<1x8x32xf32, #tpu.memory_space<hbm>>
      %dma_wait3A_2335 = tpu.memref_squeeze %dma_wait3A_2334 : memref<1x8x32xf32, #tpu.memory_space<hbm>> -> memref<8x32xf32, #tpu.memory_space<hbm>>
      tpu.wait_dma2 semaphore(%arg14 : memref<!tpu.dma_semaphore, #tpu.memory_space<semaphore_mem>>) src(%dma_wait3A_2335 : memref<8x32xf32, #tpu.memory_space<hbm>>) dst(%dma_wait3A_2331 : memref<8x32xf32, #tpu.memory_space<vmem>>)
      %iota3A = tpu.iota {dimensions = array<i32: 0>} : vector<16xi32>
      %add3A_2336 = arith.constant 0 : i32
      %add3A_2337 = arith.addi %mul3A_9, %add3A_2336 : i32
      %get3A_2338 = arith.index_cast %add3A_2337 : i32 to index
      %get3A_2339 = tpu.vector_load %arg8[%get3A_2338] {strides = array<i32>} : memref<512xi32, #tpu.memory_space<vmem>>, vector<16xi32>,
      %and3A = arith.constant 7 : i32
      %and3A_2340 = vector.broadcast %and3A : i32 to vector<16xi32>
      %and3A_2341 = arith.andi %get3A_2339, %and3A_2340 : vector<16xi32>
      %add3A_2342 = arith.constant 0 : i32
      %add3A_2343 = vector.broadcast %add3A_2342 : i32 to vector<16xi32>
      %add3A_2344 = arith.addi %iota3A, %add3A_2343 : vector<16xi32>
      %broadcast_in_dim3A = arith.constant 0 : i32
      %broadcast_in_dim3A_2345 = vector.broadcast %broadcast_in_dim3A : i32 to vector<16xi32>
      %gather3A = tpu.vector_load_idx %arg10[%add3A_2344, %and3A_2341, %broadcast_in_dim3A_2345] : memref<32x8x32xf32, #tpu.memory_space<vmem>>[vector<16xi32>, vector<16xi32>, vector<16xi32>], vector<16xf32>,
      tpu.vector_store_idx %arg12[%add3A_2344, %broadcast_in_dim3A_2345], %gather3A : memref<32x32xf32, #tpu.memory_space<vmem>>[vector<16xi32>, vector<16xi32>], vector<16xf32>,
      %broadcast_in_dim3A_2346 = arith.constant 1 : i32
      %broadcast_in_dim3A_2347 = vector.broadcast %broadcast_in_dim3A_2346 : i32 to vector<16xi32>
      %gather3A_2348 = tpu.vector_load_idx %arg10[%add3A_2344, %and3A_2341, %broadcast_in_dim3A_2347] : memref<32x8x32xf32, #tpu.memory_space<vmem>>[vector<16xi32>, vector<16xi32>, vector<16xi32>], vector<16xf32>,
      tpu.vector_store_idx %arg12[%add3A_2344, %broadcast_in_dim3A_2347], %gather3A_2348 : memref<32x32xf32, #tpu.memory_space<vmem>>[vector<16xi32>, vector<16xi32>], vector<16xf32>,
      %broadcast_in_dim3A_2349 = arith.constant 2 : i32
      %broadcast_in_dim3A_2350 = vector.broadcast %broadcast_in_dim3A_2349 : i32 to vector<16xi32>
      %gather3A_2351 = tpu.vector_load_idx %arg10[%add3A_2344, %and3A_2341, %broadcast_in_dim3A_2350] : memref<32x8x32xf32, #tpu.memory_space<vmem>>[vector<16xi32>, vector<16xi32>, vector<16xi32>], vector<16xf32>,
      tpu.vector_store_idx %arg12[%add3A_2344, %broadcast_in_dim3A_2350], %gather3A_2351 : memref<32x32xf32, #tpu.memory_space<vmem>>[vector<16xi32>, vector<16xi32>], vector<16xf32>,
      %broadcast_in_dim3A_2352 = arith.constant 3 : i32
      %broadcast_in_dim3A_2353 = vector.broadcast %broadcast_in_dim3A_2352 : i32 to vector<16xi32>
      %gather3A_2354 = tpu.vector_load_idx %arg10[%add3A_2344, %and3A_2341, %broadcast_in_dim3A_2353] : memref<32x8x32xf32, #tpu.memory_space<vmem>>[vector<16xi32>, vector<16xi32>, vector<16xi32>], vector<16xf32>,
      tpu.vector_store_idx %arg12[%add3A_2344, %broadcast_in_dim3A_2353], %gather3A_2354 : memref<32x32xf32, #tpu.memory_space<vmem>>[vector<16xi32>, vector<16xi32>], vector<16xf32>,
      %broadcast_in_dim3A_2355 = arith.constant 4 : i32
      %broadcast_in_dim3A_2356 = vector.broadcast %broadcast_in_dim3A_2355 : i32 to vector<16xi32>
      %gather3A_2357 = tpu.vector_load_idx %arg10[%add3A_2344, %and3A_2341, %broadcast_in_dim3A_2356] : memref<32x8x32xf32, #tpu.memory_space<vmem>>[vector<16xi32>, vector<16xi32>, vector<16xi32>], vector<16xf32>,
      tpu.vector_store_idx %arg12[%add3A_2344, %broadcast_in_dim3A_2356], %gather3A_2357 : memref<32x32xf32, #tpu.memory_space<vmem>>[vector<16xi32>, vector<16xi32>], vector<16xf32>,
      %broadcast_in_dim3A_2358 = arith.constant 5 : i32
      %broadcast_in_dim3A_2359 = vector.broadcast %broadcast_in_dim3A_2358 : i32 to vector<16xi32>
      %gather3A_2360 = tpu.vector_load_idx %arg10[%add3A_2344, %and3A_2341, %broadcast_in_dim3A_2359] : memref<32x8x32xf32, #tpu.memory_space<vmem>>[vector<16xi32>, vector<16xi32>, vector<16xi32>], vector<16xf32>,
      tpu.vector_store_idx %arg12[%add3A_2344, %broadcast_in_dim3A_2359], %gather3A_2360 : memref<32x32xf32, #tpu.memory_space<vmem>>[vector<16xi32>, vector<16xi32>], vector<16xf32>,
      %broadcast_in_dim3A_2361 = arith.constant 6 : i32
      %broadcast_in_dim3A_2362 = vector.broadcast %broadcast_in_dim3A_2361 : i32 to vector<16xi32>
      %gather3A_2363 = tpu.vector_load_idx %arg10[%add3A_2344, %and3A_2341, %broadcast_in_dim3A_2362] : memref<32x8x32xf32, #tpu.memory_space<vmem>>[vector<16xi32>, vector<16xi32>, vector<16xi32>], vector<16xf32>,
      tpu.vector_store_idx %arg12[%add3A_2344, %broadcast_in_dim3A_2362], %gather3A_2363 : memref<32x32xf32, #tpu.memory_space<vmem>>[vector<16xi32>, vector<16xi32>], vector<16xf32>,
      %broadcast_in_dim3A_2364 = arith.constant 7 : i32
      %broadcast_in_dim3A_2365 = vector.broadcast %broadcast_in_dim3A_2364 : i32 to vector<16xi32>
      %gather3A_2366 = tpu.vector_load_idx %arg10[%add3A_2344, %and3A_2341, %broadcast_in_dim3A_2365] : memref<32x8x32xf32, #tpu.memory_space<vmem>>[vector<16xi32>, vector<16xi32>, vector<16xi32>], vector<16xf32>,
      tpu.vector_store_idx %arg12[%add3A_2344, %broadcast_in_dim3A_2365], %gather3A_2366 : memref<32x32xf32, #tpu.memory_space<vmem>>[vector<16xi32>, vector<16xi32>], vector<16xf32>,
      %broadcast_in_dim3A_2367 = arith.constant 8 : i32
      %broadcast_in_dim3A_2368 = vector.broadcast %broadcast_in_dim3A_2367 : i32 to vector<16xi32>
      %gather3A_2369 = tpu.vector_load_idx %arg10[%add3A_2344, %and3A_2341, %broadcast_in_dim3A_2368] : memref<32x8x32xf32, #tpu.memory_space<vmem>>[vector<16xi32>, vector<16xi32>, vector<16xi32>], vector<16xf32>,
      tpu.vector_store_idx %arg12[%add3A_2344, %broadcast_in_dim3A_2368], %gather3A_2369 : memref<32x32xf32, #tpu.memory_space<vmem>>[vector<16xi32>, vector<16xi32>], vector<16xf32>,
      %broadcast_in_dim3A_2370 = arith.constant 9 : i32
      %broadcast_in_dim3A_2371 = vector.broadcast %broadcast_in_dim3A_2370 : i32 to vector<16xi32>
      %gather3A_2372 = tpu.vector_load_idx %arg10[%add3A_2344, %and3A_2341, %broadcast_in_dim3A_2371] : memref<32x8x32xf32, #tpu.memory_space<vmem>>[vector<16xi32>, vector<16xi32>, vector<16xi32>], vector<16xf32>,
      tpu.vector_store_idx %arg12[%add3A_2344, %broadcast_in_dim3A_2371], %gather3A_2372 : memref<32x32xf32, #tpu.memory_space<vmem>>[vector<16xi32>, vector<16xi32>], vector<16xf32>,
      %broadcast_in_dim3A_2373 = arith.constant 10 : i32
      %broadcast_in_dim3A_2374 = vector.broadcast %broadcast_in_dim3A_2373 : i32 to vector<16xi32>
      %gather3A_2375 = tpu.vector_load_idx %arg10[%add3A_2344, %and3A_2341, %broadcast_in_dim3A_2374] : memref<32x8x32xf32, #tpu.memory_space<vmem>>[vector<16xi32>, vector<16xi32>, vector<16xi32>], vector<16xf32>,
      tpu.vector_store_idx %arg12[%add3A_2344, %broadcast_in_dim3A_2374], %gather3A_2375 : memref<32x32xf32, #tpu.memory_space<vmem>>[vector<16xi32>, vector<16xi32>], vector<16xf32>,
      %broadcast_in_dim3A_2376 = arith.constant 11 : i32
      %broadcast_in_dim3A_2377 = vector.broadcast %broadcast_in_dim3A_2376 : i32 to vector<16xi32>
      %gather3A_2378 = tpu.vector_load_idx %arg10[%add3A_2344, %and3A_2341, %broadcast_in_dim3A_2377] : memref<32x8x32xf32, #tpu.memory_space<vmem>>[vector<16xi32>, vector<16xi32>, vector<16xi32>], vector<16xf32>,
      tpu.vector_store_idx %arg12[%add3A_2344, %broadcast_in_dim3A_2377], %gather3A_2378 : memref<32x32xf32, #tpu.memory_space<vmem>>[vector<16xi32>, vector<16xi32>], vector<16xf32>,
      %broadcast_in_dim3A_2379 = arith.constant 12 : i32
      %broadcast_in_dim3A_2380 = vector.broadcast %broadcast_in_dim3A_2379 : i32 to vector<16xi32>
      %gather3A_2381 = tpu.vector_load_idx %arg10[%add3A_2344, %and3A_2341, %broadcast_in_dim3A_2380] : memref<32x8x32xf32, #tpu.memory_space<vmem>>[vector<16xi32>, vector<16xi32>, vector<16xi32>], vector<16xf32>,
      tpu.vector_store_idx %arg12[%add3A_2344, %broadcast_in_dim3A_2380], %gather3A_2381 : memref<32x32xf32, #tpu.memory_space<vmem>>[vector<16xi32>, vector<16xi32>], vector<16xf32>,
      %broadcast_in_dim3A_2382 = arith.constant 13 : i32
      %broadcast_in_dim3A_2383 = vector.broadcast %broadcast_in_dim3A_2382 : i32 to vector<16xi32>
      %gather3A_2384 = tpu.vector_load_idx %arg10[%add3A_2344, %and3A_2341, %broadcast_in_dim3A_2383] : memref<32x8x32xf32, #tpu.memory_space<vmem>>[vector<16xi32>, vector<16xi32>, vector<16xi32>], vector<16xf32>,
      tpu.vector_store_idx %arg12[%add3A_2344, %broadcast_in_dim3A_2383], %gather3A_2384 : memref<32x32xf32, #tpu.memory_space<vmem>>[vector<16xi32>, vector<16xi32>], vector<16xf32>,
      %broadcast_in_dim3A_2385 = arith.constant 14 : i32
      %broadcast_in_dim3A_2386 = vector.broadcast %broadcast_in_dim3A_2385 : i32 to vector<16xi32>
      %gather3A_2387 = tpu.vector_load_idx %arg10[%add3A_2344, %and3A_2341, %broadcast_in_dim3A_2386] : memref<32x8x32xf32, #tpu.memory_space<vmem>>[vector<16xi32>, vector<16xi32>, vector<16xi32>], vector<16xf32>,
      tpu.vector_store_idx %arg12[%add3A_2344, %broadcast_in_dim3A_2386], %gather3A_2387 : memref<32x32xf32, #tpu.memory_space<vmem>>[vector<16xi32>, vector<16xi32>], vector<16xf32>,
      %broadcast_in_dim3A_2388 = arith.constant 15 : i32
      %broadcast_in_dim3A_2389 = vector.broadcast %broadcast_in_dim3A_2388 : i32 to vector<16xi32>
      %gather3A_2390 = tpu.vector_load_idx %arg10[%add3A_2344, %and3A_2341, %broadcast_in_dim3A_2389] : memref<32x8x32xf32, #tpu.memory_space<vmem>>[vector<16xi32>, vector<16xi32>, vector<16xi32>], vector<16xf32>,
      tpu.vector_store_idx %arg12[%add3A_2344, %broadcast_in_dim3A_2389], %gather3A_2390 : memref<32x32xf32, #tpu.memory_space<vmem>>[vector<16xi32>, vector<16xi32>], vector<16xf32>,
      %broadcast_in_dim3A_2391 = arith.constant 16 : i32
      %broadcast_in_dim3A_2392 = vector.broadcast %broadcast_in_dim3A_2391 : i32 to vector<16xi32>
      %gather3A_2393 = tpu.vector_load_idx %arg10[%add3A_2344, %and3A_2341, %broadcast_in_dim3A_2392] : memref<32x8x32xf32, #tpu.memory_space<vmem>>[vector<16xi32>, vector<16xi32>, vector<16xi32>], vector<16xf32>,
      tpu.vector_store_idx %arg12[%add3A_2344, %broadcast_in_dim3A_2392], %gather3A_2393 : memref<32x32xf32, #tpu.memory_space<vmem>>[vector<16xi32>, vector<16xi32>], vector<16xf32>,
      %broadcast_in_dim3A_2394 = arith.constant 17 : i32
      %broadcast_in_dim3A_2395 = vector.broadcast %broadcast_in_dim3A_2394 : i32 to vector<16xi32>
      %gather3A_2396 = tpu.vector_load_idx %arg10[%add3A_2344, %and3A_2341, %broadcast_in_dim3A_2395] : memref<32x8x32xf32, #tpu.memory_space<vmem>>[vector<16xi32>, vector<16xi32>, vector<16xi32>], vector<16xf32>,
      tpu.vector_store_idx %arg12[%add3A_2344, %broadcast_in_dim3A_2395], %gather3A_2396 : memref<32x32xf32, #tpu.memory_space<vmem>>[vector<16xi32>, vector<16xi32>], vector<16xf32>,
      %broadcast_in_dim3A_2397 = arith.constant 18 : i32
      %broadcast_in_dim3A_2398 = vector.broadcast %broadcast_in_dim3A_2397 : i32 to vector<16xi32>
      %gather3A_2399 = tpu.vector_load_idx %arg10[%add3A_2344, %and3A_2341, %broadcast_in_dim3A_2398] : memref<32x8x32xf32, #tpu.memory_space<vmem>>[vector<16xi32>, vector<16xi32>, vector<16xi32>], vector<16xf32>,
      tpu.vector_store_idx %arg12[%add3A_2344, %broadcast_in_dim3A_2398], %gather3A_2399 : memref<32x32xf32, #tpu.memory_space<vmem>>[vector<16xi32>, vector<16xi32>], vector<16xf32>,
      %broadcast_in_dim3A_2400 = arith.constant 19 : i32
      %broadcast_in_dim3A_2401 = vector.broadcast %broadcast_in_dim3A_2400 : i32 to vector<16xi32>
      %gather3A_2402 = tpu.vector_load_idx %arg10[%add3A_2344, %and3A_2341, %broadcast_in_dim3A_2401] : memref<32x8x32xf32, #tpu.memory_space<vmem>>[vector<16xi32>, vector<16xi32>, vector<16xi32>], vector<16xf32>,
      tpu.vector_store_idx %arg12[%add3A_2344, %broadcast_in_dim3A_2401], %gather3A_2402 : memref<32x32xf32, #tpu.memory_space<vmem>>[vector<16xi32>, vector<16xi32>], vector<16xf32>,
      %broadcast_in_dim3A_2403 = arith.constant 20 : i32
      %broadcast_in_dim3A_2404 = vector.broadcast %broadcast_in_dim3A_2403 : i32 to vector<16xi32>
      %gather3A_2405 = tpu.vector_load_idx %arg10[%add3A_2344, %and3A_2341, %broadcast_in_dim3A_2404] : memref<32x8x32xf32, #tpu.memory_space<vmem>>[vector<16xi32>, vector<16xi32>, vector<16xi32>], vector<16xf32>,
      tpu.vector_store_idx %arg12[%add3A_2344, %broadcast_in_dim3A_2404], %gather3A_2405 : memref<32x32xf32, #tpu.memory_space<vmem>>[vector<16xi32>, vector<16xi32>], vector<16xf32>,
      %broadcast_in_dim3A_2406 = arith.constant 21 : i32
      %broadcast_in_dim3A_2407 = vector.broadcast %broadcast_in_dim3A_2406 : i32 to vector<16xi32>
      %gather3A_2408 = tpu.vector_load_idx %arg10[%add3A_2344, %and3A_2341, %broadcast_in_dim3A_2407] : memref<32x8x32xf32, #tpu.memory_space<vmem>>[vector<16xi32>, vector<16xi32>, vector<16xi32>], vector<16xf32>,
      tpu.vector_store_idx %arg12[%add3A_2344, %broadcast_in_dim3A_2407], %gather3A_2408 : memref<32x32xf32, #tpu.memory_space<vmem>>[vector<16xi32>, vector<16xi32>], vector<16xf32>,
      %broadcast_in_dim3A_2409 = arith.constant 22 : i32
      %broadcast_in_dim3A_2410 = vector.broadcast %broadcast_in_dim3A_2409 : i32 to vector<16xi32>
      %gather3A_2411 = tpu.vector_load_idx %arg10[%add3A_2344, %and3A_2341, %broadcast_in_dim3A_2410] : memref<32x8x32xf32, #tpu.memory_space<vmem>>[vector<16xi32>, vector<16xi32>, vector<16xi32>], vector<16xf32>,
      tpu.vector_store_idx %arg12[%add3A_2344, %broadcast_in_dim3A_2410], %gather3A_2411 : memref<32x32xf32, #tpu.memory_space<vmem>>[vector<16xi32>, vector<16xi32>], vector<16xf32>,
      %broadcast_in_dim3A_2412 = arith.constant 23 : i32
      %broadcast_in_dim3A_2413 = vector.broadcast %broadcast_in_dim3A_2412 : i32 to vector<16xi32>
      %gather3A_2414 = tpu.vector_load_idx %arg10[%add3A_2344, %and3A_2341, %broadcast_in_dim3A_2413] : memref<32x8x32xf32, #tpu.memory_space<vmem>>[vector<16xi32>, vector<16xi32>, vector<16xi32>], vector<16xf32>,
      tpu.vector_store_idx %arg12[%add3A_2344, %broadcast_in_dim3A_2413], %gather3A_2414 : memref<32x32xf32, #tpu.memory_space<vmem>>[vector<16xi32>, vector<16xi32>], vector<16xf32>,
      %broadcast_in_dim3A_2415 = arith.constant 24 : i32
      %broadcast_in_dim3A_2416 = vector.broadcast %broadcast_in_dim3A_2415 : i32 to vector<16xi32>
      %gather3A_2417 = tpu.vector_load_idx %arg10[%add3A_2344, %and3A_2341, %broadcast_in_dim3A_2416] : memref<32x8x32xf32, #tpu.memory_space<vmem>>[vector<16xi32>, vector<16xi32>, vector<16xi32>], vector<16xf32>,
      tpu.vector_store_idx %arg12[%add3A_2344, %broadcast_in_dim3A_2416], %gather3A_2417 : memref<32x32xf32, #tpu.memory_space<vmem>>[vector<16xi32>, vector<16xi32>], vector<16xf32>,
      %broadcast_in_dim3A_2418 = arith.constant 25 : i32
      %broadcast_in_dim3A_2419 = vector.broadcast %broadcast_in_dim3A_2418 : i32 to vector<16xi32>
      %gather3A_2420 = tpu.vector_load_idx %arg10[%add3A_2344, %and3A_2341, %broadcast_in_dim3A_2419] : memref<32x8x32xf32, #tpu.memory_space<vmem>>[vector<16xi32>, vector<16xi32>, vector<16xi32>], vector<16xf32>,
      tpu.vector_store_idx %arg12[%add3A_2344, %broadcast_in_dim3A_2419], %gather3A_2420 : memref<32x32xf32, #tpu.memory_space<vmem>>[vector<16xi32>, vector<16xi32>], vector<16xf32>,
      %broadcast_in_dim3A_2421 = arith.constant 26 : i32
      %broadcast_in_dim3A_2422 = vector.broadcast %broadcast_in_dim3A_2421 : i32 to vector<16xi32>
      %gather3A_2423 = tpu.vector_load_idx %arg10[%add3A_2344, %and3A_2341, %broadcast_in_dim3A_2422] : memref<32x8x32xf32, #tpu.memory_space<vmem>>[vector<16xi32>, vector<16xi32>, vector<16xi32>], vector<16xf32>,
      tpu.vector_store_idx %arg12[%add3A_2344, %broadcast_in_dim3A_2422], %gather3A_2423 : memref<32x32xf32, #tpu.memory_space<vmem>>[vector<16xi32>, vector<16xi32>], vector<16xf32>,
      %broadcast_in_dim3A_2424 = arith.constant 27 : i32
      %broadcast_in_dim3A_2425 = vector.broadcast %broadcast_in_dim3A_2424 : i32 to vector<16xi32>
      %gather3A_2426 = tpu.vector_load_idx %arg10[%add3A_2344, %and3A_2341, %broadcast_in_dim3A_2425] : memref<32x8x32xf32, #tpu.memory_space<vmem>>[vector<16xi32>, vector<16xi32>, vector<16xi32>], vector<16xf32>,
      tpu.vector_store_idx %arg12[%add3A_2344, %broadcast_in_dim3A_2425], %gather3A_2426 : memref<32x32xf32, #tpu.memory_space<vmem>>[vector<16xi32>, vector<16xi32>], vector<16xf32>,
      %broadcast_in_dim3A_2427 = arith.constant 28 : i32
      %broadcast_in_dim3A_2428 = vector.broadcast %broadcast_in_dim3A_2427 : i32 to vector<16xi32>
      %gather3A_2429 = tpu.vector_load_idx %arg10[%add3A_2344, %and3A_2341, %broadcast_in_dim3A_2428] : memref<32x8x32xf32, #tpu.memory_space<vmem>>[vector<16xi32>, vector<16xi32>, vector<16xi32>], vector<16xf32>,
      tpu.vector_store_idx %arg12[%add3A_2344, %broadcast_in_dim3A_2428], %gather3A_2429 : memref<32x32xf32, #tpu.memory_space<vmem>>[vector<16xi32>, vector<16xi32>], vector<16xf32>,
      %broadcast_in_dim3A_2430 = arith.constant 29 : i32
      %broadcast_in_dim3A_2431 = vector.broadcast %broadcast_in_dim3A_2430 : i32 to vector<16xi32>
      %gather3A_2432 = tpu.vector_load_idx %arg10[%add3A_2344, %and3A_2341, %broadcast_in_dim3A_2431] : memref<32x8x32xf32, #tpu.memory_space<vmem>>[vector<16xi32>, vector<16xi32>, vector<16xi32>], vector<16xf32>,
      tpu.vector_store_idx %arg12[%add3A_2344, %broadcast_in_dim3A_2431], %gather3A_2432 : memref<32x32xf32, #tpu.memory_space<vmem>>[vector<16xi32>, vector<16xi32>], vector<16xf32>,
      %broadcast_in_dim3A_2433 = arith.constant 30 : i32
      %broadcast_in_dim3A_2434 = vector.broadcast %broadcast_in_dim3A_2433 : i32 to vector<16xi32>
      %gather3A_2435 = tpu.vector_load_idx %arg10[%add3A_2344, %and3A_2341, %broadcast_in_dim3A_2434] : memref<32x8x32xf32, #tpu.memory_space<vmem>>[vector<16xi32>, vector<16xi32>, vector<16xi32>], vector<16xf32>,
      tpu.vector_store_idx %arg12[%add3A_2344, %broadcast_in_dim3A_2434], %gather3A_2435 : memref<32x32xf32, #tpu.memory_space<vmem>>[vector<16xi32>, vector<16xi32>], vector<16xf32>,
      %broadcast_in_dim3A_2436 = arith.constant 31 : i32
      %broadcast_in_dim3A_2437 = vector.broadcast %broadcast_in_dim3A_2436 : i32 to vector<16xi32>
      %gather3A_2438 = tpu.vector_load_idx %arg10[%add3A_2344, %and3A_2341, %broadcast_in_dim3A_2437] : memref<32x8x32xf32, #tpu.memory_space<vmem>>[vector<16xi32>, vector<16xi32>, vector<16xi32>], vector<16xf32>,
      tpu.vector_store_idx %arg12[%add3A_2344, %broadcast_in_dim3A_2437], %gather3A_2438 : memref<32x32xf32, #tpu.memory_space<vmem>>[vector<16xi32>, vector<16xi32>], vector<16xf32>,
      %add3A_2439 = arith.constant 16 : i32
      %add3A_2440 = arith.addi %mul3A_9, %add3A_2439 : i32
      %get3A_2441 = arith.index_cast %add3A_2440 : i32 to index
      %get3A_2442 = tpu.vector_load %arg8[%get3A_2441] {strides = array<i32>} : memref<512xi32, #tpu.memory_space<vmem>>, vector<16xi32>,
      %and3A_2443 = arith.constant 7 : i32
      %and3A_2444 = vector.broadcast %and3A_2443 : i32 to vector<16xi32>
      %and3A_2445 = arith.andi %get3A_2442, %and3A_2444 : vector<16xi32>
      %add3A_2446 = arith.constant 16 : i32
      %add3A_2447 = vector.broadcast %add3A_2446 : i32 to vector<16xi32>
      %add3A_2448 = arith.addi %iota3A, %add3A_2447 : vector<16xi32>
      %broadcast_in_dim3A_2449 = arith.constant 0 : i32
      %broadcast_in_dim3A_2450 = vector.broadcast %broadcast_in_dim3A_2449 : i32 to vector<16xi32>
      %gather3A_2451 = tpu.vector_load_idx %arg10[%add3A_2448, %and3A_2445, %broadcast_in_dim3A_2450] : memref<32x8x32xf32, #tpu.memory_space<vmem>>[vector<16xi32>, vector<16xi32>, vector<16xi32>], vector<16xf32>,
      tpu.vector_store_idx %arg12[%add3A_2448, %broadcast_in_dim3A_2450], %gather3A_2451 : memref<32x32xf32, #tpu.memory_space<vmem>>[vector<16xi32>, vector<16xi32>], vector<16xf32>,
      %broadcast_in_dim3A_2452 = arith.constant 1 : i32
      %broadcast_in_dim3A_2453 = vector.broadcast %broadcast_in_dim3A_2452 : i32 to vector<16xi32>
      %gather3A_2454 = tpu.vector_load_idx %arg10[%add3A_2448, %and3A_2445, %broadcast_in_dim3A_2453] : memref<32x8x32xf32, #tpu.memory_space<vmem>>[vector<16xi32>, vector<16xi32>, vector<16xi32>], vector<16xf32>,
      tpu.vector_store_idx %arg12[%add3A_2448, %broadcast_in_dim3A_2453], %gather3A_2454 : memref<32x32xf32, #tpu.memory_space<vmem>>[vector<16xi32>, vector<16xi32>], vector<16xf32>,
      %broadcast_in_dim3A_2455 = arith.constant 2 : i32
      %broadcast_in_dim3A_2456 = vector.broadcast %broadcast_in_dim3A_2455 : i32 to vector<16xi32>
      %gather3A_2457 = tpu.vector_load_idx %arg10[%add3A_2448, %and3A_2445, %broadcast_in_dim3A_2456] : memref<32x8x32xf32, #tpu.memory_space<vmem>>[vector<16xi32>, vector<16xi32>, vector<16xi32>], vector<16xf32>,
      tpu.vector_store_idx %arg12[%add3A_2448, %broadcast_in_dim3A_2456], %gather3A_2457 : memref<32x32xf32, #tpu.memory_space<vmem>>[vector<16xi32>, vector<16xi32>], vector<16xf32>,
      %broadcast_in_dim3A_2458 = arith.constant 3 : i32
      %broadcast_in_dim3A_2459 = vector.broadcast %broadcast_in_dim3A_2458 : i32 to vector<16xi32>
      %gather3A_2460 = tpu.vector_load_idx %arg10[%add3A_2448, %and3A_2445, %broadcast_in_dim3A_2459] : memref<32x8x32xf32, #tpu.memory_space<vmem>>[vector<16xi32>, vector<16xi32>, vector<16xi32>], vector<16xf32>,
      tpu.vector_store_idx %arg12[%add3A_2448, %broadcast_in_dim3A_2459], %gather3A_2460 : memref<32x32xf32, #tpu.memory_space<vmem>>[vector<16xi32>, vector<16xi32>], vector<16xf32>,
      %broadcast_in_dim3A_2461 = arith.constant 4 : i32
      %broadcast_in_dim3A_2462 = vector.broadcast %broadcast_in_dim3A_2461 : i32 to vector<16xi32>
      %gather3A_2463 = tpu.vector_load_idx %arg10[%add3A_2448, %and3A_2445, %broadcast_in_dim3A_2462] : memref<32x8x32xf32, #tpu.memory_space<vmem>>[vector<16xi32>, vector<16xi32>, vector<16xi32>], vector<16xf32>,
      tpu.vector_store_idx %arg12[%add3A_2448, %broadcast_in_dim3A_2462], %gather3A_2463 : memref<32x32xf32, #tpu.memory_space<vmem>>[vector<16xi32>, vector<16xi32>], vector<16xf32>,
      %broadcast_in_dim3A_2464 = arith.constant 5 : i32
      %broadcast_in_dim3A_2465 = vector.broadcast %broadcast_in_dim3A_2464 : i32 to vector<16xi32>
      %gather3A_2466 = tpu.vector_load_idx %arg10[%add3A_2448, %and3A_2445, %broadcast_in_dim3A_2465] : memref<32x8x32xf32, #tpu.memory_space<vmem>>[vector<16xi32>, vector<16xi32>, vector<16xi32>], vector<16xf32>,
      tpu.vector_store_idx %arg12[%add3A_2448, %broadcast_in_dim3A_2465], %gather3A_2466 : memref<32x32xf32, #tpu.memory_space<vmem>>[vector<16xi32>, vector<16xi32>], vector<16xf32>,
      %broadcast_in_dim3A_2467 = arith.constant 6 : i32
      %broadcast_in_dim3A_2468 = vector.broadcast %broadcast_in_dim3A_2467 : i32 to vector<16xi32>
      %gather3A_2469 = tpu.vector_load_idx %arg10[%add3A_2448, %and3A_2445, %broadcast_in_dim3A_2468] : memref<32x8x32xf32, #tpu.memory_space<vmem>>[vector<16xi32>, vector<16xi32>, vector<16xi32>], vector<16xf32>,
      tpu.vector_store_idx %arg12[%add3A_2448, %broadcast_in_dim3A_2468], %gather3A_2469 : memref<32x32xf32, #tpu.memory_space<vmem>>[vector<16xi32>, vector<16xi32>], vector<16xf32>,
      %broadcast_in_dim3A_2470 = arith.constant 7 : i32
      %broadcast_in_dim3A_2471 = vector.broadcast %broadcast_in_dim3A_2470 : i32 to vector<16xi32>
      %gather3A_2472 = tpu.vector_load_idx %arg10[%add3A_2448, %and3A_2445, %broadcast_in_dim3A_2471] : memref<32x8x32xf32, #tpu.memory_space<vmem>>[vector<16xi32>, vector<16xi32>, vector<16xi32>], vector<16xf32>,
      tpu.vector_store_idx %arg12[%add3A_2448, %broadcast_in_dim3A_2471], %gather3A_2472 : memref<32x32xf32, #tpu.memory_space<vmem>>[vector<16xi32>, vector<16xi32>], vector<16xf32>,
      %broadcast_in_dim3A_2473 = arith.constant 8 : i32
      %broadcast_in_dim3A_2474 = vector.broadcast %broadcast_in_dim3A_2473 : i32 to vector<16xi32>
      %gather3A_2475 = tpu.vector_load_idx %arg10[%add3A_2448, %and3A_2445, %broadcast_in_dim3A_2474] : memref<32x8x32xf32, #tpu.memory_space<vmem>>[vector<16xi32>, vector<16xi32>, vector<16xi32>], vector<16xf32>,
      tpu.vector_store_idx %arg12[%add3A_2448, %broadcast_in_dim3A_2474], %gather3A_2475 : memref<32x32xf32, #tpu.memory_space<vmem>>[vector<16xi32>, vector<16xi32>], vector<16xf32>,
      %broadcast_in_dim3A_2476 = arith.constant 9 : i32
      %broadcast_in_dim3A_2477 = vector.broadcast %broadcast_in_dim3A_2476 : i32 to vector<16xi32>
      %gather3A_2478 = tpu.vector_load_idx %arg10[%add3A_2448, %and3A_2445, %broadcast_in_dim3A_2477] : memref<32x8x32xf32, #tpu.memory_space<vmem>>[vector<16xi32>, vector<16xi32>, vector<16xi32>], vector<16xf32>,
      tpu.vector_store_idx %arg12[%add3A_2448, %broadcast_in_dim3A_2477], %gather3A_2478 : memref<32x32xf32, #tpu.memory_space<vmem>>[vector<16xi32>, vector<16xi32>], vector<16xf32>,
      %broadcast_in_dim3A_2479 = arith.constant 10 : i32
      %broadcast_in_dim3A_2480 = vector.broadcast %broadcast_in_dim3A_2479 : i32 to vector<16xi32>
      %gather3A_2481 = tpu.vector_load_idx %arg10[%add3A_2448, %and3A_2445, %broadcast_in_dim3A_2480] : memref<32x8x32xf32, #tpu.memory_space<vmem>>[vector<16xi32>, vector<16xi32>, vector<16xi32>], vector<16xf32>,
      tpu.vector_store_idx %arg12[%add3A_2448, %broadcast_in_dim3A_2480], %gather3A_2481 : memref<32x32xf32, #tpu.memory_space<vmem>>[vector<16xi32>, vector<16xi32>], vector<16xf32>,
      %broadcast_in_dim3A_2482 = arith.constant 11 : i32
      %broadcast_in_dim3A_2483 = vector.broadcast %broadcast_in_dim3A_2482 : i32 to vector<16xi32>
      %gather3A_2484 = tpu.vector_load_idx %arg10[%add3A_2448, %and3A_2445, %broadcast_in_dim3A_2483] : memref<32x8x32xf32, #tpu.memory_space<vmem>>[vector<16xi32>, vector<16xi32>, vector<16xi32>], vector<16xf32>,
      tpu.vector_store_idx %arg12[%add3A_2448, %broadcast_in_dim3A_2483], %gather3A_2484 : memref<32x32xf32, #tpu.memory_space<vmem>>[vector<16xi32>, vector<16xi32>], vector<16xf32>,
      %broadcast_in_dim3A_2485 = arith.constant 12 : i32
      %broadcast_in_dim3A_2486 = vector.broadcast %broadcast_in_dim3A_2485 : i32 to vector<16xi32>
      %gather3A_2487 = tpu.vector_load_idx %arg10[%add3A_2448, %and3A_2445, %broadcast_in_dim3A_2486] : memref<32x8x32xf32, #tpu.memory_space<vmem>>[vector<16xi32>, vector<16xi32>, vector<16xi32>], vector<16xf32>,
      tpu.vector_store_idx %arg12[%add3A_2448, %broadcast_in_dim3A_2486], %gather3A_2487 : memref<32x32xf32, #tpu.memory_space<vmem>>[vector<16xi32>, vector<16xi32>], vector<16xf32>,
      %broadcast_in_dim3A_2488 = arith.constant 13 : i32
      %broadcast_in_dim3A_2489 = vector.broadcast %broadcast_in_dim3A_2488 : i32 to vector<16xi32>
      %gather3A_2490 = tpu.vector_load_idx %arg10[%add3A_2448, %and3A_2445, %broadcast_in_dim3A_2489] : memref<32x8x32xf32, #tpu.memory_space<vmem>>[vector<16xi32>, vector<16xi32>, vector<16xi32>], vector<16xf32>,
      tpu.vector_store_idx %arg12[%add3A_2448, %broadcast_in_dim3A_2489], %gather3A_2490 : memref<32x32xf32, #tpu.memory_space<vmem>>[vector<16xi32>, vector<16xi32>], vector<16xf32>,
      %broadcast_in_dim3A_2491 = arith.constant 14 : i32
      %broadcast_in_dim3A_2492 = vector.broadcast %broadcast_in_dim3A_2491 : i32 to vector<16xi32>
      %gather3A_2493 = tpu.vector_load_idx %arg10[%add3A_2448, %and3A_2445, %broadcast_in_dim3A_2492] : memref<32x8x32xf32, #tpu.memory_space<vmem>>[vector<16xi32>, vector<16xi32>, vector<16xi32>], vector<16xf32>,
      tpu.vector_store_idx %arg12[%add3A_2448, %broadcast_in_dim3A_2492], %gather3A_2493 : memref<32x32xf32, #tpu.memory_space<vmem>>[vector<16xi32>, vector<16xi32>], vector<16xf32>,
      %broadcast_in_dim3A_2494 = arith.constant 15 : i32
      %broadcast_in_dim3A_2495 = vector.broadcast %broadcast_in_dim3A_2494 : i32 to vector<16xi32>
      %gather3A_2496 = tpu.vector_load_idx %arg10[%add3A_2448, %and3A_2445, %broadcast_in_dim3A_2495] : memref<32x8x32xf32, #tpu.memory_space<vmem>>[vector<16xi32>, vector<16xi32>, vector<16xi32>], vector<16xf32>,
      tpu.vector_store_idx %arg12[%add3A_2448, %broadcast_in_dim3A_2495], %gather3A_2496 : memref<32x32xf32, #tpu.memory_space<vmem>>[vector<16xi32>, vector<16xi32>], vector<16xf32>,
      %broadcast_in_dim3A_2497 = arith.constant 16 : i32
      %broadcast_in_dim3A_2498 = vector.broadcast %broadcast_in_dim3A_2497 : i32 to vector<16xi32>
      %gather3A_2499 = tpu.vector_load_idx %arg10[%add3A_2448, %and3A_2445, %broadcast_in_dim3A_2498] : memref<32x8x32xf32, #tpu.memory_space<vmem>>[vector<16xi32>, vector<16xi32>, vector<16xi32>], vector<16xf32>,
      tpu.vector_store_idx %arg12[%add3A_2448, %broadcast_in_dim3A_2498], %gather3A_2499 : memref<32x32xf32, #tpu.memory_space<vmem>>[vector<16xi32>, vector<16xi32>], vector<16xf32>,
      %broadcast_in_dim3A_2500 = arith.constant 17 : i32
      %broadcast_in_dim3A_2501 = vector.broadcast %broadcast_in_dim3A_2500 : i32 to vector<16xi32>
      %gather3A_2502 = tpu.vector_load_idx %arg10[%add3A_2448, %and3A_2445, %broadcast_in_dim3A_2501] : memref<32x8x32xf32, #tpu.memory_space<vmem>>[vector<16xi32>, vector<16xi32>, vector<16xi32>], vector<16xf32>,
      tpu.vector_store_idx %arg12[%add3A_2448, %broadcast_in_dim3A_2501], %gather3A_2502 : memref<32x32xf32, #tpu.memory_space<vmem>>[vector<16xi32>, vector<16xi32>], vector<16xf32>,
      %broadcast_in_dim3A_2503 = arith.constant 18 : i32
      %broadcast_in_dim3A_2504 = vector.broadcast %broadcast_in_dim3A_2503 : i32 to vector<16xi32>
      %gather3A_2505 = tpu.vector_load_idx %arg10[%add3A_2448, %and3A_2445, %broadcast_in_dim3A_2504] : memref<32x8x32xf32, #tpu.memory_space<vmem>>[vector<16xi32>, vector<16xi32>, vector<16xi32>], vector<16xf32>,
      tpu.vector_store_idx %arg12[%add3A_2448, %broadcast_in_dim3A_2504], %gather3A_2505 : memref<32x32xf32, #tpu.memory_space<vmem>>[vector<16xi32>, vector<16xi32>], vector<16xf32>,
      %broadcast_in_dim3A_2506 = arith.constant 19 : i32
      %broadcast_in_dim3A_2507 = vector.broadcast %broadcast_in_dim3A_2506 : i32 to vector<16xi32>
      %gather3A_2508 = tpu.vector_load_idx %arg10[%add3A_2448, %and3A_2445, %broadcast_in_dim3A_2507] : memref<32x8x32xf32, #tpu.memory_space<vmem>>[vector<16xi32>, vector<16xi32>, vector<16xi32>], vector<16xf32>,
      tpu.vector_store_idx %arg12[%add3A_2448, %broadcast_in_dim3A_2507], %gather3A_2508 : memref<32x32xf32, #tpu.memory_space<vmem>>[vector<16xi32>, vector<16xi32>], vector<16xf32>,
      %broadcast_in_dim3A_2509 = arith.constant 20 : i32
      %broadcast_in_dim3A_2510 = vector.broadcast %broadcast_in_dim3A_2509 : i32 to vector<16xi32>
      %gather3A_2511 = tpu.vector_load_idx %arg10[%add3A_2448, %and3A_2445, %broadcast_in_dim3A_2510] : memref<32x8x32xf32, #tpu.memory_space<vmem>>[vector<16xi32>, vector<16xi32>, vector<16xi32>], vector<16xf32>,
      tpu.vector_store_idx %arg12[%add3A_2448, %broadcast_in_dim3A_2510], %gather3A_2511 : memref<32x32xf32, #tpu.memory_space<vmem>>[vector<16xi32>, vector<16xi32>], vector<16xf32>,
      %broadcast_in_dim3A_2512 = arith.constant 21 : i32
      %broadcast_in_dim3A_2513 = vector.broadcast %broadcast_in_dim3A_2512 : i32 to vector<16xi32>
      %gather3A_2514 = tpu.vector_load_idx %arg10[%add3A_2448, %and3A_2445, %broadcast_in_dim3A_2513] : memref<32x8x32xf32, #tpu.memory_space<vmem>>[vector<16xi32>, vector<16xi32>, vector<16xi32>], vector<16xf32>,
      tpu.vector_store_idx %arg12[%add3A_2448, %broadcast_in_dim3A_2513], %gather3A_2514 : memref<32x32xf32, #tpu.memory_space<vmem>>[vector<16xi32>, vector<16xi32>], vector<16xf32>,
      %broadcast_in_dim3A_2515 = arith.constant 22 : i32
      %broadcast_in_dim3A_2516 = vector.broadcast %broadcast_in_dim3A_2515 : i32 to vector<16xi32>
      %gather3A_2517 = tpu.vector_load_idx %arg10[%add3A_2448, %and3A_2445, %broadcast_in_dim3A_2516] : memref<32x8x32xf32, #tpu.memory_space<vmem>>[vector<16xi32>, vector<16xi32>, vector<16xi32>], vector<16xf32>,
      tpu.vector_store_idx %arg12[%add3A_2448, %broadcast_in_dim3A_2516], %gather3A_2517 : memref<32x32xf32, #tpu.memory_space<vmem>>[vector<16xi32>, vector<16xi32>], vector<16xf32>,
      %broadcast_in_dim3A_2518 = arith.constant 23 : i32
      %broadcast_in_dim3A_2519 = vector.broadcast %broadcast_in_dim3A_2518 : i32 to vector<16xi32>
      %gather3A_2520 = tpu.vector_load_idx %arg10[%add3A_2448, %and3A_2445, %broadcast_in_dim3A_2519] : memref<32x8x32xf32, #tpu.memory_space<vmem>>[vector<16xi32>, vector<16xi32>, vector<16xi32>], vector<16xf32>,
      tpu.vector_store_idx %arg12[%add3A_2448, %broadcast_in_dim3A_2519], %gather3A_2520 : memref<32x32xf32, #tpu.memory_space<vmem>>[vector<16xi32>, vector<16xi32>], vector<16xf32>,
      %broadcast_in_dim3A_2521 = arith.constant 24 : i32
      %broadcast_in_dim3A_2522 = vector.broadcast %broadcast_in_dim3A_2521 : i32 to vector<16xi32>
      %gather3A_2523 = tpu.vector_load_idx %arg10[%add3A_2448, %and3A_2445, %broadcast_in_dim3A_2522] : memref<32x8x32xf32, #tpu.memory_space<vmem>>[vector<16xi32>, vector<16xi32>, vector<16xi32>], vector<16xf32>,
      tpu.vector_store_idx %arg12[%add3A_2448, %broadcast_in_dim3A_2522], %gather3A_2523 : memref<32x32xf32, #tpu.memory_space<vmem>>[vector<16xi32>, vector<16xi32>], vector<16xf32>,
      %broadcast_in_dim3A_2524 = arith.constant 25 : i32
      %broadcast_in_dim3A_2525 = vector.broadcast %broadcast_in_dim3A_2524 : i32 to vector<16xi32>
      %gather3A_2526 = tpu.vector_load_idx %arg10[%add3A_2448, %and3A_2445, %broadcast_in_dim3A_2525] : memref<32x8x32xf32, #tpu.memory_space<vmem>>[vector<16xi32>, vector<16xi32>, vector<16xi32>], vector<16xf32>,
      tpu.vector_store_idx %arg12[%add3A_2448, %broadcast_in_dim3A_2525], %gather3A_2526 : memref<32x32xf32, #tpu.memory_space<vmem>>[vector<16xi32>, vector<16xi32>], vector<16xf32>,
      %broadcast_in_dim3A_2527 = arith.constant 26 : i32
      %broadcast_in_dim3A_2528 = vector.broadcast %broadcast_in_dim3A_2527 : i32 to vector<16xi32>
      %gather3A_2529 = tpu.vector_load_idx %arg10[%add3A_2448, %and3A_2445, %broadcast_in_dim3A_2528] : memref<32x8x32xf32, #tpu.memory_space<vmem>>[vector<16xi32>, vector<16xi32>, vector<16xi32>], vector<16xf32>,
      tpu.vector_store_idx %arg12[%add3A_2448, %broadcast_in_dim3A_2528], %gather3A_2529 : memref<32x32xf32, #tpu.memory_space<vmem>>[vector<16xi32>, vector<16xi32>], vector<16xf32>,
      %broadcast_in_dim3A_2530 = arith.constant 27 : i32
      %broadcast_in_dim3A_2531 = vector.broadcast %broadcast_in_dim3A_2530 : i32 to vector<16xi32>
      %gather3A_2532 = tpu.vector_load_idx %arg10[%add3A_2448, %and3A_2445, %broadcast_in_dim3A_2531] : memref<32x8x32xf32, #tpu.memory_space<vmem>>[vector<16xi32>, vector<16xi32>, vector<16xi32>], vector<16xf32>,
      tpu.vector_store_idx %arg12[%add3A_2448, %broadcast_in_dim3A_2531], %gather3A_2532 : memref<32x32xf32, #tpu.memory_space<vmem>>[vector<16xi32>, vector<16xi32>], vector<16xf32>,
      %broadcast_in_dim3A_2533 = arith.constant 28 : i32
      %broadcast_in_dim3A_2534 = vector.broadcast %broadcast_in_dim3A_2533 : i32 to vector<16xi32>
      %gather3A_2535 = tpu.vector_load_idx %arg10[%add3A_2448, %and3A_2445, %broadcast_in_dim3A_2534] : memref<32x8x32xf32, #tpu.memory_space<vmem>>[vector<16xi32>, vector<16xi32>, vector<16xi32>], vector<16xf32>,
      tpu.vector_store_idx %arg12[%add3A_2448, %broadcast_in_dim3A_2534], %gather3A_2535 : memref<32x32xf32, #tpu.memory_space<vmem>>[vector<16xi32>, vector<16xi32>], vector<16xf32>,
      %broadcast_in_dim3A_2536 = arith.constant 29 : i32
      %broadcast_in_dim3A_2537 = vector.broadcast %broadcast_in_dim3A_2536 : i32 to vector<16xi32>
      %gather3A_2538 = tpu.vector_load_idx %arg10[%add3A_2448, %and3A_2445, %broadcast_in_dim3A_2537] : memref<32x8x32xf32, #tpu.memory_space<vmem>>[vector<16xi32>, vector<16xi32>, vector<16xi32>], vector<16xf32>,
      tpu.vector_store_idx %arg12[%add3A_2448, %broadcast_in_dim3A_2537], %gather3A_2538 : memref<32x32xf32, #tpu.memory_space<vmem>>[vector<16xi32>, vector<16xi32>], vector<16xf32>,
      %broadcast_in_dim3A_2539 = arith.constant 30 : i32
      %broadcast_in_dim3A_2540 = vector.broadcast %broadcast_in_dim3A_2539 : i32 to vector<16xi32>
      %gather3A_2541 = tpu.vector_load_idx %arg10[%add3A_2448, %and3A_2445, %broadcast_in_dim3A_2540] : memref<32x8x32xf32, #tpu.memory_space<vmem>>[vector<16xi32>, vector<16xi32>, vector<16xi32>], vector<16xf32>,
      tpu.vector_store_idx %arg12[%add3A_2448, %broadcast_in_dim3A_2540], %gather3A_2541 : memref<32x32xf32, #tpu.memory_space<vmem>>[vector<16xi32>, vector<16xi32>], vector<16xf32>,
      %broadcast_in_dim3A_2542 = arith.constant 31 : i32
      %broadcast_in_dim3A_2543 = vector.broadcast %broadcast_in_dim3A_2542 : i32 to vector<16xi32>
      %gather3A_2544 = tpu.vector_load_idx %arg10[%add3A_2448, %and3A_2445, %broadcast_in_dim3A_2543] : memref<32x8x32xf32, #tpu.memory_space<vmem>>[vector<16xi32>, vector<16xi32>, vector<16xi32>], vector<16xf32>,
      tpu.vector_store_idx %arg12[%add3A_2448, %broadcast_in_dim3A_2543], %gather3A_2544 : memref<32x32xf32, #tpu.memory_space<vmem>>[vector<16xi32>, vector<16xi32>], vector<16xf32>,
      %iota3A_2545 = tpu.iota {dimensions = array<i32: 0>} : vector<16xi32>
      %add3A_2546 = arith.constant 0 : i32
      %add3A_2547 = arith.addi %mul3A_9, %add3A_2546 : i32
      %get3A_2548 = arith.index_cast %add3A_2547 : i32 to index
      %get3A_2549 = tpu.vector_load %arg9[%get3A_2548] {strides = array<i32>} : memref<512xi32, #tpu.memory_space<vmem>>, vector<16xi32>,
      %and3A_2550 = arith.constant 7 : i32
      %and3A_2551 = vector.broadcast %and3A_2550 : i32 to vector<16xi32>
      %and3A_2552 = arith.andi %get3A_2549, %and3A_2551 : vector<16xi32>
      %add3A_2553 = arith.constant 0 : i32
      %add3A_2554 = vector.broadcast %add3A_2553 : i32 to vector<16xi32>
      %add3A_2555 = arith.addi %iota3A_2545, %add3A_2554 : vector<16xi32>
      %broadcast_in_dim3A_2556 = arith.constant 0 : i32
      %broadcast_in_dim3A_2557 = vector.broadcast %broadcast_in_dim3A_2556 : i32 to vector<16xi32>
      %gather3A_2558 = tpu.vector_load_idx %arg11[%add3A_2555, %and3A_2552, %broadcast_in_dim3A_2557] : memref<32x8x32xf32, #tpu.memory_space<vmem>>[vector<16xi32>, vector<16xi32>, vector<16xi32>], vector<16xf32>,
      tpu.vector_store_idx %arg13[%add3A_2555, %broadcast_in_dim3A_2557], %gather3A_2558 : memref<32x32xf32, #tpu.memory_space<vmem>>[vector<16xi32>, vector<16xi32>], vector<16xf32>,
      %broadcast_in_dim3A_2559 = arith.constant 1 : i32
      %broadcast_in_dim3A_2560 = vector.broadcast %broadcast_in_dim3A_2559 : i32 to vector<16xi32>
      %gather3A_2561 = tpu.vector_load_idx %arg11[%add3A_2555, %and3A_2552, %broadcast_in_dim3A_2560] : memref<32x8x32xf32, #tpu.memory_space<vmem>>[vector<16xi32>, vector<16xi32>, vector<16xi32>], vector<16xf32>,
      tpu.vector_store_idx %arg13[%add3A_2555, %broadcast_in_dim3A_2560], %gather3A_2561 : memref<32x32xf32, #tpu.memory_space<vmem>>[vector<16xi32>, vector<16xi32>], vector<16xf32>,
      %broadcast_in_dim3A_2562 = arith.constant 2 : i32
      %broadcast_in_dim3A_2563 = vector.broadcast %broadcast_in_dim3A_2562 : i32 to vector<16xi32>
      %gather3A_2564 = tpu.vector_load_idx %arg11[%add3A_2555, %and3A_2552, %broadcast_in_dim3A_2563] : memref<32x8x32xf32, #tpu.memory_space<vmem>>[vector<16xi32>, vector<16xi32>, vector<16xi32>], vector<16xf32>,
      tpu.vector_store_idx %arg13[%add3A_2555, %broadcast_in_dim3A_2563], %gather3A_2564 : memref<32x32xf32, #tpu.memory_space<vmem>>[vector<16xi32>, vector<16xi32>], vector<16xf32>,
      %broadcast_in_dim3A_2565 = arith.constant 3 : i32
      %broadcast_in_dim3A_2566 = vector.broadcast %broadcast_in_dim3A_2565 : i32 to vector<16xi32>
      %gather3A_2567 = tpu.vector_load_idx %arg11[%add3A_2555, %and3A_2552, %broadcast_in_dim3A_2566] : memref<32x8x32xf32, #tpu.memory_space<vmem>>[vector<16xi32>, vector<16xi32>, vector<16xi32>], vector<16xf32>,
      tpu.vector_store_idx %arg13[%add3A_2555, %broadcast_in_dim3A_2566], %gather3A_2567 : memref<32x32xf32, #tpu.memory_space<vmem>>[vector<16xi32>, vector<16xi32>], vector<16xf32>,
      %broadcast_in_dim3A_2568 = arith.constant 4 : i32
      %broadcast_in_dim3A_2569 = vector.broadcast %broadcast_in_dim3A_2568 : i32 to vector<16xi32>
      %gather3A_2570 = tpu.vector_load_idx %arg11[%add3A_2555, %and3A_2552, %broadcast_in_dim3A_2569] : memref<32x8x32xf32, #tpu.memory_space<vmem>>[vector<16xi32>, vector<16xi32>, vector<16xi32>], vector<16xf32>,
      tpu.vector_store_idx %arg13[%add3A_2555, %broadcast_in_dim3A_2569], %gather3A_2570 : memref<32x32xf32, #tpu.memory_space<vmem>>[vector<16xi32>, vector<16xi32>], vector<16xf32>,
      %broadcast_in_dim3A_2571 = arith.constant 5 : i32
      %broadcast_in_dim3A_2572 = vector.broadcast %broadcast_in_dim3A_2571 : i32 to vector<16xi32>
      %gather3A_2573 = tpu.vector_load_idx %arg11[%add3A_2555, %and3A_2552, %broadcast_in_dim3A_2572] : memref<32x8x32xf32, #tpu.memory_space<vmem>>[vector<16xi32>, vector<16xi32>, vector<16xi32>], vector<16xf32>,
      tpu.vector_store_idx %arg13[%add3A_2555, %broadcast_in_dim3A_2572], %gather3A_2573 : memref<32x32xf32, #tpu.memory_space<vmem>>[vector<16xi32>, vector<16xi32>], vector<16xf32>,
      %broadcast_in_dim3A_2574 = arith.constant 6 : i32
      %broadcast_in_dim3A_2575 = vector.broadcast %broadcast_in_dim3A_2574 : i32 to vector<16xi32>
      %gather3A_2576 = tpu.vector_load_idx %arg11[%add3A_2555, %and3A_2552, %broadcast_in_dim3A_2575] : memref<32x8x32xf32, #tpu.memory_space<vmem>>[vector<16xi32>, vector<16xi32>, vector<16xi32>], vector<16xf32>,
      tpu.vector_store_idx %arg13[%add3A_2555, %broadcast_in_dim3A_2575], %gather3A_2576 : memref<32x32xf32, #tpu.memory_space<vmem>>[vector<16xi32>, vector<16xi32>], vector<16xf32>,
      %broadcast_in_dim3A_2577 = arith.constant 7 : i32
      %broadcast_in_dim3A_2578 = vector.broadcast %broadcast_in_dim3A_2577 : i32 to vector<16xi32>
      %gather3A_2579 = tpu.vector_load_idx %arg11[%add3A_2555, %and3A_2552, %broadcast_in_dim3A_2578] : memref<32x8x32xf32, #tpu.memory_space<vmem>>[vector<16xi32>, vector<16xi32>, vector<16xi32>], vector<16xf32>,
      tpu.vector_store_idx %arg13[%add3A_2555, %broadcast_in_dim3A_2578], %gather3A_2579 : memref<32x32xf32, #tpu.memory_space<vmem>>[vector<16xi32>, vector<16xi32>], vector<16xf32>,
      %broadcast_in_dim3A_2580 = arith.constant 8 : i32
      %broadcast_in_dim3A_2581 = vector.broadcast %broadcast_in_dim3A_2580 : i32 to vector<16xi32>
      %gather3A_2582 = tpu.vector_load_idx %arg11[%add3A_2555, %and3A_2552, %broadcast_in_dim3A_2581] : memref<32x8x32xf32, #tpu.memory_space<vmem>>[vector<16xi32>, vector<16xi32>, vector<16xi32>], vector<16xf32>,
      tpu.vector_store_idx %arg13[%add3A_2555, %broadcast_in_dim3A_2581], %gather3A_2582 : memref<32x32xf32, #tpu.memory_space<vmem>>[vector<16xi32>, vector<16xi32>], vector<16xf32>,
      %broadcast_in_dim3A_2583 = arith.constant 9 : i32
      %broadcast_in_dim3A_2584 = vector.broadcast %broadcast_in_dim3A_2583 : i32 to vector<16xi32>
      %gather3A_2585 = tpu.vector_load_idx %arg11[%add3A_2555, %and3A_2552, %broadcast_in_dim3A_2584] : memref<32x8x32xf32, #tpu.memory_space<vmem>>[vector<16xi32>, vector<16xi32>, vector<16xi32>], vector<16xf32>,
      tpu.vector_store_idx %arg13[%add3A_2555, %broadcast_in_dim3A_2584], %gather3A_2585 : memref<32x32xf32, #tpu.memory_space<vmem>>[vector<16xi32>, vector<16xi32>], vector<16xf32>,
      %broadcast_in_dim3A_2586 = arith.constant 10 : i32
      %broadcast_in_dim3A_2587 = vector.broadcast %broadcast_in_dim3A_2586 : i32 to vector<16xi32>
      %gather3A_2588 = tpu.vector_load_idx %arg11[%add3A_2555, %and3A_2552, %broadcast_in_dim3A_2587] : memref<32x8x32xf32, #tpu.memory_space<vmem>>[vector<16xi32>, vector<16xi32>, vector<16xi32>], vector<16xf32>,
      tpu.vector_store_idx %arg13[%add3A_2555, %broadcast_in_dim3A_2587], %gather3A_2588 : memref<32x32xf32, #tpu.memory_space<vmem>>[vector<16xi32>, vector<16xi32>], vector<16xf32>,
      %broadcast_in_dim3A_2589 = arith.constant 11 : i32
      %broadcast_in_dim3A_2590 = vector.broadcast %broadcast_in_dim3A_2589 : i32 to vector<16xi32>
      %gather3A_2591 = tpu.vector_load_idx %arg11[%add3A_2555, %and3A_2552, %broadcast_in_dim3A_2590] : memref<32x8x32xf32, #tpu.memory_space<vmem>>[vector<16xi32>, vector<16xi32>, vector<16xi32>], vector<16xf32>,
      tpu.vector_store_idx %arg13[%add3A_2555, %broadcast_in_dim3A_2590], %gather3A_2591 : memref<32x32xf32, #tpu.memory_space<vmem>>[vector<16xi32>, vector<16xi32>], vector<16xf32>,
      %broadcast_in_dim3A_2592 = arith.constant 12 : i32
      %broadcast_in_dim3A_2593 = vector.broadcast %broadcast_in_dim3A_2592 : i32 to vector<16xi32>
      %gather3A_2594 = tpu.vector_load_idx %arg11[%add3A_2555, %and3A_2552, %broadcast_in_dim3A_2593] : memref<32x8x32xf32, #tpu.memory_space<vmem>>[vector<16xi32>, vector<16xi32>, vector<16xi32>], vector<16xf32>,
      tpu.vector_store_idx %arg13[%add3A_2555, %broadcast_in_dim3A_2593], %gather3A_2594 : memref<32x32xf32, #tpu.memory_space<vmem>>[vector<16xi32>, vector<16xi32>], vector<16xf32>,
      %broadcast_in_dim3A_2595 = arith.constant 13 : i32
      %broadcast_in_dim3A_2596 = vector.broadcast %broadcast_in_dim3A_2595 : i32 to vector<16xi32>
      %gather3A_2597 = tpu.vector_load_idx %arg11[%add3A_2555, %and3A_2552, %broadcast_in_dim3A_2596] : memref<32x8x32xf32, #tpu.memory_space<vmem>>[vector<16xi32>, vector<16xi32>, vector<16xi32>], vector<16xf32>,
      tpu.vector_store_idx %arg13[%add3A_2555, %broadcast_in_dim3A_2596], %gather3A_2597 : memref<32x32xf32, #tpu.memory_space<vmem>>[vector<16xi32>, vector<16xi32>], vector<16xf32>,
      %broadcast_in_dim3A_2598 = arith.constant 14 : i32
      %broadcast_in_dim3A_2599 = vector.broadcast %broadcast_in_dim3A_2598 : i32 to vector<16xi32>
      %gather3A_2600 = tpu.vector_load_idx %arg11[%add3A_2555, %and3A_2552, %broadcast_in_dim3A_2599] : memref<32x8x32xf32, #tpu.memory_space<vmem>>[vector<16xi32>, vector<16xi32>, vector<16xi32>], vector<16xf32>,
      tpu.vector_store_idx %arg13[%add3A_2555, %broadcast_in_dim3A_2599], %gather3A_2600 : memref<32x32xf32, #tpu.memory_space<vmem>>[vector<16xi32>, vector<16xi32>], vector<16xf32>,
      %broadcast_in_dim3A_2601 = arith.constant 15 : i32
      %broadcast_in_dim3A_2602 = vector.broadcast %broadcast_in_dim3A_2601 : i32 to vector<16xi32>
      %gather3A_2603 = tpu.vector_load_idx %arg11[%add3A_2555, %and3A_2552, %broadcast_in_dim3A_2602] : memref<32x8x32xf32, #tpu.memory_space<vmem>>[vector<16xi32>, vector<16xi32>, vector<16xi32>], vector<16xf32>,
      tpu.vector_store_idx %arg13[%add3A_2555, %broadcast_in_dim3A_2602], %gather3A_2603 : memref<32x32xf32, #tpu.memory_space<vmem>>[vector<16xi32>, vector<16xi32>], vector<16xf32>,
      %broadcast_in_dim3A_2604 = arith.constant 16 : i32
      %broadcast_in_dim3A_2605 = vector.broadcast %broadcast_in_dim3A_2604 : i32 to vector<16xi32>
      %gather3A_2606 = tpu.vector_load_idx %arg11[%add3A_2555, %and3A_2552, %broadcast_in_dim3A_2605] : memref<32x8x32xf32, #tpu.memory_space<vmem>>[vector<16xi32>, vector<16xi32>, vector<16xi32>], vector<16xf32>,
      tpu.vector_store_idx %arg13[%add3A_2555, %broadcast_in_dim3A_2605], %gather3A_2606 : memref<32x32xf32, #tpu.memory_space<vmem>>[vector<16xi32>, vector<16xi32>], vector<16xf32>,
      %broadcast_in_dim3A_2607 = arith.constant 17 : i32
      %broadcast_in_dim3A_2608 = vector.broadcast %broadcast_in_dim3A_2607 : i32 to vector<16xi32>
      %gather3A_2609 = tpu.vector_load_idx %arg11[%add3A_2555, %and3A_2552, %broadcast_in_dim3A_2608] : memref<32x8x32xf32, #tpu.memory_space<vmem>>[vector<16xi32>, vector<16xi32>, vector<16xi32>], vector<16xf32>,
      tpu.vector_store_idx %arg13[%add3A_2555, %broadcast_in_dim3A_2608], %gather3A_2609 : memref<32x32xf32, #tpu.memory_space<vmem>>[vector<16xi32>, vector<16xi32>], vector<16xf32>,
      %broadcast_in_dim3A_2610 = arith.constant 18 : i32
      %broadcast_in_dim3A_2611 = vector.broadcast %broadcast_in_dim3A_2610 : i32 to vector<16xi32>
      %gather3A_2612 = tpu.vector_load_idx %arg11[%add3A_2555, %and3A_2552, %broadcast_in_dim3A_2611] : memref<32x8x32xf32, #tpu.memory_space<vmem>>[vector<16xi32>, vector<16xi32>, vector<16xi32>], vector<16xf32>,
      tpu.vector_store_idx %arg13[%add3A_2555, %broadcast_in_dim3A_2611], %gather3A_2612 : memref<32x32xf32, #tpu.memory_space<vmem>>[vector<16xi32>, vector<16xi32>], vector<16xf32>,
      %broadcast_in_dim3A_2613 = arith.constant 19 : i32
      %broadcast_in_dim3A_2614 = vector.broadcast %broadcast_in_dim3A_2613 : i32 to vector<16xi32>
      %gather3A_2615 = tpu.vector_load_idx %arg11[%add3A_2555, %and3A_2552, %broadcast_in_dim3A_2614] : memref<32x8x32xf32, #tpu.memory_space<vmem>>[vector<16xi32>, vector<16xi32>, vector<16xi32>], vector<16xf32>,
      tpu.vector_store_idx %arg13[%add3A_2555, %broadcast_in_dim3A_2614], %gather3A_2615 : memref<32x32xf32, #tpu.memory_space<vmem>>[vector<16xi32>, vector<16xi32>], vector<16xf32>,
      %broadcast_in_dim3A_2616 = arith.constant 20 : i32
      %broadcast_in_dim3A_2617 = vector.broadcast %broadcast_in_dim3A_2616 : i32 to vector<16xi32>
      %gather3A_2618 = tpu.vector_load_idx %arg11[%add3A_2555, %and3A_2552, %broadcast_in_dim3A_2617] : memref<32x8x32xf32, #tpu.memory_space<vmem>>[vector<16xi32>, vector<16xi32>, vector<16xi32>], vector<16xf32>,
      tpu.vector_store_idx %arg13[%add3A_2555, %broadcast_in_dim3A_2617], %gather3A_2618 : memref<32x32xf32, #tpu.memory_space<vmem>>[vector<16xi32>, vector<16xi32>], vector<16xf32>,
      %broadcast_in_dim3A_2619 = arith.constant 21 : i32
      %broadcast_in_dim3A_2620 = vector.broadcast %broadcast_in_dim3A_2619 : i32 to vector<16xi32>
      %gather3A_2621 = tpu.vector_load_idx %arg11[%add3A_2555, %and3A_2552, %broadcast_in_dim3A_2620] : memref<32x8x32xf32, #tpu.memory_space<vmem>>[vector<16xi32>, vector<16xi32>, vector<16xi32>], vector<16xf32>,
      tpu.vector_store_idx %arg13[%add3A_2555, %broadcast_in_dim3A_2620], %gather3A_2621 : memref<32x32xf32, #tpu.memory_space<vmem>>[vector<16xi32>, vector<16xi32>], vector<16xf32>,
      %broadcast_in_dim3A_2622 = arith.constant 22 : i32
      %broadcast_in_dim3A_2623 = vector.broadcast %broadcast_in_dim3A_2622 : i32 to vector<16xi32>
      %gather3A_2624 = tpu.vector_load_idx %arg11[%add3A_2555, %and3A_2552, %broadcast_in_dim3A_2623] : memref<32x8x32xf32, #tpu.memory_space<vmem>>[vector<16xi32>, vector<16xi32>, vector<16xi32>], vector<16xf32>,
      tpu.vector_store_idx %arg13[%add3A_2555, %broadcast_in_dim3A_2623], %gather3A_2624 : memref<32x32xf32, #tpu.memory_space<vmem>>[vector<16xi32>, vector<16xi32>], vector<16xf32>,
      %broadcast_in_dim3A_2625 = arith.constant 23 : i32
      %broadcast_in_dim3A_2626 = vector.broadcast %broadcast_in_dim3A_2625 : i32 to vector<16xi32>
      %gather3A_2627 = tpu.vector_load_idx %arg11[%add3A_2555, %and3A_2552, %broadcast_in_dim3A_2626] : memref<32x8x32xf32, #tpu.memory_space<vmem>>[vector<16xi32>, vector<16xi32>, vector<16xi32>], vector<16xf32>,
      tpu.vector_store_idx %arg13[%add3A_2555, %broadcast_in_dim3A_2626], %gather3A_2627 : memref<32x32xf32, #tpu.memory_space<vmem>>[vector<16xi32>, vector<16xi32>], vector<16xf32>,
      %broadcast_in_dim3A_2628 = arith.constant 24 : i32
      %broadcast_in_dim3A_2629 = vector.broadcast %broadcast_in_dim3A_2628 : i32 to vector<16xi32>
      %gather3A_2630 = tpu.vector_load_idx %arg11[%add3A_2555, %and3A_2552, %broadcast_in_dim3A_2629] : memref<32x8x32xf32, #tpu.memory_space<vmem>>[vector<16xi32>, vector<16xi32>, vector<16xi32>], vector<16xf32>,
      tpu.vector_store_idx %arg13[%add3A_2555, %broadcast_in_dim3A_2629], %gather3A_2630 : memref<32x32xf32, #tpu.memory_space<vmem>>[vector<16xi32>, vector<16xi32>], vector<16xf32>,
      %broadcast_in_dim3A_2631 = arith.constant 25 : i32
      %broadcast_in_dim3A_2632 = vector.broadcast %broadcast_in_dim3A_2631 : i32 to vector<16xi32>
      %gather3A_2633 = tpu.vector_load_idx %arg11[%add3A_2555, %and3A_2552, %broadcast_in_dim3A_2632] : memref<32x8x32xf32, #tpu.memory_space<vmem>>[vector<16xi32>, vector<16xi32>, vector<16xi32>], vector<16xf32>,
      tpu.vector_store_idx %arg13[%add3A_2555, %broadcast_in_dim3A_2632], %gather3A_2633 : memref<32x32xf32, #tpu.memory_space<vmem>>[vector<16xi32>, vector<16xi32>], vector<16xf32>,
      %broadcast_in_dim3A_2634 = arith.constant 26 : i32
      %broadcast_in_dim3A_2635 = vector.broadcast %broadcast_in_dim3A_2634 : i32 to vector<16xi32>
      %gather3A_2636 = tpu.vector_load_idx %arg11[%add3A_2555, %and3A_2552, %broadcast_in_dim3A_2635] : memref<32x8x32xf32, #tpu.memory_space<vmem>>[vector<16xi32>, vector<16xi32>, vector<16xi32>], vector<16xf32>,
      tpu.vector_store_idx %arg13[%add3A_2555, %broadcast_in_dim3A_2635], %gather3A_2636 : memref<32x32xf32, #tpu.memory_space<vmem>>[vector<16xi32>, vector<16xi32>], vector<16xf32>,
      %broadcast_in_dim3A_2637 = arith.constant 27 : i32
      %broadcast_in_dim3A_2638 = vector.broadcast %broadcast_in_dim3A_2637 : i32 to vector<16xi32>
      %gather3A_2639 = tpu.vector_load_idx %arg11[%add3A_2555, %and3A_2552, %broadcast_in_dim3A_2638] : memref<32x8x32xf32, #tpu.memory_space<vmem>>[vector<16xi32>, vector<16xi32>, vector<16xi32>], vector<16xf32>,
      tpu.vector_store_idx %arg13[%add3A_2555, %broadcast_in_dim3A_2638], %gather3A_2639 : memref<32x32xf32, #tpu.memory_space<vmem>>[vector<16xi32>, vector<16xi32>], vector<16xf32>,
      %broadcast_in_dim3A_2640 = arith.constant 28 : i32
      %broadcast_in_dim3A_2641 = vector.broadcast %broadcast_in_dim3A_2640 : i32 to vector<16xi32>
      %gather3A_2642 = tpu.vector_load_idx %arg11[%add3A_2555, %and3A_2552, %broadcast_in_dim3A_2641] : memref<32x8x32xf32, #tpu.memory_space<vmem>>[vector<16xi32>, vector<16xi32>, vector<16xi32>], vector<16xf32>,
      tpu.vector_store_idx %arg13[%add3A_2555, %broadcast_in_dim3A_2641], %gather3A_2642 : memref<32x32xf32, #tpu.memory_space<vmem>>[vector<16xi32>, vector<16xi32>], vector<16xf32>,
      %broadcast_in_dim3A_2643 = arith.constant 29 : i32
      %broadcast_in_dim3A_2644 = vector.broadcast %broadcast_in_dim3A_2643 : i32 to vector<16xi32>
      %gather3A_2645 = tpu.vector_load_idx %arg11[%add3A_2555, %and3A_2552, %broadcast_in_dim3A_2644] : memref<32x8x32xf32, #tpu.memory_space<vmem>>[vector<16xi32>, vector<16xi32>, vector<16xi32>], vector<16xf32>,
      tpu.vector_store_idx %arg13[%add3A_2555, %broadcast_in_dim3A_2644], %gather3A_2645 : memref<32x32xf32, #tpu.memory_space<vmem>>[vector<16xi32>, vector<16xi32>], vector<16xf32>,
      %broadcast_in_dim3A_2646 = arith.constant 30 : i32
      %broadcast_in_dim3A_2647 = vector.broadcast %broadcast_in_dim3A_2646 : i32 to vector<16xi32>
      %gather3A_2648 = tpu.vector_load_idx %arg11[%add3A_2555, %and3A_2552, %broadcast_in_dim3A_2647] : memref<32x8x32xf32, #tpu.memory_space<vmem>>[vector<16xi32>, vector<16xi32>, vector<16xi32>], vector<16xf32>,
      tpu.vector_store_idx %arg13[%add3A_2555, %broadcast_in_dim3A_2647], %gather3A_2648 : memref<32x32xf32, #tpu.memory_space<vmem>>[vector<16xi32>, vector<16xi32>], vector<16xf32>,
      %broadcast_in_dim3A_2649 = arith.constant 31 : i32
      %broadcast_in_dim3A_2650 = vector.broadcast %broadcast_in_dim3A_2649 : i32 to vector<16xi32>
      %gather3A_2651 = tpu.vector_load_idx %arg11[%add3A_2555, %and3A_2552, %broadcast_in_dim3A_2650] : memref<32x8x32xf32, #tpu.memory_space<vmem>>[vector<16xi32>, vector<16xi32>, vector<16xi32>], vector<16xf32>,
      tpu.vector_store_idx %arg13[%add3A_2555, %broadcast_in_dim3A_2650], %gather3A_2651 : memref<32x32xf32, #tpu.memory_space<vmem>>[vector<16xi32>, vector<16xi32>], vector<16xf32>,
      %add3A_2652 = arith.constant 16 : i32
      %add3A_2653 = arith.addi %mul3A_9, %add3A_2652 : i32
      %get3A_2654 = arith.index_cast %add3A_2653 : i32 to index
      %get3A_2655 = tpu.vector_load %arg9[%get3A_2654] {strides = array<i32>} : memref<512xi32, #tpu.memory_space<vmem>>, vector<16xi32>,
      %and3A_2656 = arith.constant 7 : i32
      %and3A_2657 = vector.broadcast %and3A_2656 : i32 to vector<16xi32>
      %and3A_2658 = arith.andi %get3A_2655, %and3A_2657 : vector<16xi32>
      %add3A_2659 = arith.constant 16 : i32
      %add3A_2660 = vector.broadcast %add3A_2659 : i32 to vector<16xi32>
      %add3A_2661 = arith.addi %iota3A_2545, %add3A_2660 : vector<16xi32>
      %broadcast_in_dim3A_2662 = arith.constant 0 : i32
      %broadcast_in_dim3A_2663 = vector.broadcast %broadcast_in_dim3A_2662 : i32 to vector<16xi32>
      %gather3A_2664 = tpu.vector_load_idx %arg11[%add3A_2661, %and3A_2658, %broadcast_in_dim3A_2663] : memref<32x8x32xf32, #tpu.memory_space<vmem>>[vector<16xi32>, vector<16xi32>, vector<16xi32>], vector<16xf32>,
      tpu.vector_store_idx %arg13[%add3A_2661, %broadcast_in_dim3A_2663], %gather3A_2664 : memref<32x32xf32, #tpu.memory_space<vmem>>[vector<16xi32>, vector<16xi32>], vector<16xf32>,
      %broadcast_in_dim3A_2665 = arith.constant 1 : i32
      %broadcast_in_dim3A_2666 = vector.broadcast %broadcast_in_dim3A_2665 : i32 to vector<16xi32>
      %gather3A_2667 = tpu.vector_load_idx %arg11[%add3A_2661, %and3A_2658, %broadcast_in_dim3A_2666] : memref<32x8x32xf32, #tpu.memory_space<vmem>>[vector<16xi32>, vector<16xi32>, vector<16xi32>], vector<16xf32>,
      tpu.vector_store_idx %arg13[%add3A_2661, %broadcast_in_dim3A_2666], %gather3A_2667 : memref<32x32xf32, #tpu.memory_space<vmem>>[vector<16xi32>, vector<16xi32>], vector<16xf32>,
      %broadcast_in_dim3A_2668 = arith.constant 2 : i32
      %broadcast_in_dim3A_2669 = vector.broadcast %broadcast_in_dim3A_2668 : i32 to vector<16xi32>
      %gather3A_2670 = tpu.vector_load_idx %arg11[%add3A_2661, %and3A_2658, %broadcast_in_dim3A_2669] : memref<32x8x32xf32, #tpu.memory_space<vmem>>[vector<16xi32>, vector<16xi32>, vector<16xi32>], vector<16xf32>,
      tpu.vector_store_idx %arg13[%add3A_2661, %broadcast_in_dim3A_2669], %gather3A_2670 : memref<32x32xf32, #tpu.memory_space<vmem>>[vector<16xi32>, vector<16xi32>], vector<16xf32>,
      %broadcast_in_dim3A_2671 = arith.constant 3 : i32
      %broadcast_in_dim3A_2672 = vector.broadcast %broadcast_in_dim3A_2671 : i32 to vector<16xi32>
      %gather3A_2673 = tpu.vector_load_idx %arg11[%add3A_2661, %and3A_2658, %broadcast_in_dim3A_2672] : memref<32x8x32xf32, #tpu.memory_space<vmem>>[vector<16xi32>, vector<16xi32>, vector<16xi32>], vector<16xf32>,
      tpu.vector_store_idx %arg13[%add3A_2661, %broadcast_in_dim3A_2672], %gather3A_2673 : memref<32x32xf32, #tpu.memory_space<vmem>>[vector<16xi32>, vector<16xi32>], vector<16xf32>,
      %broadcast_in_dim3A_2674 = arith.constant 4 : i32
      %broadcast_in_dim3A_2675 = vector.broadcast %broadcast_in_dim3A_2674 : i32 to vector<16xi32>
      %gather3A_2676 = tpu.vector_load_idx %arg11[%add3A_2661, %and3A_2658, %broadcast_in_dim3A_2675] : memref<32x8x32xf32, #tpu.memory_space<vmem>>[vector<16xi32>, vector<16xi32>, vector<16xi32>], vector<16xf32>,
      tpu.vector_store_idx %arg13[%add3A_2661, %broadcast_in_dim3A_2675], %gather3A_2676 : memref<32x32xf32, #tpu.memory_space<vmem>>[vector<16xi32>, vector<16xi32>], vector<16xf32>,
      %broadcast_in_dim3A_2677 = arith.constant 5 : i32
      %broadcast_in_dim3A_2678 = vector.broadcast %broadcast_in_dim3A_2677 : i32 to vector<16xi32>
      %gather3A_2679 = tpu.vector_load_idx %arg11[%add3A_2661, %and3A_2658, %broadcast_in_dim3A_2678] : memref<32x8x32xf32, #tpu.memory_space<vmem>>[vector<16xi32>, vector<16xi32>, vector<16xi32>], vector<16xf32>,
      tpu.vector_store_idx %arg13[%add3A_2661, %broadcast_in_dim3A_2678], %gather3A_2679 : memref<32x32xf32, #tpu.memory_space<vmem>>[vector<16xi32>, vector<16xi32>], vector<16xf32>,
      %broadcast_in_dim3A_2680 = arith.constant 6 : i32
      %broadcast_in_dim3A_2681 = vector.broadcast %broadcast_in_dim3A_2680 : i32 to vector<16xi32>
      %gather3A_2682 = tpu.vector_load_idx %arg11[%add3A_2661, %and3A_2658, %broadcast_in_dim3A_2681] : memref<32x8x32xf32, #tpu.memory_space<vmem>>[vector<16xi32>, vector<16xi32>, vector<16xi32>], vector<16xf32>,
      tpu.vector_store_idx %arg13[%add3A_2661, %broadcast_in_dim3A_2681], %gather3A_2682 : memref<32x32xf32, #tpu.memory_space<vmem>>[vector<16xi32>, vector<16xi32>], vector<16xf32>,
      %broadcast_in_dim3A_2683 = arith.constant 7 : i32
      %broadcast_in_dim3A_2684 = vector.broadcast %broadcast_in_dim3A_2683 : i32 to vector<16xi32>
      %gather3A_2685 = tpu.vector_load_idx %arg11[%add3A_2661, %and3A_2658, %broadcast_in_dim3A_2684] : memref<32x8x32xf32, #tpu.memory_space<vmem>>[vector<16xi32>, vector<16xi32>, vector<16xi32>], vector<16xf32>,
      tpu.vector_store_idx %arg13[%add3A_2661, %broadcast_in_dim3A_2684], %gather3A_2685 : memref<32x32xf32, #tpu.memory_space<vmem>>[vector<16xi32>, vector<16xi32>], vector<16xf32>,
      %broadcast_in_dim3A_2686 = arith.constant 8 : i32
      %broadcast_in_dim3A_2687 = vector.broadcast %broadcast_in_dim3A_2686 : i32 to vector<16xi32>
      %gather3A_2688 = tpu.vector_load_idx %arg11[%add3A_2661, %and3A_2658, %broadcast_in_dim3A_2687] : memref<32x8x32xf32, #tpu.memory_space<vmem>>[vector<16xi32>, vector<16xi32>, vector<16xi32>], vector<16xf32>,
      tpu.vector_store_idx %arg13[%add3A_2661, %broadcast_in_dim3A_2687], %gather3A_2688 : memref<32x32xf32, #tpu.memory_space<vmem>>[vector<16xi32>, vector<16xi32>], vector<16xf32>,
      %broadcast_in_dim3A_2689 = arith.constant 9 : i32
      %broadcast_in_dim3A_2690 = vector.broadcast %broadcast_in_dim3A_2689 : i32 to vector<16xi32>
      %gather3A_2691 = tpu.vector_load_idx %arg11[%add3A_2661, %and3A_2658, %broadcast_in_dim3A_2690] : memref<32x8x32xf32, #tpu.memory_space<vmem>>[vector<16xi32>, vector<16xi32>, vector<16xi32>], vector<16xf32>,
      tpu.vector_store_idx %arg13[%add3A_2661, %broadcast_in_dim3A_2690], %gather3A_2691 : memref<32x32xf32, #tpu.memory_space<vmem>>[vector<16xi32>, vector<16xi32>], vector<16xf32>,
      %broadcast_in_dim3A_2692 = arith.constant 10 : i32
      %broadcast_in_dim3A_2693 = vector.broadcast %broadcast_in_dim3A_2692 : i32 to vector<16xi32>
      %gather3A_2694 = tpu.vector_load_idx %arg11[%add3A_2661, %and3A_2658, %broadcast_in_dim3A_2693] : memref<32x8x32xf32, #tpu.memory_space<vmem>>[vector<16xi32>, vector<16xi32>, vector<16xi32>], vector<16xf32>,
      tpu.vector_store_idx %arg13[%add3A_2661, %broadcast_in_dim3A_2693], %gather3A_2694 : memref<32x32xf32, #tpu.memory_space<vmem>>[vector<16xi32>, vector<16xi32>], vector<16xf32>,
      %broadcast_in_dim3A_2695 = arith.constant 11 : i32
      %broadcast_in_dim3A_2696 = vector.broadcast %broadcast_in_dim3A_2695 : i32 to vector<16xi32>
      %gather3A_2697 = tpu.vector_load_idx %arg11[%add3A_2661, %and3A_2658, %broadcast_in_dim3A_2696] : memref<32x8x32xf32, #tpu.memory_space<vmem>>[vector<16xi32>, vector<16xi32>, vector<16xi32>], vector<16xf32>,
      tpu.vector_store_idx %arg13[%add3A_2661, %broadcast_in_dim3A_2696], %gather3A_2697 : memref<32x32xf32, #tpu.memory_space<vmem>>[vector<16xi32>, vector<16xi32>], vector<16xf32>,
      %broadcast_in_dim3A_2698 = arith.constant 12 : i32
      %broadcast_in_dim3A_2699 = vector.broadcast %broadcast_in_dim3A_2698 : i32 to vector<16xi32>
      %gather3A_2700 = tpu.vector_load_idx %arg11[%add3A_2661, %and3A_2658, %broadcast_in_dim3A_2699] : memref<32x8x32xf32, #tpu.memory_space<vmem>>[vector<16xi32>, vector<16xi32>, vector<16xi32>], vector<16xf32>,
      tpu.vector_store_idx %arg13[%add3A_2661, %broadcast_in_dim3A_2699], %gather3A_2700 : memref<32x32xf32, #tpu.memory_space<vmem>>[vector<16xi32>, vector<16xi32>], vector<16xf32>,
      %broadcast_in_dim3A_2701 = arith.constant 13 : i32
      %broadcast_in_dim3A_2702 = vector.broadcast %broadcast_in_dim3A_2701 : i32 to vector<16xi32>
      %gather3A_2703 = tpu.vector_load_idx %arg11[%add3A_2661, %and3A_2658, %broadcast_in_dim3A_2702] : memref<32x8x32xf32, #tpu.memory_space<vmem>>[vector<16xi32>, vector<16xi32>, vector<16xi32>], vector<16xf32>,
      tpu.vector_store_idx %arg13[%add3A_2661, %broadcast_in_dim3A_2702], %gather3A_2703 : memref<32x32xf32, #tpu.memory_space<vmem>>[vector<16xi32>, vector<16xi32>], vector<16xf32>,
      %broadcast_in_dim3A_2704 = arith.constant 14 : i32
      %broadcast_in_dim3A_2705 = vector.broadcast %broadcast_in_dim3A_2704 : i32 to vector<16xi32>
      %gather3A_2706 = tpu.vector_load_idx %arg11[%add3A_2661, %and3A_2658, %broadcast_in_dim3A_2705] : memref<32x8x32xf32, #tpu.memory_space<vmem>>[vector<16xi32>, vector<16xi32>, vector<16xi32>], vector<16xf32>,
      tpu.vector_store_idx %arg13[%add3A_2661, %broadcast_in_dim3A_2705], %gather3A_2706 : memref<32x32xf32, #tpu.memory_space<vmem>>[vector<16xi32>, vector<16xi32>], vector<16xf32>,
      %broadcast_in_dim3A_2707 = arith.constant 15 : i32
      %broadcast_in_dim3A_2708 = vector.broadcast %broadcast_in_dim3A_2707 : i32 to vector<16xi32>
      %gather3A_2709 = tpu.vector_load_idx %arg11[%add3A_2661, %and3A_2658, %broadcast_in_dim3A_2708] : memref<32x8x32xf32, #tpu.memory_space<vmem>>[vector<16xi32>, vector<16xi32>, vector<16xi32>], vector<16xf32>,
      tpu.vector_store_idx %arg13[%add3A_2661, %broadcast_in_dim3A_2708], %gather3A_2709 : memref<32x32xf32, #tpu.memory_space<vmem>>[vector<16xi32>, vector<16xi32>], vector<16xf32>,
      %broadcast_in_dim3A_2710 = arith.constant 16 : i32
      %broadcast_in_dim3A_2711 = vector.broadcast %broadcast_in_dim3A_2710 : i32 to vector<16xi32>
      %gather3A_2712 = tpu.vector_load_idx %arg11[%add3A_2661, %and3A_2658, %broadcast_in_dim3A_2711] : memref<32x8x32xf32, #tpu.memory_space<vmem>>[vector<16xi32>, vector<16xi32>, vector<16xi32>], vector<16xf32>,
      tpu.vector_store_idx %arg13[%add3A_2661, %broadcast_in_dim3A_2711], %gather3A_2712 : memref<32x32xf32, #tpu.memory_space<vmem>>[vector<16xi32>, vector<16xi32>], vector<16xf32>,
      %broadcast_in_dim3A_2713 = arith.constant 17 : i32
      %broadcast_in_dim3A_2714 = vector.broadcast %broadcast_in_dim3A_2713 : i32 to vector<16xi32>
      %gather3A_2715 = tpu.vector_load_idx %arg11[%add3A_2661, %and3A_2658, %broadcast_in_dim3A_2714] : memref<32x8x32xf32, #tpu.memory_space<vmem>>[vector<16xi32>, vector<16xi32>, vector<16xi32>], vector<16xf32>,
      tpu.vector_store_idx %arg13[%add3A_2661, %broadcast_in_dim3A_2714], %gather3A_2715 : memref<32x32xf32, #tpu.memory_space<vmem>>[vector<16xi32>, vector<16xi32>], vector<16xf32>,
      %broadcast_in_dim3A_2716 = arith.constant 18 : i32
      %broadcast_in_dim3A_2717 = vector.broadcast %broadcast_in_dim3A_2716 : i32 to vector<16xi32>
      %gather3A_2718 = tpu.vector_load_idx %arg11[%add3A_2661, %and3A_2658, %broadcast_in_dim3A_2717] : memref<32x8x32xf32, #tpu.memory_space<vmem>>[vector<16xi32>, vector<16xi32>, vector<16xi32>], vector<16xf32>,
      tpu.vector_store_idx %arg13[%add3A_2661, %broadcast_in_dim3A_2717], %gather3A_2718 : memref<32x32xf32, #tpu.memory_space<vmem>>[vector<16xi32>, vector<16xi32>], vector<16xf32>,
      %broadcast_in_dim3A_2719 = arith.constant 19 : i32
      %broadcast_in_dim3A_2720 = vector.broadcast %broadcast_in_dim3A_2719 : i32 to vector<16xi32>
      %gather3A_2721 = tpu.vector_load_idx %arg11[%add3A_2661, %and3A_2658, %broadcast_in_dim3A_2720] : memref<32x8x32xf32, #tpu.memory_space<vmem>>[vector<16xi32>, vector<16xi32>, vector<16xi32>], vector<16xf32>,
      tpu.vector_store_idx %arg13[%add3A_2661, %broadcast_in_dim3A_2720], %gather3A_2721 : memref<32x32xf32, #tpu.memory_space<vmem>>[vector<16xi32>, vector<16xi32>], vector<16xf32>,
      %broadcast_in_dim3A_2722 = arith.constant 20 : i32
      %broadcast_in_dim3A_2723 = vector.broadcast %broadcast_in_dim3A_2722 : i32 to vector<16xi32>
      %gather3A_2724 = tpu.vector_load_idx %arg11[%add3A_2661, %and3A_2658, %broadcast_in_dim3A_2723] : memref<32x8x32xf32, #tpu.memory_space<vmem>>[vector<16xi32>, vector<16xi32>, vector<16xi32>], vector<16xf32>,
      tpu.vector_store_idx %arg13[%add3A_2661, %broadcast_in_dim3A_2723], %gather3A_2724 : memref<32x32xf32, #tpu.memory_space<vmem>>[vector<16xi32>, vector<16xi32>], vector<16xf32>,
      %broadcast_in_dim3A_2725 = arith.constant 21 : i32
      %broadcast_in_dim3A_2726 = vector.broadcast %broadcast_in_dim3A_2725 : i32 to vector<16xi32>
      %gather3A_2727 = tpu.vector_load_idx %arg11[%add3A_2661, %and3A_2658, %broadcast_in_dim3A_2726] : memref<32x8x32xf32, #tpu.memory_space<vmem>>[vector<16xi32>, vector<16xi32>, vector<16xi32>], vector<16xf32>,
      tpu.vector_store_idx %arg13[%add3A_2661, %broadcast_in_dim3A_2726], %gather3A_2727 : memref<32x32xf32, #tpu.memory_space<vmem>>[vector<16xi32>, vector<16xi32>], vector<16xf32>,
      %broadcast_in_dim3A_2728 = arith.constant 22 : i32
      %broadcast_in_dim3A_2729 = vector.broadcast %broadcast_in_dim3A_2728 : i32 to vector<16xi32>
      %gather3A_2730 = tpu.vector_load_idx %arg11[%add3A_2661, %and3A_2658, %broadcast_in_dim3A_2729] : memref<32x8x32xf32, #tpu.memory_space<vmem>>[vector<16xi32>, vector<16xi32>, vector<16xi32>], vector<16xf32>,
      tpu.vector_store_idx %arg13[%add3A_2661, %broadcast_in_dim3A_2729], %gather3A_2730 : memref<32x32xf32, #tpu.memory_space<vmem>>[vector<16xi32>, vector<16xi32>], vector<16xf32>,
      %broadcast_in_dim3A_2731 = arith.constant 23 : i32
      %broadcast_in_dim3A_2732 = vector.broadcast %broadcast_in_dim3A_2731 : i32 to vector<16xi32>
      %gather3A_2733 = tpu.vector_load_idx %arg11[%add3A_2661, %and3A_2658, %broadcast_in_dim3A_2732] : memref<32x8x32xf32, #tpu.memory_space<vmem>>[vector<16xi32>, vector<16xi32>, vector<16xi32>], vector<16xf32>,
      tpu.vector_store_idx %arg13[%add3A_2661, %broadcast_in_dim3A_2732], %gather3A_2733 : memref<32x32xf32, #tpu.memory_space<vmem>>[vector<16xi32>, vector<16xi32>], vector<16xf32>,
      %broadcast_in_dim3A_2734 = arith.constant 24 : i32
      %broadcast_in_dim3A_2735 = vector.broadcast %broadcast_in_dim3A_2734 : i32 to vector<16xi32>
      %gather3A_2736 = tpu.vector_load_idx %arg11[%add3A_2661, %and3A_2658, %broadcast_in_dim3A_2735] : memref<32x8x32xf32, #tpu.memory_space<vmem>>[vector<16xi32>, vector<16xi32>, vector<16xi32>], vector<16xf32>,
      tpu.vector_store_idx %arg13[%add3A_2661, %broadcast_in_dim3A_2735], %gather3A_2736 : memref<32x32xf32, #tpu.memory_space<vmem>>[vector<16xi32>, vector<16xi32>], vector<16xf32>,
      %broadcast_in_dim3A_2737 = arith.constant 25 : i32
      %broadcast_in_dim3A_2738 = vector.broadcast %broadcast_in_dim3A_2737 : i32 to vector<16xi32>
      %gather3A_2739 = tpu.vector_load_idx %arg11[%add3A_2661, %and3A_2658, %broadcast_in_dim3A_2738] : memref<32x8x32xf32, #tpu.memory_space<vmem>>[vector<16xi32>, vector<16xi32>, vector<16xi32>], vector<16xf32>,
      tpu.vector_store_idx %arg13[%add3A_2661, %broadcast_in_dim3A_2738], %gather3A_2739 : memref<32x32xf32, #tpu.memory_space<vmem>>[vector<16xi32>, vector<16xi32>], vector<16xf32>,
      %broadcast_in_dim3A_2740 = arith.constant 26 : i32
      %broadcast_in_dim3A_2741 = vector.broadcast %broadcast_in_dim3A_2740 : i32 to vector<16xi32>
      %gather3A_2742 = tpu.vector_load_idx %arg11[%add3A_2661, %and3A_2658, %broadcast_in_dim3A_2741] : memref<32x8x32xf32, #tpu.memory_space<vmem>>[vector<16xi32>, vector<16xi32>, vector<16xi32>], vector<16xf32>,
      tpu.vector_store_idx %arg13[%add3A_2661, %broadcast_in_dim3A_2741], %gather3A_2742 : memref<32x32xf32, #tpu.memory_space<vmem>>[vector<16xi32>, vector<16xi32>], vector<16xf32>,
      %broadcast_in_dim3A_2743 = arith.constant 27 : i32
      %broadcast_in_dim3A_2744 = vector.broadcast %broadcast_in_dim3A_2743 : i32 to vector<16xi32>
      %gather3A_2745 = tpu.vector_load_idx %arg11[%add3A_2661, %and3A_2658, %broadcast_in_dim3A_2744] : memref<32x8x32xf32, #tpu.memory_space<vmem>>[vector<16xi32>, vector<16xi32>, vector<16xi32>], vector<16xf32>,
      tpu.vector_store_idx %arg13[%add3A_2661, %broadcast_in_dim3A_2744], %gather3A_2745 : memref<32x32xf32, #tpu.memory_space<vmem>>[vector<16xi32>, vector<16xi32>], vector<16xf32>,
      %broadcast_in_dim3A_2746 = arith.constant 28 : i32
      %broadcast_in_dim3A_2747 = vector.broadcast %broadcast_in_dim3A_2746 : i32 to vector<16xi32>
      %gather3A_2748 = tpu.vector_load_idx %arg11[%add3A_2661, %and3A_2658, %broadcast_in_dim3A_2747] : memref<32x8x32xf32, #tpu.memory_space<vmem>>[vector<16xi32>, vector<16xi32>, vector<16xi32>], vector<16xf32>,
      tpu.vector_store_idx %arg13[%add3A_2661, %broadcast_in_dim3A_2747], %gather3A_2748 : memref<32x32xf32, #tpu.memory_space<vmem>>[vector<16xi32>, vector<16xi32>], vector<16xf32>,
      %broadcast_in_dim3A_2749 = arith.constant 29 : i32
      %broadcast_in_dim3A_2750 = vector.broadcast %broadcast_in_dim3A_2749 : i32 to vector<16xi32>
      %gather3A_2751 = tpu.vector_load_idx %arg11[%add3A_2661, %and3A_2658, %broadcast_in_dim3A_2750] : memref<32x8x32xf32, #tpu.memory_space<vmem>>[vector<16xi32>, vector<16xi32>, vector<16xi32>], vector<16xf32>,
      tpu.vector_store_idx %arg13[%add3A_2661, %broadcast_in_dim3A_2750], %gather3A_2751 : memref<32x32xf32, #tpu.memory_space<vmem>>[vector<16xi32>, vector<16xi32>], vector<16xf32>,
      %broadcast_in_dim3A_2752 = arith.constant 30 : i32
      %broadcast_in_dim3A_2753 = vector.broadcast %broadcast_in_dim3A_2752 : i32 to vector<16xi32>
      %gather3A_2754 = tpu.vector_load_idx %arg11[%add3A_2661, %and3A_2658, %broadcast_in_dim3A_2753] : memref<32x8x32xf32, #tpu.memory_space<vmem>>[vector<16xi32>, vector<16xi32>, vector<16xi32>], vector<16xf32>,
      tpu.vector_store_idx %arg13[%add3A_2661, %broadcast_in_dim3A_2753], %gather3A_2754 : memref<32x32xf32, #tpu.memory_space<vmem>>[vector<16xi32>, vector<16xi32>], vector<16xf32>,
      %broadcast_in_dim3A_2755 = arith.constant 31 : i32
      %broadcast_in_dim3A_2756 = vector.broadcast %broadcast_in_dim3A_2755 : i32 to vector<16xi32>
      %gather3A_2757 = tpu.vector_load_idx %arg11[%add3A_2661, %and3A_2658, %broadcast_in_dim3A_2756] : memref<32x8x32xf32, #tpu.memory_space<vmem>>[vector<16xi32>, vector<16xi32>, vector<16xi32>], vector<16xf32>,
      tpu.vector_store_idx %arg13[%add3A_2661, %broadcast_in_dim3A_2756], %gather3A_2757 : memref<32x32xf32, #tpu.memory_space<vmem>>[vector<16xi32>, vector<16xi32>], vector<16xf32>,
      %add3A_2758 = arith.addi %mul3A_2, %mul3A_9 : i32
      "tpu.region"() ({
        %run_scoped3A = tpu.sem_alloc : memref<!tpu.dma_semaphore, #tpu.memory_space<semaphore_mem>>
        %dma_start3A_2760 = arith.constant 0 : i32
        %dma_start3A_2761 = tpu.memref_slice %arg6[%add3A_2758, %dma_start3A_2760] : memref<16384x32xf32, #tpu.memory_space<hbm>> -> memref<32x32xf32, #tpu.memory_space<hbm>>
        %dma_start3A_2762 = arith.constant 0 : i32
        %dma_start3A_2763 = tpu.memref_slice %arg6[%add3A_2758, %dma_start3A_2762] : memref<16384x32xf32, #tpu.memory_space<hbm>> -> memref<32x32xf32, #tpu.memory_space<hbm>>
        tpu.enqueue_dma source(%arg12 : memref<32x32xf32, #tpu.memory_space<vmem>>) target(%dma_start3A_2763 : memref<32x32xf32, #tpu.memory_space<hbm>>) target_semaphore(%run_scoped3A : memref<!tpu.dma_semaphore, #tpu.memory_space<semaphore_mem>>)
        %dma_wait3A_2764 = arith.constant 0 : i32
        %dma_wait3A_2765 = tpu.memref_slice %arg6[%add3A_2758, %dma_wait3A_2764] : memref<16384x32xf32, #tpu.memory_space<hbm>> -> memref<32x32xf32, #tpu.memory_space<hbm>>
        %dma_wait3A_2766 = arith.constant 0 : i32
        %dma_wait3A_2767 = tpu.memref_slice %arg6[%add3A_2758, %dma_wait3A_2766] : memref<16384x32xf32, #tpu.memory_space<hbm>> -> memref<32x32xf32, #tpu.memory_space<hbm>>
        tpu.wait_dma2 semaphore(%run_scoped3A : memref<!tpu.dma_semaphore, #tpu.memory_space<semaphore_mem>>) src(%arg12 : memref<32x32xf32, #tpu.memory_space<vmem>>) dst(%dma_wait3A_2767 : memref<32x32xf32, #tpu.memory_space<hbm>>)
        tpu.yield
      }) : () -> ()
      %add3A_2759 = arith.addi %mul3A_2, %mul3A_9 : i32
      "tpu.region"() ({
        %run_scoped3A = tpu.sem_alloc : memref<!tpu.dma_semaphore, #tpu.memory_space<semaphore_mem>>
        %dma_start3A_2760 = arith.constant 0 : i32
        %dma_start3A_2761 = tpu.memref_slice %arg7[%add3A_2759, %dma_start3A_2760] : memref<16384x32xf32, #tpu.memory_space<hbm>> -> memref<32x32xf32, #tpu.memory_space<hbm>>
        %dma_start3A_2762 = arith.constant 0 : i32
        %dma_start3A_2763 = tpu.memref_slice %arg7[%add3A_2759, %dma_start3A_2762] : memref<16384x32xf32, #tpu.memory_space<hbm>> -> memref<32x32xf32, #tpu.memory_space<hbm>>
        tpu.enqueue_dma source(%arg13 : memref<32x32xf32, #tpu.memory_space<vmem>>) target(%dma_start3A_2763 : memref<32x32xf32, #tpu.memory_space<hbm>>) target_semaphore(%run_scoped3A : memref<!tpu.dma_semaphore, #tpu.memory_space<semaphore_mem>>)
        %dma_wait3A_2764 = arith.constant 0 : i32
        %dma_wait3A_2765 = tpu.memref_slice %arg7[%add3A_2759, %dma_wait3A_2764] : memref<16384x32xf32, #tpu.memory_space<hbm>> -> memref<32x32xf32, #tpu.memory_space<hbm>>
        %dma_wait3A_2766 = arith.constant 0 : i32
        %dma_wait3A_2767 = tpu.memref_slice %arg7[%add3A_2759, %dma_wait3A_2766] : memref<16384x32xf32, #tpu.memory_space<hbm>> -> memref<32x32xf32, #tpu.memory_space<hbm>>
        tpu.wait_dma2 semaphore(%run_scoped3A : memref<!tpu.dma_semaphore, #tpu.memory_space<semaphore_mem>>) src(%arg13 : memref<32x32xf32, #tpu.memory_space<vmem>>) dst(%dma_wait3A_2767 : memref<32x32xf32, #tpu.memory_space<hbm>>)
        tpu.yield
      }) : () -> ()
    }
    %scan3A_6 = arith.constant 16 : i32
    return
  }
}

module attributes {stable_mosaic.version = 14 : i64} {
  func.func @_mlp_body(%arg0: i32, %arg1: memref<4096x32xf32, #tpu.memory_space<vmem>>, %arg2: memref<4096x32xf32, #tpu.memory_space<vmem>>, %arg3: memref<32x8xf32, #tpu.memory_space<vmem>>, %arg4: memref<32x8xf32, #tpu.memory_space<vmem>>, %arg5: memref<1x8xf32, #tpu.memory_space<vmem>>, %arg6: memref<8x1xf32, #tpu.memory_space<vmem>>, %arg7: memref<1x1xf32, #tpu.memory_space<vmem>>, %arg8: memref<4096x1xf32, #tpu.memory_space<vmem>>) attributes {dimension_semantics = [#tpu.dimension_semantics<arbitrary>], iteration_bounds = array<i64: 4>, scalar_prefetch = 0 : i64, scratch_operands = 0 : i64, tpu.core_type = #tpu.core_type<tc>, window_params = [{transform_indices = @transform_0, window_bounds = array<i64: 4096, 32>}, {transform_indices = @transform_1, window_bounds = array<i64: 4096, 32>}, {pipeline_mode = #tpu.pipeline_mode<synchronous>, transform_indices = @transform_2, window_bounds = array<i64: 32, 8>}, {pipeline_mode = #tpu.pipeline_mode<synchronous>, transform_indices = @transform_3, window_bounds = array<i64: 32, 8>}, {pipeline_mode = #tpu.pipeline_mode<synchronous>, transform_indices = @transform_4, window_bounds = array<i64: 1, 8>}, {pipeline_mode = #tpu.pipeline_mode<synchronous>, transform_indices = @transform_5, window_bounds = array<i64: 8, 1>}, {pipeline_mode = #tpu.pipeline_mode<synchronous>, transform_indices = @transform_6, window_bounds = array<i64: 1, 1>}, {transform_indices = @transform_7, window_bounds = array<i64: 4096, 1>}]} {
    %get3A = arith.constant 0 : index
    %get3A_0 = arith.constant 0 : index
    %get3A_1 = vector.load %arg1[%get3A, %get3A_0] : memref<4096x32xf32, #tpu.memory_space<vmem>>, vector<4096x32xf32>
    %get3A_2 = arith.constant 0 : index
    %get3A_3 = arith.constant 0 : index
    %get3A_4 = vector.load %arg3[%get3A_2, %get3A_3] : memref<32x8xf32, #tpu.memory_space<vmem>>, vector<32x8xf32>
    %dot_general3A = arith.constant dense<0.000000e+00> : vector<4096x8xf32>
    %dot_general3A_5 = tpu.matmul %get3A_1, %get3A_4, %dot_general3A {dimension_numbers = #tpu.dot_dimension_numbers<[1], [0], [0], [1], [0, 0, 1, 1], [], []>, transpose_lhs_hint = false} : vector<4096x32xf32>, vector<32x8xf32>, vector<4096x8xf32> -> vector<4096x8xf32>
    %get3A_6 = arith.constant 0 : index
    %get3A_7 = arith.constant 0 : index
    %get3A_8 = vector.load %arg2[%get3A_6, %get3A_7] : memref<4096x32xf32, #tpu.memory_space<vmem>>, vector<4096x32xf32>
    %get3A_9 = arith.constant 0 : index
    %get3A_10 = arith.constant 0 : index
    %get3A_11 = vector.load %arg4[%get3A_9, %get3A_10] : memref<32x8xf32, #tpu.memory_space<vmem>>, vector<32x8xf32>
    %dot_general3A_12 = arith.constant dense<0.000000e+00> : vector<4096x8xf32>
    %dot_general3A_13 = tpu.matmul %get3A_8, %get3A_11, %dot_general3A_12 {dimension_numbers = #tpu.dot_dimension_numbers<[1], [0], [0], [1], [0, 0, 1, 1], [], []>, transpose_lhs_hint = false} : vector<4096x32xf32>, vector<32x8xf32>, vector<4096x8xf32> -> vector<4096x8xf32>
    %add3A = arith.addf %dot_general3A_5, %dot_general3A_13 : vector<4096x8xf32>
    %get3A_14 = arith.constant 0 : index
    %get3A_15 = arith.constant 0 : index
    %get3A_16 = vector.load %arg5[%get3A_14, %get3A_15] : memref<1x8xf32, #tpu.memory_space<vmem>>, vector<1x8xf32>
    %add3A_17 = vector.broadcast %get3A_16 : vector<1x8xf32> to vector<4096x8xf32>
    %add3A_18 = arith.addf %add3A, %add3A_17 : vector<4096x8xf32>
    %max3A = arith.constant 0.000000e+00 : f32
    %max3A_19 = vector.broadcast %max3A : f32 to vector<4096x8xf32>
    %max3A_20 = arith.maximumf %add3A_18, %max3A_19 : vector<4096x8xf32>
    %get3A_21 = arith.constant 0 : index
    %get3A_22 = arith.constant 0 : index
    %get3A_23 = vector.load %arg6[%get3A_21, %get3A_22] : memref<8x1xf32, #tpu.memory_space<vmem>>, vector<8x1xf32>
    %dot_general3A_24 = arith.constant dense<0.000000e+00> : vector<4096x1xf32>
    %dot_general3A_25 = tpu.matmul %max3A_20, %get3A_23, %dot_general3A_24 {dimension_numbers = #tpu.dot_dimension_numbers<[1], [0], [0], [1], [0, 0, 1, 1], [], []>, transpose_lhs_hint = false} : vector<4096x8xf32>, vector<8x1xf32>, vector<4096x1xf32> -> vector<4096x1xf32>
    %get3A_26 = arith.constant 0 : index
    %get3A_27 = arith.constant 0 : index
    %get3A_28 = vector.load %arg7[%get3A_26, %get3A_27] : memref<1x1xf32, #tpu.memory_space<vmem>>, vector<1x1xf32>
    %add3A_29 = vector.broadcast %get3A_28 : vector<1x1xf32> to vector<4096x1xf32>
    %add3A_30 = arith.addf %dot_general3A_25, %add3A_29 : vector<4096x1xf32>
    %logistic3A = arith.negf %add3A_30 : vector<4096x1xf32>
    %logistic3A_31 = math.exp %logistic3A : vector<4096x1xf32>
    %logistic3A_32 = arith.constant 1.000000e+00 : f32
    %logistic3A_33 = vector.broadcast %logistic3A_32 : f32 to vector<4096x1xf32>
    %logistic3A_34 = arith.addf %logistic3A_33, %logistic3A_31 : vector<4096x1xf32>
    %logistic3A_35 = arith.divf %logistic3A_33, %logistic3A_34 : vector<4096x1xf32>
    %swap3A = arith.constant 0 : index
    %swap3A_36 = arith.constant 0 : index
    %swap3A_37 = vector.load %arg8[%swap3A, %swap3A_36] : memref<4096x1xf32, #tpu.memory_space<vmem>>, vector<4096x1xf32>
    tpu.vector_store %arg8[%swap3A, %swap3A_36], %logistic3A_35 {strides = array<i32>} : memref<4096x1xf32, #tpu.memory_space<vmem>>, vector<4096x1xf32>,
    return
  }
  func.func @transform_0(%arg0: i32) -> (i32, i32) {
    %c0_i32 = arith.constant 0 : i32
    %c0_i32_0 = arith.constant 0 : i32
    return %arg0, %c0_i32 : i32, i32
  }
  func.func @transform_1(%arg0: i32) -> (i32, i32) {
    %c0_i32 = arith.constant 0 : i32
    %c0_i32_0 = arith.constant 0 : i32
    return %arg0, %c0_i32 : i32, i32
  }
  func.func @transform_2(%arg0: i32) -> (i32, i32) {
    %c0_i32 = arith.constant 0 : i32
    %c0_i32_0 = arith.constant 0 : i32
    %c0_i32_1 = arith.constant 0 : i32
    return %c0_i32, %c0_i32_0 : i32, i32
  }
  func.func @transform_3(%arg0: i32) -> (i32, i32) {
    %c0_i32 = arith.constant 0 : i32
    %c0_i32_0 = arith.constant 0 : i32
    %c0_i32_1 = arith.constant 0 : i32
    return %c0_i32, %c0_i32_0 : i32, i32
  }
  func.func @transform_4(%arg0: i32) -> (i32, i32) {
    %c0_i32 = arith.constant 0 : i32
    %c0_i32_0 = arith.constant 0 : i32
    %c0_i32_1 = arith.constant 0 : i32
    return %c0_i32, %c0_i32_0 : i32, i32
  }
  func.func @transform_5(%arg0: i32) -> (i32, i32) {
    %c0_i32 = arith.constant 0 : i32
    %c0_i32_0 = arith.constant 0 : i32
    %c0_i32_1 = arith.constant 0 : i32
    return %c0_i32, %c0_i32_0 : i32, i32
  }
  func.func @transform_6(%arg0: i32) -> (i32, i32) {
    %c0_i32 = arith.constant 0 : i32
    %c0_i32_0 = arith.constant 0 : i32
    %c0_i32_1 = arith.constant 0 : i32
    return %c0_i32, %c0_i32_0 : i32, i32
  }
  func.func @transform_7(%arg0: i32) -> (i32, i32) {
    %c0_i32 = arith.constant 0 : i32
    %c0_i32_0 = arith.constant 0 : i32
    return %arg0, %c0_i32 : i32, i32
  }
}

</mosaic_0001>

<sc_bundles>
// kernel: kernel.4.cloned.1.call-start
scs
__scs_entry_jumppad:
0x0: {  	(pc) =	sbr.rel $0x88, $3  }
0x1: {  	(tag) =	ssettag $0x0;
	lr =	simm.s32 $0x1  }
0x2: {  	[smem:$0x3F99] =	sst lr;
	_ =	strace $0xD0000000  }
0x3: {  	_ = 	snop  }
0x4: {  	_ = 	snop  }
0x5: {  	_ = 	snop  }
0x6: {  	_ = 	snop  }
0x7: {  	_ = 	snop  }
__scs_overlays_trampoline_lowered:
0x8: {  	[smem:$0x3FA8] =	sst s0  }
0x9: {  	[smem:$0x3FA9] =	sst s1  }
0xa: {  	[smem:$0x3FAA] =	sst s2  }
0xb: {  	[smem:$0x3FAB] =	sst s3  }
0xc: {  	[smem:$0x3FAC] =	sst s4  }
0xd: {  	[smem:$0x3FAD] =	sst s5  }
0xe: {  	[smem:$0x3FAE] =	sst s6  }
0xf: {  	[smem:$0x3FAF] =	sst s7  }
0x10: {  	[smem:$0x3FB0] =	sst s8  }
0x11: {  	[smem:$0x3FB1] =	sst s9;
	s0 =	simm.s32 @!p0 $0x0  }
0x12: {  	s1 =	sld [smem:$0x3F97];
	s0 =	simm.s32 @p0 $0x1  }
0x13: {  	[smem:$0x3FB2] =	sst s0;
	s0 =	simm.s32 @!p1 $0x0  }
0x14: {  	s2 =	sld [smem:$0x3F96];
	s0 =	simm.s32 @p1 $0x1  }
0x15: {  	[smem:$0x3FB3] =	sst s0;
	s0 =	simm.s32 @!p2 $0x0  }
0x16: {  	s3 =	sld [smem:$0x3FDB];
	s0 =	simm.s32 @p2 $0x1  }
0x17: {  	s4 =	simm.s32 $0x1BF5;
	[smem:$0x3FB5] =	sst s0  }
0x18: {  	s0 =	sld [smem:$0x3F98];
	_ =	swait.ge [sflag:s4], $0x0  }
0x19: {  	s7 =	sld [smem:$0x3F99]  }
0x1a: {  	s8 =	sadd.s32 $0xFFFFE003, lr  }
0x1b: {  	s9 =	sadd.s32 $0xFFFFFEF7, lr;
	s5 =	simm.s32 $0xFFFFFFFF;
	p2 =	slt.u32 s8, $0xFFFFF086  }
0x1c: {  	p1 =	slt.u32 s9, $0xF7A;
	s5 =	simm.s32 @!p2 $0x0  }
0x1d: {  	s5 =	simm.s32 @p1 $0x1;
	p0 =	seq.s32 s7, s2  }
0x1e: {  	s7 =	smul.u32 @!p0 $0xF7A, s2;
	p2 =	seq.s32 @!p0 s5, $0x0  }
0x1f: {  	s9 =	smul.u32 $0xF7A, s1;
	s8 =	simm.s32 @!p0 $0x1BF5;
	p2 =	por !p2, p0  }
0x20: {  	[sflag:s8] =	ssyncset.s32 @!p0 $0xFFFFF086;
	s6 =	sadd.s32 @!p0 s3, s7;
	s7 =	simm.s32 @!p0 $0x108  }
0x21: {  	s3 =	sadd.s32 s3, s9;
	s6 =	sadd.s32 @!p0 $0x88, s6;
	s7 =	simm.s32 @p2 $0x1082  }
0x22: {  	[simem:s7], [sflag:s8] =	dma.local @!p0 [hbm:s6], $0xF7A  }
0x23: {  	s9 =	sor.u32 $0xD0000000, s2;
	s6 =	simm.s32 $0x108;
	_ =	swait.ge @!p0 [sflag:s8], $0x0  }
0x24: {  	s3 =	sadd.s32 $0x88, s3;
	s6 =	simm.s32 @!p1 $0x1082;
	[sflag:s4] =	ssyncset.s32 $0xFFFFF086  }
0x25: {  	[simem:s6], [sflag:s4] =	dma.local [hbm:s3], $0xF7A  }
0x26: {  	[smem:$0x3F99] =	sst s1;
	(tag) =	ssettag s2;
	_ =	strace s9  }
0x27: {  	s1 =	sld [smem:$0x3FA9]  }
0x28: {  	s2 =	sld [smem:$0x3FAA]  }
0x29: {  	s4 =	sld [smem:$0x3FAC]  }
0x2a: {  	p0 =	seq.s32 s5, $0x0;
	s5 =	sld [smem:$0x3FAD]  }
0x2b: {  	s6 =	sld [smem:$0x3FAE]  }
0x2c: {  	s7 =	sld [smem:$0x3FAF]  }
0x2d: {  	s3 =	simm.s32 $0x108;
	s8 =	sld [smem:$0x3FB0]  }
0x2e: {  	s3 =	simm.s32 @!p0 $0x1082;
	s9 =	sld [smem:$0x3FB1]  }
0x2f: {  	lr =	sadd.s32 s0, s3;
	s0 =	sld [smem:$0x3FA8]  }
0x30: {  	s3 =	sld [smem:$0x3FAB]  }
0x31: {  	[smem:$0x3FB4] =	sst s10  }
0x32: {  	s10 =	sld [smem:$0x3FB2];
	_ =	sdelay $0x3  }
0x33: {  	p0 =	seq.s32 s10, $0x1;
	s10 =	sld [smem:$0x3FB4];
	_ =	sdelay $0x3  }
0x34: {  	[smem:$0x3FB4] =	sst s10  }
0x35: {  	s10 =	sld [smem:$0x3FB3];
	_ =	sdelay $0x3  }
0x36: {  	p1 =	seq.s32 s10, $0x1;
	s10 =	sld [smem:$0x3FB4];
	_ =	sdelay $0x3  }
0x37: {  	[smem:$0x3FB4] =	sst s10  }
0x38: {  	s10 =	sld [smem:$0x3FB5]  }
0x39: {  	_ = 	snop;
	(pc) =	sbr.ind lr, $3  }
0x3a: {  	_ = 	snop  }
0x3b: {  	_ = 	snop  }
0x3c: {  	p2 =	seq.s32 s10, $0x1;
	s10 =	sld [smem:$0x3FB4]  }
0x3d: {  	_ =	shalt  }
0x3e: {  	_ =	shalt  }
0x3f: {  	_ =	shalt  }
0x40: {  	_ =	shalt  }
0x41: {  	_ =	shalt  }
0x42: {  	_ =	shalt  }
0x43: {  	_ =	shalt  }
0x44: {  	_ =	shalt  }
0x45: {  	_ =	shalt  }
0x46: {  	_ =	shalt  }
0x47: {  	_ =	shalt  }
0x48: {  	_ =	shalt  }
0x49: {  	_ =	shalt  }
0x4a: {  	_ =	shalt  }
0x4b: {  	_ =	shalt  }
0x4c: {  	_ =	shalt  }
0x4d: {  	_ =	shalt  }
0x4e: {  	_ =	shalt  }
0x4f: {  	_ =	shalt  }
0x50: {  	_ =	shalt  }
0x51: {  	_ =	shalt  }
0x52: {  	_ =	shalt  }
0x53: {  	_ =	shalt  }
0x54: {  	_ =	shalt  }
0x55: {  	_ =	shalt  }
0x56: {  	_ =	shalt  }
0x57: {  	_ =	shalt  }
0x58: {  	_ =	shalt  }
0x59: {  	_ =	shalt  }
0x5a: {  	_ =	shalt  }
0x5b: {  	_ =	shalt  }
0x5c: {  	_ =	shalt  }
0x5d: {  	_ =	shalt  }
0x5e: {  	_ =	shalt  }
0x5f: {  	_ =	shalt  }
0x60: {  	_ =	shalt  }
0x61: {  	_ =	shalt  }
0x62: {  	_ =	shalt  }
0x63: {  	_ =	shalt  }
0x64: {  	_ =	shalt  }
0x65: {  	_ =	shalt  }
0x66: {  	_ =	shalt  }
0x67: {  	_ =	shalt  }
0x68: {  	_ =	shalt  }
0x69: {  	_ =	shalt  }
0x6a: {  	_ =	shalt  }
0x6b: {  	_ =	shalt  }
0x6c: {  	_ =	shalt  }
0x6d: {  	_ =	shalt  }
0x6e: {  	_ =	shalt  }
0x6f: {  	_ =	shalt  }
0x70: {  	_ =	shalt  }
0x71: {  	_ =	shalt  }
0x72: {  	_ =	shalt  }
0x73: {  	_ =	shalt  }
0x74: {  	_ =	shalt  }
0x75: {  	_ =	shalt  }
0x76: {  	_ =	shalt  }
0x77: {  	_ =	shalt  }
0x78: {  	_ =	shalt  }
0x79: {  	_ =	shalt  }
0x7a: {  	_ =	shalt  }
0x7b: {  	_ =	shalt  }
0x7c: {  	_ =	shalt  }
0x7d: {  	_ =	shalt  }
0x7e: {  	_ =	shalt  }
0x7f: {  	_ =	shalt  }
0x80: {  	_ =	shalt  }
0x81: {  	_ =	shalt  }
0x82: {  	_ =	shalt  }
0x83: {  	_ =	shalt  }
0x84: {  	_ =	shalt  }
0x85: {  	_ =	shalt  }
0x86: {  	_ =	shalt  }
0x87: {  	_ =	shalt  }
.Lfunc_end0:
.L_simem_size_0:
called_computation_lowered:
.L_overlay_start_0:
0x88: {  	s2 =	sld [smem:$0x3FD9]  }
0x89: {  	s3 =	sld [smem:$0x3FFE];
	_ =	sdelay $0x1  }
0x8a: {  	s1 =	srdreg.scid  }
0x8b: {  	s0 =	sand.u32 $0x1, s1  }
0x8c: {  	s17 =	sshll.u32 s0, $0xA;
	s2 =	sadd.s32 s3, s2  }
0x8d: {  	s2 =	sadd.s32 s2, s17  }
0x8e: {  	[smem:$0x3FC0] =	sst s2  }
0x8f: {  	_ = 	snop  }
0x90: {  	s2 =	sld [smem:$0x3FC9]  }
0x91: {  	s18 =	sld [smem:$0x3FC8];
	(tm) =	ssettm $0x1  }
0x92: {  	s4 =	sld [smem:$0x3FFB];
	_ =	sdelay $0x3  }
0x93: {  	_ =	strace s4  }
0x94: {  	s4 =	sld [smem:$0x3FFC];
	_ =	sdelay $0x3  }
0x95: {  	_ =	strace s4  }
0x96: {  	s4 =	sld [smem:$0x3FFD];
	_ =	sdelay $0x3  }
0x97: {  	_ =	strace s4  }
0x98: {  	_ =	strace $0x8FFFFFFF  }
0x99: {  	s19 =	sld [smem:$0x3FDB];
	_ =	sdelay $0x1  }
0x9a: {  	s5 =	simm.s32 $_scs_section_size  }
0x9b: {  	s6 =	simm.s32 $_size__tile_overlayer_lowered;
	s7 =	simm.s32 $_tile_overlayer_lowered  }
0x9c: {  	s22 =	simm.s32 $0x1BFF;
	s21 =	sshll.u32 s7, $0x1;
	s4 =	sadd.s32 s5, s19  }
0x9d: {  	s8 =	simm.s32 $0x0;
	s20 =	sshll.u32 s6, $0x1;
	s6 =	sadd.s32 s21, s4  }
0x9e: {  	[timem:s8], [sflag:s22] =	dma.local [hbm:s6], s20  }
0x9f: {  	_ =	swait.ge [sflag:s22], s20  }
0xa0: {  	s5 =	ssub.s32 $0x0, s20;
	[sflag:s22] =	ssyncset.done $0x0  }
0xa1: {  	[sflag:s22] =	ssyncadd.s32 s5;
	_ =	sdelay $0x1  }
0xa2: {  	s23 =	simm.s32 $0x1B8B  }
0xa3: {  	_ =	swait.ge [sflag:s23], $0x1  }
0xa4: {  	[sflag:s23] =	ssyncset.done $0x0  }
0xa5: {  	s25 =	simm.s32 $0x1B8E;
	s24 =	sld [smem:$0x3FFE];
	[sflag:s23] =	ssyncadd.s32 $0xFFFFFFFF  }
0xa6: {  	s26 =	simm.s32 $execute0_lowered;
	[smem:$0x3FD2] =	sst s25  }
0xa7: {  	s6 =	sshll.u32 s26, $0x1;
	_ =	strace $0x80000046;
	[dreg:$0x1] =	wrdreg $0xFFFFFFFF  }
0xa8: {  	s28 =	simm.s32 $_size_execute0_lowered;
	s4 =	sadd.s32 s4, s6;
	[dreg:$0x0] =	wrdreg $0x0  }
0xa9: {  	s6 =	sshll.u32 s28, $0x1;
	[dreg:$0x2] =	wrdreg s4  }
0xaa: {  	[dreg:$0x3] =	wrdreg s6  }
0xab: {  	[dreg:$0x4] =	wrdreg $0xC0  }
0xac: {  	_ =	task [dreg:s8], $0x5FFFF  }
0xad: {  	[dreg:$0x1] =	wrdreg $0xFFFFFFFF  }
0xae: {  	[dreg:$0x0] =	wrdreg $0x60  }
0xaf: {  	[dreg:$0x2] =	wrdreg s2  }
0xb0: {  	[dreg:$0x3] =	wrdreg s18  }
0xb1: {  	[dreg:$0x4] =	wrdreg s24  }
0xb2: {  	[dreg:$0x5] =	wrdreg $0x9  }
0xb3: {  	_ =	task.clear_ibuf [dreg:s8], $0x6FFFF;
	_ =	strace $0x90000046  }
0xb4: {  	s29 =	simm.s32 $0x9;
	_ =	strace $0x80000048  }
0xb5: {  	_ =	swait.ge [sflag:s29], $0x1  }
0xb6: {  	[sflag:s29] =	ssyncadd.s32 $0xFFFFFFFF  }
0xb7: {  	_ =	strace $0x90000048  }
0xb8: {  	_ =	sfence  }
0xb9: {  	s30 =	sld [smem:$0x0];
	_ =	sdelay $0x2  }
0xba: {  	s31 =	sshll.u32 s1, $0xD;
	s1 =	sshrl.u32 s1, $0x2  }
0xbb: {  	s3 =	sand.u32 $0x4000, s31;
	s1 =	sadd.s32 s1, s30  }
0xbc: {  	s0 =	sor.u32 s3, s0;
	s1 =	sshll.u32 s1, $0x11  }
0xbd: {  	s0 =	sor.u32 s1, s0  }
0xbe: {  	s0 =	sadd.s32 $0x8F2B, s0  }
0xbf: {  	[sflag:s0] =	ssyncadd.remote.s32 $0x1  }
0xc0: {  	_ =	sfence.sel $0xFFFF  }
0xc1: {  	[dreg:$0x0] =	wrdreg $0xFFFFFFFF;
	(pc) =	sbr.abs _section_cstart, $3  }
0xc2: {  	[dreg:$0x1] =	wrdreg $0xFFFFFFFF  }
0xc3: {  	_ =	task.clear_ibuf [dreg:s8], $0x2FFFF;
	_ =	strace $0x9FFFFFFF  }
0xc4: {  	(tm) =	ssettm $0x7FFFFFFF  }
0xc5: {  	_ =	shalt  }
tec
execute0_lowered:
.L_overlay_start_1:
0x0: {  	(tag) =	ssettag $0x1  }
0x1: {  	s5 =	rddreg [dreg:$0x0]  }
0x2: {  	s6 =	rddreg [dreg:$0x1]  }
0x3: {  	s4 =	rddreg [dreg:$0x2];
	s2 =	srdreg.scid  }
0x4: {  	s0 =	rddreg [dreg:$0x3];
	s7 =	sand.u32 $0x1, s2;
	s2 =	simm.s32 $0x0  }
0x5: {  	s16 =	simm.s32 $0x800;
	[smem:$0x7FF] =	sst s2  }
0x6: {  	s17 =	simm.s32 $0x8800;
	_ =	strace $0x80000047;
	[dreg:$0x6] =	wrdreg s16  }
0x7: {  	s18 =	simm.s32 $0xC00;
	[dreg:$0x7] =	wrdreg s17  }
0x8: {  	s19 =	simm.s32 $0x8C00;
	[dreg:$0x8] =	wrdreg s18  }
0x9: {  	s20 =	simm.s32 $0x1000;
	[dreg:$0x9] =	wrdreg s19  }
0xa: {  	s21 =	simm.s32 $0x9000;
	[dreg:$0xa] =	wrdreg s20  }
0xb: {  	s22 =	simm.s32 $0x1400;
	[dreg:$0xb] =	wrdreg s21  }
0xc: {  	s23 =	simm.s32 $0x9400;
	[dreg:$0xc] =	wrdreg s22  }
0xd: {  	s24 =	simm.s32 $0x1800;
	[dreg:$0xd] =	wrdreg s23  }
0xe: {  	s25 =	simm.s32 $0x9800;
	[dreg:$0xe] =	wrdreg s24  }
0xf: {  	s26 =	simm.s32 $0x1C00;
	[dreg:$0xf] =	wrdreg s25  }
0x10: {  	s28 =	simm.s32 $0x9C00;
	[dreg:$0x10] =	wrdreg s26  }
0x11: {  	s29 =	simm.s32 $0x2000;
	[dreg:$0x11] =	wrdreg s28  }
0x12: {  	s30 =	simm.s32 $0xA000;
	[dreg:$0x12] =	wrdreg s29  }
0x13: {  	s31 =	simm.s32 $0x2400;
	[dreg:$0x13] =	wrdreg s30  }
0x14: {  	s9 =	simm.s32 $0x2800;
	[dreg:$0x14] =	wrdreg s31  }
0x15: {  	s10 =	simm.s32 $0xA800;
	[dreg:$0x16] =	wrdreg s9  }
0x16: {  	s11 =	simm.s32 $0x2C00;
	[dreg:$0x17] =	wrdreg s10  }
0x17: {  	s12 =	simm.s32 $0xAC00;
	[dreg:$0x18] =	wrdreg s11  }
0x18: {  	s13 =	simm.s32 $0x3000;
	[dreg:$0x19] =	wrdreg s12  }
0x19: {  	s14 =	simm.s32 $0xB000;
	[dreg:$0x1a] =	wrdreg s13  }
0x1a: {  	s15 =	simm.s32 $0x3400;
	[dreg:$0x1b] =	wrdreg s14  }
0x1b: {  	[dreg:$0x1c] =	wrdreg s15;
	s16 =	simm.s32 $0xB400  }
0x1c: {  	s17 =	simm.s32 $0x3800;
	[dreg:$0x1d] =	wrdreg s16  }
0x1d: {  	s18 =	simm.s32 $0xB800;
	[dreg:$0x1e] =	wrdreg s17  }
0x1e: {  	s19 =	simm.s32 $0x3C00;
	[dreg:$0x1f] =	wrdreg s18  }
0x1f: {  	s20 =	simm.s32 $0xBC00;
	[smem:$0x7DA] =	sst s19  }
0x20: {  	s21 =	simm.s32 $0x4000;
	[smem:$0x7DB] =	sst s20  }
0x21: {  	s22 =	simm.s32 $0xC000;
	[smem:$0x7DC] =	sst s21  }
0x22: {  	s23 =	simm.s32 $0x4400;
	[smem:$0x7DD] =	sst s22  }
0x23: {  	s24 =	simm.s32 $0xC400;
	[smem:$0x7DE] =	sst s23  }
0x24: {  	s25 =	simm.s32 $0x4800;
	[smem:$0x7DF] =	sst s24  }
0x25: {  	s26 =	simm.s32 $0xC800;
	[smem:$0x7E0] =	sst s25  }
0x26: {  	s28 =	simm.s32 $0x4C00;
	[smem:$0x7E1] =	sst s26  }
0x27: {  	s29 =	simm.s32 $0xCC00;
	[smem:$0x7E2] =	sst s28  }
0x28: {  	s30 =	simm.s32 $0x5000;
	[smem:$0x7E3] =	sst s29  }
0x29: {  	s31 =	simm.s32 $0xD000;
	[smem:$0x7E4] =	sst s30  }
0x2a: {  	s9 =	simm.s32 $0xD400;
	[smem:$0x7E5] =	sst s31  }
0x2b: {  	s10 =	simm.s32 $0x5800;
	[smem:$0x7E7] =	sst s9  }
0x2c: {  	s1 =	stileid.u32;
	s11 =	simm.s32 $0xD800;
	[smem:$0x7E8] =	sst s10  }
0x2d: {  	s3 =	sshll.u32 s1, $0xE;
	s12 =	simm.s32 $0x5C00;
	[smem:$0x7E9] =	sst s11  }
0x2e: {  	s3 =	sadd.s32 s3, s4;
	s13 =	simm.s32 $0xDC00;
	[smem:$0x7EA] =	sst s12  }
0x2f: {  	s8 =	sshll.u32 s7, $0xD;
	s14 =	simm.s32 $0x6000;
	[smem:$0x7EB] =	sst s13  }
0x30: {  	v1 =	vlaneseq.u32;
	s3 =	sadd.s32 s8, s3;
	s15 =	simm.s32 $0xE000;
	[smem:$0x7EC] =	sst s14  }
0x31: {  	v6 =	vmul.u32 $0x400, v1;
	s8 =	sadd.s32 $0x1E85A00, s3;
	[smem:$0x7ED] =	sst s15  }
0x32: {  	v1 =	vmul.u32 $0x80, v1;
	s3 =	sadd.s32 $0x1EC5A00, s3;
	[dreg:$0x4] =	wrdreg s8  }
0x33: {  	v5 =	vor.u32 $0x1, v6;
	s16 =	simm.s32 $0x6400;
	[dreg:$0x5] =	wrdreg s3  }
0x34: {  	v0 =	vor.u32 $0x1, v1;
	v7 =	vor.u32 $0x2, v6;
	v2 =	vor.u32 $0x2, v1;
	s17 =	simm.s32 $0xE400;
	[smem:$0x7EE] =	sst s16  }
0x35: {  	v8 =	vor.u32 $0x3, v6;
	v10 =	vor.u32 $0x3, v1;
	v11 =	vor.u32 $0x4, v6;
	s18 =	simm.s32 $0x6800;
	[smem:$0x7EF] =	sst s17  }
0x36: {  	v12 =	vor.u32 $0x4, v1;
	v13 =	vor.u32 $0x5, v6;
	v14 =	vor.u32 $0x5, v1;
	s19 =	simm.s32 $0xE800;
	[smem:$0x7F0] =	sst s18  }
0x37: {  	v15 =	vor.u32 $0x6, v6;
	v16 =	vor.u32 $0x6, v1;
	v17 =	vor.u32 $0x7, v6;
	s20 =	simm.s32 $0x6C00;
	[smem:$0x7F1] =	sst s19  }
0x38: {  	v18 =	vor.u32 $0x7, v1;
	v19 =	vor.u32 $0x8, v6;
	v20 =	vor.u32 $0x8, v1;
	s21 =	simm.s32 $0xEC00;
	[smem:$0x7F2] =	sst s20  }
0x39: {  	v21 =	vor.u32 $0x9, v6;
	v22 =	vor.u32 $0x9, v1;
	v23 =	vor.u32 $0xA, v6;
	s9 =	ssub.s32 $0x2, s7;
	s23 =	simm.s32 $0x7000;
	[smem:$0x7F3] =	sst s21  }
0x3a: {  	v24 =	vor.u32 $0xA, v1;
	v25 =	vor.u32 $0xB, v6;
	v26 =	vor.u32 $0xB, v1;
	s22 =	sshll.u32 s1, $0xA;
	s24 =	simm.s32 $0xF000;
	[smem:$0x7F4] =	sst s23  }
0x3b: {  	v27 =	vor.u32 $0xC, v6;
	v28 =	vor.u32 $0xC, v1;
	v29 =	vor.u32 $0xD, v6;
	s7 =	sshll.u32 s7, $0x9;
	s25 =	simm.s32 $0x7400;
	[smem:$0x7F5] =	sst s24  }
0x3c: {  	v30 =	vor.u32 $0xD, v1;
	v31 =	vor.u32 $0xE, v6;
	v32 =	vor.u32 $0xE, v1;
	s26 =	simm.s32 $0xF400;
	s28 =	simm.s32 $0x7800;
	[smem:$0x7F6] =	sst s25  }
0x3d: {  	v33 =	vor.u32 $0xF, v6;
	v34 =	vor.u32 $0xF, v1;
	v35 =	vor.u32 $0x10, v6;
	s29 =	simm.s32 $0xF800;
	s30 =	simm.s32 $0x7C00;
	[smem:$0x7F7] =	sst s26  }
0x3e: {  	v36 =	vor.u32 $0x10, v1;
	v37 =	vor.u32 $0x11, v6;
	v38 =	vor.u32 $0x11, v1;
	s31 =	simm.s32 $0xFC00;
	s11 =	simm.s32 $0x8000;
	[smem:$0x7F8] =	sst s28  }
0x3f: {  	v39 =	vor.u32 $0x12, v6;
	v40 =	vor.u32 $0x12, v1;
	v41 =	vor.u32 $0x13, v6;
	s12 =	simm.s32 $0x10000;
	s13 =	simm.s32 $0x10400;
	[smem:$0x7F9] =	sst s29  }
0x40: {  	v42 =	vor.u32 $0x13, v1;
	v43 =	vor.u32 $0x14, v6;
	v3 =	vor.u32 $0x1D, v1;
	s14 =	simm.s32 $0x11400;
	s15 =	simm.s32 $0x0;
	[smem:$0x7FA] =	sst s30  }
0x41: {  	v44 =	vor.u32 $0x14, v1;
	v45 =	vor.u32 $0x15, v6;
	v46 =	vor.u32 $0x15, v1;
	[tilespmem:$0x1FF90] =	vst v3;
	s8 =	simm.s32 $0xA400;
	s3 =	sadd.s32 $0x1200, s4;
	[smem:$0x7FB] =	sst s31  }
0x42: {  	v47 =	vor.u32 $0x16, v6;
	v48 =	vor.u32 $0x16, v1;
	v49 =	vor.u32 $0x17, v6;
	[tilespmem:$0x1FFC0] =	vst v7;
	s4 =	sadd.s32 $0xF43600, s4;
	s10 =	sshrl.u32 s9, $0x1;
	[smem:$0x7FC] =	sst s11  }
0x43: {  	v50 =	vor.u32 $0x17, v1;
	v51 =	vor.u32 $0x18, v6;
	v52 =	vor.u32 $0x18, v1;
	[tilespmem:$0x1FFD0] =	vst v2;
	s7 =	sor.u32 s7, s22;
	s11 =	simm.s32 $0x8400;
	[smem:$0x7FD] =	sst s12  }
0x44: {  	v53 =	vor.u32 $0x19, v6;
	v54 =	vor.u32 $0x19, v1;
	v62 =	vor.u32 $0x1E, v1;
	[tilespmem:$0x1FFE0] =	vst v0;
	s12 =	simm.s32 $0x1;
	[dreg:$0x15] =	wrdreg s8;
	s8 =	simm.s32 $0x5400  }
0x45: {  	v55 =	vor.u32 $0x1A, v6;
	v56 =	vor.u32 $0x1A, v1;
	v3 =	vor.u32 $0x1E, v6;
	[tilespmem:$0x1FFF0] =	vst v62;
	s9 =	ssub.s32 s9, s10;
	s7 =	sshrl.u32 s7, $0x3;
	s10 =	simm.s32 $0x400  }
0x46: {  	v57 =	vor.u32 $0x1B, v6;
	v58 =	vor.u32 $0x1B, v1;
	[tilespmem:$0x1FFA0] =	vst v3;
	v3 =	vor.u32 $0x1F, v6;
	[smem:$0x7E6] =	sst s8;
	s5 =	sadd.s32 s5, s7;
	s6 =	sadd.s32 s6, s7  }
0x47: {  	v59 =	vor.u32 $0x1C, v6;
	v60 =	vor.u32 $0x1C, v1;
	v61 =	vor.u32 $0x1D, v6;
	[tilespmem:$0x1FFB0] =	vst v3;
	s7 =	smax.u32 s9, $0x1;
	s8 =	simm.s32 $0x2;
	s9 =	simm.s32 $0x200  }
.LBB2_1:
0x48: {  	[tilespmem:s2], [sflag:$0x2] =	stream.linear.gather [hbm4b:s5+s2], $0x200, $0x38;
	[tilespmem:$0x12400] =	vst v63  }
0x49: {  	_ =	swait.ge [sflag:s8], $0x200  }
0x4a: {  	[sflag:s8] =	ssyncset.done $0x0  }
0x4b: {  	[sflag:s8] =	ssyncadd.s32 $0xFFFFFE00  }
0x4c: {  	[tilespmem:s9], [sflag:$0x2] =	stream.linear.gather [hbm4b:s6+s2], $0x200, $0x38;
	[tilespmem:$0x12400] =	vst v63  }
0x4d: {  	_ =	swait.ge [sflag:s8], $0x200  }
0x4e: {  	s16 =	simm.s32 $0x210;
	[sflag:s8] =	ssyncset.done $0x0  }
0x4f: {  	s17 =	simm.s32 $0x10;
	s18 =	simm.s32 $0x0;
	[sflag:s8] =	ssyncadd.s32 $0xFFFFFE00  }
.LBB2_2:
0x50: {  	v9 =	vmov v2;
	v2 =	vld [tilespmem:s17+$0xFFFFFFF0];
	_ =	sdelay $0x1  }
0x51: {  	v4 =	vld [tilespmem:s16+$0xFFFFFFF0];
	_ =	sdelay $0x2  }
0x52: {  	v2 =	vshrl.u32 v2, $0x3  }
0x53: {  	v3 =	vshll.u32 v2, $0x7  }
0x54: {  	v2 =	vshrl.u32 v4, $0x3;
	(v2sf) =	vpush v3, $0x0  }
0x55: {  	v2 =	vshll.u32 v2, $0x7  }
0x56: {  	(v2sf) =	vpush v2, $0x0;
	_ =	sdelay $0x1  }
0x57: {  	(v2sf) =	vpush v3, $0x1;
	_ =	sdelay $0x2  }
0x58: {  	(v2sf) =	vpush v2, $0x1;
	_ =	sdelay $0x7  }
0x59: {  	s19 =	spop (v2sf);
	(v2sf) =	vpush v3, $0x2;
	_ =	sdelay $0x1  }
0x5a: {  	s25 =	spop (v2sf);
	(v2sf) =	vpush v2, $0x2;
	_ =	sdelay $0x1  }
0x5b: {  	s26 =	spop (v2sf);
	(v2sf) =	vpush v3, $0x3;
	_ =	sdelay $0x2  }
0x5c: {  	s28 =	spop (v2sf);
	(v2sf) =	vpush v2, $0x3;
	_ =	sdelay $0x4  }
0x5d: {  	s19 =	sand.u32 $0x1FFFFF80, s19  }
0x5e: {  	s19 =	sadd.s32 s3, s19  }
0x5f: {  	[tilespmem:s10], [sflag:$0x1] =	stream.linear.gather [hbm4b:s19+s2], $0x400, $0x38;
	[tilespmem:$0x12400] =	vst v63  }
0x60: {  	s30 =	spop (v2sf);
	(v2sf) =	vpush v3, $0x4  }
0x61: {  	s19 =	sand.u32 $0x1FFFFF80, s25  }
0x62: {  	s19 =	sadd.s32 s4, s19;
	s21 =	spop (v2sf);
	(v2sf) =	vpush v2, $0x4  }
0x63: {  	[tilespmem:s11], [sflag:$0x1] =	stream.linear.gather [hbm4b:s19+s2], $0x400, $0x38;
	[tilespmem:$0x12400] =	vst v63  }
0x64: {  	s19 =	sand.u32 $0x1FFFFF80, s26;
	s23 =	spop (v2sf);
	(v2sf) =	vpush v3, $0x5  }
0x65: {  	s20 =	rddreg [dreg:$0x6];
	s19 =	sadd.s32 s3, s19  }
0x66: {  	[tilespmem:s20], [sflag:$0x1] =	stream.linear.gather [hbm4b:s19+s2], $0x400, $0x38;
	[tilespmem:$0x12400] =	vst v63  }
0x67: {  	s25 =	spop (v2sf);
	(v2sf) =	vpush v2, $0x5  }
0x68: {  	s19 =	sand.u32 $0x1FFFFF80, s28  }
0x69: {  	s29 =	rddreg [dreg:$0x7];
	s19 =	sadd.s32 s4, s19  }
0x6a: {  	[tilespmem:s29], [sflag:$0x1] =	stream.linear.gather [hbm4b:s19+s2], $0x400, $0x38;
	[tilespmem:$0x12400] =	vst v63  }
0x6b: {  	s19 =	sand.u32 $0x1FFFFF80, s30  }
0x6c: {  	s31 =	rddreg [dreg:$0x8];
	s19 =	sadd.s32 s3, s19  }
0x6d: {  	[tilespmem:s31], [sflag:$0x1] =	stream.linear.gather [hbm4b:s19+s2], $0x400, $0x38;
	[tilespmem:$0x12400] =	vst v63  }
0x6e: {  	s19 =	sand.u32 $0x1FFFFF80, s21  }
0x6f: {  	s22 =	rddreg [dreg:$0x9];
	s19 =	sadd.s32 s4, s19;
	s28 =	spop (v2sf);
	(v2sf) =	vpush v3, $0x6  }
0x70: {  	[tilespmem:s22], [sflag:$0x1] =	stream.linear.gather [hbm4b:s19+s2], $0x400, $0x38;
	[tilespmem:$0x12400] =	vst v63  }
0x71: {  	s30 =	spop (v2sf);
	(v2sf) =	vpush v2, $0x6  }
0x72: {  	s19 =	sand.u32 $0x1FFFFF80, s23  }
0x73: {  	s24 =	rddreg [dreg:$0xa];
	s19 =	sadd.s32 s3, s19;
	s21 =	spop (v2sf);
	(v2sf) =	vpush v3, $0x7  }
0x74: {  	[tilespmem:s24], [sflag:$0x1] =	stream.linear.gather [hbm4b:s19+s2], $0x400, $0x38;
	[tilespmem:$0x12400] =	vst v63  }
0x75: {  	s19 =	sand.u32 $0x1FFFFF80, s25  }
0x76: {  	s26 =	rddreg [dreg:$0xb];
	s19 =	sadd.s32 s4, s19;
	s23 =	spop (v2sf);
	(v2sf) =	vpush v2, $0x7  }
0x77: {  	[tilespmem:s26], [sflag:$0x1] =	stream.linear.gather [hbm4b:s19+s2], $0x400, $0x38;
	[tilespmem:$0x12400] =	vst v63  }
0x78: {  	s19 =	sand.u32 $0x1FFFFF80, s28  }
0x79: {  	s29 =	rddreg [dreg:$0xc];
	s19 =	sadd.s32 s3, s19  }
0x7a: {  	[tilespmem:s29], [sflag:$0x1] =	stream.linear.gather [hbm4b:s19+s2], $0x400, $0x38;
	[tilespmem:$0x12400] =	vst v63  }
0x7b: {  	s19 =	sand.u32 $0x1FFFFF80, s30  }
0x7c: {  	s31 =	rddreg [dreg:$0xd];
	s19 =	sadd.s32 s4, s19  }
0x7d: {  	[tilespmem:s31], [sflag:$0x1] =	stream.linear.gather [hbm4b:s19+s2], $0x400, $0x38;
	[tilespmem:$0x12400] =	vst v63  }
0x7e: {  	s25 =	spop (v2sf);
	(v2sf) =	vpush v3, $0x8  }
0x7f: {  	s19 =	sand.u32 $0x1FFFFF80, s21  }
0x80: {  	s22 =	rddreg [dreg:$0xe];
	s19 =	sadd.s32 s3, s19;
	s28 =	spop (v2sf);
	(v2sf) =	vpush v2, $0x8  }
0x81: {  	[tilespmem:s22], [sflag:$0x1] =	stream.linear.gather [hbm4b:s19+s2], $0x400, $0x38;
	[tilespmem:$0x12400] =	vst v63  }
0x82: {  	s19 =	sand.u32 $0x1FFFFF80, s23;
	s30 =	spop (v2sf);
	(v2sf) =	vpush v3, $0x9  }
0x83: {  	s24 =	rddreg [dreg:$0xf];
	s19 =	sadd.s32 s4, s19  }
0x84: {  	[tilespmem:s24], [sflag:$0x1] =	stream.linear.gather [hbm4b:s19+s2], $0x400, $0x38;
	[tilespmem:$0x12400] =	vst v63  }
0x85: {  	s21 =	spop (v2sf);
	(v2sf) =	vpush v2, $0x9  }
0x86: {  	s19 =	sand.u32 $0x1FFFFF80, s25  }
0x87: {  	s26 =	rddreg [dreg:$0x10];
	s19 =	sadd.s32 s3, s19  }
0x88: {  	[tilespmem:s26], [sflag:$0x1] =	stream.linear.gather [hbm4b:s19+s2], $0x400, $0x38;
	[tilespmem:$0x12400] =	vst v63  }
0x89: {  	s19 =	sand.u32 $0x1FFFFF80, s28  }
0x8a: {  	s29 =	rddreg [dreg:$0x11];
	s19 =	sadd.s32 s4, s19  }
0x8b: {  	[tilespmem:s29], [sflag:$0x1] =	stream.linear.gather [hbm4b:s19+s2], $0x400, $0x38;
	[tilespmem:$0x12400] =	vst v63  }
0x8c: {  	s19 =	sand.u32 $0x1FFFFF80, s30  }
0x8d: {  	s31 =	rddreg [dreg:$0x12];
	s19 =	sadd.s32 s3, s19;
	s23 =	spop (v2sf);
	(v2sf) =	vpush v3, $0xA  }
0x8e: {  	[tilespmem:s31], [sflag:$0x1] =	stream.linear.gather [hbm4b:s19+s2], $0x400, $0x38;
	[tilespmem:$0x12400] =	vst v63  }
0x8f: {  	s25 =	spop (v2sf);
	(v2sf) =	vpush v2, $0xA  }
0x90: {  	s19 =	sand.u32 $0x1FFFFF80, s21  }
0x91: {  	s22 =	rddreg [dreg:$0x13];
	s19 =	sadd.s32 s4, s19;
	s28 =	spop (v2sf);
	(v2sf) =	vpush v3, $0xB  }
0x92: {  	[tilespmem:s22], [sflag:$0x1] =	stream.linear.gather [hbm4b:s19+s2], $0x400, $0x38;
	[tilespmem:$0x12400] =	vst v63  }
0x93: {  	s19 =	sand.u32 $0x1FFFFF80, s23  }
0x94: {  	s24 =	rddreg [dreg:$0x14];
	s19 =	sadd.s32 s3, s19;
	s30 =	spop (v2sf);
	(v2sf) =	vpush v2, $0xB  }
0x95: {  	[tilespmem:s24], [sflag:$0x1] =	stream.linear.gather [hbm4b:s19+s2], $0x400, $0x38;
	[tilespmem:$0x12400] =	vst v63  }
0x96: {  	s19 =	sand.u32 $0x1FFFFF80, s25  }
0x97: {  	s26 =	rddreg [dreg:$0x15];
	s19 =	sadd.s32 s4, s19  }
0x98: {  	[tilespmem:s26], [sflag:$0x1] =	stream.linear.gather [hbm4b:s19+s2], $0x400, $0x38;
	[tilespmem:$0x12400] =	vst v63  }
0x99: {  	s19 =	sand.u32 $0x1FFFFF80, s28  }
0x9a: {  	s29 =	rddreg [dreg:$0x16];
	s19 =	sadd.s32 s3, s19  }
0x9b: {  	[tilespmem:s29], [sflag:$0x1] =	stream.linear.gather [hbm4b:s19+s2], $0x400, $0x38;
	[tilespmem:$0x12400] =	vst v63  }
0x9c: {  	s21 =	spop (v2sf);
	(v2sf) =	vpush v3, $0xC  }
0x9d: {  	s19 =	sand.u32 $0x1FFFFF80, s30  }
0x9e: {  	s31 =	rddreg [dreg:$0x17];
	s19 =	sadd.s32 s4, s19;
	s23 =	spop (v2sf);
	(v2sf) =	vpush v2, $0xC  }
0x9f: {  	[tilespmem:s31], [sflag:$0x1] =	stream.linear.gather [hbm4b:s19+s2], $0x400, $0x38;
	[tilespmem:$0x12400] =	vst v63  }
0xa0: {  	s19 =	sand.u32 $0x1FFFFF80, s21;
	s25 =	spop (v2sf);
	(v2sf) =	vpush v3, $0xD  }
0xa1: {  	s22 =	rddreg [dreg:$0x18];
	s19 =	sadd.s32 s3, s19  }
0xa2: {  	[tilespmem:s22], [sflag:$0x1] =	stream.linear.gather [hbm4b:s19+s2], $0x400, $0x38;
	[tilespmem:$0x12400] =	vst v63  }
0xa3: {  	s28 =	spop (v2sf);
	(v2sf) =	vpush v2, $0xD  }
0xa4: {  	s19 =	sand.u32 $0x1FFFFF80, s23  }
0xa5: {  	s24 =	rddreg [dreg:$0x19];
	s19 =	sadd.s32 s4, s19  }
0xa6: {  	[tilespmem:s24], [sflag:$0x1] =	stream.linear.gather [hbm4b:s19+s2], $0x400, $0x38;
	[tilespmem:$0x12400] =	vst v63  }
0xa7: {  	s19 =	sand.u32 $0x1FFFFF80, s25  }
0xa8: {  	s26 =	rddreg [dreg:$0x1a];
	s19 =	sadd.s32 s3, s19  }
0xa9: {  	[tilespmem:s26], [sflag:$0x1] =	stream.linear.gather [hbm4b:s19+s2], $0x400, $0x38;
	[tilespmem:$0x12400] =	vst v63  }
0xaa: {  	s19 =	sand.u32 $0x1FFFFF80, s28  }
0xab: {  	s29 =	rddreg [dreg:$0x1b];
	s19 =	sadd.s32 s4, s19;
	s30 =	spop (v2sf);
	(v2sf) =	vpush v3, $0xE  }
0xac: {  	[tilespmem:s29], [sflag:$0x1] =	stream.linear.gather [hbm4b:s19+s2], $0x400, $0x38;
	[tilespmem:$0x12400] =	vst v63  }
0xad: {  	s21 =	spop (v2sf);
	(v2sf) =	vpush v2, $0xE  }
0xae: {  	s19 =	sand.u32 $0x1FFFFF80, s30  }
0xaf: {  	s31 =	rddreg [dreg:$0x1c];
	s19 =	sadd.s32 s3, s19;
	s23 =	spop (v2sf)  }
0xb0: {  	(v2sf) =	vpush v3, $0xF;
	[tilespmem:s31], [sflag:$0x1] =	stream.linear.gather [hbm4b:s19+s2], $0x400, $0x38;
	[tilespmem:$0x12400] =	vst v63  }
0xb1: {  	s19 =	sand.u32 $0x1FFFFF80, s21  }
0xb2: {  	s22 =	rddreg [dreg:$0x1d];
	s25 =	spop (v2sf);
	s19 =	sadd.s32 s4, s19  }
0xb3: {  	(v2sf) =	vpush v2, $0xF;
	[tilespmem:s22], [sflag:$0x1] =	stream.linear.gather [hbm4b:s19+s2], $0x400, $0x38;
	[tilespmem:$0x12400] =	vst v63  }
0xb4: {  	s19 =	sand.u32 $0x1FFFFF80, s23  }
0xb5: {  	s24 =	rddreg [dreg:$0x1e];
	s19 =	sadd.s32 s3, s19  }
0xb6: {  	[tilespmem:s24], [sflag:$0x1] =	stream.linear.gather [hbm4b:s19+s2], $0x400, $0x38;
	[tilespmem:$0x12400] =	vst v63  }
0xb7: {  	s19 =	sand.u32 $0x1FFFFF80, s25  }
0xb8: {  	s26 =	rddreg [dreg:$0x1f];
	s19 =	sadd.s32 s4, s19  }
0xb9: {  	[tilespmem:s26], [sflag:$0x1] =	stream.linear.gather [hbm4b:s19+s2], $0x400, $0x38;
	[tilespmem:$0x12400] =	vst v63  }
0xba: {  	s29 =	sld [smem:$0x7DA];
	s28 =	spop (v2sf)  }
0xbb: {  	s19 =	sand.u32 $0x1FFFFF80, s28  }
0xbc: {  	s31 =	sld [smem:$0x7DB];
	s30 =	spop (v2sf);
	s19 =	sadd.s32 s3, s19  }
0xbd: {  	[tilespmem:s29], [sflag:$0x1] =	stream.linear.gather [hbm4b:s19+s2], $0x400, $0x38;
	[tilespmem:$0x12400] =	vst v63  }
0xbe: {  	s19 =	sand.u32 $0x1FFFFF80, s30  }
0xbf: {  	s22 =	sld [smem:$0x7DC];
	s21 =	spop (v2sf);
	s19 =	sadd.s32 s4, s19  }
0xc0: {  	[tilespmem:s31], [sflag:$0x1] =	stream.linear.gather [hbm4b:s19+s2], $0x400, $0x38;
	[tilespmem:$0x12400] =	vst v63  }
0xc1: {  	s19 =	sand.u32 $0x1FFFFF80, s21  }
0xc2: {  	s24 =	sld [smem:$0x7DD];
	s23 =	spop (v2sf);
	s19 =	sadd.s32 s3, s19  }
0xc3: {  	[tilespmem:s22], [sflag:$0x1] =	stream.linear.gather [hbm4b:s19+s2], $0x400, $0x38;
	[tilespmem:$0x12400] =	vst v63  }
0xc4: {  	s19 =	sand.u32 $0x1FFFFF80, s23  }
0xc5: {  	s19 =	sadd.s32 s4, s19  }
0xc6: {  	[tilespmem:s24], [sflag:$0x1] =	stream.linear.gather [hbm4b:s19+s2], $0x400, $0x38;
	[tilespmem:$0x12400] =	vst v63  }
0xc7: {  	v2 =	vld [tilespmem:s17+$0x0];
	_ =	sdelay $0x1  }
0xc8: {  	v4 =	vld [tilespmem:s16+$0x0];
	_ =	sdelay $0x2  }
0xc9: {  	v2 =	vshrl.u32 v2, $0x3  }
0xca: {  	v3 =	vshll.u32 v2, $0x7  }
0xcb: {  	v2 =	vshrl.u32 v4, $0x3;
	(v2sf) =	vpush v3, $0x0  }
0xcc: {  	v2 =	vshll.u32 v2, $0x7  }
0xcd: {  	(v2sf) =	vpush v2, $0x0;
	_ =	sdelay $0xa  }
0xce: {  	(v2sf) =	vpush v3, $0x1  }
0xcf: {  	(v2sf) =	vpush v2, $0x1  }
0xd0: {  	s25 =	spop (v2sf);
	(v2sf) =	vpush v3, $0x2;
	_ =	sdelay $0x1  }
0xd1: {  	s28 =	spop (v2sf);
	(v2sf) =	vpush v2, $0x2;
	_ =	sdelay $0xa  }
0xd2: {  	s30 =	spop (v2sf)  }
0xd3: {  	s21 =	spop (v2sf)  }
0xd4: {  	s23 =	spop (v2sf);
	(v2sf) =	vpush v3, $0x3;
	_ =	sdelay $0x1  }
0xd5: {  	s19 =	sand.u32 $0x1FFFFF80, s25;
	s25 =	spop (v2sf);
	(v2sf) =	vpush v2, $0x3;
	_ =	sdelay $0x3  }
0xd6: {  	(v2sf) =	vpush v3, $0x4;
	_ =	sdelay $0x2  }
0xd7: {  	(v2sf) =	vpush v2, $0x4  }
0xd8: {  	s26 =	sld [smem:$0x7DE];
	_ =	sdelay $0x1  }
0xd9: {  	s29 =	sld [smem:$0x7DF];
	s19 =	sadd.s32 s3, s19  }
0xda: {  	[tilespmem:s26], [sflag:$0x1] =	stream.linear.gather [hbm4b:s19+s2], $0x400, $0x38;
	[tilespmem:$0x12400] =	vst v63  }
0xdb: {  	s19 =	sand.u32 $0x1FFFFF80, s28  }
0xdc: {  	s19 =	sadd.s32 s4, s19;
	s28 =	spop (v2sf);
	(v2sf) =	vpush v3, $0x5  }
0xdd: {  	[tilespmem:s29], [sflag:$0x1] =	stream.linear.gather [hbm4b:s19+s2], $0x400, $0x38;
	[tilespmem:$0x12400] =	vst v63  }
0xde: {  	s31 =	sld [smem:$0x7E0];
	s19 =	sand.u32 $0x1FFFFF80, s30;
	s30 =	spop (v2sf);
	(v2sf) =	vpush v2, $0x5  }
0xdf: {  	_ = 	snop  }
0xe0: {  	s22 =	sld [smem:$0x7E1];
	s19 =	sadd.s32 s3, s19  }
0xe1: {  	[tilespmem:s31], [sflag:$0x1] =	stream.linear.gather [hbm4b:s19+s2], $0x400, $0x38;
	[tilespmem:$0x12400] =	vst v63  }
0xe2: {  	s19 =	sand.u32 $0x1FFFFF80, s21;
	s21 =	spop (v2sf);
	(v2sf) =	vpush v3, $0x6  }
0xe3: {  	s19 =	sadd.s32 s4, s19  }
0xe4: {  	[tilespmem:s22], [sflag:$0x1] =	stream.linear.gather [hbm4b:s19+s2], $0x400, $0x38;
	[tilespmem:$0x12400] =	vst v63  }
0xe5: {  	s19 =	sand.u32 $0x1FFFFF80, s23;
	s23 =	spop (v2sf);
	(v2sf) =	vpush v2, $0x6  }
0xe6: {  	s24 =	sld [smem:$0x7E2];
	_ =	sdelay $0x1  }
0xe7: {  	s26 =	sld [smem:$0x7E3];
	s19 =	sadd.s32 s3, s19  }
0xe8: {  	[tilespmem:s24], [sflag:$0x1] =	stream.linear.gather [hbm4b:s19+s2], $0x400, $0x38;
	[tilespmem:$0x12400] =	vst v63  }
0xe9: {  	s19 =	sand.u32 $0x1FFFFF80, s25  }
0xea: {  	s29 =	sld [smem:$0x7E4];
	s19 =	sadd.s32 s4, s19;
	s25 =	spop (v2sf);
	(v2sf) =	vpush v3, $0x7  }
0xeb: {  	[tilespmem:s26], [sflag:$0x1] =	stream.linear.gather [hbm4b:s19+s2], $0x400, $0x38;
	[tilespmem:$0x12400] =	vst v63  }
0xec: {  	s19 =	sand.u32 $0x1FFFFF80, s28;
	s28 =	spop (v2sf);
	(v2sf) =	vpush v2, $0x7  }
0xed: {  	s31 =	sld [smem:$0x7E5];
	s19 =	sadd.s32 s3, s19  }
0xee: {  	[tilespmem:s29], [sflag:$0x1] =	stream.linear.gather [hbm4b:s19+s2], $0x400, $0x38;
	[tilespmem:$0x12400] =	vst v63  }
0xef: {  	s19 =	sand.u32 $0x1FFFFF80, s30  }
0xf0: {  	s22 =	sld [smem:$0x7E6];
	s19 =	sadd.s32 s4, s19;
	s30 =	spop (v2sf);
	(v2sf) =	vpush v3, $0x8  }
0xf1: {  	[tilespmem:s31], [sflag:$0x1] =	stream.linear.gather [hbm4b:s19+s2], $0x400, $0x38;
	[tilespmem:$0x12400] =	vst v63  }
0xf2: {  	s19 =	sand.u32 $0x1FFFFF80, s21  }
0xf3: {  	s24 =	sld [smem:$0x7E7];
	s19 =	sadd.s32 s3, s19;
	s21 =	spop (v2sf);
	(v2sf) =	vpush v2, $0x8  }
0xf4: {  	[tilespmem:s22], [sflag:$0x1] =	stream.linear.gather [hbm4b:s19+s2], $0x400, $0x38;
	[tilespmem:$0x12400] =	vst v63  }
0xf5: {  	s19 =	sand.u32 $0x1FFFFF80, s23  }
0xf6: {  	s26 =	sld [smem:$0x7E8];
	s19 =	sadd.s32 s4, s19  }
0xf7: {  	[tilespmem:s24], [sflag:$0x1] =	stream.linear.gather [hbm4b:s19+s2], $0x400, $0x38;
	[tilespmem:$0x12400] =	vst v63  }
0xf8: {  	s19 =	sand.u32 $0x1FFFFF80, s25  }
0xf9: {  	s29 =	sld [smem:$0x7E9];
	s19 =	sadd.s32 s3, s19;
	s23 =	spop (v2sf);
	(v2sf) =	vpush v3, $0x9  }
0xfa: {  	[tilespmem:s26], [sflag:$0x1] =	stream.linear.gather [hbm4b:s19+s2], $0x400, $0x38;
	[tilespmem:$0x12400] =	vst v63  }
0xfb: {  	s19 =	sand.u32 $0x1FFFFF80, s28;
	s25 =	spop (v2sf);
	(v2sf) =	vpush v2, $0x9  }
0xfc: {  	s31 =	sld [smem:$0x7EA];
	s19 =	sadd.s32 s4, s19  }
0xfd: {  	[tilespmem:s29], [sflag:$0x1] =	stream.linear.gather [hbm4b:s19+s2], $0x400, $0x38;
	[tilespmem:$0x12400] =	vst v63  }
0xfe: {  	s19 =	sand.u32 $0x1FFFFF80, s30  }
0xff: {  	s22 =	sld [smem:$0x7EB];
	s19 =	sadd.s32 s3, s19;
	s28 =	spop (v2sf);
	(v2sf) =	vpush v3, $0xA  }
0x100: {  	[tilespmem:s31], [sflag:$0x1] =	stream.linear.gather [hbm4b:s19+s2], $0x400, $0x38;
	[tilespmem:$0x12400] =	vst v63  }
0x101: {  	s19 =	sand.u32 $0x1FFFFF80, s21  }
0x102: {  	s24 =	sld [smem:$0x7EC];
	s19 =	sadd.s32 s4, s19;
	s30 =	spop (v2sf);
	(v2sf) =	vpush v2, $0xA  }
0x103: {  	[tilespmem:s22], [sflag:$0x1] =	stream.linear.gather [hbm4b:s19+s2], $0x400, $0x38;
	[tilespmem:$0x12400] =	vst v63  }
0x104: {  	s19 =	sand.u32 $0x1FFFFF80, s23  }
0x105: {  	s26 =	sld [smem:$0x7ED];
	s19 =	sadd.s32 s3, s19  }
0x106: {  	[tilespmem:s24], [sflag:$0x1] =	stream.linear.gather [hbm4b:s19+s2], $0x400, $0x38;
	[tilespmem:$0x12400] =	vst v63  }
0x107: {  	s19 =	sand.u32 $0x1FFFFF80, s25  }
0x108: {  	s29 =	sld [smem:$0x7EE];
	s19 =	sadd.s32 s4, s19;
	s21 =	spop (v2sf);
	(v2sf) =	vpush v3, $0xB  }
0x109: {  	[tilespmem:s26], [sflag:$0x1] =	stream.linear.gather [hbm4b:s19+s2], $0x400, $0x38;
	[tilespmem:$0x12400] =	vst v63  }
0x10a: {  	s19 =	sand.u32 $0x1FFFFF80, s28;
	s23 =	spop (v2sf);
	(v2sf) =	vpush v2, $0xB  }
0x10b: {  	s31 =	sld [smem:$0x7EF];
	s19 =	sadd.s32 s3, s19  }
0x10c: {  	[tilespmem:s29], [sflag:$0x1] =	stream.linear.gather [hbm4b:s19+s2], $0x400, $0x38;
	[tilespmem:$0x12400] =	vst v63  }
0x10d: {  	s19 =	sand.u32 $0x1FFFFF80, s30  }
0x10e: {  	s22 =	sld [smem:$0x7F0];
	s19 =	sadd.s32 s4, s19;
	s25 =	spop (v2sf);
	(v2sf) =	vpush v3, $0xC  }
0x10f: {  	[tilespmem:s31], [sflag:$0x1] =	stream.linear.gather [hbm4b:s19+s2], $0x400, $0x38;
	[tilespmem:$0x12400] =	vst v63  }
0x110: {  	s19 =	sand.u32 $0x1FFFFF80, s21  }
0x111: {  	s24 =	sld [smem:$0x7F1];
	s19 =	sadd.s32 s3, s19;
	s28 =	spop (v2sf);
	(v2sf) =	vpush v2, $0xC  }
0x112: {  	[tilespmem:s22], [sflag:$0x1] =	stream.linear.gather [hbm4b:s19+s2], $0x400, $0x38;
	[tilespmem:$0x12400] =	vst v63  }
0x113: {  	s19 =	sand.u32 $0x1FFFFF80, s23  }
0x114: {  	s26 =	sld [smem:$0x7F2];
	s19 =	sadd.s32 s4, s19  }
0x115: {  	[tilespmem:s24], [sflag:$0x1] =	stream.linear.gather [hbm4b:s19+s2], $0x400, $0x38;
	[tilespmem:$0x12400] =	vst v63  }
0x116: {  	s19 =	sand.u32 $0x1FFFFF80, s25  }
0x117: {  	s29 =	sld [smem:$0x7F3];
	s19 =	sadd.s32 s3, s19;
	s30 =	spop (v2sf);
	(v2sf) =	vpush v3, $0xD  }
0x118: {  	[tilespmem:s26], [sflag:$0x1] =	stream.linear.gather [hbm4b:s19+s2], $0x400, $0x38;
	[tilespmem:$0x12400] =	vst v63  }
0x119: {  	s19 =	sand.u32 $0x1FFFFF80, s28;
	s21 =	spop (v2sf);
	(v2sf) =	vpush v2, $0xD  }
0x11a: {  	s31 =	sld [smem:$0x7F4];
	s19 =	sadd.s32 s4, s19  }
0x11b: {  	[tilespmem:s29], [sflag:$0x1] =	stream.linear.gather [hbm4b:s19+s2], $0x400, $0x38;
	[tilespmem:$0x12400] =	vst v63  }
0x11c: {  	s19 =	sand.u32 $0x1FFFFF80, s30  }
0x11d: {  	s22 =	sld [smem:$0x7F5];
	s19 =	sadd.s32 s3, s19;
	s23 =	spop (v2sf)  }
0x11e: {  	(v2sf) =	vpush v3, $0xE;
	[tilespmem:s31], [sflag:$0x1] =	stream.linear.gather [hbm4b:s19+s2], $0x400, $0x38;
	[tilespmem:$0x12400] =	vst v63  }
0x11f: {  	s19 =	sand.u32 $0x1FFFFF80, s21  }
0x120: {  	s24 =	sld [smem:$0x7F6];
	s25 =	spop (v2sf);
	s19 =	sadd.s32 s4, s19  }
0x121: {  	(v2sf) =	vpush v2, $0xE;
	[tilespmem:s22], [sflag:$0x1] =	stream.linear.gather [hbm4b:s19+s2], $0x400, $0x38;
	[tilespmem:$0x12400] =	vst v63  }
0x122: {  	s19 =	sand.u32 $0x1FFFFF80, s23  }
0x123: {  	s26 =	sld [smem:$0x7F7];
	s19 =	sadd.s32 s3, s19  }
0x124: {  	[tilespmem:s24], [sflag:$0x1] =	stream.linear.gather [hbm4b:s19+s2], $0x400, $0x38;
	[tilespmem:$0x12400] =	vst v63  }
0x125: {  	s19 =	sand.u32 $0x1FFFFF80, s25  }
0x126: {  	s19 =	sadd.s32 s4, s19;
	s28 =	spop (v2sf);
	(v2sf) =	vpush v3, $0xF  }
0x127: {  	[tilespmem:s26], [sflag:$0x1] =	stream.linear.gather [hbm4b:s19+s2], $0x400, $0x38;
	[tilespmem:$0x12400] =	vst v63  }
0x128: {  	s29 =	sld [smem:$0x7F8];
	s30 =	spop (v2sf);
	(v2sf) =	vpush v2, $0xF  }
0x129: {  	s19 =	sand.u32 $0x1FFFFF80, s28  }
0x12a: {  	s31 =	sld [smem:$0x7F9];
	s19 =	sadd.s32 s3, s19  }
0x12b: {  	[tilespmem:s29], [sflag:$0x1] =	stream.linear.gather [hbm4b:s19+s2], $0x400, $0x38;
	[tilespmem:$0x12400] =	vst v63  }
0x12c: {  	s19 =	sand.u32 $0x1FFFFF80, s30  }
0x12d: {  	s22 =	sld [smem:$0x7FA];
	s21 =	spop (v2sf);
	s19 =	sadd.s32 s4, s19  }
0x12e: {  	[tilespmem:s31], [sflag:$0x1] =	stream.linear.gather [hbm4b:s19+s2], $0x400, $0x38;
	[tilespmem:$0x12400] =	vst v63  }
0x12f: {  	s19 =	sand.u32 $0x1FFFFF80, s21  }
0x130: {  	s24 =	sld [smem:$0x7FB];
	s23 =	spop (v2sf);
	s19 =	sadd.s32 s3, s19  }
0x131: {  	[tilespmem:s22], [sflag:$0x1] =	stream.linear.gather [hbm4b:s19+s2], $0x400, $0x38;
	[tilespmem:$0x12400] =	vst v63  }
0x132: {  	s19 =	sand.u32 $0x1FFFFF80, s23  }
0x133: {  	s19 =	sadd.s32 s4, s19  }
0x134: {  	[tilespmem:s24], [sflag:$0x1] =	stream.linear.gather [hbm4b:s19+s2], $0x400, $0x38;
	[tilespmem:$0x12400] =	vst v63  }
0x135: {  	s26 =	sld [smem:$0x7FC];
	s25 =	spop (v2sf)  }
0x136: {  	s19 =	sand.u32 $0x1FFFFF80, s25  }
0x137: {  	s29 =	sld [smem:$0x7FD];
	s28 =	spop (v2sf);
	s19 =	sadd.s32 s3, s19  }
0x138: {  	[tilespmem:s26], [sflag:$0x1] =	stream.linear.gather [hbm4b:s19+s2], $0x400, $0x38;
	[tilespmem:$0x12400] =	vst v63  }
0x139: {  	s19 =	sand.u32 $0x1FFFFF80, s28  }
0x13a: {  	s19 =	sadd.s32 s4, s19  }
0x13b: {  	[tilespmem:s29], [sflag:$0x1] =	stream.linear.gather [hbm4b:s19+s2], $0x400, $0x38;
	[tilespmem:$0x12400] =	vst v63  }
0x13c: {  	_ =	swait.ge [sflag:s12], $0x400  }
0x13d: {  	[sflag:s12] =	ssyncset.done $0x0  }
0x13e: {  	[sflag:s12] =	ssyncadd.s32 $0xFFFFFC00  }
0x13f: {  	_ =	swait.ge [sflag:s12], $0x400  }
0x140: {  	[sflag:s12] =	ssyncset.done $0x0  }
0x141: {  	[sflag:s12] =	ssyncadd.s32 $0xFFFFFC00  }
0x142: {  	_ =	swait.ge [sflag:s12], $0x400  }
0x143: {  	[sflag:s12] =	ssyncset.done $0x0  }
0x144: {  	[sflag:s12] =	ssyncadd.s32 $0xFFFFFC00  }
0x145: {  	_ =	swait.ge [sflag:s12], $0x400  }
0x146: {  	[sflag:s12] =	ssyncset.done $0x0  }
0x147: {  	[sflag:s12] =	ssyncadd.s32 $0xFFFFFC00  }
0x148: {  	_ =	swait.ge [sflag:s12], $0x400  }
0x149: {  	[sflag:s12] =	ssyncset.done $0x0  }
0x14a: {  	[sflag:s12] =	ssyncadd.s32 $0xFFFFFC00  }
0x14b: {  	_ =	swait.ge [sflag:s12], $0x400  }
0x14c: {  	[sflag:s12] =	ssyncset.done $0x0  }
0x14d: {  	[sflag:s12] =	ssyncadd.s32 $0xFFFFFC00  }
0x14e: {  	_ =	swait.ge [sflag:s12], $0x400  }
0x14f: {  	[sflag:s12] =	ssyncset.done $0x0  }
0x150: {  	[sflag:s12] =	ssyncadd.s32 $0xFFFFFC00  }
0x151: {  	_ =	swait.ge [sflag:s12], $0x400  }
0x152: {  	[sflag:s12] =	ssyncset.done $0x0  }
0x153: {  	[sflag:s12] =	ssyncadd.s32 $0xFFFFFC00  }
0x154: {  	_ =	swait.ge [sflag:s12], $0x400  }
0x155: {  	[sflag:s12] =	ssyncset.done $0x0  }
0x156: {  	[sflag:s12] =	ssyncadd.s32 $0xFFFFFC00  }
0x157: {  	_ =	swait.ge [sflag:s12], $0x400  }
0x158: {  	[sflag:s12] =	ssyncset.done $0x0  }
0x159: {  	[sflag:s12] =	ssyncadd.s32 $0xFFFFFC00  }
0x15a: {  	_ =	swait.ge [sflag:s12], $0x400  }
0x15b: {  	[sflag:s12] =	ssyncset.done $0x0  }
0x15c: {  	[sflag:s12] =	ssyncadd.s32 $0xFFFFFC00  }
0x15d: {  	_ =	swait.ge [sflag:s12], $0x400  }
0x15e: {  	[sflag:s12] =	ssyncset.done $0x0  }
0x15f: {  	[sflag:s12] =	ssyncadd.s32 $0xFFFFFC00  }
0x160: {  	_ =	swait.ge [sflag:s12], $0x400  }
0x161: {  	[sflag:s12] =	ssyncset.done $0x0  }
0x162: {  	[sflag:s12] =	ssyncadd.s32 $0xFFFFFC00  }
0x163: {  	_ =	swait.ge [sflag:s12], $0x400  }
0x164: {  	[sflag:s12] =	ssyncset.done $0x0  }
0x165: {  	[sflag:s12] =	ssyncadd.s32 $0xFFFFFC00  }
0x166: {  	_ =	swait.ge [sflag:s12], $0x400  }
0x167: {  	[sflag:s12] =	ssyncset.done $0x0  }
0x168: {  	[sflag:s12] =	ssyncadd.s32 $0xFFFFFC00  }
0x169: {  	_ =	swait.ge [sflag:s12], $0x400  }
0x16a: {  	[sflag:s12] =	ssyncset.done $0x0  }
0x16b: {  	[sflag:s12] =	ssyncadd.s32 $0xFFFFFC00  }
0x16c: {  	_ =	swait.ge [sflag:s12], $0x400  }
0x16d: {  	[sflag:s12] =	ssyncset.done $0x0  }
0x16e: {  	[sflag:s12] =	ssyncadd.s32 $0xFFFFFC00  }
0x16f: {  	_ =	swait.ge [sflag:s12], $0x400  }
0x170: {  	[sflag:s12] =	ssyncset.done $0x0  }
0x171: {  	[sflag:s12] =	ssyncadd.s32 $0xFFFFFC00  }
0x172: {  	_ =	swait.ge [sflag:s12], $0x400  }
0x173: {  	[sflag:s12] =	ssyncset.done $0x0  }
0x174: {  	[sflag:s12] =	ssyncadd.s32 $0xFFFFFC00  }
0x175: {  	_ =	swait.ge [sflag:s12], $0x400  }
0x176: {  	[sflag:s12] =	ssyncset.done $0x0  }
0x177: {  	[sflag:s12] =	ssyncadd.s32 $0xFFFFFC00  }
0x178: {  	_ =	swait.ge [sflag:s12], $0x400  }
0x179: {  	[sflag:s12] =	ssyncset.done $0x0  }
0x17a: {  	[sflag:s12] =	ssyncadd.s32 $0xFFFFFC00  }
0x17b: {  	_ =	swait.ge [sflag:s12], $0x400  }
0x17c: {  	[sflag:s12] =	ssyncset.done $0x0  }
0x17d: {  	[sflag:s12] =	ssyncadd.s32 $0xFFFFFC00  }
0x17e: {  	_ =	swait.ge [sflag:s12], $0x400  }
0x17f: {  	[sflag:s12] =	ssyncset.done $0x0  }
0x180: {  	[sflag:s12] =	ssyncadd.s32 $0xFFFFFC00  }
0x181: {  	_ =	swait.ge [sflag:s12], $0x400  }
0x182: {  	[sflag:s12] =	ssyncset.done $0x0  }
0x183: {  	[sflag:s12] =	ssyncadd.s32 $0xFFFFFC00  }
0x184: {  	_ =	swait.ge [sflag:s12], $0x400  }
0x185: {  	[sflag:s12] =	ssyncset.done $0x0  }
0x186: {  	[sflag:s12] =	ssyncadd.s32 $0xFFFFFC00  }
0x187: {  	_ =	swait.ge [sflag:s12], $0x400  }
0x188: {  	[sflag:s12] =	ssyncset.done $0x0  }
0x189: {  	[sflag:s12] =	ssyncadd.s32 $0xFFFFFC00  }
0x18a: {  	_ =	swait.ge [sflag:s12], $0x400  }
0x18b: {  	[sflag:s12] =	ssyncset.done $0x0  }
0x18c: {  	[sflag:s12] =	ssyncadd.s32 $0xFFFFFC00  }
0x18d: {  	_ =	swait.ge [sflag:s12], $0x400  }
0x18e: {  	[sflag:s12] =	ssyncset.done $0x0  }
0x18f: {  	[sflag:s12] =	ssyncadd.s32 $0xFFFFFC00  }
0x190: {  	_ =	swait.ge [sflag:s12], $0x400  }
0x191: {  	[sflag:s12] =	ssyncset.done $0x0  }
0x192: {  	[sflag:s12] =	ssyncadd.s32 $0xFFFFFC00  }
0x193: {  	_ =	swait.ge [sflag:s12], $0x400  }
0x194: {  	[sflag:s12] =	ssyncset.done $0x0  }
0x195: {  	[sflag:s12] =	ssyncadd.s32 $0xFFFFFC00  }
0x196: {  	_ =	swait.ge [sflag:s12], $0x400  }
0x197: {  	[sflag:s12] =	ssyncset.done $0x0  }
0x198: {  	[sflag:s12] =	ssyncadd.s32 $0xFFFFFC00  }
0x199: {  	_ =	swait.ge [sflag:s12], $0x400  }
0x19a: {  	[sflag:s12] =	ssyncset.done $0x0  }
0x19b: {  	[sflag:s12] =	ssyncadd.s32 $0xFFFFFC00  }
0x19c: {  	_ =	swait.ge [sflag:s12], $0x400  }
0x19d: {  	[sflag:s12] =	ssyncset.done $0x0  }
0x19e: {  	[sflag:s12] =	ssyncadd.s32 $0xFFFFFC00  }
0x19f: {  	_ =	swait.ge [sflag:s12], $0x400  }
0x1a0: {  	[sflag:s12] =	ssyncset.done $0x0  }
0x1a1: {  	[sflag:s12] =	ssyncadd.s32 $0xFFFFFC00  }
0x1a2: {  	_ =	swait.ge [sflag:s12], $0x400  }
0x1a3: {  	[sflag:s12] =	ssyncset.done $0x0  }
0x1a4: {  	[sflag:s12] =	ssyncadd.s32 $0xFFFFFC00  }
0x1a5: {  	_ =	swait.ge [sflag:s12], $0x400  }
0x1a6: {  	[sflag:s12] =	ssyncset.done $0x0  }
0x1a7: {  	[sflag:s12] =	ssyncadd.s32 $0xFFFFFC00  }
0x1a8: {  	_ =	swait.ge [sflag:s12], $0x400  }
0x1a9: {  	[sflag:s12] =	ssyncset.done $0x0  }
0x1aa: {  	[sflag:s12] =	ssyncadd.s32 $0xFFFFFC00  }
0x1ab: {  	_ =	swait.ge [sflag:s12], $0x400  }
0x1ac: {  	[sflag:s12] =	ssyncset.done $0x0  }
0x1ad: {  	[sflag:s12] =	ssyncadd.s32 $0xFFFFFC00  }
0x1ae: {  	_ =	swait.ge [sflag:s12], $0x400  }
0x1af: {  	[sflag:s12] =	ssyncset.done $0x0  }
0x1b0: {  	[sflag:s12] =	ssyncadd.s32 $0xFFFFFC00  }
0x1b1: {  	_ =	swait.ge [sflag:s12], $0x400  }
0x1b2: {  	[sflag:s12] =	ssyncset.done $0x0  }
0x1b3: {  	[sflag:s12] =	ssyncadd.s32 $0xFFFFFC00  }
0x1b4: {  	_ =	swait.ge [sflag:s12], $0x400  }
0x1b5: {  	[sflag:s12] =	ssyncset.done $0x0  }
0x1b6: {  	[sflag:s12] =	ssyncadd.s32 $0xFFFFFC00  }
0x1b7: {  	_ =	swait.ge [sflag:s12], $0x400  }
0x1b8: {  	[sflag:s12] =	ssyncset.done $0x0  }
0x1b9: {  	[sflag:s12] =	ssyncadd.s32 $0xFFFFFC00  }
0x1ba: {  	_ =	swait.ge [sflag:s12], $0x400  }
0x1bb: {  	[sflag:s12] =	ssyncset.done $0x0  }
0x1bc: {  	[sflag:s12] =	ssyncadd.s32 $0xFFFFFC00  }
0x1bd: {  	_ =	swait.ge [sflag:s12], $0x400  }
0x1be: {  	[sflag:s12] =	ssyncset.done $0x0  }
0x1bf: {  	[sflag:s12] =	ssyncadd.s32 $0xFFFFFC00  }
0x1c0: {  	_ =	swait.ge [sflag:s12], $0x400  }
0x1c1: {  	[sflag:s12] =	ssyncset.done $0x0  }
0x1c2: {  	[sflag:s12] =	ssyncadd.s32 $0xFFFFFC00  }
0x1c3: {  	_ =	swait.ge [sflag:s12], $0x400  }
0x1c4: {  	[sflag:s12] =	ssyncset.done $0x0  }
0x1c5: {  	[sflag:s12] =	ssyncadd.s32 $0xFFFFFC00  }
0x1c6: {  	_ =	swait.ge [sflag:s12], $0x400  }
0x1c7: {  	[sflag:s12] =	ssyncset.done $0x0  }
0x1c8: {  	[sflag:s12] =	ssyncadd.s32 $0xFFFFFC00  }
0x1c9: {  	_ =	swait.ge [sflag:s12], $0x400  }
0x1ca: {  	[sflag:s12] =	ssyncset.done $0x0  }
0x1cb: {  	[sflag:s12] =	ssyncadd.s32 $0xFFFFFC00  }
0x1cc: {  	_ =	swait.ge [sflag:s12], $0x400  }
0x1cd: {  	[sflag:s12] =	ssyncset.done $0x0  }
0x1ce: {  	[sflag:s12] =	ssyncadd.s32 $0xFFFFFC00  }
0x1cf: {  	_ =	swait.ge [sflag:s12], $0x400  }
0x1d0: {  	[sflag:s12] =	ssyncset.done $0x0  }
0x1d1: {  	[sflag:s12] =	ssyncadd.s32 $0xFFFFFC00  }
0x1d2: {  	_ =	swait.ge [sflag:s12], $0x400  }
0x1d3: {  	[sflag:s12] =	ssyncset.done $0x0  }
0x1d4: {  	[sflag:s12] =	ssyncadd.s32 $0xFFFFFC00  }
0x1d5: {  	_ =	swait.ge [sflag:s12], $0x400  }
0x1d6: {  	[sflag:s12] =	ssyncset.done $0x0  }
0x1d7: {  	[sflag:s12] =	ssyncadd.s32 $0xFFFFFC00  }
0x1d8: {  	_ =	swait.ge [sflag:s12], $0x400  }
0x1d9: {  	[sflag:s12] =	ssyncset.done $0x0  }
0x1da: {  	[sflag:s12] =	ssyncadd.s32 $0xFFFFFC00  }
0x1db: {  	_ =	swait.ge [sflag:s12], $0x400  }
0x1dc: {  	[sflag:s12] =	ssyncset.done $0x0  }
0x1dd: {  	[sflag:s12] =	ssyncadd.s32 $0xFFFFFC00  }
0x1de: {  	_ =	swait.ge [sflag:s12], $0x400  }
0x1df: {  	[sflag:s12] =	ssyncset.done $0x0  }
0x1e0: {  	[sflag:s12] =	ssyncadd.s32 $0xFFFFFC00  }
0x1e1: {  	_ =	swait.ge [sflag:s12], $0x400  }
0x1e2: {  	[sflag:s12] =	ssyncset.done $0x0  }
0x1e3: {  	[sflag:s12] =	ssyncadd.s32 $0xFFFFFC00  }
0x1e4: {  	_ =	swait.ge [sflag:s12], $0x400  }
0x1e5: {  	[sflag:s12] =	ssyncset.done $0x0  }
0x1e6: {  	[sflag:s12] =	ssyncadd.s32 $0xFFFFFC00  }
0x1e7: {  	_ =	swait.ge [sflag:s12], $0x400  }
0x1e8: {  	[sflag:s12] =	ssyncset.done $0x0  }
0x1e9: {  	[sflag:s12] =	ssyncadd.s32 $0xFFFFFC00  }
0x1ea: {  	_ =	swait.ge [sflag:s12], $0x400  }
0x1eb: {  	[sflag:s12] =	ssyncset.done $0x0  }
0x1ec: {  	[sflag:s12] =	ssyncadd.s32 $0xFFFFFC00  }
0x1ed: {  	_ =	swait.ge [sflag:s12], $0x400  }
0x1ee: {  	[sflag:s12] =	ssyncset.done $0x0  }
0x1ef: {  	[sflag:s12] =	ssyncadd.s32 $0xFFFFFC00  }
0x1f0: {  	_ =	swait.ge [sflag:s12], $0x400  }
0x1f1: {  	[sflag:s12] =	ssyncset.done $0x0  }
0x1f2: {  	[sflag:s12] =	ssyncadd.s32 $0xFFFFFC00  }
0x1f3: {  	_ =	swait.ge [sflag:s12], $0x400  }
0x1f4: {  	[sflag:s12] =	ssyncset.done $0x0  }
0x1f5: {  	[sflag:s12] =	ssyncadd.s32 $0xFFFFFC00  }
0x1f6: {  	_ =	swait.ge [sflag:s12], $0x400  }
0x1f7: {  	[sflag:s12] =	ssyncset.done $0x0  }
0x1f8: {  	[sflag:s12] =	ssyncadd.s32 $0xFFFFFC00  }
0x1f9: {  	_ =	swait.ge [sflag:s12], $0x400  }
0x1fa: {  	[sflag:s12] =	ssyncset.done $0x0  }
0x1fb: {  	[sflag:s12] =	ssyncadd.s32 $0xFFFFFC00  }
0x1fc: {  	v2 =	vld [tilespmem:s17+$0xFFFFFFF0];
	_ =	sdelay $0x4  }
0x1fd: {  	v2 =	vshll.u32 v2, $0x7  }
0x1fe: {  	v2 =	vand.u32 $0x380, v2  }
0x1ff: {  	v3 =	vor.u32 v6, v2;
	_ =	sdelay $0x4  }
0x200: {  	v3 =	vld.idx.msk [tilespmem:v3+s10+$0x0], $0xffff  }
0x201: {  	v4 =	vor.u32 v5, v2;
	_ =	sdelay $0x3  }
0x202: {  	[tilespmem:v1+s13+$0x0] =	vst.idx.msk $0xffff, v3  }
0x203: {  	v3 =	vld.idx.msk [tilespmem:v4+s10+$0x0], $0xffff  }
0x204: {  	v4 =	vor.u32 v7, v2;
	_ =	sdelay $0x3  }
0x205: {  	[tilespmem:v0+s13+$0x0] =	vst.idx.msk $0xffff, v3  }
0x206: {  	v3 =	vld.idx.msk [tilespmem:v4+s10+$0x0], $0xffff  }
0x207: {  	v4 =	vor.u32 v8, v2;
	_ =	sdelay $0x3  }
0x208: {  	[tilespmem:v9+s13+$0x0] =	vst.idx.msk $0xffff, v3  }
0x209: {  	v3 =	vld.idx.msk [tilespmem:v4+s10+$0x0], $0xffff  }
0x20a: {  	v4 =	vor.u32 v11, v2;
	_ =	sdelay $0x3  }
0x20b: {  	[tilespmem:v10+s13+$0x0] =	vst.idx.msk $0xffff, v3  }
0x20c: {  	v3 =	vld.idx.msk [tilespmem:v4+s10+$0x0], $0xffff  }
0x20d: {  	v4 =	vor.u32 v13, v2;
	_ =	sdelay $0x3  }
0x20e: {  	[tilespmem:v12+s13+$0x0] =	vst.idx.msk $0xffff, v3  }
0x20f: {  	v3 =	vld.idx.msk [tilespmem:v4+s10+$0x0], $0xffff  }
0x210: {  	v4 =	vor.u32 v15, v2;
	_ =	sdelay $0x3  }
0x211: {  	[tilespmem:v14+s13+$0x0] =	vst.idx.msk $0xffff, v3  }
0x212: {  	v3 =	vld.idx.msk [tilespmem:v4+s10+$0x0], $0xffff  }
0x213: {  	v4 =	vor.u32 v17, v2;
	_ =	sdelay $0x3  }
0x214: {  	[tilespmem:v16+s13+$0x0] =	vst.idx.msk $0xffff, v3  }
0x215: {  	v3 =	vld.idx.msk [tilespmem:v4+s10+$0x0], $0xffff  }
0x216: {  	v4 =	vor.u32 v19, v2;
	_ =	sdelay $0x3  }
0x217: {  	[tilespmem:v18+s13+$0x0] =	vst.idx.msk $0xffff, v3  }
0x218: {  	v3 =	vld.idx.msk [tilespmem:v4+s10+$0x0], $0xffff  }
0x219: {  	v4 =	vor.u32 v21, v2;
	_ =	sdelay $0x3  }
0x21a: {  	[tilespmem:v20+s13+$0x0] =	vst.idx.msk $0xffff, v3  }
0x21b: {  	v3 =	vld.idx.msk [tilespmem:v4+s10+$0x0], $0xffff  }
0x21c: {  	v4 =	vor.u32 v23, v2;
	_ =	sdelay $0x3  }
0x21d: {  	[tilespmem:v22+s13+$0x0] =	vst.idx.msk $0xffff, v3  }
0x21e: {  	v3 =	vld.idx.msk [tilespmem:v4+s10+$0x0], $0xffff  }
0x21f: {  	v4 =	vor.u32 v25, v2;
	_ =	sdelay $0x3  }
0x220: {  	[tilespmem:v24+s13+$0x0] =	vst.idx.msk $0xffff, v3  }
0x221: {  	v3 =	vld.idx.msk [tilespmem:v4+s10+$0x0], $0xffff  }
0x222: {  	v4 =	vor.u32 v27, v2;
	_ =	sdelay $0x3  }
0x223: {  	[tilespmem:v26+s13+$0x0] =	vst.idx.msk $0xffff, v3  }
0x224: {  	v3 =	vld.idx.msk [tilespmem:v4+s10+$0x0], $0xffff  }
0x225: {  	v4 =	vor.u32 v29, v2;
	_ =	sdelay $0x3  }
0x226: {  	[tilespmem:v28+s13+$0x0] =	vst.idx.msk $0xffff, v3  }
0x227: {  	v3 =	vld.idx.msk [tilespmem:v4+s10+$0x0], $0xffff  }
0x228: {  	v4 =	vor.u32 v31, v2;
	_ =	sdelay $0x3  }
0x229: {  	[tilespmem:v30+s13+$0x0] =	vst.idx.msk $0xffff, v3  }
0x22a: {  	v3 =	vld.idx.msk [tilespmem:v4+s10+$0x0], $0xffff  }
0x22b: {  	v4 =	vor.u32 v33, v2;
	_ =	sdelay $0x3  }
0x22c: {  	[tilespmem:v32+s13+$0x0] =	vst.idx.msk $0xffff, v3  }
0x22d: {  	v3 =	vld.idx.msk [tilespmem:v4+s10+$0x0], $0xffff  }
0x22e: {  	v4 =	vor.u32 v35, v2;
	_ =	sdelay $0x3  }
0x22f: {  	[tilespmem:v34+s13+$0x0] =	vst.idx.msk $0xffff, v3  }
0x230: {  	v3 =	vld.idx.msk [tilespmem:v4+s10+$0x0], $0xffff  }
0x231: {  	v4 =	vor.u32 v37, v2;
	_ =	sdelay $0x3  }
0x232: {  	[tilespmem:v36+s13+$0x0] =	vst.idx.msk $0xffff, v3  }
0x233: {  	v3 =	vld.idx.msk [tilespmem:v4+s10+$0x0], $0xffff  }
0x234: {  	v4 =	vor.u32 v39, v2;
	_ =	sdelay $0x3  }
0x235: {  	[tilespmem:v38+s13+$0x0] =	vst.idx.msk $0xffff, v3  }
0x236: {  	v3 =	vld.idx.msk [tilespmem:v4+s10+$0x0], $0xffff  }
0x237: {  	v4 =	vor.u32 v41, v2;
	_ =	sdelay $0x3  }
0x238: {  	[tilespmem:v40+s13+$0x0] =	vst.idx.msk $0xffff, v3  }
0x239: {  	v3 =	vld.idx.msk [tilespmem:v4+s10+$0x0], $0xffff  }
0x23a: {  	v4 =	vor.u32 v43, v2;
	_ =	sdelay $0x3  }
0x23b: {  	[tilespmem:v42+s13+$0x0] =	vst.idx.msk $0xffff, v3  }
0x23c: {  	v3 =	vld.idx.msk [tilespmem:v4+s10+$0x0], $0xffff  }
0x23d: {  	v4 =	vor.u32 v45, v2;
	_ =	sdelay $0x3  }
0x23e: {  	[tilespmem:v44+s13+$0x0] =	vst.idx.msk $0xffff, v3  }
0x23f: {  	v3 =	vld.idx.msk [tilespmem:v4+s10+$0x0], $0xffff  }
0x240: {  	v4 =	vor.u32 v47, v2;
	_ =	sdelay $0x3  }
0x241: {  	[tilespmem:v46+s13+$0x0] =	vst.idx.msk $0xffff, v3  }
0x242: {  	v3 =	vld.idx.msk [tilespmem:v4+s10+$0x0], $0xffff  }
0x243: {  	v4 =	vor.u32 v49, v2;
	_ =	sdelay $0x3  }
0x244: {  	[tilespmem:v48+s13+$0x0] =	vst.idx.msk $0xffff, v3  }
0x245: {  	v3 =	vld.idx.msk [tilespmem:v4+s10+$0x0], $0xffff  }
0x246: {  	v4 =	vor.u32 v51, v2;
	_ =	sdelay $0x3  }
0x247: {  	[tilespmem:v50+s13+$0x0] =	vst.idx.msk $0xffff, v3  }
0x248: {  	v3 =	vld.idx.msk [tilespmem:v4+s10+$0x0], $0xffff  }
0x249: {  	v4 =	vor.u32 v53, v2;
	_ =	sdelay $0x3  }
0x24a: {  	[tilespmem:v52+s13+$0x0] =	vst.idx.msk $0xffff, v3  }
0x24b: {  	v3 =	vld.idx.msk [tilespmem:v4+s10+$0x0], $0xffff  }
0x24c: {  	v4 =	vor.u32 v55, v2;
	_ =	sdelay $0x3  }
0x24d: {  	[tilespmem:v54+s13+$0x0] =	vst.idx.msk $0xffff, v3  }
0x24e: {  	v3 =	vld.idx.msk [tilespmem:v4+s10+$0x0], $0xffff  }
0x24f: {  	v4 =	vor.u32 v57, v2;
	_ =	sdelay $0x3  }
0x250: {  	[tilespmem:v56+s13+$0x0] =	vst.idx.msk $0xffff, v3  }
0x251: {  	v3 =	vld.idx.msk [tilespmem:v4+s10+$0x0], $0xffff  }
0x252: {  	v4 =	vor.u32 v59, v2;
	_ =	sdelay $0x3  }
0x253: {  	[tilespmem:v58+s13+$0x0] =	vst.idx.msk $0xffff, v3  }
0x254: {  	v3 =	vld.idx.msk [tilespmem:v4+s10+$0x0], $0xffff  }
0x255: {  	v4 =	vor.u32 v61, v2  }
0x256: {  	v63 =	vmov v8;
	v8 =	vld [tilespmem:$0x1FFA0]  }
0x257: {  	v7 =	vld [tilespmem:$0x1FF90];
	_ =	sdelay $0x1  }
0x258: {  	[tilespmem:v60+s13+$0x0] =	vst.idx.msk $0xffff, v3  }
0x259: {  	v3 =	vld.idx.msk [tilespmem:v4+s10+$0x0], $0xffff  }
0x25a: {  	v4 =	vor.u32 v8, v2  }
0x25b: {  	v0 =	vld [tilespmem:$0x1FFB0];
	_ =	sdelay $0x2  }
0x25c: {  	[tilespmem:v7+s13+$0x0] =	vst.idx.msk $0xffff, v3  }
0x25d: {  	v3 =	vld.idx.msk [tilespmem:v4+s10+$0x0], $0xffff  }
0x25e: {  	v2 =	vor.u32 v0, v2;
	_ =	sdelay $0x3  }
0x25f: {  	[tilespmem:v62+s13+$0x0] =	vst.idx.msk $0xffff, v3  }
0x260: {  	v0 =	vor.u32 $0x1F, v1;
	v2 =	vld.idx.msk [tilespmem:v2+s10+$0x0], $0xffff;
	_ =	sdelay $0x4  }
0x261: {  	[tilespmem:v0+s13+$0x0] =	vst.idx.msk $0xffff, v2  }
0x262: {  	v2 =	vld [tilespmem:s17+$0x0];
	_ =	sdelay $0x4  }
0x263: {  	v2 =	vshll.u32 v2, $0x7  }
0x264: {  	[tilespmem:$0x1FBA0] =	vst v0;
	v0 =	vor.u32 $0x4000, v6;
	v3 =	vand.u32 $0x380, v2  }
0x265: {  	v2 =	vor.u32 v0, v3;
	_ =	sdelay $0x4  }
0x266: {  	v4 =	vor.u32 $0x4001, v6;
	[tilespmem:$0x1FBB0] =	vst v0;
	v0 =	vor.u32 $0x800, v1;
	v2 =	vld.idx.msk [tilespmem:v2+s10+$0x0], $0xffff  }
0x267: {  	[tilespmem:$0x1FBC0] =	vst v4;
	v4 =	vor.u32 v4, v3;
	_ =	sdelay $0x3  }
0x268: {  	[tilespmem:v0+s13+$0x0] =	vst.idx.msk $0xffff, v2  }
0x269: {  	[tilespmem:$0x1FBD0] =	vst v0;
	v0 =	vor.u32 $0x801, v1;
	v2 =	vld.idx.msk [tilespmem:v4+s10+$0x0], $0xffff;
	v4 =	vor.u32 $0x4002, v6  }
0x26a: {  	[tilespmem:$0x1FBE0] =	vst v4;
	v4 =	vor.u32 v4, v3;
	_ =	sdelay $0x3  }
0x26b: {  	[tilespmem:v0+s13+$0x0] =	vst.idx.msk $0xffff, v2  }
0x26c: {  	[tilespmem:$0x1FBF0] =	vst v0;
	v0 =	vor.u32 $0x802, v1;
	v2 =	vld.idx.msk [tilespmem:v4+s10+$0x0], $0xffff;
	v4 =	vor.u32 $0x4003, v6  }
0x26d: {  	[tilespmem:$0x1FC00] =	vst v4;
	v4 =	vor.u32 v4, v3;
	_ =	sdelay $0x3  }
0x26e: {  	[tilespmem:v0+s13+$0x0] =	vst.idx.msk $0xffff, v2  }
0x26f: {  	[tilespmem:$0x1FC10] =	vst v0;
	v0 =	vor.u32 $0x803, v1;
	v2 =	vld.idx.msk [tilespmem:v4+s10+$0x0], $0xffff;
	v4 =	vor.u32 $0x4004, v6  }
0x270: {  	[tilespmem:$0x1FC20] =	vst v4;
	v4 =	vor.u32 v4, v3;
	_ =	sdelay $0x3  }
0x271: {  	[tilespmem:v0+s13+$0x0] =	vst.idx.msk $0xffff, v2  }
0x272: {  	[tilespmem:$0x1FC30] =	vst v0;
	v0 =	vor.u32 $0x804, v1;
	v2 =	vld.idx.msk [tilespmem:v4+s10+$0x0], $0xffff;
	v4 =	vor.u32 $0x4005, v6  }
0x273: {  	[tilespmem:$0x1FC40] =	vst v4;
	v4 =	vor.u32 v4, v3;
	_ =	sdelay $0x3  }
0x274: {  	[tilespmem:v0+s13+$0x0] =	vst.idx.msk $0xffff, v2  }
0x275: {  	[tilespmem:$0x1FC50] =	vst v0;
	v0 =	vor.u32 $0x805, v1;
	v2 =	vld.idx.msk [tilespmem:v4+s10+$0x0], $0xffff;
	v4 =	vor.u32 $0x4006, v6  }
0x276: {  	[tilespmem:$0x1FC60] =	vst v4;
	v4 =	vor.u32 v4, v3;
	_ =	sdelay $0x3  }
0x277: {  	[tilespmem:v0+s13+$0x0] =	vst.idx.msk $0xffff, v2  }
0x278: {  	[tilespmem:$0x1FC70] =	vst v0;
	v0 =	vor.u32 $0x806, v1;
	v2 =	vld.idx.msk [tilespmem:v4+s10+$0x0], $0xffff;
	v4 =	vor.u32 $0x4007, v6  }
0x279: {  	[tilespmem:$0x1FC80] =	vst v4;
	v4 =	vor.u32 v4, v3;
	_ =	sdelay $0x3  }
0x27a: {  	[tilespmem:v0+s13+$0x0] =	vst.idx.msk $0xffff, v2  }
0x27b: {  	[tilespmem:$0x1FC90] =	vst v0;
	v0 =	vor.u32 $0x807, v1;
	v2 =	vld.idx.msk [tilespmem:v4+s10+$0x0], $0xffff;
	v4 =	vor.u32 $0x4008, v6  }
0x27c: {  	[tilespmem:$0x1FCA0] =	vst v4;
	v4 =	vor.u32 v4, v3;
	_ =	sdelay $0x3  }
0x27d: {  	[tilespmem:v0+s13+$0x0] =	vst.idx.msk $0xffff, v2  }
0x27e: {  	[tilespmem:$0x1FCB0] =	vst v0;
	v0 =	vor.u32 $0x808, v1;
	v2 =	vld.idx.msk [tilespmem:v4+s10+$0x0], $0xffff;
	v4 =	vor.u32 $0x4009, v6  }
0x27f: {  	[tilespmem:$0x1FCC0] =	vst v4;
	v4 =	vor.u32 v4, v3;
	_ =	sdelay $0x3  }
0x280: {  	[tilespmem:v0+s13+$0x0] =	vst.idx.msk $0xffff, v2  }
0x281: {  	[tilespmem:$0x1FCD0] =	vst v0;
	v0 =	vor.u32 $0x809, v1;
	v2 =	vld.idx.msk [tilespmem:v4+s10+$0x0], $0xffff;
	v4 =	vor.u32 $0x400A, v6  }
0x282: {  	[tilespmem:$0x1FCE0] =	vst v4;
	v4 =	vor.u32 v4, v3;
	_ =	sdelay $0x3  }
0x283: {  	[tilespmem:v0+s13+$0x0] =	vst.idx.msk $0xffff, v2  }
0x284: {  	[tilespmem:$0x1FCF0] =	vst v0;
	v0 =	vor.u32 $0x80A, v1;
	v2 =	vld.idx.msk [tilespmem:v4+s10+$0x0], $0xffff;
	v4 =	vor.u32 $0x400B, v6  }
0x285: {  	[tilespmem:$0x1FD00] =	vst v4;
	v4 =	vor.u32 v4, v3;
	_ =	sdelay $0x3  }
0x286: {  	[tilespmem:v0+s13+$0x0] =	vst.idx.msk $0xffff, v2  }
0x287: {  	[tilespmem:$0x1FD10] =	vst v0;
	v0 =	vor.u32 $0x80B, v1;
	v2 =	vld.idx.msk [tilespmem:v4+s10+$0x0], $0xffff;
	v4 =	vor.u32 $0x400C, v6  }
0x288: {  	[tilespmem:$0x1FD20] =	vst v4;
	v4 =	vor.u32 v4, v3;
	_ =	sdelay $0x3  }
0x289: {  	[tilespmem:v0+s13+$0x0] =	vst.idx.msk $0xffff, v2  }
0x28a: {  	[tilespmem:$0x1FD30] =	vst v0;
	v0 =	vor.u32 $0x80C, v1;
	v2 =	vld.idx.msk [tilespmem:v4+s10+$0x0], $0xffff;
	v4 =	vor.u32 $0x400D, v6  }
0x28b: {  	[tilespmem:$0x1FD40] =	vst v4;
	v4 =	vor.u32 v4, v3;
	_ =	sdelay $0x3  }
0x28c: {  	[tilespmem:v0+s13+$0x0] =	vst.idx.msk $0xffff, v2  }
0x28d: {  	[tilespmem:$0x1FD50] =	vst v0;
	v0 =	vor.u32 $0x80D, v1;
	v2 =	vld.idx.msk [tilespmem:v4+s10+$0x0], $0xffff;
	v4 =	vor.u32 $0x400E, v6  }
0x28e: {  	[tilespmem:$0x1FD60] =	vst v4;
	v4 =	vor.u32 v4, v3;
	_ =	sdelay $0x3  }
0x28f: {  	[tilespmem:v0+s13+$0x0] =	vst.idx.msk $0xffff, v2  }
0x290: {  	[tilespmem:$0x1FD70] =	vst v0;
	v0 =	vor.u32 $0x80E, v1;
	v2 =	vld.idx.msk [tilespmem:v4+s10+$0x0], $0xffff;
	v4 =	vor.u32 $0x400F, v6  }
0x291: {  	[tilespmem:$0x1FD80] =	vst v4;
	v4 =	vor.u32 v4, v3;
	_ =	sdelay $0x3  }
0x292: {  	[tilespmem:v0+s13+$0x0] =	vst.idx.msk $0xffff, v2  }
0x293: {  	[tilespmem:$0x1FD90] =	vst v0;
	v0 =	vor.u32 $0x80F, v1;
	v2 =	vld.idx.msk [tilespmem:v4+s10+$0x0], $0xffff;
	v4 =	vor.u32 $0x4010, v6  }
0x294: {  	[tilespmem:$0x1FDA0] =	vst v4;
	v4 =	vor.u32 v4, v3;
	_ =	sdelay $0x3  }
0x295: {  	[tilespmem:v0+s13+$0x0] =	vst.idx.msk $0xffff, v2  }
0x296: {  	[tilespmem:$0x1FDB0] =	vst v0;
	v0 =	vor.u32 $0x810, v1;
	v2 =	vld.idx.msk [tilespmem:v4+s10+$0x0], $0xffff;
	v4 =	vor.u32 $0x4011, v6  }
0x297: {  	[tilespmem:$0x1FDC0] =	vst v4;
	v4 =	vor.u32 v4, v3;
	_ =	sdelay $0x3  }
0x298: {  	[tilespmem:v0+s13+$0x0] =	vst.idx.msk $0xffff, v2  }
0x299: {  	[tilespmem:$0x1FDD0] =	vst v0;
	v0 =	vor.u32 $0x811, v1;
	v2 =	vld.idx.msk [tilespmem:v4+s10+$0x0], $0xffff;
	v4 =	vor.u32 $0x4012, v6  }
0x29a: {  	[tilespmem:$0x1FDE0] =	vst v4;
	v4 =	vor.u32 v4, v3;
	_ =	sdelay $0x3  }
0x29b: {  	[tilespmem:v0+s13+$0x0] =	vst.idx.msk $0xffff, v2  }
0x29c: {  	[tilespmem:$0x1FDF0] =	vst v0;
	v0 =	vor.u32 $0x812, v1;
	v2 =	vld.idx.msk [tilespmem:v4+s10+$0x0], $0xffff;
	v4 =	vor.u32 $0x4013, v6  }
0x29d: {  	[tilespmem:$0x1FE00] =	vst v4;
	v4 =	vor.u32 v4, v3;
	_ =	sdelay $0x3  }
0x29e: {  	[tilespmem:v0+s13+$0x0] =	vst.idx.msk $0xffff, v2  }
0x29f: {  	[tilespmem:$0x1FE10] =	vst v0;
	v0 =	vor.u32 $0x813, v1;
	v2 =	vld.idx.msk [tilespmem:v4+s10+$0x0], $0xffff;
	v4 =	vor.u32 $0x4014, v6  }
0x2a0: {  	[tilespmem:$0x1FE20] =	vst v4;
	v4 =	vor.u32 v4, v3;
	_ =	sdelay $0x3  }
0x2a1: {  	[tilespmem:v0+s13+$0x0] =	vst.idx.msk $0xffff, v2  }
0x2a2: {  	[tilespmem:$0x1FE30] =	vst v0;
	v0 =	vor.u32 $0x814, v1;
	v2 =	vld.idx.msk [tilespmem:v4+s10+$0x0], $0xffff;
	v4 =	vor.u32 $0x4015, v6  }
0x2a3: {  	[tilespmem:$0x1FE40] =	vst v4;
	v4 =	vor.u32 v4, v3;
	_ =	sdelay $0x3  }
0x2a4: {  	[tilespmem:v0+s13+$0x0] =	vst.idx.msk $0xffff, v2  }
0x2a5: {  	[tilespmem:$0x1FE50] =	vst v0;
	v0 =	vor.u32 $0x815, v1;
	v2 =	vld.idx.msk [tilespmem:v4+s10+$0x0], $0xffff;
	v4 =	vor.u32 $0x4016, v6  }
0x2a6: {  	[tilespmem:$0x1FE60] =	vst v4;
	v4 =	vor.u32 v4, v3;
	_ =	sdelay $0x3  }
0x2a7: {  	[tilespmem:v0+s13+$0x0] =	vst.idx.msk $0xffff, v2  }
0x2a8: {  	[tilespmem:$0x1FE70] =	vst v0;
	v0 =	vor.u32 $0x816, v1;
	v2 =	vld.idx.msk [tilespmem:v4+s10+$0x0], $0xffff;
	v4 =	vor.u32 $0x4017, v6  }
0x2a9: {  	[tilespmem:$0x1FE80] =	vst v4;
	v4 =	vor.u32 v4, v3;
	_ =	sdelay $0x3  }
0x2aa: {  	[tilespmem:v0+s13+$0x0] =	vst.idx.msk $0xffff, v2  }
0x2ab: {  	[tilespmem:$0x1FE90] =	vst v0;
	v0 =	vor.u32 $0x817, v1;
	v2 =	vld.idx.msk [tilespmem:v4+s10+$0x0], $0xffff;
	v4 =	vor.u32 $0x4018, v6  }
0x2ac: {  	[tilespmem:$0x1FEA0] =	vst v4;
	v4 =	vor.u32 v4, v3;
	_ =	sdelay $0x3  }
0x2ad: {  	[tilespmem:v0+s13+$0x0] =	vst.idx.msk $0xffff, v2  }
0x2ae: {  	[tilespmem:$0x1FEB0] =	vst v0;
	v0 =	vor.u32 $0x818, v1;
	v2 =	vld.idx.msk [tilespmem:v4+s10+$0x0], $0xffff;
	v4 =	vor.u32 $0x4019, v6  }
0x2af: {  	[tilespmem:$0x1FEC0] =	vst v4;
	v4 =	vor.u32 v4, v3;
	_ =	sdelay $0x3  }
0x2b0: {  	[tilespmem:v0+s13+$0x0] =	vst.idx.msk $0xffff, v2  }
0x2b1: {  	[tilespmem:$0x1FED0] =	vst v0;
	v0 =	vor.u32 $0x819, v1;
	v2 =	vld.idx.msk [tilespmem:v4+s10+$0x0], $0xffff;
	v4 =	vor.u32 $0x401A, v6  }
0x2b2: {  	[tilespmem:$0x1FEE0] =	vst v4;
	v4 =	vor.u32 v4, v3;
	_ =	sdelay $0x3  }
0x2b3: {  	[tilespmem:v0+s13+$0x0] =	vst.idx.msk $0xffff, v2  }
0x2b4: {  	[tilespmem:$0x1FEF0] =	vst v0;
	v0 =	vor.u32 $0x81A, v1;
	v2 =	vld.idx.msk [tilespmem:v4+s10+$0x0], $0xffff;
	v4 =	vor.u32 $0x401B, v6  }
0x2b5: {  	[tilespmem:$0x1FF00] =	vst v4;
	v4 =	vor.u32 v4, v3;
	_ =	sdelay $0x3  }
0x2b6: {  	[tilespmem:v0+s13+$0x0] =	vst.idx.msk $0xffff, v2  }
0x2b7: {  	[tilespmem:$0x1FF10] =	vst v0;
	v0 =	vor.u32 $0x81B, v1;
	v2 =	vld.idx.msk [tilespmem:v4+s10+$0x0], $0xffff;
	v4 =	vor.u32 $0x401C, v6  }
0x2b8: {  	[tilespmem:$0x1FF20] =	vst v4;
	v4 =	vor.u32 v4, v3;
	_ =	sdelay $0x3  }
0x2b9: {  	[tilespmem:v0+s13+$0x0] =	vst.idx.msk $0xffff, v2  }
0x2ba: {  	[tilespmem:$0x1FF30] =	vst v0;
	v0 =	vor.u32 $0x81C, v1;
	v2 =	vld.idx.msk [tilespmem:v4+s10+$0x0], $0xffff;
	v4 =	vor.u32 $0x401D, v6  }
0x2bb: {  	[tilespmem:$0x1FF40] =	vst v4;
	v4 =	vor.u32 v4, v3;
	_ =	sdelay $0x3  }
0x2bc: {  	[tilespmem:v0+s13+$0x0] =	vst.idx.msk $0xffff, v2  }
0x2bd: {  	[tilespmem:$0x1FF50] =	vst v0;
	v0 =	vor.u32 $0x81D, v1;
	v2 =	vld.idx.msk [tilespmem:v4+s10+$0x0], $0xffff;
	v4 =	vor.u32 $0x401E, v6  }
0x2be: {  	[tilespmem:$0x1FF60] =	vst v4;
	v4 =	vor.u32 v4, v3;
	_ =	sdelay $0x3  }
0x2bf: {  	[tilespmem:v0+s13+$0x0] =	vst.idx.msk $0xffff, v2  }
0x2c0: {  	[tilespmem:$0x1FF70] =	vst v0;
	v2 =	vor.u32 $0x81E, v1;
	v0 =	vld.idx.msk [tilespmem:v4+s10+$0x0], $0xffff;
	v4 =	vor.u32 $0x401F, v6  }
0x2c1: {  	v3 =	vor.u32 v4, v3;
	_ =	sdelay $0x3  }
0x2c2: {  	[tilespmem:v2+s13+$0x0] =	vst.idx.msk $0xffff, v0  }
0x2c3: {  	v9 =	vor.u32 $0x81F, v1;
	v0 =	vld.idx.msk [tilespmem:v3+s10+$0x0], $0xffff;
	_ =	sdelay $0x4  }
0x2c4: {  	[tilespmem:v9+s13+$0x0] =	vst.idx.msk $0xffff, v0  }
0x2c5: {  	v0 =	vld [tilespmem:s16+$0xFFFFFFF0];
	_ =	sdelay $0x4  }
0x2c6: {  	v0 =	vshll.u32 v0, $0x7  }
0x2c7: {  	v0 =	vand.u32 $0x380, v0  }
0x2c8: {  	v62 =	vmov v63;
	v63 =	vor.u32 v6, v0;
	_ =	sdelay $0x4  }
0x2c9: {  	v63 =	vld.idx.msk [tilespmem:v63+s11+$0x0], $0xffff;
	_ =	sdelay $0x1  }
0x2ca: {  	v3 =	vmov v5;
	v5 =	vor.u32 v5, v0;
	_ =	sdelay $0x1  }
0x2cb: {  	[tilespmem:$0x1FF80] =	vst v2;
	v2 =	vmov v8;
	v8 =	vld [tilespmem:$0x1FFE0]  }
0x2cc: {  	[tilespmem:v1+s14+$0x0] =	vst.idx.msk $0xffff, v63;
	v63 =	vld [tilespmem:$0x1FFC0];
	_ =	sdelay $0x1  }
0x2cd: {  	v5 =	vld.idx.msk [tilespmem:v5+s11+$0x0], $0xffff;
	_ =	sdelay $0x2  }
0x2ce: {  	v63 =	vor.u32 v63, v0;
	_ =	sdelay $0x1  }
0x2cf: {  	[tilespmem:v8+s14+$0x0] =	vst.idx.msk $0xffff, v5;
	v8 =	vld [tilespmem:$0x1FFD0];
	_ =	sdelay $0x2  }
0x2d0: {  	v5 =	vld.idx.msk [tilespmem:v63+s11+$0x0], $0xffff  }
0x2d1: {  	v63 =	vor.u32 v62, v0;
	_ =	sdelay $0x3  }
0x2d2: {  	[tilespmem:v8+s14+$0x0] =	vst.idx.msk $0xffff, v5  }
0x2d3: {  	v5 =	vld.idx.msk [tilespmem:v63+s11+$0x0], $0xffff  }
0x2d4: {  	v63 =	vor.u32 v11, v0;
	_ =	sdelay $0x3  }
0x2d5: {  	[tilespmem:v10+s14+$0x0] =	vst.idx.msk $0xffff, v5  }
0x2d6: {  	v5 =	vld.idx.msk [tilespmem:v63+s11+$0x0], $0xffff  }
0x2d7: {  	v63 =	vor.u32 v13, v0;
	_ =	sdelay $0x3  }
0x2d8: {  	[tilespmem:v12+s14+$0x0] =	vst.idx.msk $0xffff, v5  }
0x2d9: {  	v5 =	vld.idx.msk [tilespmem:v63+s11+$0x0], $0xffff  }
0x2da: {  	v63 =	vor.u32 v15, v0;
	_ =	sdelay $0x3  }
0x2db: {  	[tilespmem:v14+s14+$0x0] =	vst.idx.msk $0xffff, v5  }
0x2dc: {  	v5 =	vld.idx.msk [tilespmem:v63+s11+$0x0], $0xffff  }
0x2dd: {  	v63 =	vor.u32 v17, v0;
	_ =	sdelay $0x3  }
0x2de: {  	[tilespmem:v16+s14+$0x0] =	vst.idx.msk $0xffff, v5  }
0x2df: {  	v5 =	vld.idx.msk [tilespmem:v63+s11+$0x0], $0xffff  }
0x2e0: {  	v63 =	vor.u32 v19, v0;
	_ =	sdelay $0x3  }
0x2e1: {  	[tilespmem:v18+s14+$0x0] =	vst.idx.msk $0xffff, v5  }
0x2e2: {  	v5 =	vld.idx.msk [tilespmem:v63+s11+$0x0], $0xffff  }
0x2e3: {  	v63 =	vor.u32 v21, v0;
	_ =	sdelay $0x3  }
0x2e4: {  	[tilespmem:v20+s14+$0x0] =	vst.idx.msk $0xffff, v5  }
0x2e5: {  	v5 =	vld.idx.msk [tilespmem:v63+s11+$0x0], $0xffff  }
0x2e6: {  	v63 =	vor.u32 v23, v0;
	_ =	sdelay $0x3  }
0x2e7: {  	[tilespmem:v22+s14+$0x0] =	vst.idx.msk $0xffff, v5  }
0x2e8: {  	v5 =	vld.idx.msk [tilespmem:v63+s11+$0x0], $0xffff  }
0x2e9: {  	v63 =	vor.u32 v25, v0;
	_ =	sdelay $0x3  }
0x2ea: {  	[tilespmem:v24+s14+$0x0] =	vst.idx.msk $0xffff, v5  }
0x2eb: {  	v5 =	vld.idx.msk [tilespmem:v63+s11+$0x0], $0xffff  }
0x2ec: {  	v63 =	vor.u32 v27, v0;
	_ =	sdelay $0x3  }
0x2ed: {  	[tilespmem:v26+s14+$0x0] =	vst.idx.msk $0xffff, v5  }
0x2ee: {  	v5 =	vld.idx.msk [tilespmem:v63+s11+$0x0], $0xffff  }
0x2ef: {  	v63 =	vor.u32 v29, v0;
	_ =	sdelay $0x3  }
0x2f0: {  	[tilespmem:v28+s14+$0x0] =	vst.idx.msk $0xffff, v5  }
0x2f1: {  	v5 =	vld.idx.msk [tilespmem:v63+s11+$0x0], $0xffff  }
0x2f2: {  	v63 =	vor.u32 v31, v0;
	_ =	sdelay $0x3  }
0x2f3: {  	[tilespmem:v30+s14+$0x0] =	vst.idx.msk $0xffff, v5  }
0x2f4: {  	v5 =	vld.idx.msk [tilespmem:v63+s11+$0x0], $0xffff  }
0x2f5: {  	v63 =	vor.u32 v33, v0;
	_ =	sdelay $0x3  }
0x2f6: {  	[tilespmem:v32+s14+$0x0] =	vst.idx.msk $0xffff, v5  }
0x2f7: {  	v5 =	vld.idx.msk [tilespmem:v63+s11+$0x0], $0xffff  }
0x2f8: {  	v63 =	vor.u32 v35, v0;
	_ =	sdelay $0x3  }
0x2f9: {  	[tilespmem:v34+s14+$0x0] =	vst.idx.msk $0xffff, v5  }
0x2fa: {  	v5 =	vld.idx.msk [tilespmem:v63+s11+$0x0], $0xffff  }
0x2fb: {  	v63 =	vor.u32 v37, v0;
	_ =	sdelay $0x3  }
0x2fc: {  	[tilespmem:v36+s14+$0x0] =	vst.idx.msk $0xffff, v5  }
0x2fd: {  	v5 =	vld.idx.msk [tilespmem:v63+s11+$0x0], $0xffff  }
0x2fe: {  	v63 =	vor.u32 v39, v0;
	_ =	sdelay $0x3  }
0x2ff: {  	[tilespmem:v38+s14+$0x0] =	vst.idx.msk $0xffff, v5  }
0x300: {  	v5 =	vld.idx.msk [tilespmem:v63+s11+$0x0], $0xffff  }
0x301: {  	v63 =	vor.u32 v41, v0;
	_ =	sdelay $0x3  }
0x302: {  	[tilespmem:v40+s14+$0x0] =	vst.idx.msk $0xffff, v5  }
0x303: {  	v5 =	vld.idx.msk [tilespmem:v63+s11+$0x0], $0xffff  }
0x304: {  	v63 =	vor.u32 v43, v0;
	_ =	sdelay $0x3  }
0x305: {  	[tilespmem:v42+s14+$0x0] =	vst.idx.msk $0xffff, v5  }
0x306: {  	v5 =	vld.idx.msk [tilespmem:v63+s11+$0x0], $0xffff  }
0x307: {  	v63 =	vor.u32 v45, v0;
	_ =	sdelay $0x3  }
0x308: {  	[tilespmem:v44+s14+$0x0] =	vst.idx.msk $0xffff, v5  }
0x309: {  	v5 =	vld.idx.msk [tilespmem:v63+s11+$0x0], $0xffff  }
0x30a: {  	v63 =	vor.u32 v47, v0;
	_ =	sdelay $0x3  }
0x30b: {  	[tilespmem:v46+s14+$0x0] =	vst.idx.msk $0xffff, v5  }
0x30c: {  	v5 =	vld.idx.msk [tilespmem:v63+s11+$0x0], $0xffff  }
0x30d: {  	v63 =	vor.u32 v49, v0;
	_ =	sdelay $0x3  }
0x30e: {  	[tilespmem:v48+s14+$0x0] =	vst.idx.msk $0xffff, v5  }
0x30f: {  	v5 =	vld.idx.msk [tilespmem:v63+s11+$0x0], $0xffff  }
0x310: {  	v63 =	vor.u32 v51, v0;
	_ =	sdelay $0x3  }
0x311: {  	[tilespmem:v50+s14+$0x0] =	vst.idx.msk $0xffff, v5  }
0x312: {  	v5 =	vld.idx.msk [tilespmem:v63+s11+$0x0], $0xffff  }
0x313: {  	v63 =	vor.u32 v53, v0;
	_ =	sdelay $0x3  }
0x314: {  	[tilespmem:v52+s14+$0x0] =	vst.idx.msk $0xffff, v5  }
0x315: {  	v5 =	vld.idx.msk [tilespmem:v63+s11+$0x0], $0xffff  }
0x316: {  	v63 =	vor.u32 v55, v0;
	_ =	sdelay $0x3  }
0x317: {  	[tilespmem:v54+s14+$0x0] =	vst.idx.msk $0xffff, v5  }
0x318: {  	v5 =	vld.idx.msk [tilespmem:v63+s11+$0x0], $0xffff  }
0x319: {  	v63 =	vor.u32 v57, v0;
	_ =	sdelay $0x3  }
0x31a: {  	[tilespmem:v56+s14+$0x0] =	vst.idx.msk $0xffff, v5  }
0x31b: {  	v5 =	vld.idx.msk [tilespmem:v63+s11+$0x0], $0xffff  }
0x31c: {  	v63 =	vor.u32 v59, v0;
	_ =	sdelay $0x3  }
0x31d: {  	[tilespmem:v58+s14+$0x0] =	vst.idx.msk $0xffff, v5  }
0x31e: {  	v5 =	vld.idx.msk [tilespmem:v63+s11+$0x0], $0xffff  }
0x31f: {  	v63 =	vor.u32 v61, v0;
	_ =	sdelay $0x3  }
0x320: {  	[tilespmem:v60+s14+$0x0] =	vst.idx.msk $0xffff, v5  }
0x321: {  	v5 =	vld.idx.msk [tilespmem:v63+s11+$0x0], $0xffff  }
0x322: {  	v63 =	vor.u32 v2, v0;
	v2 =	vld [tilespmem:$0x1FFB0];
	_ =	sdelay $0x4  }
0x323: {  	v0 =	vor.u32 v2, v0;
	v2 =	vld [tilespmem:$0x1FFF0];
	_ =	sdelay $0x1  }
0x324: {  	[tilespmem:v7+s14+$0x0] =	vst.idx.msk $0xffff, v5  }
0x325: {  	v5 =	vld.idx.msk [tilespmem:v63+s11+$0x0], $0xffff;
	_ =	sdelay $0x4  }
0x326: {  	[tilespmem:v2+s14+$0x0] =	vst.idx.msk $0xffff, v5;
	v2 =	vld [tilespmem:$0x1FBA0];
	_ =	sdelay $0x2  }
0x327: {  	v0 =	vld.idx.msk [tilespmem:v0+s11+$0x0], $0xffff;
	_ =	sdelay $0x4  }
0x328: {  	[tilespmem:v2+s14+$0x0] =	vst.idx.msk $0xffff, v0  }
0x329: {  	v0 =	vld [tilespmem:s16+$0x0];
	_ =	sdelay $0x1  }
0x32a: {  	v2 =	vld [tilespmem:$0x1FBB0];
	_ =	sdelay $0x2  }
0x32b: {  	v0 =	vshll.u32 v0, $0x7  }
0x32c: {  	v0 =	vand.u32 $0x380, v0  }
0x32d: {  	v5 =	vor.u32 v2, v0;
	v2 =	vld [tilespmem:$0x1FBC0];
	_ =	sdelay $0x4  }
0x32e: {  	v63 =	vor.u32 v2, v0;
	v2 =	vld [tilespmem:$0x1FBD0];
	_ =	sdelay $0x2  }
0x32f: {  	v5 =	vld.idx.msk [tilespmem:v5+s11+$0x0], $0xffff;
	_ =	sdelay $0x4  }
0x330: {  	[tilespmem:v2+s14+$0x0] =	vst.idx.msk $0xffff, v5;
	v2 =	vld [tilespmem:$0x1FBE0];
	_ =	sdelay $0x3  }
0x331: {  	v5 =	vld.idx.msk [tilespmem:v63+s11+$0x0], $0xffff  }
0x332: {  	v63 =	vor.u32 v2, v0;
	v2 =	vld [tilespmem:$0x1FBF0];
	_ =	sdelay $0x7  }
0x333: {  	[tilespmem:v2+s14+$0x0] =	vst.idx.msk $0xffff, v5;
	v2 =	vld [tilespmem:$0x1FC00];
	_ =	sdelay $0x4  }
0x334: {  	v8 =	vor.u32 v2, v0;
	v2 =	vld [tilespmem:$0x1FC10];
	_ =	sdelay $0x2  }
0x335: {  	v5 =	vld.idx.msk [tilespmem:v63+s11+$0x0], $0xffff;
	_ =	sdelay $0x4  }
0x336: {  	v7 =	vld [tilespmem:$0x1FC20];
	[tilespmem:v2+s14+$0x0] =	vst.idx.msk $0xffff, v5  }
0x337: {  	v5 =	vld.idx.msk [tilespmem:v8+s11+$0x0], $0xffff  }
0x338: {  	v8 =	vld [tilespmem:$0x1FC30];
	_ =	sdelay $0x3  }
0x339: {  	v7 =	vor.u32 v7, v0;
	_ =	sdelay $0x3  }
0x33a: {  	[tilespmem:v8+s14+$0x0] =	vst.idx.msk $0xffff, v5  }
0x33b: {  	v5 =	vld.idx.msk [tilespmem:v7+s11+$0x0], $0xffff  }
0x33c: {  	v7 =	vld [tilespmem:$0x1FC40]  }
0x33d: {  	v8 =	vld [tilespmem:$0x1FC50];
	_ =	sdelay $0x3  }
0x33e: {  	v7 =	vor.u32 v7, v0;
	_ =	sdelay $0x3  }
0x33f: {  	[tilespmem:v8+s14+$0x0] =	vst.idx.msk $0xffff, v5  }
0x340: {  	v5 =	vld.idx.msk [tilespmem:v7+s11+$0x0], $0xffff  }
0x341: {  	v7 =	vld [tilespmem:$0x1FC60]  }
0x342: {  	v8 =	vld [tilespmem:$0x1FC70];
	_ =	sdelay $0x3  }
0x343: {  	v7 =	vor.u32 v7, v0;
	_ =	sdelay $0x3  }
0x344: {  	[tilespmem:v8+s14+$0x0] =	vst.idx.msk $0xffff, v5  }
0x345: {  	v5 =	vld.idx.msk [tilespmem:v7+s11+$0x0], $0xffff  }
0x346: {  	v7 =	vld [tilespmem:$0x1FC80]  }
0x347: {  	v8 =	vld [tilespmem:$0x1FC90];
	_ =	sdelay $0x3  }
0x348: {  	v7 =	vor.u32 v7, v0;
	_ =	sdelay $0x3  }
0x349: {  	[tilespmem:v8+s14+$0x0] =	vst.idx.msk $0xffff, v5  }
0x34a: {  	v5 =	vld.idx.msk [tilespmem:v7+s11+$0x0], $0xffff  }
0x34b: {  	v7 =	vld [tilespmem:$0x1FCA0]  }
0x34c: {  	v8 =	vld [tilespmem:$0x1FCB0];
	_ =	sdelay $0x3  }
0x34d: {  	v7 =	vor.u32 v7, v0;
	_ =	sdelay $0x3  }
0x34e: {  	[tilespmem:v8+s14+$0x0] =	vst.idx.msk $0xffff, v5  }
0x34f: {  	v5 =	vld.idx.msk [tilespmem:v7+s11+$0x0], $0xffff  }
0x350: {  	v7 =	vld [tilespmem:$0x1FCC0]  }
0x351: {  	v8 =	vld [tilespmem:$0x1FCD0];
	_ =	sdelay $0x3  }
0x352: {  	v7 =	vor.u32 v7, v0;
	_ =	sdelay $0x3  }
0x353: {  	[tilespmem:v8+s14+$0x0] =	vst.idx.msk $0xffff, v5  }
0x354: {  	v5 =	vld.idx.msk [tilespmem:v7+s11+$0x0], $0xffff  }
0x355: {  	v7 =	vld [tilespmem:$0x1FCE0]  }
0x356: {  	v8 =	vld [tilespmem:$0x1FCF0];
	_ =	sdelay $0x3  }
0x357: {  	v7 =	vor.u32 v7, v0;
	_ =	sdelay $0x3  }
0x358: {  	[tilespmem:v8+s14+$0x0] =	vst.idx.msk $0xffff, v5  }
0x359: {  	v5 =	vld.idx.msk [tilespmem:v7+s11+$0x0], $0xffff  }
0x35a: {  	v7 =	vld [tilespmem:$0x1FD00]  }
0x35b: {  	v8 =	vld [tilespmem:$0x1FD10];
	_ =	sdelay $0x3  }
0x35c: {  	v7 =	vor.u32 v7, v0;
	_ =	sdelay $0x3  }
0x35d: {  	[tilespmem:v8+s14+$0x0] =	vst.idx.msk $0xffff, v5  }
0x35e: {  	v5 =	vld.idx.msk [tilespmem:v7+s11+$0x0], $0xffff  }
0x35f: {  	v7 =	vld [tilespmem:$0x1FD20]  }
0x360: {  	v8 =	vld [tilespmem:$0x1FD30];
	_ =	sdelay $0x3  }
0x361: {  	v7 =	vor.u32 v7, v0;
	_ =	sdelay $0x3  }
0x362: {  	[tilespmem:v8+s14+$0x0] =	vst.idx.msk $0xffff, v5  }
0x363: {  	v5 =	vld.idx.msk [tilespmem:v7+s11+$0x0], $0xffff  }
0x364: {  	v7 =	vld [tilespmem:$0x1FD40]  }
0x365: {  	v8 =	vld [tilespmem:$0x1FD50];
	_ =	sdelay $0x3  }
0x366: {  	v7 =	vor.u32 v7, v0;
	_ =	sdelay $0x3  }
0x367: {  	[tilespmem:v8+s14+$0x0] =	vst.idx.msk $0xffff, v5  }
0x368: {  	v5 =	vld.idx.msk [tilespmem:v7+s11+$0x0], $0xffff  }
0x369: {  	v7 =	vld [tilespmem:$0x1FD60]  }
0x36a: {  	v8 =	vld [tilespmem:$0x1FD70];
	_ =	sdelay $0x3  }
0x36b: {  	v7 =	vor.u32 v7, v0;
	_ =	sdelay $0x3  }
0x36c: {  	[tilespmem:v8+s14+$0x0] =	vst.idx.msk $0xffff, v5  }
0x36d: {  	v5 =	vld.idx.msk [tilespmem:v7+s11+$0x0], $0xffff  }
0x36e: {  	v7 =	vld [tilespmem:$0x1FD80]  }
0x36f: {  	v8 =	vld [tilespmem:$0x1FD90];
	_ =	sdelay $0x3  }
0x370: {  	v7 =	vor.u32 v7, v0;
	_ =	sdelay $0x3  }
0x371: {  	[tilespmem:v8+s14+$0x0] =	vst.idx.msk $0xffff, v5  }
0x372: {  	v5 =	vld.idx.msk [tilespmem:v7+s11+$0x0], $0xffff  }
0x373: {  	v7 =	vld [tilespmem:$0x1FDA0]  }
0x374: {  	v8 =	vld [tilespmem:$0x1FDB0];
	_ =	sdelay $0x3  }
0x375: {  	v7 =	vor.u32 v7, v0;
	_ =	sdelay $0x3  }
0x376: {  	[tilespmem:v8+s14+$0x0] =	vst.idx.msk $0xffff, v5  }
0x377: {  	v5 =	vld.idx.msk [tilespmem:v7+s11+$0x0], $0xffff  }
0x378: {  	v7 =	vld [tilespmem:$0x1FDC0]  }
0x379: {  	v8 =	vld [tilespmem:$0x1FDD0];
	_ =	sdelay $0x3  }
0x37a: {  	v7 =	vor.u32 v7, v0;
	_ =	sdelay $0x3  }
0x37b: {  	[tilespmem:v8+s14+$0x0] =	vst.idx.msk $0xffff, v5  }
0x37c: {  	v5 =	vld.idx.msk [tilespmem:v7+s11+$0x0], $0xffff  }
0x37d: {  	v7 =	vld [tilespmem:$0x1FDE0]  }
0x37e: {  	v8 =	vld [tilespmem:$0x1FDF0];
	_ =	sdelay $0x3  }
0x37f: {  	v7 =	vor.u32 v7, v0;
	_ =	sdelay $0x3  }
0x380: {  	[tilespmem:v8+s14+$0x0] =	vst.idx.msk $0xffff, v5  }
0x381: {  	v5 =	vld.idx.msk [tilespmem:v7+s11+$0x0], $0xffff  }
0x382: {  	v7 =	vld [tilespmem:$0x1FE00]  }
0x383: {  	v8 =	vld [tilespmem:$0x1FE10];
	_ =	sdelay $0x3  }
0x384: {  	v7 =	vor.u32 v7, v0;
	_ =	sdelay $0x3  }
0x385: {  	[tilespmem:v8+s14+$0x0] =	vst.idx.msk $0xffff, v5  }
0x386: {  	v5 =	vld.idx.msk [tilespmem:v7+s11+$0x0], $0xffff  }
0x387: {  	v7 =	vld [tilespmem:$0x1FE20]  }
0x388: {  	v8 =	vld [tilespmem:$0x1FE30];
	_ =	sdelay $0x3  }
0x389: {  	v7 =	vor.u32 v7, v0;
	_ =	sdelay $0x3  }
0x38a: {  	[tilespmem:v8+s14+$0x0] =	vst.idx.msk $0xffff, v5  }
0x38b: {  	v5 =	vld.idx.msk [tilespmem:v7+s11+$0x0], $0xffff  }
0x38c: {  	v7 =	vld [tilespmem:$0x1FE40]  }
0x38d: {  	v8 =	vld [tilespmem:$0x1FE50];
	_ =	sdelay $0x3  }
0x38e: {  	v7 =	vor.u32 v7, v0;
	_ =	sdelay $0x3  }
0x38f: {  	[tilespmem:v8+s14+$0x0] =	vst.idx.msk $0xffff, v5  }
0x390: {  	v5 =	vld.idx.msk [tilespmem:v7+s11+$0x0], $0xffff  }
0x391: {  	v7 =	vld [tilespmem:$0x1FE60]  }
0x392: {  	v8 =	vld [tilespmem:$0x1FE70];
	_ =	sdelay $0x3  }
0x393: {  	v7 =	vor.u32 v7, v0;
	_ =	sdelay $0x3  }
0x394: {  	[tilespmem:v8+s14+$0x0] =	vst.idx.msk $0xffff, v5  }
0x395: {  	v5 =	vld.idx.msk [tilespmem:v7+s11+$0x0], $0xffff  }
0x396: {  	v7 =	vld [tilespmem:$0x1FE80]  }
0x397: {  	v8 =	vld [tilespmem:$0x1FE90];
	_ =	sdelay $0x3  }
0x398: {  	v7 =	vor.u32 v7, v0;
	_ =	sdelay $0x3  }
0x399: {  	[tilespmem:v8+s14+$0x0] =	vst.idx.msk $0xffff, v5  }
0x39a: {  	v5 =	vld.idx.msk [tilespmem:v7+s11+$0x0], $0xffff  }
0x39b: {  	v7 =	vld [tilespmem:$0x1FEA0]  }
0x39c: {  	v8 =	vld [tilespmem:$0x1FEB0];
	_ =	sdelay $0x3  }
0x39d: {  	v7 =	vor.u32 v7, v0;
	_ =	sdelay $0x3  }
0x39e: {  	[tilespmem:v8+s14+$0x0] =	vst.idx.msk $0xffff, v5  }
0x39f: {  	v5 =	vld.idx.msk [tilespmem:v7+s11+$0x0], $0xffff  }
0x3a0: {  	v7 =	vld [tilespmem:$0x1FEC0]  }
0x3a1: {  	v8 =	vld [tilespmem:$0x1FED0];
	_ =	sdelay $0x3  }
0x3a2: {  	v7 =	vor.u32 v7, v0;
	_ =	sdelay $0x3  }
0x3a3: {  	[tilespmem:v8+s14+$0x0] =	vst.idx.msk $0xffff, v5  }
0x3a4: {  	v5 =	vld.idx.msk [tilespmem:v7+s11+$0x0], $0xffff  }
0x3a5: {  	v7 =	vld [tilespmem:$0x1FEE0]  }
0x3a6: {  	v8 =	vld [tilespmem:$0x1FEF0];
	_ =	sdelay $0x3  }
0x3a7: {  	v7 =	vor.u32 v7, v0;
	_ =	sdelay $0x3  }
0x3a8: {  	[tilespmem:v8+s14+$0x0] =	vst.idx.msk $0xffff, v5  }
0x3a9: {  	v5 =	vld.idx.msk [tilespmem:v7+s11+$0x0], $0xffff  }
0x3aa: {  	v7 =	vld [tilespmem:$0x1FF00]  }
0x3ab: {  	v8 =	vld [tilespmem:$0x1FF10];
	_ =	sdelay $0x3  }
0x3ac: {  	v7 =	vor.u32 v7, v0;
	_ =	sdelay $0x3  }
0x3ad: {  	[tilespmem:v8+s14+$0x0] =	vst.idx.msk $0xffff, v5  }
0x3ae: {  	v5 =	vld.idx.msk [tilespmem:v7+s11+$0x0], $0xffff  }
0x3af: {  	v7 =	vld [tilespmem:$0x1FF20]  }
0x3b0: {  	v8 =	vld [tilespmem:$0x1FF30];
	_ =	sdelay $0x3  }
0x3b1: {  	v7 =	vor.u32 v7, v0;
	_ =	sdelay $0x3  }
0x3b2: {  	[tilespmem:v8+s14+$0x0] =	vst.idx.msk $0xffff, v5  }
0x3b3: {  	v5 =	vld.idx.msk [tilespmem:v7+s11+$0x0], $0xffff  }
0x3b4: {  	v7 =	vld [tilespmem:$0x1FF40]  }
0x3b5: {  	v8 =	vld [tilespmem:$0x1FF50];
	_ =	sdelay $0x3  }
0x3b6: {  	v7 =	vor.u32 v7, v0;
	_ =	sdelay $0x3  }
0x3b7: {  	[tilespmem:v8+s14+$0x0] =	vst.idx.msk $0xffff, v5  }
0x3b8: {  	v5 =	vld.idx.msk [tilespmem:v7+s11+$0x0], $0xffff  }
0x3b9: {  	v7 =	vld [tilespmem:$0x1FF60]  }
0x3ba: {  	v8 =	vld [tilespmem:$0x1FF70];
	_ =	sdelay $0x3  }
0x3bb: {  	v7 =	vor.u32 v7, v0;
	_ =	sdelay $0x1  }
0x3bc: {  	v0 =	vor.u32 v4, v0;
	v4 =	vld [tilespmem:$0x1FF80];
	_ =	sdelay $0x1  }
0x3bd: {  	[tilespmem:v8+s14+$0x0] =	vst.idx.msk $0xffff, v5  }
0x3be: {  	v5 =	vld.idx.msk [tilespmem:v7+s11+$0x0], $0xffff;
	_ =	sdelay $0x4  }
0x3bf: {  	[tilespmem:v4+s14+$0x0] =	vst.idx.msk $0xffff, v5  }
0x3c0: {  	v0 =	vld.idx.msk [tilespmem:v0+s11+$0x0], $0xffff;
	_ =	sdelay $0x3  }
0x3c1: {  	s30 =	rddreg [dreg:$0x4];
	v2 =	vld [tilespmem:$0x1FFD0]  }
0x3c2: {  	s19 =	sadd.s32 s18, s30;
	v8 =	vmov v62;
	v62 =	vld [tilespmem:$0x1FFF0];
	[tilespmem:v9+s14+$0x0] =	vst.idx.msk $0xffff, v0  }
0x3c3: {  	v7 =	vld [tilespmem:$0x1FFC0];
	[hbm4b:s19+s2] =	stream.linear.scatter [tilespmem:s13], [sflag:$0x2], $0x1000, $0x38  }
0x3c4: {  	v0 =	vld [tilespmem:$0x1FFE0];
	_ =	swait.ge [sflag:s8], $0x1000  }
0x3c5: {  	p0 =	sne.s32 s18, $0x1E00;
	s31 =	rddreg [dreg:$0x5];
	[sflag:s8] =	ssyncset.done $0x0  }
.Ltmp0:
0x3c6: {  	[sflag:s8] =	ssyncadd.s32 $0xFFFFF000;
	s19 =	sadd.s32 s18, s31;
	(pc) =	sbr.rel @p0 .LBB2_2-.Ltmp0, $4  }
0x3c7: {  	[hbm4b:s19+s2] =	stream.linear.scatter [tilespmem:s14], [sflag:$0x2], $0x1000, $0x38;
	[tilespmem:$0x12400] =	vst v63  }
0x3c8: {  	_ =	swait.ge [sflag:s8], $0x1000  }
0x3c9: {  	s17 =	sadd.s32 $0x20, s17;
	[sflag:s8] =	ssyncset.done $0x0  }
0x3ca: {  	s16 =	sadd.s32 $0x20, s16;
	v5 =	vmov v3;
	s18 =	sadd.s32 $0x200, s18;
	[sflag:s8] =	ssyncadd.s32 $0xFFFFF000  }
0x3cb: {  	s15 =	sadd.s32 $0x1, s15  }
0x3cc: {  	p0 =	sne.s32 s15, s7  }
.Ltmp1:
0x3cd: {  	_ = 	snop;
	(pc) =	sbr.rel @p0 .LBB2_1-.Ltmp1, $1  }
0x3ce: {  	_ =	sdelay $0x3  }
0x3cf: {  	_ =	sfence.sel $0x180000  }
0x3d0: {  	[bflag:$0x0] =	sbarrier.arrive $0xFFFF  }
0x3d1: {  	p0 =	sne.s32 s1, $0x0;
	_ =	strace $0x90000047  }
0x3d2: {  	s0 =	sadd.s32 @!p0 $0x100000, s0;
	[bflag:$0x2] =	sbarrier.arrive $0xFFFF  }
0x3d3: {  	[sflag:s0] =	ssyncadd.tile.s32 @!p0 $0x1;
	_ =	shalt  }
.Lfunc_end2:
_tile_overlayer_lowered:
.L_overlay_start_2:
0x3d4: {  	(tag) =	ssettag $0x2  }
0x3d5: {  	s0 =	rddreg [dreg:$0x0];
	s2 =	stileid.u32  }
0x3d6: {  	s1 =	rddreg [dreg:$0x1];
	p0 =	sne.s32 s2, $0x0  }
0x3d7: {  	s3 =	rddreg [dreg:$0x2];
	[bflag:$0x3] =	sbarrier.arrive $0xFFFF;
	s2 =	simm.s32 @!p0 $0x1C02  }
0x3d8: {  	[timem:s3], [sflag:s2] =	dma.local @!p0 [hbm:s0], s1  }
0x3d9: {  	s0 =	simm.s32 @!p0 $0x2  }
0x3da: {  	_ =	swait.ge @!p0 [sflag:s0], s1  }
0x3db: {  	s1 =	ssub.s32 @!p0 $0x0, s1;
	[sflag:s0] =	ssyncset.done @!p0 $0x0  }
0x3dc: {  	[sflag:s0] =	ssyncadd.s32 @!p0 s1  }
0x3dd: {  	[bflag:$0x3] =	sbarrier.arrive $0xFFFF  }
0x3de: {  	_ =	shalt  }

</sc_bundles>
